<compile_context>
chip_gen: v7x
topology: tpu7x:2x2x1
jax: 0.10.2.dev20260603
libtpu: 0.0.44.dev20260713+nightly
codegen_flags: <defaults>
</compile_context>

<pallas_src>
import functools

import jax
import jax.numpy as jnp
from jax import lax
from jax.experimental import pallas as pl
from jax.experimental.pallas import tpu as pltpu
from jax.experimental.pallas import tpu_sc as plsc

N = 10000
NP = 10240
E = 160000
D = 256
DH = D // 2
NS = 16
EPT = E // NS
CH = 80
NCHUNK = EPT // CH
RPT = NP // NS
RCH = 128
NRCH = RPT // RCH
BN = 1024


def _agg_body(x_hbm, src_hbm, dst_hbm, out_hbm, cnt_hbm,
              acc_sh, cacc_sh, sidx_v, didx_v, rows_v, zw_v, zc_v, ones_v,
              with_count):
    c = lax.axis_index("c")
    s = lax.axis_index("s")
    row0 = s * RPT

    def zrow(r, _):
        for j in range(DH // 16):
            zw_v[r, pl.ds(j * 16, 16)] = jnp.zeros((16,), jnp.float32)
        return 0
    lax.fori_loop(0, RCH, zrow, 0)
    for j in range(NRCH):
        pltpu.sync_copy(zw_v, acc_sh.at[pl.ds(row0 + j * RCH, RCH)])
    if with_count:
        def zcrow(r, _):
            zc_v[r, :] = jnp.zeros((16,), jnp.float32)
            return 0
        lax.fori_loop(0, RPT, zcrow, 0)
        pltpu.sync_copy(zc_v, cacc_sh.at[pl.ds(row0, RPT)])

        def onesrow(r, _):
            ones_v[r, :] = jnp.ones((16,), jnp.float32)
            return 0
        lax.fori_loop(0, CH, onesrow, 0)
    plsc.subcore_barrier()

    ebase = s * EPT

    def chunk(k, _):
        e0 = ebase + k * CH
        pltpu.sync_copy(src_hbm.at[pl.ds(e0, CH)], sidx_v)
        pltpu.sync_copy(dst_hbm.at[pl.ds(e0, CH)], didx_v)
        pltpu.sync_copy(x_hbm.at[c].at[sidx_v], rows_v)
        pltpu.sync_copy(rows_v, acc_sh.at[didx_v], add=True)
        if with_count:
            pltpu.sync_copy(ones_v, cacc_sh.at[didx_v], add=True)
        return 0
    lax.fori_loop(0, NCHUNK, chunk, 0)
    plsc.subcore_barrier()

    for j in range(NRCH):
        r0 = row0 + j * RCH
        pltpu.sync_copy(acc_sh.at[pl.ds(r0, RCH)], zw_v)
        pltpu.sync_copy(zw_v, out_hbm.at[c].at[pl.ds(r0, RCH)])
    if with_count:
        pltpu.sync_copy(cacc_sh.at[pl.ds(row0, RPT)], zc_v)
        pltpu.sync_copy(zc_v, cnt_hbm.at[c].at[pl.ds(row0, RPT)])


def _make_agg(with_count):
    mesh = plsc.VectorSubcoreMesh(core_axis_name="c", subcore_axis_name="s")
    out_type = [jax.ShapeDtypeStruct((2, NP, DH), jnp.float32)]
    if with_count:
        out_type.append(jax.ShapeDtypeStruct((2, NP, 16), jnp.float32))
    scratch = [
        pltpu.VMEM_SHARED((NP, DH), jnp.float32),
        pltpu.VMEM_SHARED((NP, 16), jnp.float32),
        pltpu.VMEM((CH,), jnp.int32),
        pltpu.VMEM((CH,), jnp.int32),
        pltpu.VMEM((CH, DH), jnp.float32),
        pltpu.VMEM((RCH, DH), jnp.float32),
        pltpu.VMEM((RPT, 16), jnp.float32),
        pltpu.VMEM((CH, 16), jnp.float32),
    ]

    @functools.partial(
        pl.kernel, mesh=mesh, out_type=out_type, scratch_types=scratch,
        compiler_params=pltpu.CompilerParams(use_tc_tiling_on_sc=False))
    def k(x_hbm, src_hbm, dst_hbm, *rest):
        if with_count:
            out_hbm, cnt_hbm = rest[0], rest[1]
            scr = rest[2:]
        else:
            out_hbm, cnt_hbm = rest[0], None
            scr = rest[1:]
        _agg_body(x_hbm, src_hbm, dst_hbm, out_hbm, cnt_hbm, *scr,
                  with_count=with_count)

    return k


_agg_with_count = _make_agg(True)
_agg = _make_agg(False)



def _scale_body(s_ref, cnt_ref, out_ref):
    invc = 1.0 / jnp.maximum(cnt_ref[0, :, 0:1], 1.0)
    out_ref[0] = s_ref[0] * invc
    out_ref[1] = s_ref[1] * invc


def _scale(s, cnt):
    grid = (NP // BN,)
    return pl.pallas_call(
        _scale_body,
        grid=grid,
        in_specs=[
            pl.BlockSpec((2, BN, DH), lambda i: (0, i, 0)),
            pl.BlockSpec((1, BN, 16), lambda i: (0, i, 0)),
        ],
        out_specs=pl.BlockSpec((2, BN, DH), lambda i: (0, i, 0)),
        out_shape=jax.ShapeDtypeStruct((2, NP, DH), jnp.float32),
    )(s, cnt)


def _mm_body(s2_ref, cnt_ref, h_ref, wl_ref, bl_ref, wr_ref, out_ref,
             *, act, split_out):
    invc = 1.0 / jnp.maximum(cnt_ref[0, :, 0:1], 1.0)
    m2 = jnp.concatenate([s2_ref[0], s2_ref[1]], axis=1) * invc
    h = jnp.concatenate([h_ref[0], h_ref[1]], axis=1)
    dn = (((1,), (1,)), ((), ()))
    res = lax.dot_general(m2, wl_ref[...], dn,
                          preferred_element_type=jnp.float32)
    res = res + bl_ref[...]
    res = res + lax.dot_general(h, wr_ref[...], dn,
                                preferred_element_type=jnp.float32)
    if act:
        res = jnp.maximum(res, 0.0)
    if split_out:
        out_ref[0] = res[:, :DH]
        out_ref[1] = res[:, DH:]
    else:
        out_ref[...] = res


def _mm(s2, cnt, h, wl, bl, wr, act, split_out):
    grid = (NP // BN,)
    if split_out:
        out_spec = pl.BlockSpec((2, BN, DH), lambda i: (0, i, 0))
        out_shape = jax.ShapeDtypeStruct((2, NP, DH), jnp.float32)
    else:
        out_spec = pl.BlockSpec((BN, D), lambda i: (i, 0))
        out_shape = jax.ShapeDtypeStruct((NP, D), jnp.float32)
    return pl.pallas_call(
        functools.partial(_mm_body, act=act, split_out=split_out),
        grid=grid,
        in_specs=[
            pl.BlockSpec((2, BN, DH), lambda i: (0, i, 0)),
            pl.BlockSpec((1, BN, 16), lambda i: (0, i, 0)),
            pl.BlockSpec((2, BN, DH), lambda i: (0, i, 0)),
            pl.BlockSpec((D, D), lambda i: (0, 0)),
            pl.BlockSpec((1, D), lambda i: (0, 0)),
            pl.BlockSpec((D, D), lambda i: (0, 0)),
        ],
        out_specs=out_spec,
        out_shape=out_shape,
    )(s2, cnt, h, wl, bl, wr)


def kernel(x, edge_index, Wl0, bl0, Wr0, Wl1, bl1, Wr1, Wl2, bl2, Wr2):
    src = edge_index[0].astype(jnp.int32)
    dst = edge_index[1].astype(jnp.int32)
    h = jnp.stack([x[:, :DH], x[:, DH:]])
    h = jnp.pad(h, ((0, 0), (0, NP - N), (0, 0)))
    weights = [(Wl0, bl0, Wr0), (Wl1, bl1, Wr1), (Wl2, bl2, Wr2)]

    s1, cnt = _agg_with_count(h, src, dst)
    for i, (wl, bl, wr) in enumerate(weights):
        if i > 0:
            (s1,) = _agg(h, src, dst)
        m1 = _scale(s1, cnt)
        (s2,) = _agg(m1, src, dst)
        last = i == len(weights) - 1
        h = _mm(s2, cnt, h, wl, bl.reshape(1, D), wr,
                act=not last, split_out=not last)
    return h[:N]

# --- scband reference (transcript-rebuilt; emitter-appended) ---
"""Pipeline reference for scband-sage2-31370441130163 (READ-ONLY COPY).

The authoritative reference and input builder live on the scoring server;
editing this copy changes nothing except your own understanding.
"""

import jax, jax.numpy as jnp
import numpy as np

N = 10000
E = 160000
D = 256
NUM_LAYERS = 3


def setup_inputs(seed: int = 0) -> dict:
    key = jax.random.key(seed)
    ks = jax.random.split(key, 2 + 3 * NUM_LAYERS)
    x = jax.random.normal(ks[0], (N, D), dtype=jnp.float32)
    edge_index = jax.random.randint(ks[1], (2, E), 0, N).astype(jnp.int64)
    scale = 1.0 / np.sqrt(D)
    inp = {"x": x, "edge_index": edge_index}
    for i in range(NUM_LAYERS):
        inp[f"Wl{i}"] = jax.random.uniform(ks[2 + 3 * i], (D, D), jnp.float32, -scale, scale)
        inp[f"bl{i}"] = jax.random.uniform(ks[3 + 3 * i], (D,), jnp.float32, -scale, scale)
        inp[f"Wr{i}"] = jax.random.uniform(ks[4 + 3 * i], (D, D), jnp.float32, -scale, scale)
    return inp


def _mean_agg(h, src, dst):
    s = jax.ops.segment_sum(h[src], dst, num_segments=N)
    cnt = jax.ops.segment_sum(jnp.ones((E,), dtype=h.dtype), dst, num_segments=N)
    return s / jnp.maximum(cnt, 1.0)[:, None]


def _sage_conv(h, src, dst, Wl, bl, Wr):
    # SAGEConv2: propagate twice (two-hop mean aggregation), then lin_l + lin_r(root)
    out = _mean_agg(h, src, dst)
    out = _mean_agg(out, src, dst)
    out = out @ Wl.T + bl
    out = out + h @ Wr.T
    return out


def reference(x, edge_index, Wl0, bl0, Wr0, Wl1, bl1, Wr1, Wl2, bl2, Wr2):
    src = edge_index[0]
    dst = edge_index[1]
    # layer 1 + relu (dropout is identity in eval mode)
    h = _sage_conv(x, src, dst, Wl0, bl0, Wr0)
    h = jax.nn.relu(h)
    # layer 2 + relu
    h = _sage_conv(h, src, dst, Wl1, bl1, Wr1)
    h = jax.nn.relu(h)
    # layer 3 (no activation)
    h = _sage_conv(h, src, dst, Wl2, bl2, Wr2)
    return h

if __name__ == "__main__":
    import jax
    _d = setup_inputs()
    print(jax.jit(kernel)(*tuple(_d.values())))

</pallas_src>

<mosaic_0001>
#map = affine_map<(d0, d1) -> (0, 0, 0)>
#map1 = affine_map<(d0, d1) -> (0)>
module attributes {stable_mosaic.version = 14 : i64} {
  func.func @k(%arg0: i32, %arg1: i32, %arg2: memref<2x10240x128xf32, #tpu.memory_space<hbm>>, %arg3: memref<160000xi32, #tpu.memory_space<hbm>>, %arg4: memref<160000xi32, #tpu.memory_space<hbm>>, %arg5: memref<2x10240x128xf32, #tpu.memory_space<hbm>>, %arg6: memref<10240x128xf32, #tpu.memory_space<vmem_shared>>, %arg7: memref<10240x16xf32, #tpu.memory_space<vmem_shared>>, %arg8: memref<80xi32, #tpu.memory_space<vmem>>, %arg9: memref<80xi32, #tpu.memory_space<vmem>>, %arg10: memref<80x128xf32, #tpu.memory_space<vmem>>, %arg11: memref<128x128xf32, #tpu.memory_space<vmem>>, %arg12: memref<640x16xf32, #tpu.memory_space<vmem>>, %arg13: memref<80x16xf32, #tpu.memory_space<vmem>>) attributes {dimension_semantics = [#tpu.dimension_semantics<core_parallel>, #tpu.dimension_semantics<subcore_parallel>], iteration_bounds = array<i64: 2, 16>, scalar_prefetch = 0 : i64, scratch_operands = 8 : i64, tpu.core_type = #tpu.core_type<sc_vector_subcore>, window_params = [{transform_indices = #map}, {transform_indices = #map1}, {transform_indices = #map1}, {transform_indices = #map}]} {
    %mul3A = arith.constant 640 : i32
    %mul3A_0 = arith.muli %arg1, %mul3A : i32
    %scan3A = arith.constant 0 : i32
    %scan3A_1 = arith.constant 0 : i32
    %scan3A_2 = arith.constant 128 : i32
    %scan3A_3 = arith.addi %scan3A_1, %scan3A_2 : i32
    %scan3A_4 = arith.constant 1 : i32
    %scan3A_5 = scf.for %scan3A_36 = %scan3A_1 to %scan3A_3 step %scan3A_4 iter_args(%scan3A_37 = %scan3A) -> (i32)  : i32 {
      %broadcast_in_dim3A = arith.constant 0.000000e+00 : f32
      %broadcast_in_dim3A_38 = vector.broadcast %broadcast_in_dim3A : f32 to vector<16xf32>
      %swap3A = arith.index_cast %scan3A_36 : i32 to index
      %swap3A_39 = arith.constant 0 : index
      %swap3A_40 = tpu.vector_load %arg11[%swap3A, %swap3A_39] {strides = array<i32>} : memref<128x128xf32, #tpu.memory_space<vmem>>, vector<1x16xf32>,
      %swap3A_41 = vector.shape_cast %swap3A_40 : vector<1x16xf32> to vector<16xf32>
      %swap3A_42 = vector.shape_cast %broadcast_in_dim3A_38 : vector<16xf32> to vector<1x16xf32>
      tpu.vector_store %arg11[%swap3A, %swap3A_39], %swap3A_42 {strides = array<i32>} : memref<128x128xf32, #tpu.memory_space<vmem>>, vector<1x16xf32>,
      %broadcast_in_dim3A_43 = arith.constant 0.000000e+00 : f32
      %broadcast_in_dim3A_44 = vector.broadcast %broadcast_in_dim3A_43 : f32 to vector<16xf32>
      %swap3A_45 = arith.index_cast %scan3A_36 : i32 to index
      %swap3A_46 = arith.constant 16 : index
      %swap3A_47 = tpu.vector_load %arg11[%swap3A_45, %swap3A_46] {strides = array<i32>} : memref<128x128xf32, #tpu.memory_space<vmem>>, vector<1x16xf32>,
      %swap3A_48 = vector.shape_cast %swap3A_47 : vector<1x16xf32> to vector<16xf32>
      %swap3A_49 = vector.shape_cast %broadcast_in_dim3A_44 : vector<16xf32> to vector<1x16xf32>
      tpu.vector_store %arg11[%swap3A_45, %swap3A_46], %swap3A_49 {strides = array<i32>} : memref<128x128xf32, #tpu.memory_space<vmem>>, vector<1x16xf32>,
      %broadcast_in_dim3A_50 = arith.constant 0.000000e+00 : f32
      %broadcast_in_dim3A_51 = vector.broadcast %broadcast_in_dim3A_50 : f32 to vector<16xf32>
      %swap3A_52 = arith.index_cast %scan3A_36 : i32 to index
      %swap3A_53 = arith.constant 32 : index
      %swap3A_54 = tpu.vector_load %arg11[%swap3A_52, %swap3A_53] {strides = array<i32>} : memref<128x128xf32, #tpu.memory_space<vmem>>, vector<1x16xf32>,
      %swap3A_55 = vector.shape_cast %swap3A_54 : vector<1x16xf32> to vector<16xf32>
      %swap3A_56 = vector.shape_cast %broadcast_in_dim3A_51 : vector<16xf32> to vector<1x16xf32>
      tpu.vector_store %arg11[%swap3A_52, %swap3A_53], %swap3A_56 {strides = array<i32>} : memref<128x128xf32, #tpu.memory_space<vmem>>, vector<1x16xf32>,
      %broadcast_in_dim3A_57 = arith.constant 0.000000e+00 : f32
      %broadcast_in_dim3A_58 = vector.broadcast %broadcast_in_dim3A_57 : f32 to vector<16xf32>
      %swap3A_59 = arith.index_cast %scan3A_36 : i32 to index
      %swap3A_60 = arith.constant 48 : index
      %swap3A_61 = tpu.vector_load %arg11[%swap3A_59, %swap3A_60] {strides = array<i32>} : memref<128x128xf32, #tpu.memory_space<vmem>>, vector<1x16xf32>,
      %swap3A_62 = vector.shape_cast %swap3A_61 : vector<1x16xf32> to vector<16xf32>
      %swap3A_63 = vector.shape_cast %broadcast_in_dim3A_58 : vector<16xf32> to vector<1x16xf32>
      tpu.vector_store %arg11[%swap3A_59, %swap3A_60], %swap3A_63 {strides = array<i32>} : memref<128x128xf32, #tpu.memory_space<vmem>>, vector<1x16xf32>,
      %broadcast_in_dim3A_64 = arith.constant 0.000000e+00 : f32
      %broadcast_in_dim3A_65 = vector.broadcast %broadcast_in_dim3A_64 : f32 to vector<16xf32>
      %swap3A_66 = arith.index_cast %scan3A_36 : i32 to index
      %swap3A_67 = arith.constant 64 : index
      %swap3A_68 = tpu.vector_load %arg11[%swap3A_66, %swap3A_67] {strides = array<i32>} : memref<128x128xf32, #tpu.memory_space<vmem>>, vector<1x16xf32>,
      %swap3A_69 = vector.shape_cast %swap3A_68 : vector<1x16xf32> to vector<16xf32>
      %swap3A_70 = vector.shape_cast %broadcast_in_dim3A_65 : vector<16xf32> to vector<1x16xf32>
      tpu.vector_store %arg11[%swap3A_66, %swap3A_67], %swap3A_70 {strides = array<i32>} : memref<128x128xf32, #tpu.memory_space<vmem>>, vector<1x16xf32>,
      %broadcast_in_dim3A_71 = arith.constant 0.000000e+00 : f32
      %broadcast_in_dim3A_72 = vector.broadcast %broadcast_in_dim3A_71 : f32 to vector<16xf32>
      %swap3A_73 = arith.index_cast %scan3A_36 : i32 to index
      %swap3A_74 = arith.constant 80 : index
      %swap3A_75 = tpu.vector_load %arg11[%swap3A_73, %swap3A_74] {strides = array<i32>} : memref<128x128xf32, #tpu.memory_space<vmem>>, vector<1x16xf32>,
      %swap3A_76 = vector.shape_cast %swap3A_75 : vector<1x16xf32> to vector<16xf32>
      %swap3A_77 = vector.shape_cast %broadcast_in_dim3A_72 : vector<16xf32> to vector<1x16xf32>
      tpu.vector_store %arg11[%swap3A_73, %swap3A_74], %swap3A_77 {strides = array<i32>} : memref<128x128xf32, #tpu.memory_space<vmem>>, vector<1x16xf32>,
      %broadcast_in_dim3A_78 = arith.constant 0.000000e+00 : f32
      %broadcast_in_dim3A_79 = vector.broadcast %broadcast_in_dim3A_78 : f32 to vector<16xf32>
      %swap3A_80 = arith.index_cast %scan3A_36 : i32 to index
      %swap3A_81 = arith.constant 96 : index
      %swap3A_82 = tpu.vector_load %arg11[%swap3A_80, %swap3A_81] {strides = array<i32>} : memref<128x128xf32, #tpu.memory_space<vmem>>, vector<1x16xf32>,
      %swap3A_83 = vector.shape_cast %swap3A_82 : vector<1x16xf32> to vector<16xf32>
      %swap3A_84 = vector.shape_cast %broadcast_in_dim3A_79 : vector<16xf32> to vector<1x16xf32>
      tpu.vector_store %arg11[%swap3A_80, %swap3A_81], %swap3A_84 {strides = array<i32>} : memref<128x128xf32, #tpu.memory_space<vmem>>, vector<1x16xf32>,
      %broadcast_in_dim3A_85 = arith.constant 0.000000e+00 : f32
      %broadcast_in_dim3A_86 = vector.broadcast %broadcast_in_dim3A_85 : f32 to vector<16xf32>
      %swap3A_87 = arith.index_cast %scan3A_36 : i32 to index
      %swap3A_88 = arith.constant 112 : index
      %swap3A_89 = tpu.vector_load %arg11[%swap3A_87, %swap3A_88] {strides = array<i32>} : memref<128x128xf32, #tpu.memory_space<vmem>>, vector<1x16xf32>,
      %swap3A_90 = vector.shape_cast %swap3A_89 : vector<1x16xf32> to vector<16xf32>
      %swap3A_91 = vector.shape_cast %broadcast_in_dim3A_86 : vector<16xf32> to vector<1x16xf32>
      tpu.vector_store %arg11[%swap3A_87, %swap3A_88], %swap3A_91 {strides = array<i32>} : memref<128x128xf32, #tpu.memory_space<vmem>>, vector<1x16xf32>,
      %scan3A_92 = arith.constant 0 : i32
      scf.yield %scan3A_92 : i32
    }
    %scan3A_6 = arith.constant 128 : i32
    %add3A = arith.constant 0 : i32
    %add3A_7 = arith.addi %mul3A_0, %add3A : i32
    "tpu.region"() ({
      %run_scoped3A = tpu.sem_alloc : memref<!tpu.dma_semaphore, #tpu.memory_space<semaphore_mem>>
      %dma_start3A = arith.constant 0 : i32
      %dma_start3A_36 = tpu.memref_slice %arg6[%add3A_7, %dma_start3A] : memref<10240x128xf32, #tpu.memory_space<vmem_shared>> -> memref<128x128xf32, #tpu.memory_space<vmem_shared>>
      %dma_start3A_37 = arith.constant 0 : i32
      %dma_start3A_38 = tpu.memref_slice %arg6[%add3A_7, %dma_start3A_37] : memref<10240x128xf32, #tpu.memory_space<vmem_shared>> -> memref<128x128xf32, #tpu.memory_space<vmem_shared>>
      tpu.enqueue_dma source(%arg11 : memref<128x128xf32, #tpu.memory_space<vmem>>) target(%dma_start3A_38 : memref<128x128xf32, #tpu.memory_space<vmem_shared>>) target_semaphore(%run_scoped3A : memref<!tpu.dma_semaphore, #tpu.memory_space<semaphore_mem>>)
      %dma_wait3A = arith.constant 0 : i32
      %dma_wait3A_39 = tpu.memref_slice %arg6[%add3A_7, %dma_wait3A] : memref<10240x128xf32, #tpu.memory_space<vmem_shared>> -> memref<128x128xf32, #tpu.memory_space<vmem_shared>>
      %dma_wait3A_40 = arith.constant 0 : i32
      %dma_wait3A_41 = tpu.memref_slice %arg6[%add3A_7, %dma_wait3A_40] : memref<10240x128xf32, #tpu.memory_space<vmem_shared>> -> memref<128x128xf32, #tpu.memory_space<vmem_shared>>
      tpu.wait_dma2 semaphore(%run_scoped3A : memref<!tpu.dma_semaphore, #tpu.memory_space<semaphore_mem>>) src(%arg11 : memref<128x128xf32, #tpu.memory_space<vmem>>) dst(%dma_wait3A_41 : memref<128x128xf32, #tpu.memory_space<vmem_shared>>)
      tpu.yield
    }) : () -> ()
    %add3A_8 = arith.constant 128 : i32
    %add3A_9 = arith.addi %mul3A_0, %add3A_8 : i32
    "tpu.region"() ({
      %run_scoped3A = tpu.sem_alloc : memref<!tpu.dma_semaphore, #tpu.memory_space<semaphore_mem>>
      %dma_start3A = arith.constant 0 : i32
      %dma_start3A_36 = tpu.memref_slice %arg6[%add3A_9, %dma_start3A] : memref<10240x128xf32, #tpu.memory_space<vmem_shared>> -> memref<128x128xf32, #tpu.memory_space<vmem_shared>>
      %dma_start3A_37 = arith.constant 0 : i32
      %dma_start3A_38 = tpu.memref_slice %arg6[%add3A_9, %dma_start3A_37] : memref<10240x128xf32, #tpu.memory_space<vmem_shared>> -> memref<128x128xf32, #tpu.memory_space<vmem_shared>>
      tpu.enqueue_dma source(%arg11 : memref<128x128xf32, #tpu.memory_space<vmem>>) target(%dma_start3A_38 : memref<128x128xf32, #tpu.memory_space<vmem_shared>>) target_semaphore(%run_scoped3A : memref<!tpu.dma_semaphore, #tpu.memory_space<semaphore_mem>>)
      %dma_wait3A = arith.constant 0 : i32
      %dma_wait3A_39 = tpu.memref_slice %arg6[%add3A_9, %dma_wait3A] : memref<10240x128xf32, #tpu.memory_space<vmem_shared>> -> memref<128x128xf32, #tpu.memory_space<vmem_shared>>
      %dma_wait3A_40 = arith.constant 0 : i32
      %dma_wait3A_41 = tpu.memref_slice %arg6[%add3A_9, %dma_wait3A_40] : memref<10240x128xf32, #tpu.memory_space<vmem_shared>> -> memref<128x128xf32, #tpu.memory_space<vmem_shared>>
      tpu.wait_dma2 semaphore(%run_scoped3A : memref<!tpu.dma_semaphore, #tpu.memory_space<semaphore_mem>>) src(%arg11 : memref<128x128xf32, #tpu.memory_space<vmem>>) dst(%dma_wait3A_41 : memref<128x128xf32, #tpu.memory_space<vmem_shared>>)
      tpu.yield
    }) : () -> ()
    %add3A_10 = arith.constant 256 : i32
    %add3A_11 = arith.addi %mul3A_0, %add3A_10 : i32
    "tpu.region"() ({
      %run_scoped3A = tpu.sem_alloc : memref<!tpu.dma_semaphore, #tpu.memory_space<semaphore_mem>>
      %dma_start3A = arith.constant 0 : i32
      %dma_start3A_36 = tpu.memref_slice %arg6[%add3A_11, %dma_start3A] : memref<10240x128xf32, #tpu.memory_space<vmem_shared>> -> memref<128x128xf32, #tpu.memory_space<vmem_shared>>
      %dma_start3A_37 = arith.constant 0 : i32
      %dma_start3A_38 = tpu.memref_slice %arg6[%add3A_11, %dma_start3A_37] : memref<10240x128xf32, #tpu.memory_space<vmem_shared>> -> memref<128x128xf32, #tpu.memory_space<vmem_shared>>
      tpu.enqueue_dma source(%arg11 : memref<128x128xf32, #tpu.memory_space<vmem>>) target(%dma_start3A_38 : memref<128x128xf32, #tpu.memory_space<vmem_shared>>) target_semaphore(%run_scoped3A : memref<!tpu.dma_semaphore, #tpu.memory_space<semaphore_mem>>)
      %dma_wait3A = arith.constant 0 : i32
      %dma_wait3A_39 = tpu.memref_slice %arg6[%add3A_11, %dma_wait3A] : memref<10240x128xf32, #tpu.memory_space<vmem_shared>> -> memref<128x128xf32, #tpu.memory_space<vmem_shared>>
      %dma_wait3A_40 = arith.constant 0 : i32
      %dma_wait3A_41 = tpu.memref_slice %arg6[%add3A_11, %dma_wait3A_40] : memref<10240x128xf32, #tpu.memory_space<vmem_shared>> -> memref<128x128xf32, #tpu.memory_space<vmem_shared>>
      tpu.wait_dma2 semaphore(%run_scoped3A : memref<!tpu.dma_semaphore, #tpu.memory_space<semaphore_mem>>) src(%arg11 : memref<128x128xf32, #tpu.memory_space<vmem>>) dst(%dma_wait3A_41 : memref<128x128xf32, #tpu.memory_space<vmem_shared>>)
      tpu.yield
    }) : () -> ()
    %add3A_12 = arith.constant 384 : i32
    %add3A_13 = arith.addi %mul3A_0, %add3A_12 : i32
    "tpu.region"() ({
      %run_scoped3A = tpu.sem_alloc : memref<!tpu.dma_semaphore, #tpu.memory_space<semaphore_mem>>
      %dma_start3A = arith.constant 0 : i32
      %dma_start3A_36 = tpu.memref_slice %arg6[%add3A_13, %dma_start3A] : memref<10240x128xf32, #tpu.memory_space<vmem_shared>> -> memref<128x128xf32, #tpu.memory_space<vmem_shared>>
      %dma_start3A_37 = arith.constant 0 : i32
      %dma_start3A_38 = tpu.memref_slice %arg6[%add3A_13, %dma_start3A_37] : memref<10240x128xf32, #tpu.memory_space<vmem_shared>> -> memref<128x128xf32, #tpu.memory_space<vmem_shared>>
      tpu.enqueue_dma source(%arg11 : memref<128x128xf32, #tpu.memory_space<vmem>>) target(%dma_start3A_38 : memref<128x128xf32, #tpu.memory_space<vmem_shared>>) target_semaphore(%run_scoped3A : memref<!tpu.dma_semaphore, #tpu.memory_space<semaphore_mem>>)
      %dma_wait3A = arith.constant 0 : i32
      %dma_wait3A_39 = tpu.memref_slice %arg6[%add3A_13, %dma_wait3A] : memref<10240x128xf32, #tpu.memory_space<vmem_shared>> -> memref<128x128xf32, #tpu.memory_space<vmem_shared>>
      %dma_wait3A_40 = arith.constant 0 : i32
      %dma_wait3A_41 = tpu.memref_slice %arg6[%add3A_13, %dma_wait3A_40] : memref<10240x128xf32, #tpu.memory_space<vmem_shared>> -> memref<128x128xf32, #tpu.memory_space<vmem_shared>>
      tpu.wait_dma2 semaphore(%run_scoped3A : memref<!tpu.dma_semaphore, #tpu.memory_space<semaphore_mem>>) src(%arg11 : memref<128x128xf32, #tpu.memory_space<vmem>>) dst(%dma_wait3A_41 : memref<128x128xf32, #tpu.memory_space<vmem_shared>>)
      tpu.yield
    }) : () -> ()
    %add3A_14 = arith.constant 512 : i32
    %add3A_15 = arith.addi %mul3A_0, %add3A_14 : i32
    "tpu.region"() ({
      %run_scoped3A = tpu.sem_alloc : memref<!tpu.dma_semaphore, #tpu.memory_space<semaphore_mem>>
      %dma_start3A = arith.constant 0 : i32
      %dma_start3A_36 = tpu.memref_slice %arg6[%add3A_15, %dma_start3A] : memref<10240x128xf32, #tpu.memory_space<vmem_shared>> -> memref<128x128xf32, #tpu.memory_space<vmem_shared>>
      %dma_start3A_37 = arith.constant 0 : i32
      %dma_start3A_38 = tpu.memref_slice %arg6[%add3A_15, %dma_start3A_37] : memref<10240x128xf32, #tpu.memory_space<vmem_shared>> -> memref<128x128xf32, #tpu.memory_space<vmem_shared>>
      tpu.enqueue_dma source(%arg11 : memref<128x128xf32, #tpu.memory_space<vmem>>) target(%dma_start3A_38 : memref<128x128xf32, #tpu.memory_space<vmem_shared>>) target_semaphore(%run_scoped3A : memref<!tpu.dma_semaphore, #tpu.memory_space<semaphore_mem>>)
      %dma_wait3A = arith.constant 0 : i32
      %dma_wait3A_39 = tpu.memref_slice %arg6[%add3A_15, %dma_wait3A] : memref<10240x128xf32, #tpu.memory_space<vmem_shared>> -> memref<128x128xf32, #tpu.memory_space<vmem_shared>>
      %dma_wait3A_40 = arith.constant 0 : i32
      %dma_wait3A_41 = tpu.memref_slice %arg6[%add3A_15, %dma_wait3A_40] : memref<10240x128xf32, #tpu.memory_space<vmem_shared>> -> memref<128x128xf32, #tpu.memory_space<vmem_shared>>
      tpu.wait_dma2 semaphore(%run_scoped3A : memref<!tpu.dma_semaphore, #tpu.memory_space<semaphore_mem>>) src(%arg11 : memref<128x128xf32, #tpu.memory_space<vmem>>) dst(%dma_wait3A_41 : memref<128x128xf32, #tpu.memory_space<vmem_shared>>)
      tpu.yield
    }) : () -> ()
    %barrier3A = arith.constant 0 : index
    tpu.barrier barrier_id(%barrier3A)
    %mul3A_16 = arith.constant 10000 : i32
    %mul3A_17 = arith.muli %arg1, %mul3A_16 : i32
    %scan3A_18 = arith.constant 0 : i32
    %scan3A_19 = arith.constant 0 : i32
    %scan3A_20 = arith.constant 125 : i32
    %scan3A_21 = arith.addi %scan3A_19, %scan3A_20 : i32
    %scan3A_22 = arith.constant 1 : i32
    %scan3A_23 = scf.for %scan3A_36 = %scan3A_19 to %scan3A_21 step %scan3A_22 iter_args(%scan3A_37 = %scan3A_18) -> (i32)  : i32 {
      %mul3A_38 = arith.constant 80 : i32
      %mul3A_39 = arith.muli %scan3A_36, %mul3A_38 : i32
      %add3A_40 = arith.addi %mul3A_17, %mul3A_39 : i32
      "tpu.region"() ({
        %run_scoped3A = tpu.sem_alloc : memref<!tpu.dma_semaphore, #tpu.memory_space<semaphore_mem>>
        %dma_start3A = tpu.memref_slice %arg3[%add3A_40] : memref<160000xi32, #tpu.memory_space<hbm>> -> memref<80xi32, #tpu.memory_space<hbm>>
        %dma_start3A_42 = tpu.memref_slice %arg3[%add3A_40] : memref<160000xi32, #tpu.memory_space<hbm>> -> memref<80xi32, #tpu.memory_space<hbm>>
        tpu.enqueue_dma source(%dma_start3A_42 : memref<80xi32, #tpu.memory_space<hbm>>) target(%arg8 : memref<80xi32, #tpu.memory_space<vmem>>) target_semaphore(%run_scoped3A : memref<!tpu.dma_semaphore, #tpu.memory_space<semaphore_mem>>)
        %dma_wait3A = tpu.memref_slice %arg3[%add3A_40] : memref<160000xi32, #tpu.memory_space<hbm>> -> memref<80xi32, #tpu.memory_space<hbm>>
        %dma_wait3A_43 = tpu.memref_slice %arg3[%add3A_40] : memref<160000xi32, #tpu.memory_space<hbm>> -> memref<80xi32, #tpu.memory_space<hbm>>
        tpu.wait_dma2 semaphore(%run_scoped3A : memref<!tpu.dma_semaphore, #tpu.memory_space<semaphore_mem>>) src(%dma_wait3A_43 : memref<80xi32, #tpu.memory_space<hbm>>) dst(%arg8 : memref<80xi32, #tpu.memory_space<vmem>>)
        tpu.yield
      }) : () -> ()
      "tpu.region"() ({
        %run_scoped3A = tpu.sem_alloc : memref<!tpu.dma_semaphore, #tpu.memory_space<semaphore_mem>>
        %dma_start3A = tpu.memref_slice %arg4[%add3A_40] : memref<160000xi32, #tpu.memory_space<hbm>> -> memref<80xi32, #tpu.memory_space<hbm>>
        %dma_start3A_42 = tpu.memref_slice %arg4[%add3A_40] : memref<160000xi32, #tpu.memory_space<hbm>> -> memref<80xi32, #tpu.memory_space<hbm>>
        tpu.enqueue_dma source(%dma_start3A_42 : memref<80xi32, #tpu.memory_space<hbm>>) target(%arg9 : memref<80xi32, #tpu.memory_space<vmem>>) target_semaphore(%run_scoped3A : memref<!tpu.dma_semaphore, #tpu.memory_space<semaphore_mem>>)
        %dma_wait3A = tpu.memref_slice %arg4[%add3A_40] : memref<160000xi32, #tpu.memory_space<hbm>> -> memref<80xi32, #tpu.memory_space<hbm>>
        %dma_wait3A_43 = tpu.memref_slice %arg4[%add3A_40] : memref<160000xi32, #tpu.memory_space<hbm>> -> memref<80xi32, #tpu.memory_space<hbm>>
        tpu.wait_dma2 semaphore(%run_scoped3A : memref<!tpu.dma_semaphore, #tpu.memory_space<semaphore_mem>>) src(%dma_wait3A_43 : memref<80xi32, #tpu.memory_space<hbm>>) dst(%arg9 : memref<80xi32, #tpu.memory_space<vmem>>)
        tpu.yield
      }) : () -> ()
      "tpu.region"() ({
        %run_scoped3A = tpu.sem_alloc : memref<!tpu.dma_semaphore, #tpu.memory_space<semaphore_mem>>
        %dma_start3A = arith.constant 0 : i32
        %dma_start3A_42 = arith.constant 0 : i32
        %dma_start3A_43 = tpu.memref_slice %arg2[%arg0, %dma_start3A, %dma_start3A_42] : memref<2x10240x128xf32, #tpu.memory_space<hbm>> -> memref<1x10240x128xf32, #tpu.memory_space<hbm>>
        %dma_start3A_44 = tpu.memref_squeeze %dma_start3A_43 : memref<1x10240x128xf32, #tpu.memory_space<hbm>> -> memref<10240x128xf32, #tpu.memory_space<hbm>>
        %dma_start3A_45 = arith.constant 0 : i32
        %dma_start3A_46 = arith.constant 0 : i32
        %dma_start3A_47 = tpu.memref_slice %dma_start3A_44[%dma_start3A_45, %dma_start3A_46] : memref<10240x128xf32, #tpu.memory_space<hbm>> -> memref<10240x128xf32, #tpu.memory_space<hbm>>
        tpu.enqueue_indirect_dma source(%dma_start3A_47 : memref<10240x128xf32, #tpu.memory_space<hbm>>) target(%arg10 : memref<80x128xf32, #tpu.memory_space<vmem>>) offsets(%arg8 : memref<80xi32, #tpu.memory_space<vmem>>) semaphore(%run_scoped3A : memref<!tpu.dma_semaphore, #tpu.memory_space<semaphore_mem>>)
        %dma_wait3A = arith.constant 0 : i32
        %dma_wait3A_48 = arith.constant 0 : i32
        %dma_wait3A_49 = tpu.memref_slice %arg2[%arg0, %dma_wait3A, %dma_wait3A_48] : memref<2x10240x128xf32, #tpu.memory_space<hbm>> -> memref<1x10240x128xf32, #tpu.memory_space<hbm>>
        %dma_wait3A_50 = tpu.memref_squeeze %dma_wait3A_49 : memref<1x10240x128xf32, #tpu.memory_space<hbm>> -> memref<10240x128xf32, #tpu.memory_space<hbm>>
        %dma_wait3A_51 = arith.constant 0 : i32
        %dma_wait3A_52 = arith.constant 0 : i32
        %dma_wait3A_53 = tpu.memref_slice %dma_wait3A_50[%dma_wait3A_51, %dma_wait3A_52] : memref<10240x128xf32, #tpu.memory_space<hbm>> -> memref<10240x128xf32, #tpu.memory_space<hbm>>
        tpu.wait_indirect_dma semaphore(%run_scoped3A : memref<!tpu.dma_semaphore, #tpu.memory_space<semaphore_mem>>) src(%dma_wait3A_53 : memref<10240x128xf32, #tpu.memory_space<hbm>>) dst(%arg10 : memref<80x128xf32, #tpu.memory_space<vmem>>)
        tpu.yield
      }) : () -> ()
      "tpu.region"() ({
        %run_scoped3A = tpu.sem_alloc : memref<!tpu.dma_semaphore, #tpu.memory_space<semaphore_mem>>
        %dma_start3A = arith.constant 0 : i32
        %dma_start3A_42 = arith.constant 0 : i32
        %dma_start3A_43 = tpu.memref_slice %arg6[%dma_start3A, %dma_start3A_42] : memref<10240x128xf32, #tpu.memory_space<vmem_shared>> -> memref<10240x128xf32, #tpu.memory_space<vmem_shared>>
        tpu.enqueue_indirect_dma source(%arg10 : memref<80x128xf32, #tpu.memory_space<vmem>>) target(%dma_start3A_43 : memref<10240x128xf32, #tpu.memory_space<vmem_shared>>) offsets(%arg9 : memref<80xi32, #tpu.memory_space<vmem>>) semaphore(%run_scoped3A : memref<!tpu.dma_semaphore, #tpu.memory_space<semaphore_mem>>) {add = true}
        %dma_wait3A = arith.constant 0 : i32
        %dma_wait3A_44 = arith.constant 0 : i32
        %dma_wait3A_45 = tpu.memref_slice %arg6[%dma_wait3A, %dma_wait3A_44] : memref<10240x128xf32, #tpu.memory_space<vmem_shared>> -> memref<10240x128xf32, #tpu.memory_space<vmem_shared>>
        tpu.wait_indirect_dma semaphore(%run_scoped3A : memref<!tpu.dma_semaphore, #tpu.memory_space<semaphore_mem>>) src(%arg10 : memref<80x128xf32, #tpu.memory_space<vmem>>) dst(%dma_wait3A_45 : memref<10240x128xf32, #tpu.memory_space<vmem_shared>>)
        tpu.yield
      }) : () -> ()
      %scan3A_41 = arith.constant 0 : i32
      scf.yield %scan3A_41 : i32
    }
    %scan3A_24 = arith.constant 125 : i32
    %barrier3A_25 = arith.constant 0 : index
    tpu.barrier barrier_id(%barrier3A_25)
    %add3A_26 = arith.constant 0 : i32
    %add3A_27 = arith.addi %mul3A_0, %add3A_26 : i32
    "tpu.region"() ({
      %run_scoped3A = tpu.sem_alloc : memref<!tpu.dma_semaphore, #tpu.memory_space<semaphore_mem>>
      %dma_start3A = arith.constant 0 : i32
      %dma_start3A_36 = tpu.memref_slice %arg6[%add3A_27, %dma_start3A] : memref<10240x128xf32, #tpu.memory_space<vmem_shared>> -> memref<128x128xf32, #tpu.memory_space<vmem_shared>>
      %dma_start3A_37 = arith.constant 0 : i32
      %dma_start3A_38 = tpu.memref_slice %arg6[%add3A_27, %dma_start3A_37] : memref<10240x128xf32, #tpu.memory_space<vmem_shared>> -> memref<128x128xf32, #tpu.memory_space<vmem_shared>>
      tpu.enqueue_dma source(%dma_start3A_38 : memref<128x128xf32, #tpu.memory_space<vmem_shared>>) target(%arg11 : memref<128x128xf32, #tpu.memory_space<vmem>>) target_semaphore(%run_scoped3A : memref<!tpu.dma_semaphore, #tpu.memory_space<semaphore_mem>>)
      %dma_wait3A = arith.constant 0 : i32
      %dma_wait3A_39 = tpu.memref_slice %arg6[%add3A_27, %dma_wait3A] : memref<10240x128xf32, #tpu.memory_space<vmem_shared>> -> memref<128x128xf32, #tpu.memory_space<vmem_shared>>
      %dma_wait3A_40 = arith.constant 0 : i32
      %dma_wait3A_41 = tpu.memref_slice %arg6[%add3A_27, %dma_wait3A_40] : memref<10240x128xf32, #tpu.memory_space<vmem_shared>> -> memref<128x128xf32, #tpu.memory_space<vmem_shared>>
      tpu.wait_dma2 semaphore(%run_scoped3A : memref<!tpu.dma_semaphore, #tpu.memory_space<semaphore_mem>>) src(%dma_wait3A_41 : memref<128x128xf32, #tpu.memory_space<vmem_shared>>) dst(%arg11 : memref<128x128xf32, #tpu.memory_space<vmem>>)
      tpu.yield
    }) : () -> ()
    "tpu.region"() ({
      %run_scoped3A = tpu.sem_alloc : memref<!tpu.dma_semaphore, #tpu.memory_space<semaphore_mem>>
      %dma_start3A = arith.constant 0 : i32
      %dma_start3A_36 = arith.constant 0 : i32
      %dma_start3A_37 = tpu.memref_slice %arg5[%arg0, %dma_start3A, %dma_start3A_36] : memref<2x10240x128xf32, #tpu.memory_space<hbm>> -> memref<1x10240x128xf32, #tpu.memory_space<hbm>>
      %dma_start3A_38 = tpu.memref_squeeze %dma_start3A_37 : memref<1x10240x128xf32, #tpu.memory_space<hbm>> -> memref<10240x128xf32, #tpu.memory_space<hbm>>
      %dma_start3A_39 = arith.constant 0 : i32
      %dma_start3A_40 = tpu.memref_slice %dma_start3A_38[%add3A_27, %dma_start3A_39] : memref<10240x128xf32, #tpu.memory_space<hbm>> -> memref<128x128xf32, #tpu.memory_space<hbm>>
      %dma_start3A_41 = arith.constant 0 : i32
      %dma_start3A_42 = arith.constant 0 : i32
      %dma_start3A_43 = tpu.memref_slice %arg5[%arg0, %dma_start3A_41, %dma_start3A_42] : memref<2x10240x128xf32, #tpu.memory_space<hbm>> -> memref<1x10240x128xf32, #tpu.memory_space<hbm>>
      %dma_start3A_44 = tpu.memref_squeeze %dma_start3A_43 : memref<1x10240x128xf32, #tpu.memory_space<hbm>> -> memref<10240x128xf32, #tpu.memory_space<hbm>>
      %dma_start3A_45 = arith.constant 0 : i32
      %dma_start3A_46 = tpu.memref_slice %dma_start3A_44[%add3A_27, %dma_start3A_45] : memref<10240x128xf32, #tpu.memory_space<hbm>> -> memref<128x128xf32, #tpu.memory_space<hbm>>
      tpu.enqueue_dma source(%arg11 : memref<128x128xf32, #tpu.memory_space<vmem>>) target(%dma_start3A_46 : memref<128x128xf32, #tpu.memory_space<hbm>>) target_semaphore(%run_scoped3A : memref<!tpu.dma_semaphore, #tpu.memory_space<semaphore_mem>>)
      %dma_wait3A = arith.constant 0 : i32
      %dma_wait3A_47 = arith.constant 0 : i32
      %dma_wait3A_48 = tpu.memref_slice %arg5[%arg0, %dma_wait3A, %dma_wait3A_47] : memref<2x10240x128xf32, #tpu.memory_space<hbm>> -> memref<1x10240x128xf32, #tpu.memory_space<hbm>>
      %dma_wait3A_49 = tpu.memref_squeeze %dma_wait3A_48 : memref<1x10240x128xf32, #tpu.memory_space<hbm>> -> memref<10240x128xf32, #tpu.memory_space<hbm>>
      %dma_wait3A_50 = arith.constant 0 : i32
      %dma_wait3A_51 = tpu.memref_slice %dma_wait3A_49[%add3A_27, %dma_wait3A_50] : memref<10240x128xf32, #tpu.memory_space<hbm>> -> memref<128x128xf32, #tpu.memory_space<hbm>>
      %dma_wait3A_52 = arith.constant 0 : i32
      %dma_wait3A_53 = arith.constant 0 : i32
      %dma_wait3A_54 = tpu.memref_slice %arg5[%arg0, %dma_wait3A_52, %dma_wait3A_53] : memref<2x10240x128xf32, #tpu.memory_space<hbm>> -> memref<1x10240x128xf32, #tpu.memory_space<hbm>>
      %dma_wait3A_55 = tpu.memref_squeeze %dma_wait3A_54 : memref<1x10240x128xf32, #tpu.memory_space<hbm>> -> memref<10240x128xf32, #tpu.memory_space<hbm>>
      %dma_wait3A_56 = arith.constant 0 : i32
      %dma_wait3A_57 = tpu.memref_slice %dma_wait3A_55[%add3A_27, %dma_wait3A_56] : memref<10240x128xf32, #tpu.memory_space<hbm>> -> memref<128x128xf32, #tpu.memory_space<hbm>>
      tpu.wait_dma2 semaphore(%run_scoped3A : memref<!tpu.dma_semaphore, #tpu.memory_space<semaphore_mem>>) src(%arg11 : memref<128x128xf32, #tpu.memory_space<vmem>>) dst(%dma_wait3A_57 : memref<128x128xf32, #tpu.memory_space<hbm>>)
      tpu.yield
    }) : () -> ()
    %add3A_28 = arith.constant 128 : i32
    %add3A_29 = arith.addi %mul3A_0, %add3A_28 : i32
    "tpu.region"() ({
      %run_scoped3A = tpu.sem_alloc : memref<!tpu.dma_semaphore, #tpu.memory_space<semaphore_mem>>
      %dma_start3A = arith.constant 0 : i32
      %dma_start3A_36 = tpu.memref_slice %arg6[%add3A_29, %dma_start3A] : memref<10240x128xf32, #tpu.memory_space<vmem_shared>> -> memref<128x128xf32, #tpu.memory_space<vmem_shared>>
      %dma_start3A_37 = arith.constant 0 : i32
      %dma_start3A_38 = tpu.memref_slice %arg6[%add3A_29, %dma_start3A_37] : memref<10240x128xf32, #tpu.memory_space<vmem_shared>> -> memref<128x128xf32, #tpu.memory_space<vmem_shared>>
      tpu.enqueue_dma source(%dma_start3A_38 : memref<128x128xf32, #tpu.memory_space<vmem_shared>>) target(%arg11 : memref<128x128xf32, #tpu.memory_space<vmem>>) target_semaphore(%run_scoped3A : memref<!tpu.dma_semaphore, #tpu.memory_space<semaphore_mem>>)
      %dma_wait3A = arith.constant 0 : i32
      %dma_wait3A_39 = tpu.memref_slice %arg6[%add3A_29, %dma_wait3A] : memref<10240x128xf32, #tpu.memory_space<vmem_shared>> -> memref<128x128xf32, #tpu.memory_space<vmem_shared>>
      %dma_wait3A_40 = arith.constant 0 : i32
      %dma_wait3A_41 = tpu.memref_slice %arg6[%add3A_29, %dma_wait3A_40] : memref<10240x128xf32, #tpu.memory_space<vmem_shared>> -> memref<128x128xf32, #tpu.memory_space<vmem_shared>>
      tpu.wait_dma2 semaphore(%run_scoped3A : memref<!tpu.dma_semaphore, #tpu.memory_space<semaphore_mem>>) src(%dma_wait3A_41 : memref<128x128xf32, #tpu.memory_space<vmem_shared>>) dst(%arg11 : memref<128x128xf32, #tpu.memory_space<vmem>>)
      tpu.yield
    }) : () -> ()
    "tpu.region"() ({
      %run_scoped3A = tpu.sem_alloc : memref<!tpu.dma_semaphore, #tpu.memory_space<semaphore_mem>>
      %dma_start3A = arith.constant 0 : i32
      %dma_start3A_36 = arith.constant 0 : i32
      %dma_start3A_37 = tpu.memref_slice %arg5[%arg0, %dma_start3A, %dma_start3A_36] : memref<2x10240x128xf32, #tpu.memory_space<hbm>> -> memref<1x10240x128xf32, #tpu.memory_space<hbm>>
      %dma_start3A_38 = tpu.memref_squeeze %dma_start3A_37 : memref<1x10240x128xf32, #tpu.memory_space<hbm>> -> memref<10240x128xf32, #tpu.memory_space<hbm>>
      %dma_start3A_39 = arith.constant 0 : i32
      %dma_start3A_40 = tpu.memref_slice %dma_start3A_38[%add3A_29, %dma_start3A_39] : memref<10240x128xf32, #tpu.memory_space<hbm>> -> memref<128x128xf32, #tpu.memory_space<hbm>>
      %dma_start3A_41 = arith.constant 0 : i32
      %dma_start3A_42 = arith.constant 0 : i32
      %dma_start3A_43 = tpu.memref_slice %arg5[%arg0, %dma_start3A_41, %dma_start3A_42] : memref<2x10240x128xf32, #tpu.memory_space<hbm>> -> memref<1x10240x128xf32, #tpu.memory_space<hbm>>
      %dma_start3A_44 = tpu.memref_squeeze %dma_start3A_43 : memref<1x10240x128xf32, #tpu.memory_space<hbm>> -> memref<10240x128xf32, #tpu.memory_space<hbm>>
      %dma_start3A_45 = arith.constant 0 : i32
      %dma_start3A_46 = tpu.memref_slice %dma_start3A_44[%add3A_29, %dma_start3A_45] : memref<10240x128xf32, #tpu.memory_space<hbm>> -> memref<128x128xf32, #tpu.memory_space<hbm>>
      tpu.enqueue_dma source(%arg11 : memref<128x128xf32, #tpu.memory_space<vmem>>) target(%dma_start3A_46 : memref<128x128xf32, #tpu.memory_space<hbm>>) target_semaphore(%run_scoped3A : memref<!tpu.dma_semaphore, #tpu.memory_space<semaphore_mem>>)
      %dma_wait3A = arith.constant 0 : i32
      %dma_wait3A_47 = arith.constant 0 : i32
      %dma_wait3A_48 = tpu.memref_slice %arg5[%arg0, %dma_wait3A, %dma_wait3A_47] : memref<2x10240x128xf32, #tpu.memory_space<hbm>> -> memref<1x10240x128xf32, #tpu.memory_space<hbm>>
      %dma_wait3A_49 = tpu.memref_squeeze %dma_wait3A_48 : memref<1x10240x128xf32, #tpu.memory_space<hbm>> -> memref<10240x128xf32, #tpu.memory_space<hbm>>
      %dma_wait3A_50 = arith.constant 0 : i32
      %dma_wait3A_51 = tpu.memref_slice %dma_wait3A_49[%add3A_29, %dma_wait3A_50] : memref<10240x128xf32, #tpu.memory_space<hbm>> -> memref<128x128xf32, #tpu.memory_space<hbm>>
      %dma_wait3A_52 = arith.constant 0 : i32
      %dma_wait3A_53 = arith.constant 0 : i32
      %dma_wait3A_54 = tpu.memref_slice %arg5[%arg0, %dma_wait3A_52, %dma_wait3A_53] : memref<2x10240x128xf32, #tpu.memory_space<hbm>> -> memref<1x10240x128xf32, #tpu.memory_space<hbm>>
      %dma_wait3A_55 = tpu.memref_squeeze %dma_wait3A_54 : memref<1x10240x128xf32, #tpu.memory_space<hbm>> -> memref<10240x128xf32, #tpu.memory_space<hbm>>
      %dma_wait3A_56 = arith.constant 0 : i32
      %dma_wait3A_57 = tpu.memref_slice %dma_wait3A_55[%add3A_29, %dma_wait3A_56] : memref<10240x128xf32, #tpu.memory_space<hbm>> -> memref<128x128xf32, #tpu.memory_space<hbm>>
      tpu.wait_dma2 semaphore(%run_scoped3A : memref<!tpu.dma_semaphore, #tpu.memory_space<semaphore_mem>>) src(%arg11 : memref<128x128xf32, #tpu.memory_space<vmem>>) dst(%dma_wait3A_57 : memref<128x128xf32, #tpu.memory_space<hbm>>)
      tpu.yield
    }) : () -> ()
    %add3A_30 = arith.constant 256 : i32
    %add3A_31 = arith.addi %mul3A_0, %add3A_30 : i32
    "tpu.region"() ({
      %run_scoped3A = tpu.sem_alloc : memref<!tpu.dma_semaphore, #tpu.memory_space<semaphore_mem>>
      %dma_start3A = arith.constant 0 : i32
      %dma_start3A_36 = tpu.memref_slice %arg6[%add3A_31, %dma_start3A] : memref<10240x128xf32, #tpu.memory_space<vmem_shared>> -> memref<128x128xf32, #tpu.memory_space<vmem_shared>>
      %dma_start3A_37 = arith.constant 0 : i32
      %dma_start3A_38 = tpu.memref_slice %arg6[%add3A_31, %dma_start3A_37] : memref<10240x128xf32, #tpu.memory_space<vmem_shared>> -> memref<128x128xf32, #tpu.memory_space<vmem_shared>>
      tpu.enqueue_dma source(%dma_start3A_38 : memref<128x128xf32, #tpu.memory_space<vmem_shared>>) target(%arg11 : memref<128x128xf32, #tpu.memory_space<vmem>>) target_semaphore(%run_scoped3A : memref<!tpu.dma_semaphore, #tpu.memory_space<semaphore_mem>>)
      %dma_wait3A = arith.constant 0 : i32
      %dma_wait3A_39 = tpu.memref_slice %arg6[%add3A_31, %dma_wait3A] : memref<10240x128xf32, #tpu.memory_space<vmem_shared>> -> memref<128x128xf32, #tpu.memory_space<vmem_shared>>
      %dma_wait3A_40 = arith.constant 0 : i32
      %dma_wait3A_41 = tpu.memref_slice %arg6[%add3A_31, %dma_wait3A_40] : memref<10240x128xf32, #tpu.memory_space<vmem_shared>> -> memref<128x128xf32, #tpu.memory_space<vmem_shared>>
      tpu.wait_dma2 semaphore(%run_scoped3A : memref<!tpu.dma_semaphore, #tpu.memory_space<semaphore_mem>>) src(%dma_wait3A_41 : memref<128x128xf32, #tpu.memory_space<vmem_shared>>) dst(%arg11 : memref<128x128xf32, #tpu.memory_space<vmem>>)
      tpu.yield
    }) : () -> ()
    "tpu.region"() ({
      %run_scoped3A = tpu.sem_alloc : memref<!tpu.dma_semaphore, #tpu.memory_space<semaphore_mem>>
      %dma_start3A = arith.constant 0 : i32
      %dma_start3A_36 = arith.constant 0 : i32
      %dma_start3A_37 = tpu.memref_slice %arg5[%arg0, %dma_start3A, %dma_start3A_36] : memref<2x10240x128xf32, #tpu.memory_space<hbm>> -> memref<1x10240x128xf32, #tpu.memory_space<hbm>>
      %dma_start3A_38 = tpu.memref_squeeze %dma_start3A_37 : memref<1x10240x128xf32, #tpu.memory_space<hbm>> -> memref<10240x128xf32, #tpu.memory_space<hbm>>
      %dma_start3A_39 = arith.constant 0 : i32
      %dma_start3A_40 = tpu.memref_slice %dma_start3A_38[%add3A_31, %dma_start3A_39] : memref<10240x128xf32, #tpu.memory_space<hbm>> -> memref<128x128xf32, #tpu.memory_space<hbm>>
      %dma_start3A_41 = arith.constant 0 : i32
      %dma_start3A_42 = arith.constant 0 : i32
      %dma_start3A_43 = tpu.memref_slice %arg5[%arg0, %dma_start3A_41, %dma_start3A_42] : memref<2x10240x128xf32, #tpu.memory_space<hbm>> -> memref<1x10240x128xf32, #tpu.memory_space<hbm>>
      %dma_start3A_44 = tpu.memref_squeeze %dma_start3A_43 : memref<1x10240x128xf32, #tpu.memory_space<hbm>> -> memref<10240x128xf32, #tpu.memory_space<hbm>>
      %dma_start3A_45 = arith.constant 0 : i32
      %dma_start3A_46 = tpu.memref_slice %dma_start3A_44[%add3A_31, %dma_start3A_45] : memref<10240x128xf32, #tpu.memory_space<hbm>> -> memref<128x128xf32, #tpu.memory_space<hbm>>
      tpu.enqueue_dma source(%arg11 : memref<128x128xf32, #tpu.memory_space<vmem>>) target(%dma_start3A_46 : memref<128x128xf32, #tpu.memory_space<hbm>>) target_semaphore(%run_scoped3A : memref<!tpu.dma_semaphore, #tpu.memory_space<semaphore_mem>>)
      %dma_wait3A = arith.constant 0 : i32
      %dma_wait3A_47 = arith.constant 0 : i32
      %dma_wait3A_48 = tpu.memref_slice %arg5[%arg0, %dma_wait3A, %dma_wait3A_47] : memref<2x10240x128xf32, #tpu.memory_space<hbm>> -> memref<1x10240x128xf32, #tpu.memory_space<hbm>>
      %dma_wait3A_49 = tpu.memref_squeeze %dma_wait3A_48 : memref<1x10240x128xf32, #tpu.memory_space<hbm>> -> memref<10240x128xf32, #tpu.memory_space<hbm>>
      %dma_wait3A_50 = arith.constant 0 : i32
      %dma_wait3A_51 = tpu.memref_slice %dma_wait3A_49[%add3A_31, %dma_wait3A_50] : memref<10240x128xf32, #tpu.memory_space<hbm>> -> memref<128x128xf32, #tpu.memory_space<hbm>>
      %dma_wait3A_52 = arith.constant 0 : i32
      %dma_wait3A_53 = arith.constant 0 : i32
      %dma_wait3A_54 = tpu.memref_slice %arg5[%arg0, %dma_wait3A_52, %dma_wait3A_53] : memref<2x10240x128xf32, #tpu.memory_space<hbm>> -> memref<1x10240x128xf32, #tpu.memory_space<hbm>>
      %dma_wait3A_55 = tpu.memref_squeeze %dma_wait3A_54 : memref<1x10240x128xf32, #tpu.memory_space<hbm>> -> memref<10240x128xf32, #tpu.memory_space<hbm>>
      %dma_wait3A_56 = arith.constant 0 : i32
      %dma_wait3A_57 = tpu.memref_slice %dma_wait3A_55[%add3A_31, %dma_wait3A_56] : memref<10240x128xf32, #tpu.memory_space<hbm>> -> memref<128x128xf32, #tpu.memory_space<hbm>>
      tpu.wait_dma2 semaphore(%run_scoped3A : memref<!tpu.dma_semaphore, #tpu.memory_space<semaphore_mem>>) src(%arg11 : memref<128x128xf32, #tpu.memory_space<vmem>>) dst(%dma_wait3A_57 : memref<128x128xf32, #tpu.memory_space<hbm>>)
      tpu.yield
    }) : () -> ()
    %add3A_32 = arith.constant 384 : i32
    %add3A_33 = arith.addi %mul3A_0, %add3A_32 : i32
    "tpu.region"() ({
      %run_scoped3A = tpu.sem_alloc : memref<!tpu.dma_semaphore, #tpu.memory_space<semaphore_mem>>
      %dma_start3A = arith.constant 0 : i32
      %dma_start3A_36 = tpu.memref_slice %arg6[%add3A_33, %dma_start3A] : memref<10240x128xf32, #tpu.memory_space<vmem_shared>> -> memref<128x128xf32, #tpu.memory_space<vmem_shared>>
      %dma_start3A_37 = arith.constant 0 : i32
      %dma_start3A_38 = tpu.memref_slice %arg6[%add3A_33, %dma_start3A_37] : memref<10240x128xf32, #tpu.memory_space<vmem_shared>> -> memref<128x128xf32, #tpu.memory_space<vmem_shared>>
      tpu.enqueue_dma source(%dma_start3A_38 : memref<128x128xf32, #tpu.memory_space<vmem_shared>>) target(%arg11 : memref<128x128xf32, #tpu.memory_space<vmem>>) target_semaphore(%run_scoped3A : memref<!tpu.dma_semaphore, #tpu.memory_space<semaphore_mem>>)
      %dma_wait3A = arith.constant 0 : i32
      %dma_wait3A_39 = tpu.memref_slice %arg6[%add3A_33, %dma_wait3A] : memref<10240x128xf32, #tpu.memory_space<vmem_shared>> -> memref<128x128xf32, #tpu.memory_space<vmem_shared>>
      %dma_wait3A_40 = arith.constant 0 : i32
      %dma_wait3A_41 = tpu.memref_slice %arg6[%add3A_33, %dma_wait3A_40] : memref<10240x128xf32, #tpu.memory_space<vmem_shared>> -> memref<128x128xf32, #tpu.memory_space<vmem_shared>>
      tpu.wait_dma2 semaphore(%run_scoped3A : memref<!tpu.dma_semaphore, #tpu.memory_space<semaphore_mem>>) src(%dma_wait3A_41 : memref<128x128xf32, #tpu.memory_space<vmem_shared>>) dst(%arg11 : memref<128x128xf32, #tpu.memory_space<vmem>>)
      tpu.yield
    }) : () -> ()
    "tpu.region"() ({
      %run_scoped3A = tpu.sem_alloc : memref<!tpu.dma_semaphore, #tpu.memory_space<semaphore_mem>>
      %dma_start3A = arith.constant 0 : i32
      %dma_start3A_36 = arith.constant 0 : i32
      %dma_start3A_37 = tpu.memref_slice %arg5[%arg0, %dma_start3A, %dma_start3A_36] : memref<2x10240x128xf32, #tpu.memory_space<hbm>> -> memref<1x10240x128xf32, #tpu.memory_space<hbm>>
      %dma_start3A_38 = tpu.memref_squeeze %dma_start3A_37 : memref<1x10240x128xf32, #tpu.memory_space<hbm>> -> memref<10240x128xf32, #tpu.memory_space<hbm>>
      %dma_start3A_39 = arith.constant 0 : i32
      %dma_start3A_40 = tpu.memref_slice %dma_start3A_38[%add3A_33, %dma_start3A_39] : memref<10240x128xf32, #tpu.memory_space<hbm>> -> memref<128x128xf32, #tpu.memory_space<hbm>>
      %dma_start3A_41 = arith.constant 0 : i32
      %dma_start3A_42 = arith.constant 0 : i32
      %dma_start3A_43 = tpu.memref_slice %arg5[%arg0, %dma_start3A_41, %dma_start3A_42] : memref<2x10240x128xf32, #tpu.memory_space<hbm>> -> memref<1x10240x128xf32, #tpu.memory_space<hbm>>
      %dma_start3A_44 = tpu.memref_squeeze %dma_start3A_43 : memref<1x10240x128xf32, #tpu.memory_space<hbm>> -> memref<10240x128xf32, #tpu.memory_space<hbm>>
      %dma_start3A_45 = arith.constant 0 : i32
      %dma_start3A_46 = tpu.memref_slice %dma_start3A_44[%add3A_33, %dma_start3A_45] : memref<10240x128xf32, #tpu.memory_space<hbm>> -> memref<128x128xf32, #tpu.memory_space<hbm>>
      tpu.enqueue_dma source(%arg11 : memref<128x128xf32, #tpu.memory_space<vmem>>) target(%dma_start3A_46 : memref<128x128xf32, #tpu.memory_space<hbm>>) target_semaphore(%run_scoped3A : memref<!tpu.dma_semaphore, #tpu.memory_space<semaphore_mem>>)
      %dma_wait3A = arith.constant 0 : i32
      %dma_wait3A_47 = arith.constant 0 : i32
      %dma_wait3A_48 = tpu.memref_slice %arg5[%arg0, %dma_wait3A, %dma_wait3A_47] : memref<2x10240x128xf32, #tpu.memory_space<hbm>> -> memref<1x10240x128xf32, #tpu.memory_space<hbm>>
      %dma_wait3A_49 = tpu.memref_squeeze %dma_wait3A_48 : memref<1x10240x128xf32, #tpu.memory_space<hbm>> -> memref<10240x128xf32, #tpu.memory_space<hbm>>
      %dma_wait3A_50 = arith.constant 0 : i32
      %dma_wait3A_51 = tpu.memref_slice %dma_wait3A_49[%add3A_33, %dma_wait3A_50] : memref<10240x128xf32, #tpu.memory_space<hbm>> -> memref<128x128xf32, #tpu.memory_space<hbm>>
      %dma_wait3A_52 = arith.constant 0 : i32
      %dma_wait3A_53 = arith.constant 0 : i32
      %dma_wait3A_54 = tpu.memref_slice %arg5[%arg0, %dma_wait3A_52, %dma_wait3A_53] : memref<2x10240x128xf32, #tpu.memory_space<hbm>> -> memref<1x10240x128xf32, #tpu.memory_space<hbm>>
      %dma_wait3A_55 = tpu.memref_squeeze %dma_wait3A_54 : memref<1x10240x128xf32, #tpu.memory_space<hbm>> -> memref<10240x128xf32, #tpu.memory_space<hbm>>
      %dma_wait3A_56 = arith.constant 0 : i32
      %dma_wait3A_57 = tpu.memref_slice %dma_wait3A_55[%add3A_33, %dma_wait3A_56] : memref<10240x128xf32, #tpu.memory_space<hbm>> -> memref<128x128xf32, #tpu.memory_space<hbm>>
      tpu.wait_dma2 semaphore(%run_scoped3A : memref<!tpu.dma_semaphore, #tpu.memory_space<semaphore_mem>>) src(%arg11 : memref<128x128xf32, #tpu.memory_space<vmem>>) dst(%dma_wait3A_57 : memref<128x128xf32, #tpu.memory_space<hbm>>)
      tpu.yield
    }) : () -> ()
    %add3A_34 = arith.constant 512 : i32
    %add3A_35 = arith.addi %mul3A_0, %add3A_34 : i32
    "tpu.region"() ({
      %run_scoped3A = tpu.sem_alloc : memref<!tpu.dma_semaphore, #tpu.memory_space<semaphore_mem>>
      %dma_start3A = arith.constant 0 : i32
      %dma_start3A_36 = tpu.memref_slice %arg6[%add3A_35, %dma_start3A] : memref<10240x128xf32, #tpu.memory_space<vmem_shared>> -> memref<128x128xf32, #tpu.memory_space<vmem_shared>>
      %dma_start3A_37 = arith.constant 0 : i32
      %dma_start3A_38 = tpu.memref_slice %arg6[%add3A_35, %dma_start3A_37] : memref<10240x128xf32, #tpu.memory_space<vmem_shared>> -> memref<128x128xf32, #tpu.memory_space<vmem_shared>>
      tpu.enqueue_dma source(%dma_start3A_38 : memref<128x128xf32, #tpu.memory_space<vmem_shared>>) target(%arg11 : memref<128x128xf32, #tpu.memory_space<vmem>>) target_semaphore(%run_scoped3A : memref<!tpu.dma_semaphore, #tpu.memory_space<semaphore_mem>>)
      %dma_wait3A = arith.constant 0 : i32
      %dma_wait3A_39 = tpu.memref_slice %arg6[%add3A_35, %dma_wait3A] : memref<10240x128xf32, #tpu.memory_space<vmem_shared>> -> memref<128x128xf32, #tpu.memory_space<vmem_shared>>
      %dma_wait3A_40 = arith.constant 0 : i32
      %dma_wait3A_41 = tpu.memref_slice %arg6[%add3A_35, %dma_wait3A_40] : memref<10240x128xf32, #tpu.memory_space<vmem_shared>> -> memref<128x128xf32, #tpu.memory_space<vmem_shared>>
      tpu.wait_dma2 semaphore(%run_scoped3A : memref<!tpu.dma_semaphore, #tpu.memory_space<semaphore_mem>>) src(%dma_wait3A_41 : memref<128x128xf32, #tpu.memory_space<vmem_shared>>) dst(%arg11 : memref<128x128xf32, #tpu.memory_space<vmem>>)
      tpu.yield
    }) : () -> ()
    "tpu.region"() ({
      %run_scoped3A = tpu.sem_alloc : memref<!tpu.dma_semaphore, #tpu.memory_space<semaphore_mem>>
      %dma_start3A = arith.constant 0 : i32
      %dma_start3A_36 = arith.constant 0 : i32
      %dma_start3A_37 = tpu.memref_slice %arg5[%arg0, %dma_start3A, %dma_start3A_36] : memref<2x10240x128xf32, #tpu.memory_space<hbm>> -> memref<1x10240x128xf32, #tpu.memory_space<hbm>>
      %dma_start3A_38 = tpu.memref_squeeze %dma_start3A_37 : memref<1x10240x128xf32, #tpu.memory_space<hbm>> -> memref<10240x128xf32, #tpu.memory_space<hbm>>
      %dma_start3A_39 = arith.constant 0 : i32
      %dma_start3A_40 = tpu.memref_slice %dma_start3A_38[%add3A_35, %dma_start3A_39] : memref<10240x128xf32, #tpu.memory_space<hbm>> -> memref<128x128xf32, #tpu.memory_space<hbm>>
      %dma_start3A_41 = arith.constant 0 : i32
      %dma_start3A_42 = arith.constant 0 : i32
      %dma_start3A_43 = tpu.memref_slice %arg5[%arg0, %dma_start3A_41, %dma_start3A_42] : memref<2x10240x128xf32, #tpu.memory_space<hbm>> -> memref<1x10240x128xf32, #tpu.memory_space<hbm>>
      %dma_start3A_44 = tpu.memref_squeeze %dma_start3A_43 : memref<1x10240x128xf32, #tpu.memory_space<hbm>> -> memref<10240x128xf32, #tpu.memory_space<hbm>>
      %dma_start3A_45 = arith.constant 0 : i32
      %dma_start3A_46 = tpu.memref_slice %dma_start3A_44[%add3A_35, %dma_start3A_45] : memref<10240x128xf32, #tpu.memory_space<hbm>> -> memref<128x128xf32, #tpu.memory_space<hbm>>
      tpu.enqueue_dma source(%arg11 : memref<128x128xf32, #tpu.memory_space<vmem>>) target(%dma_start3A_46 : memref<128x128xf32, #tpu.memory_space<hbm>>) target_semaphore(%run_scoped3A : memref<!tpu.dma_semaphore, #tpu.memory_space<semaphore_mem>>)
      %dma_wait3A = arith.constant 0 : i32
      %dma_wait3A_47 = arith.constant 0 : i32
      %dma_wait3A_48 = tpu.memref_slice %arg5[%arg0, %dma_wait3A, %dma_wait3A_47] : memref<2x10240x128xf32, #tpu.memory_space<hbm>> -> memref<1x10240x128xf32, #tpu.memory_space<hbm>>
      %dma_wait3A_49 = tpu.memref_squeeze %dma_wait3A_48 : memref<1x10240x128xf32, #tpu.memory_space<hbm>> -> memref<10240x128xf32, #tpu.memory_space<hbm>>
      %dma_wait3A_50 = arith.constant 0 : i32
      %dma_wait3A_51 = tpu.memref_slice %dma_wait3A_49[%add3A_35, %dma_wait3A_50] : memref<10240x128xf32, #tpu.memory_space<hbm>> -> memref<128x128xf32, #tpu.memory_space<hbm>>
      %dma_wait3A_52 = arith.constant 0 : i32
      %dma_wait3A_53 = arith.constant 0 : i32
      %dma_wait3A_54 = tpu.memref_slice %arg5[%arg0, %dma_wait3A_52, %dma_wait3A_53] : memref<2x10240x128xf32, #tpu.memory_space<hbm>> -> memref<1x10240x128xf32, #tpu.memory_space<hbm>>
      %dma_wait3A_55 = tpu.memref_squeeze %dma_wait3A_54 : memref<1x10240x128xf32, #tpu.memory_space<hbm>> -> memref<10240x128xf32, #tpu.memory_space<hbm>>
      %dma_wait3A_56 = arith.constant 0 : i32
      %dma_wait3A_57 = tpu.memref_slice %dma_wait3A_55[%add3A_35, %dma_wait3A_56] : memref<10240x128xf32, #tpu.memory_space<hbm>> -> memref<128x128xf32, #tpu.memory_space<hbm>>
      tpu.wait_dma2 semaphore(%run_scoped3A : memref<!tpu.dma_semaphore, #tpu.memory_space<semaphore_mem>>) src(%arg11 : memref<128x128xf32, #tpu.memory_space<vmem>>) dst(%dma_wait3A_57 : memref<128x128xf32, #tpu.memory_space<hbm>>)
      tpu.yield
    }) : () -> ()
    return
  }
}

#map = affine_map<(d0, d1) -> (0, 0, 0)>
#map1 = affine_map<(d0, d1) -> (0)>
module attributes {stable_mosaic.version = 14 : i64} {
  func.func @k(%arg0: i32, %arg1: i32, %arg2: memref<2x10240x128xf32, #tpu.memory_space<hbm>>, %arg3: memref<160000xi32, #tpu.memory_space<hbm>>, %arg4: memref<160000xi32, #tpu.memory_space<hbm>>, %arg5: memref<2x10240x128xf32, #tpu.memory_space<hbm>>, %arg6: memref<2x10240x16xf32, #tpu.memory_space<hbm>>, %arg7: memref<10240x128xf32, #tpu.memory_space<vmem_shared>>, %arg8: memref<10240x16xf32, #tpu.memory_space<vmem_shared>>, %arg9: memref<80xi32, #tpu.memory_space<vmem>>, %arg10: memref<80xi32, #tpu.memory_space<vmem>>, %arg11: memref<80x128xf32, #tpu.memory_space<vmem>>, %arg12: memref<128x128xf32, #tpu.memory_space<vmem>>, %arg13: memref<640x16xf32, #tpu.memory_space<vmem>>, %arg14: memref<80x16xf32, #tpu.memory_space<vmem>>) attributes {dimension_semantics = [#tpu.dimension_semantics<core_parallel>, #tpu.dimension_semantics<subcore_parallel>], iteration_bounds = array<i64: 2, 16>, scalar_prefetch = 0 : i64, scratch_operands = 8 : i64, tpu.core_type = #tpu.core_type<sc_vector_subcore>, window_params = [{transform_indices = #map}, {transform_indices = #map1}, {transform_indices = #map1}, {transform_indices = #map}, {transform_indices = #map}]} {
    %mul3A = arith.constant 640 : i32
    %mul3A_0 = arith.muli %arg1, %mul3A : i32
    %scan3A = arith.constant 0 : i32
    %scan3A_1 = arith.constant 0 : i32
    %scan3A_2 = arith.constant 128 : i32
    %scan3A_3 = arith.addi %scan3A_1, %scan3A_2 : i32
    %scan3A_4 = arith.constant 1 : i32
    %scan3A_5 = scf.for %scan3A_50 = %scan3A_1 to %scan3A_3 step %scan3A_4 iter_args(%scan3A_51 = %scan3A) -> (i32)  : i32 {
      %broadcast_in_dim3A = arith.constant 0.000000e+00 : f32
      %broadcast_in_dim3A_52 = vector.broadcast %broadcast_in_dim3A : f32 to vector<16xf32>
      %swap3A = arith.index_cast %scan3A_50 : i32 to index
      %swap3A_53 = arith.constant 0 : index
      %swap3A_54 = tpu.vector_load %arg12[%swap3A, %swap3A_53] {strides = array<i32>} : memref<128x128xf32, #tpu.memory_space<vmem>>, vector<1x16xf32>,
      %swap3A_55 = vector.shape_cast %swap3A_54 : vector<1x16xf32> to vector<16xf32>
      %swap3A_56 = vector.shape_cast %broadcast_in_dim3A_52 : vector<16xf32> to vector<1x16xf32>
      tpu.vector_store %arg12[%swap3A, %swap3A_53], %swap3A_56 {strides = array<i32>} : memref<128x128xf32, #tpu.memory_space<vmem>>, vector<1x16xf32>,
      %broadcast_in_dim3A_57 = arith.constant 0.000000e+00 : f32
      %broadcast_in_dim3A_58 = vector.broadcast %broadcast_in_dim3A_57 : f32 to vector<16xf32>
      %swap3A_59 = arith.index_cast %scan3A_50 : i32 to index
      %swap3A_60 = arith.constant 16 : index
      %swap3A_61 = tpu.vector_load %arg12[%swap3A_59, %swap3A_60] {strides = array<i32>} : memref<128x128xf32, #tpu.memory_space<vmem>>, vector<1x16xf32>,
      %swap3A_62 = vector.shape_cast %swap3A_61 : vector<1x16xf32> to vector<16xf32>
      %swap3A_63 = vector.shape_cast %broadcast_in_dim3A_58 : vector<16xf32> to vector<1x16xf32>
      tpu.vector_store %arg12[%swap3A_59, %swap3A_60], %swap3A_63 {strides = array<i32>} : memref<128x128xf32, #tpu.memory_space<vmem>>, vector<1x16xf32>,
      %broadcast_in_dim3A_64 = arith.constant 0.000000e+00 : f32
      %broadcast_in_dim3A_65 = vector.broadcast %broadcast_in_dim3A_64 : f32 to vector<16xf32>
      %swap3A_66 = arith.index_cast %scan3A_50 : i32 to index
      %swap3A_67 = arith.constant 32 : index
      %swap3A_68 = tpu.vector_load %arg12[%swap3A_66, %swap3A_67] {strides = array<i32>} : memref<128x128xf32, #tpu.memory_space<vmem>>, vector<1x16xf32>,
      %swap3A_69 = vector.shape_cast %swap3A_68 : vector<1x16xf32> to vector<16xf32>
      %swap3A_70 = vector.shape_cast %broadcast_in_dim3A_65 : vector<16xf32> to vector<1x16xf32>
      tpu.vector_store %arg12[%swap3A_66, %swap3A_67], %swap3A_70 {strides = array<i32>} : memref<128x128xf32, #tpu.memory_space<vmem>>, vector<1x16xf32>,
      %broadcast_in_dim3A_71 = arith.constant 0.000000e+00 : f32
      %broadcast_in_dim3A_72 = vector.broadcast %broadcast_in_dim3A_71 : f32 to vector<16xf32>
      %swap3A_73 = arith.index_cast %scan3A_50 : i32 to index
      %swap3A_74 = arith.constant 48 : index
      %swap3A_75 = tpu.vector_load %arg12[%swap3A_73, %swap3A_74] {strides = array<i32>} : memref<128x128xf32, #tpu.memory_space<vmem>>, vector<1x16xf32>,
      %swap3A_76 = vector.shape_cast %swap3A_75 : vector<1x16xf32> to vector<16xf32>
      %swap3A_77 = vector.shape_cast %broadcast_in_dim3A_72 : vector<16xf32> to vector<1x16xf32>
      tpu.vector_store %arg12[%swap3A_73, %swap3A_74], %swap3A_77 {strides = array<i32>} : memref<128x128xf32, #tpu.memory_space<vmem>>, vector<1x16xf32>,
      %broadcast_in_dim3A_78 = arith.constant 0.000000e+00 : f32
      %broadcast_in_dim3A_79 = vector.broadcast %broadcast_in_dim3A_78 : f32 to vector<16xf32>
      %swap3A_80 = arith.index_cast %scan3A_50 : i32 to index
      %swap3A_81 = arith.constant 64 : index
      %swap3A_82 = tpu.vector_load %arg12[%swap3A_80, %swap3A_81] {strides = array<i32>} : memref<128x128xf32, #tpu.memory_space<vmem>>, vector<1x16xf32>,
      %swap3A_83 = vector.shape_cast %swap3A_82 : vector<1x16xf32> to vector<16xf32>
      %swap3A_84 = vector.shape_cast %broadcast_in_dim3A_79 : vector<16xf32> to vector<1x16xf32>
      tpu.vector_store %arg12[%swap3A_80, %swap3A_81], %swap3A_84 {strides = array<i32>} : memref<128x128xf32, #tpu.memory_space<vmem>>, vector<1x16xf32>,
      %broadcast_in_dim3A_85 = arith.constant 0.000000e+00 : f32
      %broadcast_in_dim3A_86 = vector.broadcast %broadcast_in_dim3A_85 : f32 to vector<16xf32>
      %swap3A_87 = arith.index_cast %scan3A_50 : i32 to index
      %swap3A_88 = arith.constant 80 : index
      %swap3A_89 = tpu.vector_load %arg12[%swap3A_87, %swap3A_88] {strides = array<i32>} : memref<128x128xf32, #tpu.memory_space<vmem>>, vector<1x16xf32>,
      %swap3A_90 = vector.shape_cast %swap3A_89 : vector<1x16xf32> to vector<16xf32>
      %swap3A_91 = vector.shape_cast %broadcast_in_dim3A_86 : vector<16xf32> to vector<1x16xf32>
      tpu.vector_store %arg12[%swap3A_87, %swap3A_88], %swap3A_91 {strides = array<i32>} : memref<128x128xf32, #tpu.memory_space<vmem>>, vector<1x16xf32>,
      %broadcast_in_dim3A_92 = arith.constant 0.000000e+00 : f32
      %broadcast_in_dim3A_93 = vector.broadcast %broadcast_in_dim3A_92 : f32 to vector<16xf32>
      %swap3A_94 = arith.index_cast %scan3A_50 : i32 to index
      %swap3A_95 = arith.constant 96 : index
      %swap3A_96 = tpu.vector_load %arg12[%swap3A_94, %swap3A_95] {strides = array<i32>} : memref<128x128xf32, #tpu.memory_space<vmem>>, vector<1x16xf32>,
      %swap3A_97 = vector.shape_cast %swap3A_96 : vector<1x16xf32> to vector<16xf32>
      %swap3A_98 = vector.shape_cast %broadcast_in_dim3A_93 : vector<16xf32> to vector<1x16xf32>
      tpu.vector_store %arg12[%swap3A_94, %swap3A_95], %swap3A_98 {strides = array<i32>} : memref<128x128xf32, #tpu.memory_space<vmem>>, vector<1x16xf32>,
      %broadcast_in_dim3A_99 = arith.constant 0.000000e+00 : f32
      %broadcast_in_dim3A_100 = vector.broadcast %broadcast_in_dim3A_99 : f32 to vector<16xf32>
      %swap3A_101 = arith.index_cast %scan3A_50 : i32 to index
      %swap3A_102 = arith.constant 112 : index
      %swap3A_103 = tpu.vector_load %arg12[%swap3A_101, %swap3A_102] {strides = array<i32>} : memref<128x128xf32, #tpu.memory_space<vmem>>, vector<1x16xf32>,
      %swap3A_104 = vector.shape_cast %swap3A_103 : vector<1x16xf32> to vector<16xf32>
      %swap3A_105 = vector.shape_cast %broadcast_in_dim3A_100 : vector<16xf32> to vector<1x16xf32>
      tpu.vector_store %arg12[%swap3A_101, %swap3A_102], %swap3A_105 {strides = array<i32>} : memref<128x128xf32, #tpu.memory_space<vmem>>, vector<1x16xf32>,
      %scan3A_106 = arith.constant 0 : i32
      scf.yield %scan3A_106 : i32
    }
    %scan3A_6 = arith.constant 128 : i32
    %add3A = arith.constant 0 : i32
    %add3A_7 = arith.addi %mul3A_0, %add3A : i32
    "tpu.region"() ({
      %run_scoped3A = tpu.sem_alloc : memref<!tpu.dma_semaphore, #tpu.memory_space<semaphore_mem>>
      %dma_start3A = arith.constant 0 : i32
      %dma_start3A_50 = tpu.memref_slice %arg7[%add3A_7, %dma_start3A] : memref<10240x128xf32, #tpu.memory_space<vmem_shared>> -> memref<128x128xf32, #tpu.memory_space<vmem_shared>>
      %dma_start3A_51 = arith.constant 0 : i32
      %dma_start3A_52 = tpu.memref_slice %arg7[%add3A_7, %dma_start3A_51] : memref<10240x128xf32, #tpu.memory_space<vmem_shared>> -> memref<128x128xf32, #tpu.memory_space<vmem_shared>>
      tpu.enqueue_dma source(%arg12 : memref<128x128xf32, #tpu.memory_space<vmem>>) target(%dma_start3A_52 : memref<128x128xf32, #tpu.memory_space<vmem_shared>>) target_semaphore(%run_scoped3A : memref<!tpu.dma_semaphore, #tpu.memory_space<semaphore_mem>>)
      %dma_wait3A = arith.constant 0 : i32
      %dma_wait3A_53 = tpu.memref_slice %arg7[%add3A_7, %dma_wait3A] : memref<10240x128xf32, #tpu.memory_space<vmem_shared>> -> memref<128x128xf32, #tpu.memory_space<vmem_shared>>
      %dma_wait3A_54 = arith.constant 0 : i32
      %dma_wait3A_55 = tpu.memref_slice %arg7[%add3A_7, %dma_wait3A_54] : memref<10240x128xf32, #tpu.memory_space<vmem_shared>> -> memref<128x128xf32, #tpu.memory_space<vmem_shared>>
      tpu.wait_dma2 semaphore(%run_scoped3A : memref<!tpu.dma_semaphore, #tpu.memory_space<semaphore_mem>>) src(%arg12 : memref<128x128xf32, #tpu.memory_space<vmem>>) dst(%dma_wait3A_55 : memref<128x128xf32, #tpu.memory_space<vmem_shared>>)
      tpu.yield
    }) : () -> ()
    %add3A_8 = arith.constant 128 : i32
    %add3A_9 = arith.addi %mul3A_0, %add3A_8 : i32
    "tpu.region"() ({
      %run_scoped3A = tpu.sem_alloc : memref<!tpu.dma_semaphore, #tpu.memory_space<semaphore_mem>>
      %dma_start3A = arith.constant 0 : i32
      %dma_start3A_50 = tpu.memref_slice %arg7[%add3A_9, %dma_start3A] : memref<10240x128xf32, #tpu.memory_space<vmem_shared>> -> memref<128x128xf32, #tpu.memory_space<vmem_shared>>
      %dma_start3A_51 = arith.constant 0 : i32
      %dma_start3A_52 = tpu.memref_slice %arg7[%add3A_9, %dma_start3A_51] : memref<10240x128xf32, #tpu.memory_space<vmem_shared>> -> memref<128x128xf32, #tpu.memory_space<vmem_shared>>
      tpu.enqueue_dma source(%arg12 : memref<128x128xf32, #tpu.memory_space<vmem>>) target(%dma_start3A_52 : memref<128x128xf32, #tpu.memory_space<vmem_shared>>) target_semaphore(%run_scoped3A : memref<!tpu.dma_semaphore, #tpu.memory_space<semaphore_mem>>)
      %dma_wait3A = arith.constant 0 : i32
      %dma_wait3A_53 = tpu.memref_slice %arg7[%add3A_9, %dma_wait3A] : memref<10240x128xf32, #tpu.memory_space<vmem_shared>> -> memref<128x128xf32, #tpu.memory_space<vmem_shared>>
      %dma_wait3A_54 = arith.constant 0 : i32
      %dma_wait3A_55 = tpu.memref_slice %arg7[%add3A_9, %dma_wait3A_54] : memref<10240x128xf32, #tpu.memory_space<vmem_shared>> -> memref<128x128xf32, #tpu.memory_space<vmem_shared>>
      tpu.wait_dma2 semaphore(%run_scoped3A : memref<!tpu.dma_semaphore, #tpu.memory_space<semaphore_mem>>) src(%arg12 : memref<128x128xf32, #tpu.memory_space<vmem>>) dst(%dma_wait3A_55 : memref<128x128xf32, #tpu.memory_space<vmem_shared>>)
      tpu.yield
    }) : () -> ()
    %add3A_10 = arith.constant 256 : i32
    %add3A_11 = arith.addi %mul3A_0, %add3A_10 : i32
    "tpu.region"() ({
      %run_scoped3A = tpu.sem_alloc : memref<!tpu.dma_semaphore, #tpu.memory_space<semaphore_mem>>
      %dma_start3A = arith.constant 0 : i32
      %dma_start3A_50 = tpu.memref_slice %arg7[%add3A_11, %dma_start3A] : memref<10240x128xf32, #tpu.memory_space<vmem_shared>> -> memref<128x128xf32, #tpu.memory_space<vmem_shared>>
      %dma_start3A_51 = arith.constant 0 : i32
      %dma_start3A_52 = tpu.memref_slice %arg7[%add3A_11, %dma_start3A_51] : memref<10240x128xf32, #tpu.memory_space<vmem_shared>> -> memref<128x128xf32, #tpu.memory_space<vmem_shared>>
      tpu.enqueue_dma source(%arg12 : memref<128x128xf32, #tpu.memory_space<vmem>>) target(%dma_start3A_52 : memref<128x128xf32, #tpu.memory_space<vmem_shared>>) target_semaphore(%run_scoped3A : memref<!tpu.dma_semaphore, #tpu.memory_space<semaphore_mem>>)
      %dma_wait3A = arith.constant 0 : i32
      %dma_wait3A_53 = tpu.memref_slice %arg7[%add3A_11, %dma_wait3A] : memref<10240x128xf32, #tpu.memory_space<vmem_shared>> -> memref<128x128xf32, #tpu.memory_space<vmem_shared>>
      %dma_wait3A_54 = arith.constant 0 : i32
      %dma_wait3A_55 = tpu.memref_slice %arg7[%add3A_11, %dma_wait3A_54] : memref<10240x128xf32, #tpu.memory_space<vmem_shared>> -> memref<128x128xf32, #tpu.memory_space<vmem_shared>>
      tpu.wait_dma2 semaphore(%run_scoped3A : memref<!tpu.dma_semaphore, #tpu.memory_space<semaphore_mem>>) src(%arg12 : memref<128x128xf32, #tpu.memory_space<vmem>>) dst(%dma_wait3A_55 : memref<128x128xf32, #tpu.memory_space<vmem_shared>>)
      tpu.yield
    }) : () -> ()
    %add3A_12 = arith.constant 384 : i32
    %add3A_13 = arith.addi %mul3A_0, %add3A_12 : i32
    "tpu.region"() ({
      %run_scoped3A = tpu.sem_alloc : memref<!tpu.dma_semaphore, #tpu.memory_space<semaphore_mem>>
      %dma_start3A = arith.constant 0 : i32
      %dma_start3A_50 = tpu.memref_slice %arg7[%add3A_13, %dma_start3A] : memref<10240x128xf32, #tpu.memory_space<vmem_shared>> -> memref<128x128xf32, #tpu.memory_space<vmem_shared>>
      %dma_start3A_51 = arith.constant 0 : i32
      %dma_start3A_52 = tpu.memref_slice %arg7[%add3A_13, %dma_start3A_51] : memref<10240x128xf32, #tpu.memory_space<vmem_shared>> -> memref<128x128xf32, #tpu.memory_space<vmem_shared>>
      tpu.enqueue_dma source(%arg12 : memref<128x128xf32, #tpu.memory_space<vmem>>) target(%dma_start3A_52 : memref<128x128xf32, #tpu.memory_space<vmem_shared>>) target_semaphore(%run_scoped3A : memref<!tpu.dma_semaphore, #tpu.memory_space<semaphore_mem>>)
      %dma_wait3A = arith.constant 0 : i32
      %dma_wait3A_53 = tpu.memref_slice %arg7[%add3A_13, %dma_wait3A] : memref<10240x128xf32, #tpu.memory_space<vmem_shared>> -> memref<128x128xf32, #tpu.memory_space<vmem_shared>>
      %dma_wait3A_54 = arith.constant 0 : i32
      %dma_wait3A_55 = tpu.memref_slice %arg7[%add3A_13, %dma_wait3A_54] : memref<10240x128xf32, #tpu.memory_space<vmem_shared>> -> memref<128x128xf32, #tpu.memory_space<vmem_shared>>
      tpu.wait_dma2 semaphore(%run_scoped3A : memref<!tpu.dma_semaphore, #tpu.memory_space<semaphore_mem>>) src(%arg12 : memref<128x128xf32, #tpu.memory_space<vmem>>) dst(%dma_wait3A_55 : memref<128x128xf32, #tpu.memory_space<vmem_shared>>)
      tpu.yield
    }) : () -> ()
    %add3A_14 = arith.constant 512 : i32
    %add3A_15 = arith.addi %mul3A_0, %add3A_14 : i32
    "tpu.region"() ({
      %run_scoped3A = tpu.sem_alloc : memref<!tpu.dma_semaphore, #tpu.memory_space<semaphore_mem>>
      %dma_start3A = arith.constant 0 : i32
      %dma_start3A_50 = tpu.memref_slice %arg7[%add3A_15, %dma_start3A] : memref<10240x128xf32, #tpu.memory_space<vmem_shared>> -> memref<128x128xf32, #tpu.memory_space<vmem_shared>>
      %dma_start3A_51 = arith.constant 0 : i32
      %dma_start3A_52 = tpu.memref_slice %arg7[%add3A_15, %dma_start3A_51] : memref<10240x128xf32, #tpu.memory_space<vmem_shared>> -> memref<128x128xf32, #tpu.memory_space<vmem_shared>>
      tpu.enqueue_dma source(%arg12 : memref<128x128xf32, #tpu.memory_space<vmem>>) target(%dma_start3A_52 : memref<128x128xf32, #tpu.memory_space<vmem_shared>>) target_semaphore(%run_scoped3A : memref<!tpu.dma_semaphore, #tpu.memory_space<semaphore_mem>>)
      %dma_wait3A = arith.constant 0 : i32
      %dma_wait3A_53 = tpu.memref_slice %arg7[%add3A_15, %dma_wait3A] : memref<10240x128xf32, #tpu.memory_space<vmem_shared>> -> memref<128x128xf32, #tpu.memory_space<vmem_shared>>
      %dma_wait3A_54 = arith.constant 0 : i32
      %dma_wait3A_55 = tpu.memref_slice %arg7[%add3A_15, %dma_wait3A_54] : memref<10240x128xf32, #tpu.memory_space<vmem_shared>> -> memref<128x128xf32, #tpu.memory_space<vmem_shared>>
      tpu.wait_dma2 semaphore(%run_scoped3A : memref<!tpu.dma_semaphore, #tpu.memory_space<semaphore_mem>>) src(%arg12 : memref<128x128xf32, #tpu.memory_space<vmem>>) dst(%dma_wait3A_55 : memref<128x128xf32, #tpu.memory_space<vmem_shared>>)
      tpu.yield
    }) : () -> ()
    %scan3A_16 = arith.constant 0 : i32
    %scan3A_17 = arith.constant 0 : i32
    %scan3A_18 = arith.constant 640 : i32
    %scan3A_19 = arith.addi %scan3A_17, %scan3A_18 : i32
    %scan3A_20 = arith.constant 1 : i32
    %scan3A_21 = scf.for %scan3A_50 = %scan3A_17 to %scan3A_19 step %scan3A_20 iter_args(%scan3A_51 = %scan3A_16) -> (i32)  : i32 {
      %broadcast_in_dim3A = arith.constant 0.000000e+00 : f32
      %broadcast_in_dim3A_52 = vector.broadcast %broadcast_in_dim3A : f32 to vector<16xf32>
      %swap3A = arith.index_cast %scan3A_50 : i32 to index
      %swap3A_53 = arith.constant 0 : index
      %swap3A_54 = tpu.vector_load %arg13[%swap3A, %swap3A_53] {strides = array<i32>} : memref<640x16xf32, #tpu.memory_space<vmem>>, vector<1x16xf32>,
      %swap3A_55 = vector.shape_cast %swap3A_54 : vector<1x16xf32> to vector<16xf32>
      %swap3A_56 = vector.shape_cast %broadcast_in_dim3A_52 : vector<16xf32> to vector<1x16xf32>
      tpu.vector_store %arg13[%swap3A, %swap3A_53], %swap3A_56 {strides = array<i32>} : memref<640x16xf32, #tpu.memory_space<vmem>>, vector<1x16xf32>,
      %scan3A_57 = arith.constant 0 : i32
      scf.yield %scan3A_57 : i32
    }
    %scan3A_22 = arith.constant 640 : i32
    "tpu.region"() ({
      %run_scoped3A = tpu.sem_alloc : memref<!tpu.dma_semaphore, #tpu.memory_space<semaphore_mem>>
      %dma_start3A = arith.constant 0 : i32
      %dma_start3A_50 = tpu.memref_slice %arg8[%mul3A_0, %dma_start3A] : memref<10240x16xf32, #tpu.memory_space<vmem_shared>> -> memref<640x16xf32, #tpu.memory_space<vmem_shared>>
      %dma_start3A_51 = arith.constant 0 : i32
      %dma_start3A_52 = tpu.memref_slice %arg8[%mul3A_0, %dma_start3A_51] : memref<10240x16xf32, #tpu.memory_space<vmem_shared>> -> memref<640x16xf32, #tpu.memory_space<vmem_shared>>
      tpu.enqueue_dma source(%arg13 : memref<640x16xf32, #tpu.memory_space<vmem>>) target(%dma_start3A_52 : memref<640x16xf32, #tpu.memory_space<vmem_shared>>) target_semaphore(%run_scoped3A : memref<!tpu.dma_semaphore, #tpu.memory_space<semaphore_mem>>)
      %dma_wait3A = arith.constant 0 : i32
      %dma_wait3A_53 = tpu.memref_slice %arg8[%mul3A_0, %dma_wait3A] : memref<10240x16xf32, #tpu.memory_space<vmem_shared>> -> memref<640x16xf32, #tpu.memory_space<vmem_shared>>
      %dma_wait3A_54 = arith.constant 0 : i32
      %dma_wait3A_55 = tpu.memref_slice %arg8[%mul3A_0, %dma_wait3A_54] : memref<10240x16xf32, #tpu.memory_space<vmem_shared>> -> memref<640x16xf32, #tpu.memory_space<vmem_shared>>
      tpu.wait_dma2 semaphore(%run_scoped3A : memref<!tpu.dma_semaphore, #tpu.memory_space<semaphore_mem>>) src(%arg13 : memref<640x16xf32, #tpu.memory_space<vmem>>) dst(%dma_wait3A_55 : memref<640x16xf32, #tpu.memory_space<vmem_shared>>)
      tpu.yield
    }) : () -> ()
    %scan3A_23 = arith.constant 0 : i32
    %scan3A_24 = arith.constant 0 : i32
    %scan3A_25 = arith.constant 80 : i32
    %scan3A_26 = arith.addi %scan3A_24, %scan3A_25 : i32
    %scan3A_27 = arith.constant 1 : i32
    %scan3A_28 = scf.for %scan3A_50 = %scan3A_24 to %scan3A_26 step %scan3A_27 iter_args(%scan3A_51 = %scan3A_23) -> (i32)  : i32 {
      %broadcast_in_dim3A = arith.constant 1.000000e+00 : f32
      %broadcast_in_dim3A_52 = vector.broadcast %broadcast_in_dim3A : f32 to vector<16xf32>
      %swap3A = arith.index_cast %scan3A_50 : i32 to index
      %swap3A_53 = arith.constant 0 : index
      %swap3A_54 = tpu.vector_load %arg14[%swap3A, %swap3A_53] {strides = array<i32>} : memref<80x16xf32, #tpu.memory_space<vmem>>, vector<1x16xf32>,
      %swap3A_55 = vector.shape_cast %swap3A_54 : vector<1x16xf32> to vector<16xf32>
      %swap3A_56 = vector.shape_cast %broadcast_in_dim3A_52 : vector<16xf32> to vector<1x16xf32>
      tpu.vector_store %arg14[%swap3A, %swap3A_53], %swap3A_56 {strides = array<i32>} : memref<80x16xf32, #tpu.memory_space<vmem>>, vector<1x16xf32>,
      %scan3A_57 = arith.constant 0 : i32
      scf.yield %scan3A_57 : i32
    }
    %scan3A_29 = arith.constant 80 : i32
    %barrier3A = arith.constant 0 : index
    tpu.barrier barrier_id(%barrier3A)
    %mul3A_30 = arith.constant 10000 : i32
    %mul3A_31 = arith.muli %arg1, %mul3A_30 : i32
    %scan3A_32 = arith.constant 0 : i32
    %scan3A_33 = arith.constant 0 : i32
    %scan3A_34 = arith.constant 125 : i32
    %scan3A_35 = arith.addi %scan3A_33, %scan3A_34 : i32
    %scan3A_36 = arith.constant 1 : i32
    %scan3A_37 = scf.for %scan3A_50 = %scan3A_33 to %scan3A_35 step %scan3A_36 iter_args(%scan3A_51 = %scan3A_32) -> (i32)  : i32 {
      %mul3A_52 = arith.constant 80 : i32
      %mul3A_53 = arith.muli %scan3A_50, %mul3A_52 : i32
      %add3A_54 = arith.addi %mul3A_31, %mul3A_53 : i32
      "tpu.region"() ({
        %run_scoped3A = tpu.sem_alloc : memref<!tpu.dma_semaphore, #tpu.memory_space<semaphore_mem>>
        %dma_start3A = tpu.memref_slice %arg3[%add3A_54] : memref<160000xi32, #tpu.memory_space<hbm>> -> memref<80xi32, #tpu.memory_space<hbm>>
        %dma_start3A_56 = tpu.memref_slice %arg3[%add3A_54] : memref<160000xi32, #tpu.memory_space<hbm>> -> memref<80xi32, #tpu.memory_space<hbm>>
        tpu.enqueue_dma source(%dma_start3A_56 : memref<80xi32, #tpu.memory_space<hbm>>) target(%arg9 : memref<80xi32, #tpu.memory_space<vmem>>) target_semaphore(%run_scoped3A : memref<!tpu.dma_semaphore, #tpu.memory_space<semaphore_mem>>)
        %dma_wait3A = tpu.memref_slice %arg3[%add3A_54] : memref<160000xi32, #tpu.memory_space<hbm>> -> memref<80xi32, #tpu.memory_space<hbm>>
        %dma_wait3A_57 = tpu.memref_slice %arg3[%add3A_54] : memref<160000xi32, #tpu.memory_space<hbm>> -> memref<80xi32, #tpu.memory_space<hbm>>
        tpu.wait_dma2 semaphore(%run_scoped3A : memref<!tpu.dma_semaphore, #tpu.memory_space<semaphore_mem>>) src(%dma_wait3A_57 : memref<80xi32, #tpu.memory_space<hbm>>) dst(%arg9 : memref<80xi32, #tpu.memory_space<vmem>>)
        tpu.yield
      }) : () -> ()
      "tpu.region"() ({
        %run_scoped3A = tpu.sem_alloc : memref<!tpu.dma_semaphore, #tpu.memory_space<semaphore_mem>>
        %dma_start3A = tpu.memref_slice %arg4[%add3A_54] : memref<160000xi32, #tpu.memory_space<hbm>> -> memref<80xi32, #tpu.memory_space<hbm>>
        %dma_start3A_56 = tpu.memref_slice %arg4[%add3A_54] : memref<160000xi32, #tpu.memory_space<hbm>> -> memref<80xi32, #tpu.memory_space<hbm>>
        tpu.enqueue_dma source(%dma_start3A_56 : memref<80xi32, #tpu.memory_space<hbm>>) target(%arg10 : memref<80xi32, #tpu.memory_space<vmem>>) target_semaphore(%run_scoped3A : memref<!tpu.dma_semaphore, #tpu.memory_space<semaphore_mem>>)
        %dma_wait3A = tpu.memref_slice %arg4[%add3A_54] : memref<160000xi32, #tpu.memory_space<hbm>> -> memref<80xi32, #tpu.memory_space<hbm>>
        %dma_wait3A_57 = tpu.memref_slice %arg4[%add3A_54] : memref<160000xi32, #tpu.memory_space<hbm>> -> memref<80xi32, #tpu.memory_space<hbm>>
        tpu.wait_dma2 semaphore(%run_scoped3A : memref<!tpu.dma_semaphore, #tpu.memory_space<semaphore_mem>>) src(%dma_wait3A_57 : memref<80xi32, #tpu.memory_space<hbm>>) dst(%arg10 : memref<80xi32, #tpu.memory_space<vmem>>)
        tpu.yield
      }) : () -> ()
      "tpu.region"() ({
        %run_scoped3A = tpu.sem_alloc : memref<!tpu.dma_semaphore, #tpu.memory_space<semaphore_mem>>
        %dma_start3A = arith.constant 0 : i32
        %dma_start3A_56 = arith.constant 0 : i32
        %dma_start3A_57 = tpu.memref_slice %arg2[%arg0, %dma_start3A, %dma_start3A_56] : memref<2x10240x128xf32, #tpu.memory_space<hbm>> -> memref<1x10240x128xf32, #tpu.memory_space<hbm>>
        %dma_start3A_58 = tpu.memref_squeeze %dma_start3A_57 : memref<1x10240x128xf32, #tpu.memory_space<hbm>> -> memref<10240x128xf32, #tpu.memory_space<hbm>>
        %dma_start3A_59 = arith.constant 0 : i32
        %dma_start3A_60 = arith.constant 0 : i32
        %dma_start3A_61 = tpu.memref_slice %dma_start3A_58[%dma_start3A_59, %dma_start3A_60] : memref<10240x128xf32, #tpu.memory_space<hbm>> -> memref<10240x128xf32, #tpu.memory_space<hbm>>
        tpu.enqueue_indirect_dma source(%dma_start3A_61 : memref<10240x128xf32, #tpu.memory_space<hbm>>) target(%arg11 : memref<80x128xf32, #tpu.memory_space<vmem>>) offsets(%arg9 : memref<80xi32, #tpu.memory_space<vmem>>) semaphore(%run_scoped3A : memref<!tpu.dma_semaphore, #tpu.memory_space<semaphore_mem>>)
        %dma_wait3A = arith.constant 0 : i32
        %dma_wait3A_62 = arith.constant 0 : i32
        %dma_wait3A_63 = tpu.memref_slice %arg2[%arg0, %dma_wait3A, %dma_wait3A_62] : memref<2x10240x128xf32, #tpu.memory_space<hbm>> -> memref<1x10240x128xf32, #tpu.memory_space<hbm>>
        %dma_wait3A_64 = tpu.memref_squeeze %dma_wait3A_63 : memref<1x10240x128xf32, #tpu.memory_space<hbm>> -> memref<10240x128xf32, #tpu.memory_space<hbm>>
        %dma_wait3A_65 = arith.constant 0 : i32
        %dma_wait3A_66 = arith.constant 0 : i32
        %dma_wait3A_67 = tpu.memref_slice %dma_wait3A_64[%dma_wait3A_65, %dma_wait3A_66] : memref<10240x128xf32, #tpu.memory_space<hbm>> -> memref<10240x128xf32, #tpu.memory_space<hbm>>
        tpu.wait_indirect_dma semaphore(%run_scoped3A : memref<!tpu.dma_semaphore, #tpu.memory_space<semaphore_mem>>) src(%dma_wait3A_67 : memref<10240x128xf32, #tpu.memory_space<hbm>>) dst(%arg11 : memref<80x128xf32, #tpu.memory_space<vmem>>)
        tpu.yield
      }) : () -> ()
      "tpu.region"() ({
        %run_scoped3A = tpu.sem_alloc : memref<!tpu.dma_semaphore, #tpu.memory_space<semaphore_mem>>
        %dma_start3A = arith.constant 0 : i32
        %dma_start3A_56 = arith.constant 0 : i32
        %dma_start3A_57 = tpu.memref_slice %arg7[%dma_start3A, %dma_start3A_56] : memref<10240x128xf32, #tpu.memory_space<vmem_shared>> -> memref<10240x128xf32, #tpu.memory_space<vmem_shared>>
        tpu.enqueue_indirect_dma source(%arg11 : memref<80x128xf32, #tpu.memory_space<vmem>>) target(%dma_start3A_57 : memref<10240x128xf32, #tpu.memory_space<vmem_shared>>) offsets(%arg10 : memref<80xi32, #tpu.memory_space<vmem>>) semaphore(%run_scoped3A : memref<!tpu.dma_semaphore, #tpu.memory_space<semaphore_mem>>) {add = true}
        %dma_wait3A = arith.constant 0 : i32
        %dma_wait3A_58 = arith.constant 0 : i32
        %dma_wait3A_59 = tpu.memref_slice %arg7[%dma_wait3A, %dma_wait3A_58] : memref<10240x128xf32, #tpu.memory_space<vmem_shared>> -> memref<10240x128xf32, #tpu.memory_space<vmem_shared>>
        tpu.wait_indirect_dma semaphore(%run_scoped3A : memref<!tpu.dma_semaphore, #tpu.memory_space<semaphore_mem>>) src(%arg11 : memref<80x128xf32, #tpu.memory_space<vmem>>) dst(%dma_wait3A_59 : memref<10240x128xf32, #tpu.memory_space<vmem_shared>>)
        tpu.yield
      }) : () -> ()
      "tpu.region"() ({
        %run_scoped3A = tpu.sem_alloc : memref<!tpu.dma_semaphore, #tpu.memory_space<semaphore_mem>>
        %dma_start3A = arith.constant 0 : i32
        %dma_start3A_56 = arith.constant 0 : i32
        %dma_start3A_57 = tpu.memref_slice %arg8[%dma_start3A, %dma_start3A_56] : memref<10240x16xf32, #tpu.memory_space<vmem_shared>> -> memref<10240x16xf32, #tpu.memory_space<vmem_shared>>
        tpu.enqueue_indirect_dma source(%arg14 : memref<80x16xf32, #tpu.memory_space<vmem>>) target(%dma_start3A_57 : memref<10240x16xf32, #tpu.memory_space<vmem_shared>>) offsets(%arg10 : memref<80xi32, #tpu.memory_space<vmem>>) semaphore(%run_scoped3A : memref<!tpu.dma_semaphore, #tpu.memory_space<semaphore_mem>>) {add = true}
        %dma_wait3A = arith.constant 0 : i32
        %dma_wait3A_58 = arith.constant 0 : i32
        %dma_wait3A_59 = tpu.memref_slice %arg8[%dma_wait3A, %dma_wait3A_58] : memref<10240x16xf32, #tpu.memory_space<vmem_shared>> -> memref<10240x16xf32, #tpu.memory_space<vmem_shared>>
        tpu.wait_indirect_dma semaphore(%run_scoped3A : memref<!tpu.dma_semaphore, #tpu.memory_space<semaphore_mem>>) src(%arg14 : memref<80x16xf32, #tpu.memory_space<vmem>>) dst(%dma_wait3A_59 : memref<10240x16xf32, #tpu.memory_space<vmem_shared>>)
        tpu.yield
      }) : () -> ()
      %scan3A_55 = arith.constant 0 : i32
      scf.yield %scan3A_55 : i32
    }
    %scan3A_38 = arith.constant 125 : i32
    %barrier3A_39 = arith.constant 0 : index
    tpu.barrier barrier_id(%barrier3A_39)
    %add3A_40 = arith.constant 0 : i32
    %add3A_41 = arith.addi %mul3A_0, %add3A_40 : i32
    "tpu.region"() ({
      %run_scoped3A = tpu.sem_alloc : memref<!tpu.dma_semaphore, #tpu.memory_space<semaphore_mem>>
      %dma_start3A = arith.constant 0 : i32
      %dma_start3A_50 = tpu.memref_slice %arg7[%add3A_41, %dma_start3A] : memref<10240x128xf32, #tpu.memory_space<vmem_shared>> -> memref<128x128xf32, #tpu.memory_space<vmem_shared>>
      %dma_start3A_51 = arith.constant 0 : i32
      %dma_start3A_52 = tpu.memref_slice %arg7[%add3A_41, %dma_start3A_51] : memref<10240x128xf32, #tpu.memory_space<vmem_shared>> -> memref<128x128xf32, #tpu.memory_space<vmem_shared>>
      tpu.enqueue_dma source(%dma_start3A_52 : memref<128x128xf32, #tpu.memory_space<vmem_shared>>) target(%arg12 : memref<128x128xf32, #tpu.memory_space<vmem>>) target_semaphore(%run_scoped3A : memref<!tpu.dma_semaphore, #tpu.memory_space<semaphore_mem>>)
      %dma_wait3A = arith.constant 0 : i32
      %dma_wait3A_53 = tpu.memref_slice %arg7[%add3A_41, %dma_wait3A] : memref<10240x128xf32, #tpu.memory_space<vmem_shared>> -> memref<128x128xf32, #tpu.memory_space<vmem_shared>>
      %dma_wait3A_54 = arith.constant 0 : i32
      %dma_wait3A_55 = tpu.memref_slice %arg7[%add3A_41, %dma_wait3A_54] : memref<10240x128xf32, #tpu.memory_space<vmem_shared>> -> memref<128x128xf32, #tpu.memory_space<vmem_shared>>
      tpu.wait_dma2 semaphore(%run_scoped3A : memref<!tpu.dma_semaphore, #tpu.memory_space<semaphore_mem>>) src(%dma_wait3A_55 : memref<128x128xf32, #tpu.memory_space<vmem_shared>>) dst(%arg12 : memref<128x128xf32, #tpu.memory_space<vmem>>)
      tpu.yield
    }) : () -> ()
    "tpu.region"() ({
      %run_scoped3A = tpu.sem_alloc : memref<!tpu.dma_semaphore, #tpu.memory_space<semaphore_mem>>
      %dma_start3A = arith.constant 0 : i32
      %dma_start3A_50 = arith.constant 0 : i32
      %dma_start3A_51 = tpu.memref_slice %arg5[%arg0, %dma_start3A, %dma_start3A_50] : memref<2x10240x128xf32, #tpu.memory_space<hbm>> -> memref<1x10240x128xf32, #tpu.memory_space<hbm>>
      %dma_start3A_52 = tpu.memref_squeeze %dma_start3A_51 : memref<1x10240x128xf32, #tpu.memory_space<hbm>> -> memref<10240x128xf32, #tpu.memory_space<hbm>>
      %dma_start3A_53 = arith.constant 0 : i32
      %dma_start3A_54 = tpu.memref_slice %dma_start3A_52[%add3A_41, %dma_start3A_53] : memref<10240x128xf32, #tpu.memory_space<hbm>> -> memref<128x128xf32, #tpu.memory_space<hbm>>
      %dma_start3A_55 = arith.constant 0 : i32
      %dma_start3A_56 = arith.constant 0 : i32
      %dma_start3A_57 = tpu.memref_slice %arg5[%arg0, %dma_start3A_55, %dma_start3A_56] : memref<2x10240x128xf32, #tpu.memory_space<hbm>> -> memref<1x10240x128xf32, #tpu.memory_space<hbm>>
      %dma_start3A_58 = tpu.memref_squeeze %dma_start3A_57 : memref<1x10240x128xf32, #tpu.memory_space<hbm>> -> memref<10240x128xf32, #tpu.memory_space<hbm>>
      %dma_start3A_59 = arith.constant 0 : i32
      %dma_start3A_60 = tpu.memref_slice %dma_start3A_58[%add3A_41, %dma_start3A_59] : memref<10240x128xf32, #tpu.memory_space<hbm>> -> memref<128x128xf32, #tpu.memory_space<hbm>>
      tpu.enqueue_dma source(%arg12 : memref<128x128xf32, #tpu.memory_space<vmem>>) target(%dma_start3A_60 : memref<128x128xf32, #tpu.memory_space<hbm>>) target_semaphore(%run_scoped3A : memref<!tpu.dma_semaphore, #tpu.memory_space<semaphore_mem>>)
      %dma_wait3A = arith.constant 0 : i32
      %dma_wait3A_61 = arith.constant 0 : i32
      %dma_wait3A_62 = tpu.memref_slice %arg5[%arg0, %dma_wait3A, %dma_wait3A_61] : memref<2x10240x128xf32, #tpu.memory_space<hbm>> -> memref<1x10240x128xf32, #tpu.memory_space<hbm>>
      %dma_wait3A_63 = tpu.memref_squeeze %dma_wait3A_62 : memref<1x10240x128xf32, #tpu.memory_space<hbm>> -> memref<10240x128xf32, #tpu.memory_space<hbm>>
      %dma_wait3A_64 = arith.constant 0 : i32
      %dma_wait3A_65 = tpu.memref_slice %dma_wait3A_63[%add3A_41, %dma_wait3A_64] : memref<10240x128xf32, #tpu.memory_space<hbm>> -> memref<128x128xf32, #tpu.memory_space<hbm>>
      %dma_wait3A_66 = arith.constant 0 : i32
      %dma_wait3A_67 = arith.constant 0 : i32
      %dma_wait3A_68 = tpu.memref_slice %arg5[%arg0, %dma_wait3A_66, %dma_wait3A_67] : memref<2x10240x128xf32, #tpu.memory_space<hbm>> -> memref<1x10240x128xf32, #tpu.memory_space<hbm>>
      %dma_wait3A_69 = tpu.memref_squeeze %dma_wait3A_68 : memref<1x10240x128xf32, #tpu.memory_space<hbm>> -> memref<10240x128xf32, #tpu.memory_space<hbm>>
      %dma_wait3A_70 = arith.constant 0 : i32
      %dma_wait3A_71 = tpu.memref_slice %dma_wait3A_69[%add3A_41, %dma_wait3A_70] : memref<10240x128xf32, #tpu.memory_space<hbm>> -> memref<128x128xf32, #tpu.memory_space<hbm>>
      tpu.wait_dma2 semaphore(%run_scoped3A : memref<!tpu.dma_semaphore, #tpu.memory_space<semaphore_mem>>) src(%arg12 : memref<128x128xf32, #tpu.memory_space<vmem>>) dst(%dma_wait3A_71 : memref<128x128xf32, #tpu.memory_space<hbm>>)
      tpu.yield
    }) : () -> ()
    %add3A_42 = arith.constant 128 : i32
    %add3A_43 = arith.addi %mul3A_0, %add3A_42 : i32
    "tpu.region"() ({
      %run_scoped3A = tpu.sem_alloc : memref<!tpu.dma_semaphore, #tpu.memory_space<semaphore_mem>>
      %dma_start3A = arith.constant 0 : i32
      %dma_start3A_50 = tpu.memref_slice %arg7[%add3A_43, %dma_start3A] : memref<10240x128xf32, #tpu.memory_space<vmem_shared>> -> memref<128x128xf32, #tpu.memory_space<vmem_shared>>
      %dma_start3A_51 = arith.constant 0 : i32
      %dma_start3A_52 = tpu.memref_slice %arg7[%add3A_43, %dma_start3A_51] : memref<10240x128xf32, #tpu.memory_space<vmem_shared>> -> memref<128x128xf32, #tpu.memory_space<vmem_shared>>
      tpu.enqueue_dma source(%dma_start3A_52 : memref<128x128xf32, #tpu.memory_space<vmem_shared>>) target(%arg12 : memref<128x128xf32, #tpu.memory_space<vmem>>) target_semaphore(%run_scoped3A : memref<!tpu.dma_semaphore, #tpu.memory_space<semaphore_mem>>)
      %dma_wait3A = arith.constant 0 : i32
      %dma_wait3A_53 = tpu.memref_slice %arg7[%add3A_43, %dma_wait3A] : memref<10240x128xf32, #tpu.memory_space<vmem_shared>> -> memref<128x128xf32, #tpu.memory_space<vmem_shared>>
      %dma_wait3A_54 = arith.constant 0 : i32
      %dma_wait3A_55 = tpu.memref_slice %arg7[%add3A_43, %dma_wait3A_54] : memref<10240x128xf32, #tpu.memory_space<vmem_shared>> -> memref<128x128xf32, #tpu.memory_space<vmem_shared>>
      tpu.wait_dma2 semaphore(%run_scoped3A : memref<!tpu.dma_semaphore, #tpu.memory_space<semaphore_mem>>) src(%dma_wait3A_55 : memref<128x128xf32, #tpu.memory_space<vmem_shared>>) dst(%arg12 : memref<128x128xf32, #tpu.memory_space<vmem>>)
      tpu.yield
    }) : () -> ()
    "tpu.region"() ({
      %run_scoped3A = tpu.sem_alloc : memref<!tpu.dma_semaphore, #tpu.memory_space<semaphore_mem>>
      %dma_start3A = arith.constant 0 : i32
      %dma_start3A_50 = arith.constant 0 : i32
      %dma_start3A_51 = tpu.memref_slice %arg5[%arg0, %dma_start3A, %dma_start3A_50] : memref<2x10240x128xf32, #tpu.memory_space<hbm>> -> memref<1x10240x128xf32, #tpu.memory_space<hbm>>
      %dma_start3A_52 = tpu.memref_squeeze %dma_start3A_51 : memref<1x10240x128xf32, #tpu.memory_space<hbm>> -> memref<10240x128xf32, #tpu.memory_space<hbm>>
      %dma_start3A_53 = arith.constant 0 : i32
      %dma_start3A_54 = tpu.memref_slice %dma_start3A_52[%add3A_43, %dma_start3A_53] : memref<10240x128xf32, #tpu.memory_space<hbm>> -> memref<128x128xf32, #tpu.memory_space<hbm>>
      %dma_start3A_55 = arith.constant 0 : i32
      %dma_start3A_56 = arith.constant 0 : i32
      %dma_start3A_57 = tpu.memref_slice %arg5[%arg0, %dma_start3A_55, %dma_start3A_56] : memref<2x10240x128xf32, #tpu.memory_space<hbm>> -> memref<1x10240x128xf32, #tpu.memory_space<hbm>>
      %dma_start3A_58 = tpu.memref_squeeze %dma_start3A_57 : memref<1x10240x128xf32, #tpu.memory_space<hbm>> -> memref<10240x128xf32, #tpu.memory_space<hbm>>
      %dma_start3A_59 = arith.constant 0 : i32
      %dma_start3A_60 = tpu.memref_slice %dma_start3A_58[%add3A_43, %dma_start3A_59] : memref<10240x128xf32, #tpu.memory_space<hbm>> -> memref<128x128xf32, #tpu.memory_space<hbm>>
      tpu.enqueue_dma source(%arg12 : memref<128x128xf32, #tpu.memory_space<vmem>>) target(%dma_start3A_60 : memref<128x128xf32, #tpu.memory_space<hbm>>) target_semaphore(%run_scoped3A : memref<!tpu.dma_semaphore, #tpu.memory_space<semaphore_mem>>)
      %dma_wait3A = arith.constant 0 : i32
      %dma_wait3A_61 = arith.constant 0 : i32
      %dma_wait3A_62 = tpu.memref_slice %arg5[%arg0, %dma_wait3A, %dma_wait3A_61] : memref<2x10240x128xf32, #tpu.memory_space<hbm>> -> memref<1x10240x128xf32, #tpu.memory_space<hbm>>
      %dma_wait3A_63 = tpu.memref_squeeze %dma_wait3A_62 : memref<1x10240x128xf32, #tpu.memory_space<hbm>> -> memref<10240x128xf32, #tpu.memory_space<hbm>>
      %dma_wait3A_64 = arith.constant 0 : i32
      %dma_wait3A_65 = tpu.memref_slice %dma_wait3A_63[%add3A_43, %dma_wait3A_64] : memref<10240x128xf32, #tpu.memory_space<hbm>> -> memref<128x128xf32, #tpu.memory_space<hbm>>
      %dma_wait3A_66 = arith.constant 0 : i32
      %dma_wait3A_67 = arith.constant 0 : i32
      %dma_wait3A_68 = tpu.memref_slice %arg5[%arg0, %dma_wait3A_66, %dma_wait3A_67] : memref<2x10240x128xf32, #tpu.memory_space<hbm>> -> memref<1x10240x128xf32, #tpu.memory_space<hbm>>
      %dma_wait3A_69 = tpu.memref_squeeze %dma_wait3A_68 : memref<1x10240x128xf32, #tpu.memory_space<hbm>> -> memref<10240x128xf32, #tpu.memory_space<hbm>>
      %dma_wait3A_70 = arith.constant 0 : i32
      %dma_wait3A_71 = tpu.memref_slice %dma_wait3A_69[%add3A_43, %dma_wait3A_70] : memref<10240x128xf32, #tpu.memory_space<hbm>> -> memref<128x128xf32, #tpu.memory_space<hbm>>
      tpu.wait_dma2 semaphore(%run_scoped3A : memref<!tpu.dma_semaphore, #tpu.memory_space<semaphore_mem>>) src(%arg12 : memref<128x128xf32, #tpu.memory_space<vmem>>) dst(%dma_wait3A_71 : memref<128x128xf32, #tpu.memory_space<hbm>>)
      tpu.yield
    }) : () -> ()
    %add3A_44 = arith.constant 256 : i32
    %add3A_45 = arith.addi %mul3A_0, %add3A_44 : i32
    "tpu.region"() ({
      %run_scoped3A = tpu.sem_alloc : memref<!tpu.dma_semaphore, #tpu.memory_space<semaphore_mem>>
      %dma_start3A = arith.constant 0 : i32
      %dma_start3A_50 = tpu.memref_slice %arg7[%add3A_45, %dma_start3A] : memref<10240x128xf32, #tpu.memory_space<vmem_shared>> -> memref<128x128xf32, #tpu.memory_space<vmem_shared>>
      %dma_start3A_51 = arith.constant 0 : i32
      %dma_start3A_52 = tpu.memref_slice %arg7[%add3A_45, %dma_start3A_51] : memref<10240x128xf32, #tpu.memory_space<vmem_shared>> -> memref<128x128xf32, #tpu.memory_space<vmem_shared>>
      tpu.enqueue_dma source(%dma_start3A_52 : memref<128x128xf32, #tpu.memory_space<vmem_shared>>) target(%arg12 : memref<128x128xf32, #tpu.memory_space<vmem>>) target_semaphore(%run_scoped3A : memref<!tpu.dma_semaphore, #tpu.memory_space<semaphore_mem>>)
      %dma_wait3A = arith.constant 0 : i32
      %dma_wait3A_53 = tpu.memref_slice %arg7[%add3A_45, %dma_wait3A] : memref<10240x128xf32, #tpu.memory_space<vmem_shared>> -> memref<128x128xf32, #tpu.memory_space<vmem_shared>>
      %dma_wait3A_54 = arith.constant 0 : i32
      %dma_wait3A_55 = tpu.memref_slice %arg7[%add3A_45, %dma_wait3A_54] : memref<10240x128xf32, #tpu.memory_space<vmem_shared>> -> memref<128x128xf32, #tpu.memory_space<vmem_shared>>
      tpu.wait_dma2 semaphore(%run_scoped3A : memref<!tpu.dma_semaphore, #tpu.memory_space<semaphore_mem>>) src(%dma_wait3A_55 : memref<128x128xf32, #tpu.memory_space<vmem_shared>>) dst(%arg12 : memref<128x128xf32, #tpu.memory_space<vmem>>)
      tpu.yield
    }) : () -> ()
    "tpu.region"() ({
      %run_scoped3A = tpu.sem_alloc : memref<!tpu.dma_semaphore, #tpu.memory_space<semaphore_mem>>
      %dma_start3A = arith.constant 0 : i32
      %dma_start3A_50 = arith.constant 0 : i32
      %dma_start3A_51 = tpu.memref_slice %arg5[%arg0, %dma_start3A, %dma_start3A_50] : memref<2x10240x128xf32, #tpu.memory_space<hbm>> -> memref<1x10240x128xf32, #tpu.memory_space<hbm>>
      %dma_start3A_52 = tpu.memref_squeeze %dma_start3A_51 : memref<1x10240x128xf32, #tpu.memory_space<hbm>> -> memref<10240x128xf32, #tpu.memory_space<hbm>>
      %dma_start3A_53 = arith.constant 0 : i32
      %dma_start3A_54 = tpu.memref_slice %dma_start3A_52[%add3A_45, %dma_start3A_53] : memref<10240x128xf32, #tpu.memory_space<hbm>> -> memref<128x128xf32, #tpu.memory_space<hbm>>
      %dma_start3A_55 = arith.constant 0 : i32
      %dma_start3A_56 = arith.constant 0 : i32
      %dma_start3A_57 = tpu.memref_slice %arg5[%arg0, %dma_start3A_55, %dma_start3A_56] : memref<2x10240x128xf32, #tpu.memory_space<hbm>> -> memref<1x10240x128xf32, #tpu.memory_space<hbm>>
      %dma_start3A_58 = tpu.memref_squeeze %dma_start3A_57 : memref<1x10240x128xf32, #tpu.memory_space<hbm>> -> memref<10240x128xf32, #tpu.memory_space<hbm>>
      %dma_start3A_59 = arith.constant 0 : i32
      %dma_start3A_60 = tpu.memref_slice %dma_start3A_58[%add3A_45, %dma_start3A_59] : memref<10240x128xf32, #tpu.memory_space<hbm>> -> memref<128x128xf32, #tpu.memory_space<hbm>>
      tpu.enqueue_dma source(%arg12 : memref<128x128xf32, #tpu.memory_space<vmem>>) target(%dma_start3A_60 : memref<128x128xf32, #tpu.memory_space<hbm>>) target_semaphore(%run_scoped3A : memref<!tpu.dma_semaphore, #tpu.memory_space<semaphore_mem>>)
      %dma_wait3A = arith.constant 0 : i32
      %dma_wait3A_61 = arith.constant 0 : i32
      %dma_wait3A_62 = tpu.memref_slice %arg5[%arg0, %dma_wait3A, %dma_wait3A_61] : memref<2x10240x128xf32, #tpu.memory_space<hbm>> -> memref<1x10240x128xf32, #tpu.memory_space<hbm>>
      %dma_wait3A_63 = tpu.memref_squeeze %dma_wait3A_62 : memref<1x10240x128xf32, #tpu.memory_space<hbm>> -> memref<10240x128xf32, #tpu.memory_space<hbm>>
      %dma_wait3A_64 = arith.constant 0 : i32
      %dma_wait3A_65 = tpu.memref_slice %dma_wait3A_63[%add3A_45, %dma_wait3A_64] : memref<10240x128xf32, #tpu.memory_space<hbm>> -> memref<128x128xf32, #tpu.memory_space<hbm>>
      %dma_wait3A_66 = arith.constant 0 : i32
      %dma_wait3A_67 = arith.constant 0 : i32
      %dma_wait3A_68 = tpu.memref_slice %arg5[%arg0, %dma_wait3A_66, %dma_wait3A_67] : memref<2x10240x128xf32, #tpu.memory_space<hbm>> -> memref<1x10240x128xf32, #tpu.memory_space<hbm>>
      %dma_wait3A_69 = tpu.memref_squeeze %dma_wait3A_68 : memref<1x10240x128xf32, #tpu.memory_space<hbm>> -> memref<10240x128xf32, #tpu.memory_space<hbm>>
      %dma_wait3A_70 = arith.constant 0 : i32
      %dma_wait3A_71 = tpu.memref_slice %dma_wait3A_69[%add3A_45, %dma_wait3A_70] : memref<10240x128xf32, #tpu.memory_space<hbm>> -> memref<128x128xf32, #tpu.memory_space<hbm>>
      tpu.wait_dma2 semaphore(%run_scoped3A : memref<!tpu.dma_semaphore, #tpu.memory_space<semaphore_mem>>) src(%arg12 : memref<128x128xf32, #tpu.memory_space<vmem>>) dst(%dma_wait3A_71 : memref<128x128xf32, #tpu.memory_space<hbm>>)
      tpu.yield
    }) : () -> ()
    %add3A_46 = arith.constant 384 : i32
    %add3A_47 = arith.addi %mul3A_0, %add3A_46 : i32
    "tpu.region"() ({
      %run_scoped3A = tpu.sem_alloc : memref<!tpu.dma_semaphore, #tpu.memory_space<semaphore_mem>>
      %dma_start3A = arith.constant 0 : i32
      %dma_start3A_50 = tpu.memref_slice %arg7[%add3A_47, %dma_start3A] : memref<10240x128xf32, #tpu.memory_space<vmem_shared>> -> memref<128x128xf32, #tpu.memory_space<vmem_shared>>
      %dma_start3A_51 = arith.constant 0 : i32
      %dma_start3A_52 = tpu.memref_slice %arg7[%add3A_47, %dma_start3A_51] : memref<10240x128xf32, #tpu.memory_space<vmem_shared>> -> memref<128x128xf32, #tpu.memory_space<vmem_shared>>
      tpu.enqueue_dma source(%dma_start3A_52 : memref<128x128xf32, #tpu.memory_space<vmem_shared>>) target(%arg12 : memref<128x128xf32, #tpu.memory_space<vmem>>) target_semaphore(%run_scoped3A : memref<!tpu.dma_semaphore, #tpu.memory_space<semaphore_mem>>)
      %dma_wait3A = arith.constant 0 : i32
      %dma_wait3A_53 = tpu.memref_slice %arg7[%add3A_47, %dma_wait3A] : memref<10240x128xf32, #tpu.memory_space<vmem_shared>> -> memref<128x128xf32, #tpu.memory_space<vmem_shared>>
      %dma_wait3A_54 = arith.constant 0 : i32
      %dma_wait3A_55 = tpu.memref_slice %arg7[%add3A_47, %dma_wait3A_54] : memref<10240x128xf32, #tpu.memory_space<vmem_shared>> -> memref<128x128xf32, #tpu.memory_space<vmem_shared>>
      tpu.wait_dma2 semaphore(%run_scoped3A : memref<!tpu.dma_semaphore, #tpu.memory_space<semaphore_mem>>) src(%dma_wait3A_55 : memref<128x128xf32, #tpu.memory_space<vmem_shared>>) dst(%arg12 : memref<128x128xf32, #tpu.memory_space<vmem>>)
      tpu.yield
    }) : () -> ()
    "tpu.region"() ({
      %run_scoped3A = tpu.sem_alloc : memref<!tpu.dma_semaphore, #tpu.memory_space<semaphore_mem>>
      %dma_start3A = arith.constant 0 : i32
      %dma_start3A_50 = arith.constant 0 : i32
      %dma_start3A_51 = tpu.memref_slice %arg5[%arg0, %dma_start3A, %dma_start3A_50] : memref<2x10240x128xf32, #tpu.memory_space<hbm>> -> memref<1x10240x128xf32, #tpu.memory_space<hbm>>
      %dma_start3A_52 = tpu.memref_squeeze %dma_start3A_51 : memref<1x10240x128xf32, #tpu.memory_space<hbm>> -> memref<10240x128xf32, #tpu.memory_space<hbm>>
      %dma_start3A_53 = arith.constant 0 : i32
      %dma_start3A_54 = tpu.memref_slice %dma_start3A_52[%add3A_47, %dma_start3A_53] : memref<10240x128xf32, #tpu.memory_space<hbm>> -> memref<128x128xf32, #tpu.memory_space<hbm>>
      %dma_start3A_55 = arith.constant 0 : i32
      %dma_start3A_56 = arith.constant 0 : i32
      %dma_start3A_57 = tpu.memref_slice %arg5[%arg0, %dma_start3A_55, %dma_start3A_56] : memref<2x10240x128xf32, #tpu.memory_space<hbm>> -> memref<1x10240x128xf32, #tpu.memory_space<hbm>>
      %dma_start3A_58 = tpu.memref_squeeze %dma_start3A_57 : memref<1x10240x128xf32, #tpu.memory_space<hbm>> -> memref<10240x128xf32, #tpu.memory_space<hbm>>
      %dma_start3A_59 = arith.constant 0 : i32
      %dma_start3A_60 = tpu.memref_slice %dma_start3A_58[%add3A_47, %dma_start3A_59] : memref<10240x128xf32, #tpu.memory_space<hbm>> -> memref<128x128xf32, #tpu.memory_space<hbm>>
      tpu.enqueue_dma source(%arg12 : memref<128x128xf32, #tpu.memory_space<vmem>>) target(%dma_start3A_60 : memref<128x128xf32, #tpu.memory_space<hbm>>) target_semaphore(%run_scoped3A : memref<!tpu.dma_semaphore, #tpu.memory_space<semaphore_mem>>)
      %dma_wait3A = arith.constant 0 : i32
      %dma_wait3A_61 = arith.constant 0 : i32
      %dma_wait3A_62 = tpu.memref_slice %arg5[%arg0, %dma_wait3A, %dma_wait3A_61] : memref<2x10240x128xf32, #tpu.memory_space<hbm>> -> memref<1x10240x128xf32, #tpu.memory_space<hbm>>
      %dma_wait3A_63 = tpu.memref_squeeze %dma_wait3A_62 : memref<1x10240x128xf32, #tpu.memory_space<hbm>> -> memref<10240x128xf32, #tpu.memory_space<hbm>>
      %dma_wait3A_64 = arith.constant 0 : i32
      %dma_wait3A_65 = tpu.memref_slice %dma_wait3A_63[%add3A_47, %dma_wait3A_64] : memref<10240x128xf32, #tpu.memory_space<hbm>> -> memref<128x128xf32, #tpu.memory_space<hbm>>
      %dma_wait3A_66 = arith.constant 0 : i32
      %dma_wait3A_67 = arith.constant 0 : i32
      %dma_wait3A_68 = tpu.memref_slice %arg5[%arg0, %dma_wait3A_66, %dma_wait3A_67] : memref<2x10240x128xf32, #tpu.memory_space<hbm>> -> memref<1x10240x128xf32, #tpu.memory_space<hbm>>
      %dma_wait3A_69 = tpu.memref_squeeze %dma_wait3A_68 : memref<1x10240x128xf32, #tpu.memory_space<hbm>> -> memref<10240x128xf32, #tpu.memory_space<hbm>>
      %dma_wait3A_70 = arith.constant 0 : i32
      %dma_wait3A_71 = tpu.memref_slice %dma_wait3A_69[%add3A_47, %dma_wait3A_70] : memref<10240x128xf32, #tpu.memory_space<hbm>> -> memref<128x128xf32, #tpu.memory_space<hbm>>
      tpu.wait_dma2 semaphore(%run_scoped3A : memref<!tpu.dma_semaphore, #tpu.memory_space<semaphore_mem>>) src(%arg12 : memref<128x128xf32, #tpu.memory_space<vmem>>) dst(%dma_wait3A_71 : memref<128x128xf32, #tpu.memory_space<hbm>>)
      tpu.yield
    }) : () -> ()
    %add3A_48 = arith.constant 512 : i32
    %add3A_49 = arith.addi %mul3A_0, %add3A_48 : i32
    "tpu.region"() ({
      %run_scoped3A = tpu.sem_alloc : memref<!tpu.dma_semaphore, #tpu.memory_space<semaphore_mem>>
      %dma_start3A = arith.constant 0 : i32
      %dma_start3A_50 = tpu.memref_slice %arg7[%add3A_49, %dma_start3A] : memref<10240x128xf32, #tpu.memory_space<vmem_shared>> -> memref<128x128xf32, #tpu.memory_space<vmem_shared>>
      %dma_start3A_51 = arith.constant 0 : i32
      %dma_start3A_52 = tpu.memref_slice %arg7[%add3A_49, %dma_start3A_51] : memref<10240x128xf32, #tpu.memory_space<vmem_shared>> -> memref<128x128xf32, #tpu.memory_space<vmem_shared>>
      tpu.enqueue_dma source(%dma_start3A_52 : memref<128x128xf32, #tpu.memory_space<vmem_shared>>) target(%arg12 : memref<128x128xf32, #tpu.memory_space<vmem>>) target_semaphore(%run_scoped3A : memref<!tpu.dma_semaphore, #tpu.memory_space<semaphore_mem>>)
      %dma_wait3A = arith.constant 0 : i32
      %dma_wait3A_53 = tpu.memref_slice %arg7[%add3A_49, %dma_wait3A] : memref<10240x128xf32, #tpu.memory_space<vmem_shared>> -> memref<128x128xf32, #tpu.memory_space<vmem_shared>>
      %dma_wait3A_54 = arith.constant 0 : i32
      %dma_wait3A_55 = tpu.memref_slice %arg7[%add3A_49, %dma_wait3A_54] : memref<10240x128xf32, #tpu.memory_space<vmem_shared>> -> memref<128x128xf32, #tpu.memory_space<vmem_shared>>
      tpu.wait_dma2 semaphore(%run_scoped3A : memref<!tpu.dma_semaphore, #tpu.memory_space<semaphore_mem>>) src(%dma_wait3A_55 : memref<128x128xf32, #tpu.memory_space<vmem_shared>>) dst(%arg12 : memref<128x128xf32, #tpu.memory_space<vmem>>)
      tpu.yield
    }) : () -> ()
    "tpu.region"() ({
      %run_scoped3A = tpu.sem_alloc : memref<!tpu.dma_semaphore, #tpu.memory_space<semaphore_mem>>
      %dma_start3A = arith.constant 0 : i32
      %dma_start3A_50 = arith.constant 0 : i32
      %dma_start3A_51 = tpu.memref_slice %arg5[%arg0, %dma_start3A, %dma_start3A_50] : memref<2x10240x128xf32, #tpu.memory_space<hbm>> -> memref<1x10240x128xf32, #tpu.memory_space<hbm>>
      %dma_start3A_52 = tpu.memref_squeeze %dma_start3A_51 : memref<1x10240x128xf32, #tpu.memory_space<hbm>> -> memref<10240x128xf32, #tpu.memory_space<hbm>>
      %dma_start3A_53 = arith.constant 0 : i32
      %dma_start3A_54 = tpu.memref_slice %dma_start3A_52[%add3A_49, %dma_start3A_53] : memref<10240x128xf32, #tpu.memory_space<hbm>> -> memref<128x128xf32, #tpu.memory_space<hbm>>
      %dma_start3A_55 = arith.constant 0 : i32
      %dma_start3A_56 = arith.constant 0 : i32
      %dma_start3A_57 = tpu.memref_slice %arg5[%arg0, %dma_start3A_55, %dma_start3A_56] : memref<2x10240x128xf32, #tpu.memory_space<hbm>> -> memref<1x10240x128xf32, #tpu.memory_space<hbm>>
      %dma_start3A_58 = tpu.memref_squeeze %dma_start3A_57 : memref<1x10240x128xf32, #tpu.memory_space<hbm>> -> memref<10240x128xf32, #tpu.memory_space<hbm>>
      %dma_start3A_59 = arith.constant 0 : i32
      %dma_start3A_60 = tpu.memref_slice %dma_start3A_58[%add3A_49, %dma_start3A_59] : memref<10240x128xf32, #tpu.memory_space<hbm>> -> memref<128x128xf32, #tpu.memory_space<hbm>>
      tpu.enqueue_dma source(%arg12 : memref<128x128xf32, #tpu.memory_space<vmem>>) target(%dma_start3A_60 : memref<128x128xf32, #tpu.memory_space<hbm>>) target_semaphore(%run_scoped3A : memref<!tpu.dma_semaphore, #tpu.memory_space<semaphore_mem>>)
      %dma_wait3A = arith.constant 0 : i32
      %dma_wait3A_61 = arith.constant 0 : i32
      %dma_wait3A_62 = tpu.memref_slice %arg5[%arg0, %dma_wait3A, %dma_wait3A_61] : memref<2x10240x128xf32, #tpu.memory_space<hbm>> -> memref<1x10240x128xf32, #tpu.memory_space<hbm>>
      %dma_wait3A_63 = tpu.memref_squeeze %dma_wait3A_62 : memref<1x10240x128xf32, #tpu.memory_space<hbm>> -> memref<10240x128xf32, #tpu.memory_space<hbm>>
      %dma_wait3A_64 = arith.constant 0 : i32
      %dma_wait3A_65 = tpu.memref_slice %dma_wait3A_63[%add3A_49, %dma_wait3A_64] : memref<10240x128xf32, #tpu.memory_space<hbm>> -> memref<128x128xf32, #tpu.memory_space<hbm>>
      %dma_wait3A_66 = arith.constant 0 : i32
      %dma_wait3A_67 = arith.constant 0 : i32
      %dma_wait3A_68 = tpu.memref_slice %arg5[%arg0, %dma_wait3A_66, %dma_wait3A_67] : memref<2x10240x128xf32, #tpu.memory_space<hbm>> -> memref<1x10240x128xf32, #tpu.memory_space<hbm>>
      %dma_wait3A_69 = tpu.memref_squeeze %dma_wait3A_68 : memref<1x10240x128xf32, #tpu.memory_space<hbm>> -> memref<10240x128xf32, #tpu.memory_space<hbm>>
      %dma_wait3A_70 = arith.constant 0 : i32
      %dma_wait3A_71 = tpu.memref_slice %dma_wait3A_69[%add3A_49, %dma_wait3A_70] : memref<10240x128xf32, #tpu.memory_space<hbm>> -> memref<128x128xf32, #tpu.memory_space<hbm>>
      tpu.wait_dma2 semaphore(%run_scoped3A : memref<!tpu.dma_semaphore, #tpu.memory_space<semaphore_mem>>) src(%arg12 : memref<128x128xf32, #tpu.memory_space<vmem>>) dst(%dma_wait3A_71 : memref<128x128xf32, #tpu.memory_space<hbm>>)
      tpu.yield
    }) : () -> ()
    "tpu.region"() ({
      %run_scoped3A = tpu.sem_alloc : memref<!tpu.dma_semaphore, #tpu.memory_space<semaphore_mem>>
      %dma_start3A = arith.constant 0 : i32
      %dma_start3A_50 = tpu.memref_slice %arg8[%mul3A_0, %dma_start3A] : memref<10240x16xf32, #tpu.memory_space<vmem_shared>> -> memref<640x16xf32, #tpu.memory_space<vmem_shared>>
      %dma_start3A_51 = arith.constant 0 : i32
      %dma_start3A_52 = tpu.memref_slice %arg8[%mul3A_0, %dma_start3A_51] : memref<10240x16xf32, #tpu.memory_space<vmem_shared>> -> memref<640x16xf32, #tpu.memory_space<vmem_shared>>
      tpu.enqueue_dma source(%dma_start3A_52 : memref<640x16xf32, #tpu.memory_space<vmem_shared>>) target(%arg13 : memref<640x16xf32, #tpu.memory_space<vmem>>) target_semaphore(%run_scoped3A : memref<!tpu.dma_semaphore, #tpu.memory_space<semaphore_mem>>)
      %dma_wait3A = arith.constant 0 : i32
      %dma_wait3A_53 = tpu.memref_slice %arg8[%mul3A_0, %dma_wait3A] : memref<10240x16xf32, #tpu.memory_space<vmem_shared>> -> memref<640x16xf32, #tpu.memory_space<vmem_shared>>
      %dma_wait3A_54 = arith.constant 0 : i32
      %dma_wait3A_55 = tpu.memref_slice %arg8[%mul3A_0, %dma_wait3A_54] : memref<10240x16xf32, #tpu.memory_space<vmem_shared>> -> memref<640x16xf32, #tpu.memory_space<vmem_shared>>
      tpu.wait_dma2 semaphore(%run_scoped3A : memref<!tpu.dma_semaphore, #tpu.memory_space<semaphore_mem>>) src(%dma_wait3A_55 : memref<640x16xf32, #tpu.memory_space<vmem_shared>>) dst(%arg13 : memref<640x16xf32, #tpu.memory_space<vmem>>)
      tpu.yield
    }) : () -> ()
    "tpu.region"() ({
      %run_scoped3A = tpu.sem_alloc : memref<!tpu.dma_semaphore, #tpu.memory_space<semaphore_mem>>
      %dma_start3A = arith.constant 0 : i32
      %dma_start3A_50 = arith.constant 0 : i32
      %dma_start3A_51 = tpu.memref_slice %arg6[%arg0, %dma_start3A, %dma_start3A_50] : memref<2x10240x16xf32, #tpu.memory_space<hbm>> -> memref<1x10240x16xf32, #tpu.memory_space<hbm>>
      %dma_start3A_52 = tpu.memref_squeeze %dma_start3A_51 : memref<1x10240x16xf32, #tpu.memory_space<hbm>> -> memref<10240x16xf32, #tpu.memory_space<hbm>>
      %dma_start3A_53 = arith.constant 0 : i32
      %dma_start3A_54 = tpu.memref_slice %dma_start3A_52[%mul3A_0, %dma_start3A_53] : memref<10240x16xf32, #tpu.memory_space<hbm>> -> memref<640x16xf32, #tpu.memory_space<hbm>>
      %dma_start3A_55 = arith.constant 0 : i32
      %dma_start3A_56 = arith.constant 0 : i32
      %dma_start3A_57 = tpu.memref_slice %arg6[%arg0, %dma_start3A_55, %dma_start3A_56] : memref<2x10240x16xf32, #tpu.memory_space<hbm>> -> memref<1x10240x16xf32, #tpu.memory_space<hbm>>
      %dma_start3A_58 = tpu.memref_squeeze %dma_start3A_57 : memref<1x10240x16xf32, #tpu.memory_space<hbm>> -> memref<10240x16xf32, #tpu.memory_space<hbm>>
      %dma_start3A_59 = arith.constant 0 : i32
      %dma_start3A_60 = tpu.memref_slice %dma_start3A_58[%mul3A_0, %dma_start3A_59] : memref<10240x16xf32, #tpu.memory_space<hbm>> -> memref<640x16xf32, #tpu.memory_space<hbm>>
      tpu.enqueue_dma source(%arg13 : memref<640x16xf32, #tpu.memory_space<vmem>>) target(%dma_start3A_60 : memref<640x16xf32, #tpu.memory_space<hbm>>) target_semaphore(%run_scoped3A : memref<!tpu.dma_semaphore, #tpu.memory_space<semaphore_mem>>)
      %dma_wait3A = arith.constant 0 : i32
      %dma_wait3A_61 = arith.constant 0 : i32
      %dma_wait3A_62 = tpu.memref_slice %arg6[%arg0, %dma_wait3A, %dma_wait3A_61] : memref<2x10240x16xf32, #tpu.memory_space<hbm>> -> memref<1x10240x16xf32, #tpu.memory_space<hbm>>
      %dma_wait3A_63 = tpu.memref_squeeze %dma_wait3A_62 : memref<1x10240x16xf32, #tpu.memory_space<hbm>> -> memref<10240x16xf32, #tpu.memory_space<hbm>>
      %dma_wait3A_64 = arith.constant 0 : i32
      %dma_wait3A_65 = tpu.memref_slice %dma_wait3A_63[%mul3A_0, %dma_wait3A_64] : memref<10240x16xf32, #tpu.memory_space<hbm>> -> memref<640x16xf32, #tpu.memory_space<hbm>>
      %dma_wait3A_66 = arith.constant 0 : i32
      %dma_wait3A_67 = arith.constant 0 : i32
      %dma_wait3A_68 = tpu.memref_slice %arg6[%arg0, %dma_wait3A_66, %dma_wait3A_67] : memref<2x10240x16xf32, #tpu.memory_space<hbm>> -> memref<1x10240x16xf32, #tpu.memory_space<hbm>>
      %dma_wait3A_69 = tpu.memref_squeeze %dma_wait3A_68 : memref<1x10240x16xf32, #tpu.memory_space<hbm>> -> memref<10240x16xf32, #tpu.memory_space<hbm>>
      %dma_wait3A_70 = arith.constant 0 : i32
      %dma_wait3A_71 = tpu.memref_slice %dma_wait3A_69[%mul3A_0, %dma_wait3A_70] : memref<10240x16xf32, #tpu.memory_space<hbm>> -> memref<640x16xf32, #tpu.memory_space<hbm>>
      tpu.wait_dma2 semaphore(%run_scoped3A : memref<!tpu.dma_semaphore, #tpu.memory_space<semaphore_mem>>) src(%arg13 : memref<640x16xf32, #tpu.memory_space<vmem>>) dst(%dma_wait3A_71 : memref<640x16xf32, #tpu.memory_space<hbm>>)
      tpu.yield
    }) : () -> ()
    return
  }
}

#map = affine_map<(d0, d1) -> (0, 0, 0)>
#map1 = affine_map<(d0, d1) -> (0)>
module attributes {stable_mosaic.version = 14 : i64} {
  func.func @k(%arg0: i32, %arg1: i32, %arg2: memref<2x10240x128xf32, #tpu.memory_space<hbm>>, %arg3: memref<160000xi32, #tpu.memory_space<hbm>>, %arg4: memref<160000xi32, #tpu.memory_space<hbm>>, %arg5: memref<2x10240x128xf32, #tpu.memory_space<hbm>>, %arg6: memref<10240x128xf32, #tpu.memory_space<vmem_shared>>, %arg7: memref<10240x16xf32, #tpu.memory_space<vmem_shared>>, %arg8: memref<80xi32, #tpu.memory_space<vmem>>, %arg9: memref<80xi32, #tpu.memory_space<vmem>>, %arg10: memref<80x128xf32, #tpu.memory_space<vmem>>, %arg11: memref<128x128xf32, #tpu.memory_space<vmem>>, %arg12: memref<640x16xf32, #tpu.memory_space<vmem>>, %arg13: memref<80x16xf32, #tpu.memory_space<vmem>>) attributes {dimension_semantics = [#tpu.dimension_semantics<core_parallel>, #tpu.dimension_semantics<subcore_parallel>], iteration_bounds = array<i64: 2, 16>, scalar_prefetch = 0 : i64, scratch_operands = 8 : i64, tpu.core_type = #tpu.core_type<sc_vector_subcore>, window_params = [{transform_indices = #map}, {transform_indices = #map1}, {transform_indices = #map1}, {transform_indices = #map}]} {
    %mul3A = arith.constant 640 : i32
    %mul3A_0 = arith.muli %arg1, %mul3A : i32
    %scan3A = arith.constant 0 : i32
    %scan3A_1 = arith.constant 0 : i32
    %scan3A_2 = arith.constant 128 : i32
    %scan3A_3 = arith.addi %scan3A_1, %scan3A_2 : i32
    %scan3A_4 = arith.constant 1 : i32
    %scan3A_5 = scf.for %scan3A_36 = %scan3A_1 to %scan3A_3 step %scan3A_4 iter_args(%scan3A_37 = %scan3A) -> (i32)  : i32 {
      %broadcast_in_dim3A = arith.constant 0.000000e+00 : f32
      %broadcast_in_dim3A_38 = vector.broadcast %broadcast_in_dim3A : f32 to vector<16xf32>
      %swap3A = arith.index_cast %scan3A_36 : i32 to index
      %swap3A_39 = arith.constant 0 : index
      %swap3A_40 = tpu.vector_load %arg11[%swap3A, %swap3A_39] {strides = array<i32>} : memref<128x128xf32, #tpu.memory_space<vmem>>, vector<1x16xf32>,
      %swap3A_41 = vector.shape_cast %swap3A_40 : vector<1x16xf32> to vector<16xf32>
      %swap3A_42 = vector.shape_cast %broadcast_in_dim3A_38 : vector<16xf32> to vector<1x16xf32>
      tpu.vector_store %arg11[%swap3A, %swap3A_39], %swap3A_42 {strides = array<i32>} : memref<128x128xf32, #tpu.memory_space<vmem>>, vector<1x16xf32>,
      %broadcast_in_dim3A_43 = arith.constant 0.000000e+00 : f32
      %broadcast_in_dim3A_44 = vector.broadcast %broadcast_in_dim3A_43 : f32 to vector<16xf32>
      %swap3A_45 = arith.index_cast %scan3A_36 : i32 to index
      %swap3A_46 = arith.constant 16 : index
      %swap3A_47 = tpu.vector_load %arg11[%swap3A_45, %swap3A_46] {strides = array<i32>} : memref<128x128xf32, #tpu.memory_space<vmem>>, vector<1x16xf32>,
      %swap3A_48 = vector.shape_cast %swap3A_47 : vector<1x16xf32> to vector<16xf32>
      %swap3A_49 = vector.shape_cast %broadcast_in_dim3A_44 : vector<16xf32> to vector<1x16xf32>
      tpu.vector_store %arg11[%swap3A_45, %swap3A_46], %swap3A_49 {strides = array<i32>} : memref<128x128xf32, #tpu.memory_space<vmem>>, vector<1x16xf32>,
      %broadcast_in_dim3A_50 = arith.constant 0.000000e+00 : f32
      %broadcast_in_dim3A_51 = vector.broadcast %broadcast_in_dim3A_50 : f32 to vector<16xf32>
      %swap3A_52 = arith.index_cast %scan3A_36 : i32 to index
      %swap3A_53 = arith.constant 32 : index
      %swap3A_54 = tpu.vector_load %arg11[%swap3A_52, %swap3A_53] {strides = array<i32>} : memref<128x128xf32, #tpu.memory_space<vmem>>, vector<1x16xf32>,
      %swap3A_55 = vector.shape_cast %swap3A_54 : vector<1x16xf32> to vector<16xf32>
      %swap3A_56 = vector.shape_cast %broadcast_in_dim3A_51 : vector<16xf32> to vector<1x16xf32>
      tpu.vector_store %arg11[%swap3A_52, %swap3A_53], %swap3A_56 {strides = array<i32>} : memref<128x128xf32, #tpu.memory_space<vmem>>, vector<1x16xf32>,
      %broadcast_in_dim3A_57 = arith.constant 0.000000e+00 : f32
      %broadcast_in_dim3A_58 = vector.broadcast %broadcast_in_dim3A_57 : f32 to vector<16xf32>
      %swap3A_59 = arith.index_cast %scan3A_36 : i32 to index
      %swap3A_60 = arith.constant 48 : index
      %swap3A_61 = tpu.vector_load %arg11[%swap3A_59, %swap3A_60] {strides = array<i32>} : memref<128x128xf32, #tpu.memory_space<vmem>>, vector<1x16xf32>,
      %swap3A_62 = vector.shape_cast %swap3A_61 : vector<1x16xf32> to vector<16xf32>
      %swap3A_63 = vector.shape_cast %broadcast_in_dim3A_58 : vector<16xf32> to vector<1x16xf32>
      tpu.vector_store %arg11[%swap3A_59, %swap3A_60], %swap3A_63 {strides = array<i32>} : memref<128x128xf32, #tpu.memory_space<vmem>>, vector<1x16xf32>,
      %broadcast_in_dim3A_64 = arith.constant 0.000000e+00 : f32
      %broadcast_in_dim3A_65 = vector.broadcast %broadcast_in_dim3A_64 : f32 to vector<16xf32>
      %swap3A_66 = arith.index_cast %scan3A_36 : i32 to index
      %swap3A_67 = arith.constant 64 : index
      %swap3A_68 = tpu.vector_load %arg11[%swap3A_66, %swap3A_67] {strides = array<i32>} : memref<128x128xf32, #tpu.memory_space<vmem>>, vector<1x16xf32>,
      %swap3A_69 = vector.shape_cast %swap3A_68 : vector<1x16xf32> to vector<16xf32>
      %swap3A_70 = vector.shape_cast %broadcast_in_dim3A_65 : vector<16xf32> to vector<1x16xf32>
      tpu.vector_store %arg11[%swap3A_66, %swap3A_67], %swap3A_70 {strides = array<i32>} : memref<128x128xf32, #tpu.memory_space<vmem>>, vector<1x16xf32>,
      %broadcast_in_dim3A_71 = arith.constant 0.000000e+00 : f32
      %broadcast_in_dim3A_72 = vector.broadcast %broadcast_in_dim3A_71 : f32 to vector<16xf32>
      %swap3A_73 = arith.index_cast %scan3A_36 : i32 to index
      %swap3A_74 = arith.constant 80 : index
      %swap3A_75 = tpu.vector_load %arg11[%swap3A_73, %swap3A_74] {strides = array<i32>} : memref<128x128xf32, #tpu.memory_space<vmem>>, vector<1x16xf32>,
      %swap3A_76 = vector.shape_cast %swap3A_75 : vector<1x16xf32> to vector<16xf32>
      %swap3A_77 = vector.shape_cast %broadcast_in_dim3A_72 : vector<16xf32> to vector<1x16xf32>
      tpu.vector_store %arg11[%swap3A_73, %swap3A_74], %swap3A_77 {strides = array<i32>} : memref<128x128xf32, #tpu.memory_space<vmem>>, vector<1x16xf32>,
      %broadcast_in_dim3A_78 = arith.constant 0.000000e+00 : f32
      %broadcast_in_dim3A_79 = vector.broadcast %broadcast_in_dim3A_78 : f32 to vector<16xf32>
      %swap3A_80 = arith.index_cast %scan3A_36 : i32 to index
      %swap3A_81 = arith.constant 96 : index
      %swap3A_82 = tpu.vector_load %arg11[%swap3A_80, %swap3A_81] {strides = array<i32>} : memref<128x128xf32, #tpu.memory_space<vmem>>, vector<1x16xf32>,
      %swap3A_83 = vector.shape_cast %swap3A_82 : vector<1x16xf32> to vector<16xf32>
      %swap3A_84 = vector.shape_cast %broadcast_in_dim3A_79 : vector<16xf32> to vector<1x16xf32>
      tpu.vector_store %arg11[%swap3A_80, %swap3A_81], %swap3A_84 {strides = array<i32>} : memref<128x128xf32, #tpu.memory_space<vmem>>, vector<1x16xf32>,
      %broadcast_in_dim3A_85 = arith.constant 0.000000e+00 : f32
      %broadcast_in_dim3A_86 = vector.broadcast %broadcast_in_dim3A_85 : f32 to vector<16xf32>
      %swap3A_87 = arith.index_cast %scan3A_36 : i32 to index
      %swap3A_88 = arith.constant 112 : index
      %swap3A_89 = tpu.vector_load %arg11[%swap3A_87, %swap3A_88] {strides = array<i32>} : memref<128x128xf32, #tpu.memory_space<vmem>>, vector<1x16xf32>,
      %swap3A_90 = vector.shape_cast %swap3A_89 : vector<1x16xf32> to vector<16xf32>
      %swap3A_91 = vector.shape_cast %broadcast_in_dim3A_86 : vector<16xf32> to vector<1x16xf32>
      tpu.vector_store %arg11[%swap3A_87, %swap3A_88], %swap3A_91 {strides = array<i32>} : memref<128x128xf32, #tpu.memory_space<vmem>>, vector<1x16xf32>,
      %scan3A_92 = arith.constant 0 : i32
      scf.yield %scan3A_92 : i32
    }
    %scan3A_6 = arith.constant 128 : i32
    %add3A = arith.constant 0 : i32
    %add3A_7 = arith.addi %mul3A_0, %add3A : i32
    "tpu.region"() ({
      %run_scoped3A = tpu.sem_alloc : memref<!tpu.dma_semaphore, #tpu.memory_space<semaphore_mem>>
      %dma_start3A = arith.constant 0 : i32
      %dma_start3A_36 = tpu.memref_slice %arg6[%add3A_7, %dma_start3A] : memref<10240x128xf32, #tpu.memory_space<vmem_shared>> -> memref<128x128xf32, #tpu.memory_space<vmem_shared>>
      %dma_start3A_37 = arith.constant 0 : i32
      %dma_start3A_38 = tpu.memref_slice %arg6[%add3A_7, %dma_start3A_37] : memref<10240x128xf32, #tpu.memory_space<vmem_shared>> -> memref<128x128xf32, #tpu.memory_space<vmem_shared>>
      tpu.enqueue_dma source(%arg11 : memref<128x128xf32, #tpu.memory_space<vmem>>) target(%dma_start3A_38 : memref<128x128xf32, #tpu.memory_space<vmem_shared>>) target_semaphore(%run_scoped3A : memref<!tpu.dma_semaphore, #tpu.memory_space<semaphore_mem>>)
      %dma_wait3A = arith.constant 0 : i32
      %dma_wait3A_39 = tpu.memref_slice %arg6[%add3A_7, %dma_wait3A] : memref<10240x128xf32, #tpu.memory_space<vmem_shared>> -> memref<128x128xf32, #tpu.memory_space<vmem_shared>>
      %dma_wait3A_40 = arith.constant 0 : i32
      %dma_wait3A_41 = tpu.memref_slice %arg6[%add3A_7, %dma_wait3A_40] : memref<10240x128xf32, #tpu.memory_space<vmem_shared>> -> memref<128x128xf32, #tpu.memory_space<vmem_shared>>
      tpu.wait_dma2 semaphore(%run_scoped3A : memref<!tpu.dma_semaphore, #tpu.memory_space<semaphore_mem>>) src(%arg11 : memref<128x128xf32, #tpu.memory_space<vmem>>) dst(%dma_wait3A_41 : memref<128x128xf32, #tpu.memory_space<vmem_shared>>)
      tpu.yield
    }) : () -> ()
    %add3A_8 = arith.constant 128 : i32
    %add3A_9 = arith.addi %mul3A_0, %add3A_8 : i32
    "tpu.region"() ({
      %run_scoped3A = tpu.sem_alloc : memref<!tpu.dma_semaphore, #tpu.memory_space<semaphore_mem>>
      %dma_start3A = arith.constant 0 : i32
      %dma_start3A_36 = tpu.memref_slice %arg6[%add3A_9, %dma_start3A] : memref<10240x128xf32, #tpu.memory_space<vmem_shared>> -> memref<128x128xf32, #tpu.memory_space<vmem_shared>>
      %dma_start3A_37 = arith.constant 0 : i32
      %dma_start3A_38 = tpu.memref_slice %arg6[%add3A_9, %dma_start3A_37] : memref<10240x128xf32, #tpu.memory_space<vmem_shared>> -> memref<128x128xf32, #tpu.memory_space<vmem_shared>>
      tpu.enqueue_dma source(%arg11 : memref<128x128xf32, #tpu.memory_space<vmem>>) target(%dma_start3A_38 : memref<128x128xf32, #tpu.memory_space<vmem_shared>>) target_semaphore(%run_scoped3A : memref<!tpu.dma_semaphore, #tpu.memory_space<semaphore_mem>>)
      %dma_wait3A = arith.constant 0 : i32
      %dma_wait3A_39 = tpu.memref_slice %arg6[%add3A_9, %dma_wait3A] : memref<10240x128xf32, #tpu.memory_space<vmem_shared>> -> memref<128x128xf32, #tpu.memory_space<vmem_shared>>
      %dma_wait3A_40 = arith.constant 0 : i32
      %dma_wait3A_41 = tpu.memref_slice %arg6[%add3A_9, %dma_wait3A_40] : memref<10240x128xf32, #tpu.memory_space<vmem_shared>> -> memref<128x128xf32, #tpu.memory_space<vmem_shared>>
      tpu.wait_dma2 semaphore(%run_scoped3A : memref<!tpu.dma_semaphore, #tpu.memory_space<semaphore_mem>>) src(%arg11 : memref<128x128xf32, #tpu.memory_space<vmem>>) dst(%dma_wait3A_41 : memref<128x128xf32, #tpu.memory_space<vmem_shared>>)
      tpu.yield
    }) : () -> ()
    %add3A_10 = arith.constant 256 : i32
    %add3A_11 = arith.addi %mul3A_0, %add3A_10 : i32
    "tpu.region"() ({
      %run_scoped3A = tpu.sem_alloc : memref<!tpu.dma_semaphore, #tpu.memory_space<semaphore_mem>>
      %dma_start3A = arith.constant 0 : i32
      %dma_start3A_36 = tpu.memref_slice %arg6[%add3A_11, %dma_start3A] : memref<10240x128xf32, #tpu.memory_space<vmem_shared>> -> memref<128x128xf32, #tpu.memory_space<vmem_shared>>
      %dma_start3A_37 = arith.constant 0 : i32
      %dma_start3A_38 = tpu.memref_slice %arg6[%add3A_11, %dma_start3A_37] : memref<10240x128xf32, #tpu.memory_space<vmem_shared>> -> memref<128x128xf32, #tpu.memory_space<vmem_shared>>
      tpu.enqueue_dma source(%arg11 : memref<128x128xf32, #tpu.memory_space<vmem>>) target(%dma_start3A_38 : memref<128x128xf32, #tpu.memory_space<vmem_shared>>) target_semaphore(%run_scoped3A : memref<!tpu.dma_semaphore, #tpu.memory_space<semaphore_mem>>)
      %dma_wait3A = arith.constant 0 : i32
      %dma_wait3A_39 = tpu.memref_slice %arg6[%add3A_11, %dma_wait3A] : memref<10240x128xf32, #tpu.memory_space<vmem_shared>> -> memref<128x128xf32, #tpu.memory_space<vmem_shared>>
      %dma_wait3A_40 = arith.constant 0 : i32
      %dma_wait3A_41 = tpu.memref_slice %arg6[%add3A_11, %dma_wait3A_40] : memref<10240x128xf32, #tpu.memory_space<vmem_shared>> -> memref<128x128xf32, #tpu.memory_space<vmem_shared>>
      tpu.wait_dma2 semaphore(%run_scoped3A : memref<!tpu.dma_semaphore, #tpu.memory_space<semaphore_mem>>) src(%arg11 : memref<128x128xf32, #tpu.memory_space<vmem>>) dst(%dma_wait3A_41 : memref<128x128xf32, #tpu.memory_space<vmem_shared>>)
      tpu.yield
    }) : () -> ()
    %add3A_12 = arith.constant 384 : i32
    %add3A_13 = arith.addi %mul3A_0, %add3A_12 : i32
    "tpu.region"() ({
      %run_scoped3A = tpu.sem_alloc : memref<!tpu.dma_semaphore, #tpu.memory_space<semaphore_mem>>
      %dma_start3A = arith.constant 0 : i32
      %dma_start3A_36 = tpu.memref_slice %arg6[%add3A_13, %dma_start3A] : memref<10240x128xf32, #tpu.memory_space<vmem_shared>> -> memref<128x128xf32, #tpu.memory_space<vmem_shared>>
      %dma_start3A_37 = arith.constant 0 : i32
      %dma_start3A_38 = tpu.memref_slice %arg6[%add3A_13, %dma_start3A_37] : memref<10240x128xf32, #tpu.memory_space<vmem_shared>> -> memref<128x128xf32, #tpu.memory_space<vmem_shared>>
      tpu.enqueue_dma source(%arg11 : memref<128x128xf32, #tpu.memory_space<vmem>>) target(%dma_start3A_38 : memref<128x128xf32, #tpu.memory_space<vmem_shared>>) target_semaphore(%run_scoped3A : memref<!tpu.dma_semaphore, #tpu.memory_space<semaphore_mem>>)
      %dma_wait3A = arith.constant 0 : i32
      %dma_wait3A_39 = tpu.memref_slice %arg6[%add3A_13, %dma_wait3A] : memref<10240x128xf32, #tpu.memory_space<vmem_shared>> -> memref<128x128xf32, #tpu.memory_space<vmem_shared>>
      %dma_wait3A_40 = arith.constant 0 : i32
      %dma_wait3A_41 = tpu.memref_slice %arg6[%add3A_13, %dma_wait3A_40] : memref<10240x128xf32, #tpu.memory_space<vmem_shared>> -> memref<128x128xf32, #tpu.memory_space<vmem_shared>>
      tpu.wait_dma2 semaphore(%run_scoped3A : memref<!tpu.dma_semaphore, #tpu.memory_space<semaphore_mem>>) src(%arg11 : memref<128x128xf32, #tpu.memory_space<vmem>>) dst(%dma_wait3A_41 : memref<128x128xf32, #tpu.memory_space<vmem_shared>>)
      tpu.yield
    }) : () -> ()
    %add3A_14 = arith.constant 512 : i32
    %add3A_15 = arith.addi %mul3A_0, %add3A_14 : i32
    "tpu.region"() ({
      %run_scoped3A = tpu.sem_alloc : memref<!tpu.dma_semaphore, #tpu.memory_space<semaphore_mem>>
      %dma_start3A = arith.constant 0 : i32
      %dma_start3A_36 = tpu.memref_slice %arg6[%add3A_15, %dma_start3A] : memref<10240x128xf32, #tpu.memory_space<vmem_shared>> -> memref<128x128xf32, #tpu.memory_space<vmem_shared>>
      %dma_start3A_37 = arith.constant 0 : i32
      %dma_start3A_38 = tpu.memref_slice %arg6[%add3A_15, %dma_start3A_37] : memref<10240x128xf32, #tpu.memory_space<vmem_shared>> -> memref<128x128xf32, #tpu.memory_space<vmem_shared>>
      tpu.enqueue_dma source(%arg11 : memref<128x128xf32, #tpu.memory_space<vmem>>) target(%dma_start3A_38 : memref<128x128xf32, #tpu.memory_space<vmem_shared>>) target_semaphore(%run_scoped3A : memref<!tpu.dma_semaphore, #tpu.memory_space<semaphore_mem>>)
      %dma_wait3A = arith.constant 0 : i32
      %dma_wait3A_39 = tpu.memref_slice %arg6[%add3A_15, %dma_wait3A] : memref<10240x128xf32, #tpu.memory_space<vmem_shared>> -> memref<128x128xf32, #tpu.memory_space<vmem_shared>>
      %dma_wait3A_40 = arith.constant 0 : i32
      %dma_wait3A_41 = tpu.memref_slice %arg6[%add3A_15, %dma_wait3A_40] : memref<10240x128xf32, #tpu.memory_space<vmem_shared>> -> memref<128x128xf32, #tpu.memory_space<vmem_shared>>
      tpu.wait_dma2 semaphore(%run_scoped3A : memref<!tpu.dma_semaphore, #tpu.memory_space<semaphore_mem>>) src(%arg11 : memref<128x128xf32, #tpu.memory_space<vmem>>) dst(%dma_wait3A_41 : memref<128x128xf32, #tpu.memory_space<vmem_shared>>)
      tpu.yield
    }) : () -> ()
    %barrier3A = arith.constant 0 : index
    tpu.barrier barrier_id(%barrier3A)
    %mul3A_16 = arith.constant 10000 : i32
    %mul3A_17 = arith.muli %arg1, %mul3A_16 : i32
    %scan3A_18 = arith.constant 0 : i32
    %scan3A_19 = arith.constant 0 : i32
    %scan3A_20 = arith.constant 125 : i32
    %scan3A_21 = arith.addi %scan3A_19, %scan3A_20 : i32
    %scan3A_22 = arith.constant 1 : i32
    %scan3A_23 = scf.for %scan3A_36 = %scan3A_19 to %scan3A_21 step %scan3A_22 iter_args(%scan3A_37 = %scan3A_18) -> (i32)  : i32 {
      %mul3A_38 = arith.constant 80 : i32
      %mul3A_39 = arith.muli %scan3A_36, %mul3A_38 : i32
      %add3A_40 = arith.addi %mul3A_17, %mul3A_39 : i32
      "tpu.region"() ({
        %run_scoped3A = tpu.sem_alloc : memref<!tpu.dma_semaphore, #tpu.memory_space<semaphore_mem>>
        %dma_start3A = tpu.memref_slice %arg3[%add3A_40] : memref<160000xi32, #tpu.memory_space<hbm>> -> memref<80xi32, #tpu.memory_space<hbm>>
        %dma_start3A_42 = tpu.memref_slice %arg3[%add3A_40] : memref<160000xi32, #tpu.memory_space<hbm>> -> memref<80xi32, #tpu.memory_space<hbm>>
        tpu.enqueue_dma source(%dma_start3A_42 : memref<80xi32, #tpu.memory_space<hbm>>) target(%arg8 : memref<80xi32, #tpu.memory_space<vmem>>) target_semaphore(%run_scoped3A : memref<!tpu.dma_semaphore, #tpu.memory_space<semaphore_mem>>)
        %dma_wait3A = tpu.memref_slice %arg3[%add3A_40] : memref<160000xi32, #tpu.memory_space<hbm>> -> memref<80xi32, #tpu.memory_space<hbm>>
        %dma_wait3A_43 = tpu.memref_slice %arg3[%add3A_40] : memref<160000xi32, #tpu.memory_space<hbm>> -> memref<80xi32, #tpu.memory_space<hbm>>
        tpu.wait_dma2 semaphore(%run_scoped3A : memref<!tpu.dma_semaphore, #tpu.memory_space<semaphore_mem>>) src(%dma_wait3A_43 : memref<80xi32, #tpu.memory_space<hbm>>) dst(%arg8 : memref<80xi32, #tpu.memory_space<vmem>>)
        tpu.yield
      }) : () -> ()
      "tpu.region"() ({
        %run_scoped3A = tpu.sem_alloc : memref<!tpu.dma_semaphore, #tpu.memory_space<semaphore_mem>>
        %dma_start3A = tpu.memref_slice %arg4[%add3A_40] : memref<160000xi32, #tpu.memory_space<hbm>> -> memref<80xi32, #tpu.memory_space<hbm>>
        %dma_start3A_42 = tpu.memref_slice %arg4[%add3A_40] : memref<160000xi32, #tpu.memory_space<hbm>> -> memref<80xi32, #tpu.memory_space<hbm>>
        tpu.enqueue_dma source(%dma_start3A_42 : memref<80xi32, #tpu.memory_space<hbm>>) target(%arg9 : memref<80xi32, #tpu.memory_space<vmem>>) target_semaphore(%run_scoped3A : memref<!tpu.dma_semaphore, #tpu.memory_space<semaphore_mem>>)
        %dma_wait3A = tpu.memref_slice %arg4[%add3A_40] : memref<160000xi32, #tpu.memory_space<hbm>> -> memref<80xi32, #tpu.memory_space<hbm>>
        %dma_wait3A_43 = tpu.memref_slice %arg4[%add3A_40] : memref<160000xi32, #tpu.memory_space<hbm>> -> memref<80xi32, #tpu.memory_space<hbm>>
        tpu.wait_dma2 semaphore(%run_scoped3A : memref<!tpu.dma_semaphore, #tpu.memory_space<semaphore_mem>>) src(%dma_wait3A_43 : memref<80xi32, #tpu.memory_space<hbm>>) dst(%arg9 : memref<80xi32, #tpu.memory_space<vmem>>)
        tpu.yield
      }) : () -> ()
      "tpu.region"() ({
        %run_scoped3A = tpu.sem_alloc : memref<!tpu.dma_semaphore, #tpu.memory_space<semaphore_mem>>
        %dma_start3A = arith.constant 0 : i32
        %dma_start3A_42 = arith.constant 0 : i32
        %dma_start3A_43 = tpu.memref_slice %arg2[%arg0, %dma_start3A, %dma_start3A_42] : memref<2x10240x128xf32, #tpu.memory_space<hbm>> -> memref<1x10240x128xf32, #tpu.memory_space<hbm>>
        %dma_start3A_44 = tpu.memref_squeeze %dma_start3A_43 : memref<1x10240x128xf32, #tpu.memory_space<hbm>> -> memref<10240x128xf32, #tpu.memory_space<hbm>>
        %dma_start3A_45 = arith.constant 0 : i32
        %dma_start3A_46 = arith.constant 0 : i32
        %dma_start3A_47 = tpu.memref_slice %dma_start3A_44[%dma_start3A_45, %dma_start3A_46] : memref<10240x128xf32, #tpu.memory_space<hbm>> -> memref<10240x128xf32, #tpu.memory_space<hbm>>
        tpu.enqueue_indirect_dma source(%dma_start3A_47 : memref<10240x128xf32, #tpu.memory_space<hbm>>) target(%arg10 : memref<80x128xf32, #tpu.memory_space<vmem>>) offsets(%arg8 : memref<80xi32, #tpu.memory_space<vmem>>) semaphore(%run_scoped3A : memref<!tpu.dma_semaphore, #tpu.memory_space<semaphore_mem>>)
        %dma_wait3A = arith.constant 0 : i32
        %dma_wait3A_48 = arith.constant 0 : i32
        %dma_wait3A_49 = tpu.memref_slice %arg2[%arg0, %dma_wait3A, %dma_wait3A_48] : memref<2x10240x128xf32, #tpu.memory_space<hbm>> -> memref<1x10240x128xf32, #tpu.memory_space<hbm>>
        %dma_wait3A_50 = tpu.memref_squeeze %dma_wait3A_49 : memref<1x10240x128xf32, #tpu.memory_space<hbm>> -> memref<10240x128xf32, #tpu.memory_space<hbm>>
        %dma_wait3A_51 = arith.constant 0 : i32
        %dma_wait3A_52 = arith.constant 0 : i32
        %dma_wait3A_53 = tpu.memref_slice %dma_wait3A_50[%dma_wait3A_51, %dma_wait3A_52] : memref<10240x128xf32, #tpu.memory_space<hbm>> -> memref<10240x128xf32, #tpu.memory_space<hbm>>
        tpu.wait_indirect_dma semaphore(%run_scoped3A : memref<!tpu.dma_semaphore, #tpu.memory_space<semaphore_mem>>) src(%dma_wait3A_53 : memref<10240x128xf32, #tpu.memory_space<hbm>>) dst(%arg10 : memref<80x128xf32, #tpu.memory_space<vmem>>)
        tpu.yield
      }) : () -> ()
      "tpu.region"() ({
        %run_scoped3A = tpu.sem_alloc : memref<!tpu.dma_semaphore, #tpu.memory_space<semaphore_mem>>
        %dma_start3A = arith.constant 0 : i32
        %dma_start3A_42 = arith.constant 0 : i32
        %dma_start3A_43 = tpu.memref_slice %arg6[%dma_start3A, %dma_start3A_42] : memref<10240x128xf32, #tpu.memory_space<vmem_shared>> -> memref<10240x128xf32, #tpu.memory_space<vmem_shared>>
        tpu.enqueue_indirect_dma source(%arg10 : memref<80x128xf32, #tpu.memory_space<vmem>>) target(%dma_start3A_43 : memref<10240x128xf32, #tpu.memory_space<vmem_shared>>) offsets(%arg9 : memref<80xi32, #tpu.memory_space<vmem>>) semaphore(%run_scoped3A : memref<!tpu.dma_semaphore, #tpu.memory_space<semaphore_mem>>) {add = true}
        %dma_wait3A = arith.constant 0 : i32
        %dma_wait3A_44 = arith.constant 0 : i32
        %dma_wait3A_45 = tpu.memref_slice %arg6[%dma_wait3A, %dma_wait3A_44] : memref<10240x128xf32, #tpu.memory_space<vmem_shared>> -> memref<10240x128xf32, #tpu.memory_space<vmem_shared>>
        tpu.wait_indirect_dma semaphore(%run_scoped3A : memref<!tpu.dma_semaphore, #tpu.memory_space<semaphore_mem>>) src(%arg10 : memref<80x128xf32, #tpu.memory_space<vmem>>) dst(%dma_wait3A_45 : memref<10240x128xf32, #tpu.memory_space<vmem_shared>>)
        tpu.yield
      }) : () -> ()
      %scan3A_41 = arith.constant 0 : i32
      scf.yield %scan3A_41 : i32
    }
    %scan3A_24 = arith.constant 125 : i32
    %barrier3A_25 = arith.constant 0 : index
    tpu.barrier barrier_id(%barrier3A_25)
    %add3A_26 = arith.constant 0 : i32
    %add3A_27 = arith.addi %mul3A_0, %add3A_26 : i32
    "tpu.region"() ({
      %run_scoped3A = tpu.sem_alloc : memref<!tpu.dma_semaphore, #tpu.memory_space<semaphore_mem>>
      %dma_start3A = arith.constant 0 : i32
      %dma_start3A_36 = tpu.memref_slice %arg6[%add3A_27, %dma_start3A] : memref<10240x128xf32, #tpu.memory_space<vmem_shared>> -> memref<128x128xf32, #tpu.memory_space<vmem_shared>>
      %dma_start3A_37 = arith.constant 0 : i32
      %dma_start3A_38 = tpu.memref_slice %arg6[%add3A_27, %dma_start3A_37] : memref<10240x128xf32, #tpu.memory_space<vmem_shared>> -> memref<128x128xf32, #tpu.memory_space<vmem_shared>>
      tpu.enqueue_dma source(%dma_start3A_38 : memref<128x128xf32, #tpu.memory_space<vmem_shared>>) target(%arg11 : memref<128x128xf32, #tpu.memory_space<vmem>>) target_semaphore(%run_scoped3A : memref<!tpu.dma_semaphore, #tpu.memory_space<semaphore_mem>>)
      %dma_wait3A = arith.constant 0 : i32
      %dma_wait3A_39 = tpu.memref_slice %arg6[%add3A_27, %dma_wait3A] : memref<10240x128xf32, #tpu.memory_space<vmem_shared>> -> memref<128x128xf32, #tpu.memory_space<vmem_shared>>
      %dma_wait3A_40 = arith.constant 0 : i32
      %dma_wait3A_41 = tpu.memref_slice %arg6[%add3A_27, %dma_wait3A_40] : memref<10240x128xf32, #tpu.memory_space<vmem_shared>> -> memref<128x128xf32, #tpu.memory_space<vmem_shared>>
      tpu.wait_dma2 semaphore(%run_scoped3A : memref<!tpu.dma_semaphore, #tpu.memory_space<semaphore_mem>>) src(%dma_wait3A_41 : memref<128x128xf32, #tpu.memory_space<vmem_shared>>) dst(%arg11 : memref<128x128xf32, #tpu.memory_space<vmem>>)
      tpu.yield
    }) : () -> ()
    "tpu.region"() ({
      %run_scoped3A = tpu.sem_alloc : memref<!tpu.dma_semaphore, #tpu.memory_space<semaphore_mem>>
      %dma_start3A = arith.constant 0 : i32
      %dma_start3A_36 = arith.constant 0 : i32
      %dma_start3A_37 = tpu.memref_slice %arg5[%arg0, %dma_start3A, %dma_start3A_36] : memref<2x10240x128xf32, #tpu.memory_space<hbm>> -> memref<1x10240x128xf32, #tpu.memory_space<hbm>>
      %dma_start3A_38 = tpu.memref_squeeze %dma_start3A_37 : memref<1x10240x128xf32, #tpu.memory_space<hbm>> -> memref<10240x128xf32, #tpu.memory_space<hbm>>
      %dma_start3A_39 = arith.constant 0 : i32
      %dma_start3A_40 = tpu.memref_slice %dma_start3A_38[%add3A_27, %dma_start3A_39] : memref<10240x128xf32, #tpu.memory_space<hbm>> -> memref<128x128xf32, #tpu.memory_space<hbm>>
      %dma_start3A_41 = arith.constant 0 : i32
      %dma_start3A_42 = arith.constant 0 : i32
      %dma_start3A_43 = tpu.memref_slice %arg5[%arg0, %dma_start3A_41, %dma_start3A_42] : memref<2x10240x128xf32, #tpu.memory_space<hbm>> -> memref<1x10240x128xf32, #tpu.memory_space<hbm>>
      %dma_start3A_44 = tpu.memref_squeeze %dma_start3A_43 : memref<1x10240x128xf32, #tpu.memory_space<hbm>> -> memref<10240x128xf32, #tpu.memory_space<hbm>>
      %dma_start3A_45 = arith.constant 0 : i32
      %dma_start3A_46 = tpu.memref_slice %dma_start3A_44[%add3A_27, %dma_start3A_45] : memref<10240x128xf32, #tpu.memory_space<hbm>> -> memref<128x128xf32, #tpu.memory_space<hbm>>
      tpu.enqueue_dma source(%arg11 : memref<128x128xf32, #tpu.memory_space<vmem>>) target(%dma_start3A_46 : memref<128x128xf32, #tpu.memory_space<hbm>>) target_semaphore(%run_scoped3A : memref<!tpu.dma_semaphore, #tpu.memory_space<semaphore_mem>>)
      %dma_wait3A = arith.constant 0 : i32
      %dma_wait3A_47 = arith.constant 0 : i32
      %dma_wait3A_48 = tpu.memref_slice %arg5[%arg0, %dma_wait3A, %dma_wait3A_47] : memref<2x10240x128xf32, #tpu.memory_space<hbm>> -> memref<1x10240x128xf32, #tpu.memory_space<hbm>>
      %dma_wait3A_49 = tpu.memref_squeeze %dma_wait3A_48 : memref<1x10240x128xf32, #tpu.memory_space<hbm>> -> memref<10240x128xf32, #tpu.memory_space<hbm>>
      %dma_wait3A_50 = arith.constant 0 : i32
      %dma_wait3A_51 = tpu.memref_slice %dma_wait3A_49[%add3A_27, %dma_wait3A_50] : memref<10240x128xf32, #tpu.memory_space<hbm>> -> memref<128x128xf32, #tpu.memory_space<hbm>>
      %dma_wait3A_52 = arith.constant 0 : i32
      %dma_wait3A_53 = arith.constant 0 : i32
      %dma_wait3A_54 = tpu.memref_slice %arg5[%arg0, %dma_wait3A_52, %dma_wait3A_53] : memref<2x10240x128xf32, #tpu.memory_space<hbm>> -> memref<1x10240x128xf32, #tpu.memory_space<hbm>>
      %dma_wait3A_55 = tpu.memref_squeeze %dma_wait3A_54 : memref<1x10240x128xf32, #tpu.memory_space<hbm>> -> memref<10240x128xf32, #tpu.memory_space<hbm>>
      %dma_wait3A_56 = arith.constant 0 : i32
      %dma_wait3A_57 = tpu.memref_slice %dma_wait3A_55[%add3A_27, %dma_wait3A_56] : memref<10240x128xf32, #tpu.memory_space<hbm>> -> memref<128x128xf32, #tpu.memory_space<hbm>>
      tpu.wait_dma2 semaphore(%run_scoped3A : memref<!tpu.dma_semaphore, #tpu.memory_space<semaphore_mem>>) src(%arg11 : memref<128x128xf32, #tpu.memory_space<vmem>>) dst(%dma_wait3A_57 : memref<128x128xf32, #tpu.memory_space<hbm>>)
      tpu.yield
    }) : () -> ()
    %add3A_28 = arith.constant 128 : i32
    %add3A_29 = arith.addi %mul3A_0, %add3A_28 : i32
    "tpu.region"() ({
      %run_scoped3A = tpu.sem_alloc : memref<!tpu.dma_semaphore, #tpu.memory_space<semaphore_mem>>
      %dma_start3A = arith.constant 0 : i32
      %dma_start3A_36 = tpu.memref_slice %arg6[%add3A_29, %dma_start3A] : memref<10240x128xf32, #tpu.memory_space<vmem_shared>> -> memref<128x128xf32, #tpu.memory_space<vmem_shared>>
      %dma_start3A_37 = arith.constant 0 : i32
      %dma_start3A_38 = tpu.memref_slice %arg6[%add3A_29, %dma_start3A_37] : memref<10240x128xf32, #tpu.memory_space<vmem_shared>> -> memref<128x128xf32, #tpu.memory_space<vmem_shared>>
      tpu.enqueue_dma source(%dma_start3A_38 : memref<128x128xf32, #tpu.memory_space<vmem_shared>>) target(%arg11 : memref<128x128xf32, #tpu.memory_space<vmem>>) target_semaphore(%run_scoped3A : memref<!tpu.dma_semaphore, #tpu.memory_space<semaphore_mem>>)
      %dma_wait3A = arith.constant 0 : i32
      %dma_wait3A_39 = tpu.memref_slice %arg6[%add3A_29, %dma_wait3A] : memref<10240x128xf32, #tpu.memory_space<vmem_shared>> -> memref<128x128xf32, #tpu.memory_space<vmem_shared>>
      %dma_wait3A_40 = arith.constant 0 : i32
      %dma_wait3A_41 = tpu.memref_slice %arg6[%add3A_29, %dma_wait3A_40] : memref<10240x128xf32, #tpu.memory_space<vmem_shared>> -> memref<128x128xf32, #tpu.memory_space<vmem_shared>>
      tpu.wait_dma2 semaphore(%run_scoped3A : memref<!tpu.dma_semaphore, #tpu.memory_space<semaphore_mem>>) src(%dma_wait3A_41 : memref<128x128xf32, #tpu.memory_space<vmem_shared>>) dst(%arg11 : memref<128x128xf32, #tpu.memory_space<vmem>>)
      tpu.yield
    }) : () -> ()
    "tpu.region"() ({
      %run_scoped3A = tpu.sem_alloc : memref<!tpu.dma_semaphore, #tpu.memory_space<semaphore_mem>>
      %dma_start3A = arith.constant 0 : i32
      %dma_start3A_36 = arith.constant 0 : i32
      %dma_start3A_37 = tpu.memref_slice %arg5[%arg0, %dma_start3A, %dma_start3A_36] : memref<2x10240x128xf32, #tpu.memory_space<hbm>> -> memref<1x10240x128xf32, #tpu.memory_space<hbm>>
      %dma_start3A_38 = tpu.memref_squeeze %dma_start3A_37 : memref<1x10240x128xf32, #tpu.memory_space<hbm>> -> memref<10240x128xf32, #tpu.memory_space<hbm>>
      %dma_start3A_39 = arith.constant 0 : i32
      %dma_start3A_40 = tpu.memref_slice %dma_start3A_38[%add3A_29, %dma_start3A_39] : memref<10240x128xf32, #tpu.memory_space<hbm>> -> memref<128x128xf32, #tpu.memory_space<hbm>>
      %dma_start3A_41 = arith.constant 0 : i32
      %dma_start3A_42 = arith.constant 0 : i32
      %dma_start3A_43 = tpu.memref_slice %arg5[%arg0, %dma_start3A_41, %dma_start3A_42] : memref<2x10240x128xf32, #tpu.memory_space<hbm>> -> memref<1x10240x128xf32, #tpu.memory_space<hbm>>
      %dma_start3A_44 = tpu.memref_squeeze %dma_start3A_43 : memref<1x10240x128xf32, #tpu.memory_space<hbm>> -> memref<10240x128xf32, #tpu.memory_space<hbm>>
      %dma_start3A_45 = arith.constant 0 : i32
      %dma_start3A_46 = tpu.memref_slice %dma_start3A_44[%add3A_29, %dma_start3A_45] : memref<10240x128xf32, #tpu.memory_space<hbm>> -> memref<128x128xf32, #tpu.memory_space<hbm>>
      tpu.enqueue_dma source(%arg11 : memref<128x128xf32, #tpu.memory_space<vmem>>) target(%dma_start3A_46 : memref<128x128xf32, #tpu.memory_space<hbm>>) target_semaphore(%run_scoped3A : memref<!tpu.dma_semaphore, #tpu.memory_space<semaphore_mem>>)
      %dma_wait3A = arith.constant 0 : i32
      %dma_wait3A_47 = arith.constant 0 : i32
      %dma_wait3A_48 = tpu.memref_slice %arg5[%arg0, %dma_wait3A, %dma_wait3A_47] : memref<2x10240x128xf32, #tpu.memory_space<hbm>> -> memref<1x10240x128xf32, #tpu.memory_space<hbm>>
      %dma_wait3A_49 = tpu.memref_squeeze %dma_wait3A_48 : memref<1x10240x128xf32, #tpu.memory_space<hbm>> -> memref<10240x128xf32, #tpu.memory_space<hbm>>
      %dma_wait3A_50 = arith.constant 0 : i32
      %dma_wait3A_51 = tpu.memref_slice %dma_wait3A_49[%add3A_29, %dma_wait3A_50] : memref<10240x128xf32, #tpu.memory_space<hbm>> -> memref<128x128xf32, #tpu.memory_space<hbm>>
      %dma_wait3A_52 = arith.constant 0 : i32
      %dma_wait3A_53 = arith.constant 0 : i32
      %dma_wait3A_54 = tpu.memref_slice %arg5[%arg0, %dma_wait3A_52, %dma_wait3A_53] : memref<2x10240x128xf32, #tpu.memory_space<hbm>> -> memref<1x10240x128xf32, #tpu.memory_space<hbm>>
      %dma_wait3A_55 = tpu.memref_squeeze %dma_wait3A_54 : memref<1x10240x128xf32, #tpu.memory_space<hbm>> -> memref<10240x128xf32, #tpu.memory_space<hbm>>
      %dma_wait3A_56 = arith.constant 0 : i32
      %dma_wait3A_57 = tpu.memref_slice %dma_wait3A_55[%add3A_29, %dma_wait3A_56] : memref<10240x128xf32, #tpu.memory_space<hbm>> -> memref<128x128xf32, #tpu.memory_space<hbm>>
      tpu.wait_dma2 semaphore(%run_scoped3A : memref<!tpu.dma_semaphore, #tpu.memory_space<semaphore_mem>>) src(%arg11 : memref<128x128xf32, #tpu.memory_space<vmem>>) dst(%dma_wait3A_57 : memref<128x128xf32, #tpu.memory_space<hbm>>)
      tpu.yield
    }) : () -> ()
    %add3A_30 = arith.constant 256 : i32
    %add3A_31 = arith.addi %mul3A_0, %add3A_30 : i32
    "tpu.region"() ({
      %run_scoped3A = tpu.sem_alloc : memref<!tpu.dma_semaphore, #tpu.memory_space<semaphore_mem>>
      %dma_start3A = arith.constant 0 : i32
      %dma_start3A_36 = tpu.memref_slice %arg6[%add3A_31, %dma_start3A] : memref<10240x128xf32, #tpu.memory_space<vmem_shared>> -> memref<128x128xf32, #tpu.memory_space<vmem_shared>>
      %dma_start3A_37 = arith.constant 0 : i32
      %dma_start3A_38 = tpu.memref_slice %arg6[%add3A_31, %dma_start3A_37] : memref<10240x128xf32, #tpu.memory_space<vmem_shared>> -> memref<128x128xf32, #tpu.memory_space<vmem_shared>>
      tpu.enqueue_dma source(%dma_start3A_38 : memref<128x128xf32, #tpu.memory_space<vmem_shared>>) target(%arg11 : memref<128x128xf32, #tpu.memory_space<vmem>>) target_semaphore(%run_scoped3A : memref<!tpu.dma_semaphore, #tpu.memory_space<semaphore_mem>>)
      %dma_wait3A = arith.constant 0 : i32
      %dma_wait3A_39 = tpu.memref_slice %arg6[%add3A_31, %dma_wait3A] : memref<10240x128xf32, #tpu.memory_space<vmem_shared>> -> memref<128x128xf32, #tpu.memory_space<vmem_shared>>
      %dma_wait3A_40 = arith.constant 0 : i32
      %dma_wait3A_41 = tpu.memref_slice %arg6[%add3A_31, %dma_wait3A_40] : memref<10240x128xf32, #tpu.memory_space<vmem_shared>> -> memref<128x128xf32, #tpu.memory_space<vmem_shared>>
      tpu.wait_dma2 semaphore(%run_scoped3A : memref<!tpu.dma_semaphore, #tpu.memory_space<semaphore_mem>>) src(%dma_wait3A_41 : memref<128x128xf32, #tpu.memory_space<vmem_shared>>) dst(%arg11 : memref<128x128xf32, #tpu.memory_space<vmem>>)
      tpu.yield
    }) : () -> ()
    "tpu.region"() ({
      %run_scoped3A = tpu.sem_alloc : memref<!tpu.dma_semaphore, #tpu.memory_space<semaphore_mem>>
      %dma_start3A = arith.constant 0 : i32
      %dma_start3A_36 = arith.constant 0 : i32
      %dma_start3A_37 = tpu.memref_slice %arg5[%arg0, %dma_start3A, %dma_start3A_36] : memref<2x10240x128xf32, #tpu.memory_space<hbm>> -> memref<1x10240x128xf32, #tpu.memory_space<hbm>>
      %dma_start3A_38 = tpu.memref_squeeze %dma_start3A_37 : memref<1x10240x128xf32, #tpu.memory_space<hbm>> -> memref<10240x128xf32, #tpu.memory_space<hbm>>
      %dma_start3A_39 = arith.constant 0 : i32
      %dma_start3A_40 = tpu.memref_slice %dma_start3A_38[%add3A_31, %dma_start3A_39] : memref<10240x128xf32, #tpu.memory_space<hbm>> -> memref<128x128xf32, #tpu.memory_space<hbm>>
      %dma_start3A_41 = arith.constant 0 : i32
      %dma_start3A_42 = arith.constant 0 : i32
      %dma_start3A_43 = tpu.memref_slice %arg5[%arg0, %dma_start3A_41, %dma_start3A_42] : memref<2x10240x128xf32, #tpu.memory_space<hbm>> -> memref<1x10240x128xf32, #tpu.memory_space<hbm>>
      %dma_start3A_44 = tpu.memref_squeeze %dma_start3A_43 : memref<1x10240x128xf32, #tpu.memory_space<hbm>> -> memref<10240x128xf32, #tpu.memory_space<hbm>>
      %dma_start3A_45 = arith.constant 0 : i32
      %dma_start3A_46 = tpu.memref_slice %dma_start3A_44[%add3A_31, %dma_start3A_45] : memref<10240x128xf32, #tpu.memory_space<hbm>> -> memref<128x128xf32, #tpu.memory_space<hbm>>
      tpu.enqueue_dma source(%arg11 : memref<128x128xf32, #tpu.memory_space<vmem>>) target(%dma_start3A_46 : memref<128x128xf32, #tpu.memory_space<hbm>>) target_semaphore(%run_scoped3A : memref<!tpu.dma_semaphore, #tpu.memory_space<semaphore_mem>>)
      %dma_wait3A = arith.constant 0 : i32
      %dma_wait3A_47 = arith.constant 0 : i32
      %dma_wait3A_48 = tpu.memref_slice %arg5[%arg0, %dma_wait3A, %dma_wait3A_47] : memref<2x10240x128xf32, #tpu.memory_space<hbm>> -> memref<1x10240x128xf32, #tpu.memory_space<hbm>>
      %dma_wait3A_49 = tpu.memref_squeeze %dma_wait3A_48 : memref<1x10240x128xf32, #tpu.memory_space<hbm>> -> memref<10240x128xf32, #tpu.memory_space<hbm>>
      %dma_wait3A_50 = arith.constant 0 : i32
      %dma_wait3A_51 = tpu.memref_slice %dma_wait3A_49[%add3A_31, %dma_wait3A_50] : memref<10240x128xf32, #tpu.memory_space<hbm>> -> memref<128x128xf32, #tpu.memory_space<hbm>>
      %dma_wait3A_52 = arith.constant 0 : i32
      %dma_wait3A_53 = arith.constant 0 : i32
      %dma_wait3A_54 = tpu.memref_slice %arg5[%arg0, %dma_wait3A_52, %dma_wait3A_53] : memref<2x10240x128xf32, #tpu.memory_space<hbm>> -> memref<1x10240x128xf32, #tpu.memory_space<hbm>>
      %dma_wait3A_55 = tpu.memref_squeeze %dma_wait3A_54 : memref<1x10240x128xf32, #tpu.memory_space<hbm>> -> memref<10240x128xf32, #tpu.memory_space<hbm>>
      %dma_wait3A_56 = arith.constant 0 : i32
      %dma_wait3A_57 = tpu.memref_slice %dma_wait3A_55[%add3A_31, %dma_wait3A_56] : memref<10240x128xf32, #tpu.memory_space<hbm>> -> memref<128x128xf32, #tpu.memory_space<hbm>>
      tpu.wait_dma2 semaphore(%run_scoped3A : memref<!tpu.dma_semaphore, #tpu.memory_space<semaphore_mem>>) src(%arg11 : memref<128x128xf32, #tpu.memory_space<vmem>>) dst(%dma_wait3A_57 : memref<128x128xf32, #tpu.memory_space<hbm>>)
      tpu.yield
    }) : () -> ()
    %add3A_32 = arith.constant 384 : i32
    %add3A_33 = arith.addi %mul3A_0, %add3A_32 : i32
    "tpu.region"() ({
      %run_scoped3A = tpu.sem_alloc : memref<!tpu.dma_semaphore, #tpu.memory_space<semaphore_mem>>
      %dma_start3A = arith.constant 0 : i32
      %dma_start3A_36 = tpu.memref_slice %arg6[%add3A_33, %dma_start3A] : memref<10240x128xf32, #tpu.memory_space<vmem_shared>> -> memref<128x128xf32, #tpu.memory_space<vmem_shared>>
      %dma_start3A_37 = arith.constant 0 : i32
      %dma_start3A_38 = tpu.memref_slice %arg6[%add3A_33, %dma_start3A_37] : memref<10240x128xf32, #tpu.memory_space<vmem_shared>> -> memref<128x128xf32, #tpu.memory_space<vmem_shared>>
      tpu.enqueue_dma source(%dma_start3A_38 : memref<128x128xf32, #tpu.memory_space<vmem_shared>>) target(%arg11 : memref<128x128xf32, #tpu.memory_space<vmem>>) target_semaphore(%run_scoped3A : memref<!tpu.dma_semaphore, #tpu.memory_space<semaphore_mem>>)
      %dma_wait3A = arith.constant 0 : i32
      %dma_wait3A_39 = tpu.memref_slice %arg6[%add3A_33, %dma_wait3A] : memref<10240x128xf32, #tpu.memory_space<vmem_shared>> -> memref<128x128xf32, #tpu.memory_space<vmem_shared>>
      %dma_wait3A_40 = arith.constant 0 : i32
      %dma_wait3A_41 = tpu.memref_slice %arg6[%add3A_33, %dma_wait3A_40] : memref<10240x128xf32, #tpu.memory_space<vmem_shared>> -> memref<128x128xf32, #tpu.memory_space<vmem_shared>>
      tpu.wait_dma2 semaphore(%run_scoped3A : memref<!tpu.dma_semaphore, #tpu.memory_space<semaphore_mem>>) src(%dma_wait3A_41 : memref<128x128xf32, #tpu.memory_space<vmem_shared>>) dst(%arg11 : memref<128x128xf32, #tpu.memory_space<vmem>>)
      tpu.yield
    }) : () -> ()
    "tpu.region"() ({
      %run_scoped3A = tpu.sem_alloc : memref<!tpu.dma_semaphore, #tpu.memory_space<semaphore_mem>>
      %dma_start3A = arith.constant 0 : i32
      %dma_start3A_36 = arith.constant 0 : i32
      %dma_start3A_37 = tpu.memref_slice %arg5[%arg0, %dma_start3A, %dma_start3A_36] : memref<2x10240x128xf32, #tpu.memory_space<hbm>> -> memref<1x10240x128xf32, #tpu.memory_space<hbm>>
      %dma_start3A_38 = tpu.memref_squeeze %dma_start3A_37 : memref<1x10240x128xf32, #tpu.memory_space<hbm>> -> memref<10240x128xf32, #tpu.memory_space<hbm>>
      %dma_start3A_39 = arith.constant 0 : i32
      %dma_start3A_40 = tpu.memref_slice %dma_start3A_38[%add3A_33, %dma_start3A_39] : memref<10240x128xf32, #tpu.memory_space<hbm>> -> memref<128x128xf32, #tpu.memory_space<hbm>>
      %dma_start3A_41 = arith.constant 0 : i32
      %dma_start3A_42 = arith.constant 0 : i32
      %dma_start3A_43 = tpu.memref_slice %arg5[%arg0, %dma_start3A_41, %dma_start3A_42] : memref<2x10240x128xf32, #tpu.memory_space<hbm>> -> memref<1x10240x128xf32, #tpu.memory_space<hbm>>
      %dma_start3A_44 = tpu.memref_squeeze %dma_start3A_43 : memref<1x10240x128xf32, #tpu.memory_space<hbm>> -> memref<10240x128xf32, #tpu.memory_space<hbm>>
      %dma_start3A_45 = arith.constant 0 : i32
      %dma_start3A_46 = tpu.memref_slice %dma_start3A_44[%add3A_33, %dma_start3A_45] : memref<10240x128xf32, #tpu.memory_space<hbm>> -> memref<128x128xf32, #tpu.memory_space<hbm>>
      tpu.enqueue_dma source(%arg11 : memref<128x128xf32, #tpu.memory_space<vmem>>) target(%dma_start3A_46 : memref<128x128xf32, #tpu.memory_space<hbm>>) target_semaphore(%run_scoped3A : memref<!tpu.dma_semaphore, #tpu.memory_space<semaphore_mem>>)
      %dma_wait3A = arith.constant 0 : i32
      %dma_wait3A_47 = arith.constant 0 : i32
      %dma_wait3A_48 = tpu.memref_slice %arg5[%arg0, %dma_wait3A, %dma_wait3A_47] : memref<2x10240x128xf32, #tpu.memory_space<hbm>> -> memref<1x10240x128xf32, #tpu.memory_space<hbm>>
      %dma_wait3A_49 = tpu.memref_squeeze %dma_wait3A_48 : memref<1x10240x128xf32, #tpu.memory_space<hbm>> -> memref<10240x128xf32, #tpu.memory_space<hbm>>
      %dma_wait3A_50 = arith.constant 0 : i32
      %dma_wait3A_51 = tpu.memref_slice %dma_wait3A_49[%add3A_33, %dma_wait3A_50] : memref<10240x128xf32, #tpu.memory_space<hbm>> -> memref<128x128xf32, #tpu.memory_space<hbm>>
      %dma_wait3A_52 = arith.constant 0 : i32
      %dma_wait3A_53 = arith.constant 0 : i32
      %dma_wait3A_54 = tpu.memref_slice %arg5[%arg0, %dma_wait3A_52, %dma_wait3A_53] : memref<2x10240x128xf32, #tpu.memory_space<hbm>> -> memref<1x10240x128xf32, #tpu.memory_space<hbm>>
      %dma_wait3A_55 = tpu.memref_squeeze %dma_wait3A_54 : memref<1x10240x128xf32, #tpu.memory_space<hbm>> -> memref<10240x128xf32, #tpu.memory_space<hbm>>
      %dma_wait3A_56 = arith.constant 0 : i32
      %dma_wait3A_57 = tpu.memref_slice %dma_wait3A_55[%add3A_33, %dma_wait3A_56] : memref<10240x128xf32, #tpu.memory_space<hbm>> -> memref<128x128xf32, #tpu.memory_space<hbm>>
      tpu.wait_dma2 semaphore(%run_scoped3A : memref<!tpu.dma_semaphore, #tpu.memory_space<semaphore_mem>>) src(%arg11 : memref<128x128xf32, #tpu.memory_space<vmem>>) dst(%dma_wait3A_57 : memref<128x128xf32, #tpu.memory_space<hbm>>)
      tpu.yield
    }) : () -> ()
    %add3A_34 = arith.constant 512 : i32
    %add3A_35 = arith.addi %mul3A_0, %add3A_34 : i32
    "tpu.region"() ({
      %run_scoped3A = tpu.sem_alloc : memref<!tpu.dma_semaphore, #tpu.memory_space<semaphore_mem>>
      %dma_start3A = arith.constant 0 : i32
      %dma_start3A_36 = tpu.memref_slice %arg6[%add3A_35, %dma_start3A] : memref<10240x128xf32, #tpu.memory_space<vmem_shared>> -> memref<128x128xf32, #tpu.memory_space<vmem_shared>>
      %dma_start3A_37 = arith.constant 0 : i32
      %dma_start3A_38 = tpu.memref_slice %arg6[%add3A_35, %dma_start3A_37] : memref<10240x128xf32, #tpu.memory_space<vmem_shared>> -> memref<128x128xf32, #tpu.memory_space<vmem_shared>>
      tpu.enqueue_dma source(%dma_start3A_38 : memref<128x128xf32, #tpu.memory_space<vmem_shared>>) target(%arg11 : memref<128x128xf32, #tpu.memory_space<vmem>>) target_semaphore(%run_scoped3A : memref<!tpu.dma_semaphore, #tpu.memory_space<semaphore_mem>>)
      %dma_wait3A = arith.constant 0 : i32
      %dma_wait3A_39 = tpu.memref_slice %arg6[%add3A_35, %dma_wait3A] : memref<10240x128xf32, #tpu.memory_space<vmem_shared>> -> memref<128x128xf32, #tpu.memory_space<vmem_shared>>
      %dma_wait3A_40 = arith.constant 0 : i32
      %dma_wait3A_41 = tpu.memref_slice %arg6[%add3A_35, %dma_wait3A_40] : memref<10240x128xf32, #tpu.memory_space<vmem_shared>> -> memref<128x128xf32, #tpu.memory_space<vmem_shared>>
      tpu.wait_dma2 semaphore(%run_scoped3A : memref<!tpu.dma_semaphore, #tpu.memory_space<semaphore_mem>>) src(%dma_wait3A_41 : memref<128x128xf32, #tpu.memory_space<vmem_shared>>) dst(%arg11 : memref<128x128xf32, #tpu.memory_space<vmem>>)
      tpu.yield
    }) : () -> ()
    "tpu.region"() ({
      %run_scoped3A = tpu.sem_alloc : memref<!tpu.dma_semaphore, #tpu.memory_space<semaphore_mem>>
      %dma_start3A = arith.constant 0 : i32
      %dma_start3A_36 = arith.constant 0 : i32
      %dma_start3A_37 = tpu.memref_slice %arg5[%arg0, %dma_start3A, %dma_start3A_36] : memref<2x10240x128xf32, #tpu.memory_space<hbm>> -> memref<1x10240x128xf32, #tpu.memory_space<hbm>>
      %dma_start3A_38 = tpu.memref_squeeze %dma_start3A_37 : memref<1x10240x128xf32, #tpu.memory_space<hbm>> -> memref<10240x128xf32, #tpu.memory_space<hbm>>
      %dma_start3A_39 = arith.constant 0 : i32
      %dma_start3A_40 = tpu.memref_slice %dma_start3A_38[%add3A_35, %dma_start3A_39] : memref<10240x128xf32, #tpu.memory_space<hbm>> -> memref<128x128xf32, #tpu.memory_space<hbm>>
      %dma_start3A_41 = arith.constant 0 : i32
      %dma_start3A_42 = arith.constant 0 : i32
      %dma_start3A_43 = tpu.memref_slice %arg5[%arg0, %dma_start3A_41, %dma_start3A_42] : memref<2x10240x128xf32, #tpu.memory_space<hbm>> -> memref<1x10240x128xf32, #tpu.memory_space<hbm>>
      %dma_start3A_44 = tpu.memref_squeeze %dma_start3A_43 : memref<1x10240x128xf32, #tpu.memory_space<hbm>> -> memref<10240x128xf32, #tpu.memory_space<hbm>>
      %dma_start3A_45 = arith.constant 0 : i32
      %dma_start3A_46 = tpu.memref_slice %dma_start3A_44[%add3A_35, %dma_start3A_45] : memref<10240x128xf32, #tpu.memory_space<hbm>> -> memref<128x128xf32, #tpu.memory_space<hbm>>
      tpu.enqueue_dma source(%arg11 : memref<128x128xf32, #tpu.memory_space<vmem>>) target(%dma_start3A_46 : memref<128x128xf32, #tpu.memory_space<hbm>>) target_semaphore(%run_scoped3A : memref<!tpu.dma_semaphore, #tpu.memory_space<semaphore_mem>>)
      %dma_wait3A = arith.constant 0 : i32
      %dma_wait3A_47 = arith.constant 0 : i32
      %dma_wait3A_48 = tpu.memref_slice %arg5[%arg0, %dma_wait3A, %dma_wait3A_47] : memref<2x10240x128xf32, #tpu.memory_space<hbm>> -> memref<1x10240x128xf32, #tpu.memory_space<hbm>>
      %dma_wait3A_49 = tpu.memref_squeeze %dma_wait3A_48 : memref<1x10240x128xf32, #tpu.memory_space<hbm>> -> memref<10240x128xf32, #tpu.memory_space<hbm>>
      %dma_wait3A_50 = arith.constant 0 : i32
      %dma_wait3A_51 = tpu.memref_slice %dma_wait3A_49[%add3A_35, %dma_wait3A_50] : memref<10240x128xf32, #tpu.memory_space<hbm>> -> memref<128x128xf32, #tpu.memory_space<hbm>>
      %dma_wait3A_52 = arith.constant 0 : i32
      %dma_wait3A_53 = arith.constant 0 : i32
      %dma_wait3A_54 = tpu.memref_slice %arg5[%arg0, %dma_wait3A_52, %dma_wait3A_53] : memref<2x10240x128xf32, #tpu.memory_space<hbm>> -> memref<1x10240x128xf32, #tpu.memory_space<hbm>>
      %dma_wait3A_55 = tpu.memref_squeeze %dma_wait3A_54 : memref<1x10240x128xf32, #tpu.memory_space<hbm>> -> memref<10240x128xf32, #tpu.memory_space<hbm>>
      %dma_wait3A_56 = arith.constant 0 : i32
      %dma_wait3A_57 = tpu.memref_slice %dma_wait3A_55[%add3A_35, %dma_wait3A_56] : memref<10240x128xf32, #tpu.memory_space<hbm>> -> memref<128x128xf32, #tpu.memory_space<hbm>>
      tpu.wait_dma2 semaphore(%run_scoped3A : memref<!tpu.dma_semaphore, #tpu.memory_space<semaphore_mem>>) src(%arg11 : memref<128x128xf32, #tpu.memory_space<vmem>>) dst(%dma_wait3A_57 : memref<128x128xf32, #tpu.memory_space<hbm>>)
      tpu.yield
    }) : () -> ()
    return
  }
}

#map = affine_map<(d0, d1) -> (0, 0, 0)>
#map1 = affine_map<(d0, d1) -> (0)>
module attributes {stable_mosaic.version = 14 : i64} {
  func.func @k(%arg0: i32, %arg1: i32, %arg2: memref<2x10240x128xf32, #tpu.memory_space<hbm>>, %arg3: memref<160000xi32, #tpu.memory_space<hbm>>, %arg4: memref<160000xi32, #tpu.memory_space<hbm>>, %arg5: memref<2x10240x128xf32, #tpu.memory_space<hbm>>, %arg6: memref<10240x128xf32, #tpu.memory_space<vmem_shared>>, %arg7: memref<10240x16xf32, #tpu.memory_space<vmem_shared>>, %arg8: memref<80xi32, #tpu.memory_space<vmem>>, %arg9: memref<80xi32, #tpu.memory_space<vmem>>, %arg10: memref<80x128xf32, #tpu.memory_space<vmem>>, %arg11: memref<128x128xf32, #tpu.memory_space<vmem>>, %arg12: memref<640x16xf32, #tpu.memory_space<vmem>>, %arg13: memref<80x16xf32, #tpu.memory_space<vmem>>) attributes {dimension_semantics = [#tpu.dimension_semantics<core_parallel>, #tpu.dimension_semantics<subcore_parallel>], iteration_bounds = array<i64: 2, 16>, scalar_prefetch = 0 : i64, scratch_operands = 8 : i64, tpu.core_type = #tpu.core_type<sc_vector_subcore>, window_params = [{transform_indices = #map}, {transform_indices = #map1}, {transform_indices = #map1}, {transform_indices = #map}]} {
    %mul3A = arith.constant 640 : i32
    %mul3A_0 = arith.muli %arg1, %mul3A : i32
    %scan3A = arith.constant 0 : i32
    %scan3A_1 = arith.constant 0 : i32
    %scan3A_2 = arith.constant 128 : i32
    %scan3A_3 = arith.addi %scan3A_1, %scan3A_2 : i32
    %scan3A_4 = arith.constant 1 : i32
    %scan3A_5 = scf.for %scan3A_36 = %scan3A_1 to %scan3A_3 step %scan3A_4 iter_args(%scan3A_37 = %scan3A) -> (i32)  : i32 {
      %broadcast_in_dim3A = arith.constant 0.000000e+00 : f32
      %broadcast_in_dim3A_38 = vector.broadcast %broadcast_in_dim3A : f32 to vector<16xf32>
      %swap3A = arith.index_cast %scan3A_36 : i32 to index
      %swap3A_39 = arith.constant 0 : index
      %swap3A_40 = tpu.vector_load %arg11[%swap3A, %swap3A_39] {strides = array<i32>} : memref<128x128xf32, #tpu.memory_space<vmem>>, vector<1x16xf32>,
      %swap3A_41 = vector.shape_cast %swap3A_40 : vector<1x16xf32> to vector<16xf32>
      %swap3A_42 = vector.shape_cast %broadcast_in_dim3A_38 : vector<16xf32> to vector<1x16xf32>
      tpu.vector_store %arg11[%swap3A, %swap3A_39], %swap3A_42 {strides = array<i32>} : memref<128x128xf32, #tpu.memory_space<vmem>>, vector<1x16xf32>,
      %broadcast_in_dim3A_43 = arith.constant 0.000000e+00 : f32
      %broadcast_in_dim3A_44 = vector.broadcast %broadcast_in_dim3A_43 : f32 to vector<16xf32>
      %swap3A_45 = arith.index_cast %scan3A_36 : i32 to index
      %swap3A_46 = arith.constant 16 : index
      %swap3A_47 = tpu.vector_load %arg11[%swap3A_45, %swap3A_46] {strides = array<i32>} : memref<128x128xf32, #tpu.memory_space<vmem>>, vector<1x16xf32>,
      %swap3A_48 = vector.shape_cast %swap3A_47 : vector<1x16xf32> to vector<16xf32>
      %swap3A_49 = vector.shape_cast %broadcast_in_dim3A_44 : vector<16xf32> to vector<1x16xf32>
      tpu.vector_store %arg11[%swap3A_45, %swap3A_46], %swap3A_49 {strides = array<i32>} : memref<128x128xf32, #tpu.memory_space<vmem>>, vector<1x16xf32>,
      %broadcast_in_dim3A_50 = arith.constant 0.000000e+00 : f32
      %broadcast_in_dim3A_51 = vector.broadcast %broadcast_in_dim3A_50 : f32 to vector<16xf32>
      %swap3A_52 = arith.index_cast %scan3A_36 : i32 to index
      %swap3A_53 = arith.constant 32 : index
      %swap3A_54 = tpu.vector_load %arg11[%swap3A_52, %swap3A_53] {strides = array<i32>} : memref<128x128xf32, #tpu.memory_space<vmem>>, vector<1x16xf32>,
      %swap3A_55 = vector.shape_cast %swap3A_54 : vector<1x16xf32> to vector<16xf32>
      %swap3A_56 = vector.shape_cast %broadcast_in_dim3A_51 : vector<16xf32> to vector<1x16xf32>
      tpu.vector_store %arg11[%swap3A_52, %swap3A_53], %swap3A_56 {strides = array<i32>} : memref<128x128xf32, #tpu.memory_space<vmem>>, vector<1x16xf32>,
      %broadcast_in_dim3A_57 = arith.constant 0.000000e+00 : f32
      %broadcast_in_dim3A_58 = vector.broadcast %broadcast_in_dim3A_57 : f32 to vector<16xf32>
      %swap3A_59 = arith.index_cast %scan3A_36 : i32 to index
      %swap3A_60 = arith.constant 48 : index
      %swap3A_61 = tpu.vector_load %arg11[%swap3A_59, %swap3A_60] {strides = array<i32>} : memref<128x128xf32, #tpu.memory_space<vmem>>, vector<1x16xf32>,
      %swap3A_62 = vector.shape_cast %swap3A_61 : vector<1x16xf32> to vector<16xf32>
      %swap3A_63 = vector.shape_cast %broadcast_in_dim3A_58 : vector<16xf32> to vector<1x16xf32>
      tpu.vector_store %arg11[%swap3A_59, %swap3A_60], %swap3A_63 {strides = array<i32>} : memref<128x128xf32, #tpu.memory_space<vmem>>, vector<1x16xf32>,
      %broadcast_in_dim3A_64 = arith.constant 0.000000e+00 : f32
      %broadcast_in_dim3A_65 = vector.broadcast %broadcast_in_dim3A_64 : f32 to vector<16xf32>
      %swap3A_66 = arith.index_cast %scan3A_36 : i32 to index
      %swap3A_67 = arith.constant 64 : index
      %swap3A_68 = tpu.vector_load %arg11[%swap3A_66, %swap3A_67] {strides = array<i32>} : memref<128x128xf32, #tpu.memory_space<vmem>>, vector<1x16xf32>,
      %swap3A_69 = vector.shape_cast %swap3A_68 : vector<1x16xf32> to vector<16xf32>
      %swap3A_70 = vector.shape_cast %broadcast_in_dim3A_65 : vector<16xf32> to vector<1x16xf32>
      tpu.vector_store %arg11[%swap3A_66, %swap3A_67], %swap3A_70 {strides = array<i32>} : memref<128x128xf32, #tpu.memory_space<vmem>>, vector<1x16xf32>,
      %broadcast_in_dim3A_71 = arith.constant 0.000000e+00 : f32
      %broadcast_in_dim3A_72 = vector.broadcast %broadcast_in_dim3A_71 : f32 to vector<16xf32>
      %swap3A_73 = arith.index_cast %scan3A_36 : i32 to index
      %swap3A_74 = arith.constant 80 : index
      %swap3A_75 = tpu.vector_load %arg11[%swap3A_73, %swap3A_74] {strides = array<i32>} : memref<128x128xf32, #tpu.memory_space<vmem>>, vector<1x16xf32>,
      %swap3A_76 = vector.shape_cast %swap3A_75 : vector<1x16xf32> to vector<16xf32>
      %swap3A_77 = vector.shape_cast %broadcast_in_dim3A_72 : vector<16xf32> to vector<1x16xf32>
      tpu.vector_store %arg11[%swap3A_73, %swap3A_74], %swap3A_77 {strides = array<i32>} : memref<128x128xf32, #tpu.memory_space<vmem>>, vector<1x16xf32>,
      %broadcast_in_dim3A_78 = arith.constant 0.000000e+00 : f32
      %broadcast_in_dim3A_79 = vector.broadcast %broadcast_in_dim3A_78 : f32 to vector<16xf32>
      %swap3A_80 = arith.index_cast %scan3A_36 : i32 to index
      %swap3A_81 = arith.constant 96 : index
      %swap3A_82 = tpu.vector_load %arg11[%swap3A_80, %swap3A_81] {strides = array<i32>} : memref<128x128xf32, #tpu.memory_space<vmem>>, vector<1x16xf32>,
      %swap3A_83 = vector.shape_cast %swap3A_82 : vector<1x16xf32> to vector<16xf32>
      %swap3A_84 = vector.shape_cast %broadcast_in_dim3A_79 : vector<16xf32> to vector<1x16xf32>
      tpu.vector_store %arg11[%swap3A_80, %swap3A_81], %swap3A_84 {strides = array<i32>} : memref<128x128xf32, #tpu.memory_space<vmem>>, vector<1x16xf32>,
      %broadcast_in_dim3A_85 = arith.constant 0.000000e+00 : f32
      %broadcast_in_dim3A_86 = vector.broadcast %broadcast_in_dim3A_85 : f32 to vector<16xf32>
      %swap3A_87 = arith.index_cast %scan3A_36 : i32 to index
      %swap3A_88 = arith.constant 112 : index
      %swap3A_89 = tpu.vector_load %arg11[%swap3A_87, %swap3A_88] {strides = array<i32>} : memref<128x128xf32, #tpu.memory_space<vmem>>, vector<1x16xf32>,
      %swap3A_90 = vector.shape_cast %swap3A_89 : vector<1x16xf32> to vector<16xf32>
      %swap3A_91 = vector.shape_cast %broadcast_in_dim3A_86 : vector<16xf32> to vector<1x16xf32>
      tpu.vector_store %arg11[%swap3A_87, %swap3A_88], %swap3A_91 {strides = array<i32>} : memref<128x128xf32, #tpu.memory_space<vmem>>, vector<1x16xf32>,
      %scan3A_92 = arith.constant 0 : i32
      scf.yield %scan3A_92 : i32
    }
    %scan3A_6 = arith.constant 128 : i32
    %add3A = arith.constant 0 : i32
    %add3A_7 = arith.addi %mul3A_0, %add3A : i32
    "tpu.region"() ({
      %run_scoped3A = tpu.sem_alloc : memref<!tpu.dma_semaphore, #tpu.memory_space<semaphore_mem>>
      %dma_start3A = arith.constant 0 : i32
      %dma_start3A_36 = tpu.memref_slice %arg6[%add3A_7, %dma_start3A] : memref<10240x128xf32, #tpu.memory_space<vmem_shared>> -> memref<128x128xf32, #tpu.memory_space<vmem_shared>>
      %dma_start3A_37 = arith.constant 0 : i32
      %dma_start3A_38 = tpu.memref_slice %arg6[%add3A_7, %dma_start3A_37] : memref<10240x128xf32, #tpu.memory_space<vmem_shared>> -> memref<128x128xf32, #tpu.memory_space<vmem_shared>>
      tpu.enqueue_dma source(%arg11 : memref<128x128xf32, #tpu.memory_space<vmem>>) target(%dma_start3A_38 : memref<128x128xf32, #tpu.memory_space<vmem_shared>>) target_semaphore(%run_scoped3A : memref<!tpu.dma_semaphore, #tpu.memory_space<semaphore_mem>>)
      %dma_wait3A = arith.constant 0 : i32
      %dma_wait3A_39 = tpu.memref_slice %arg6[%add3A_7, %dma_wait3A] : memref<10240x128xf32, #tpu.memory_space<vmem_shared>> -> memref<128x128xf32, #tpu.memory_space<vmem_shared>>
      %dma_wait3A_40 = arith.constant 0 : i32
      %dma_wait3A_41 = tpu.memref_slice %arg6[%add3A_7, %dma_wait3A_40] : memref<10240x128xf32, #tpu.memory_space<vmem_shared>> -> memref<128x128xf32, #tpu.memory_space<vmem_shared>>
      tpu.wait_dma2 semaphore(%run_scoped3A : memref<!tpu.dma_semaphore, #tpu.memory_space<semaphore_mem>>) src(%arg11 : memref<128x128xf32, #tpu.memory_space<vmem>>) dst(%dma_wait3A_41 : memref<128x128xf32, #tpu.memory_space<vmem_shared>>)
      tpu.yield
    }) : () -> ()
    %add3A_8 = arith.constant 128 : i32
    %add3A_9 = arith.addi %mul3A_0, %add3A_8 : i32
    "tpu.region"() ({
      %run_scoped3A = tpu.sem_alloc : memref<!tpu.dma_semaphore, #tpu.memory_space<semaphore_mem>>
      %dma_start3A = arith.constant 0 : i32
      %dma_start3A_36 = tpu.memref_slice %arg6[%add3A_9, %dma_start3A] : memref<10240x128xf32, #tpu.memory_space<vmem_shared>> -> memref<128x128xf32, #tpu.memory_space<vmem_shared>>
      %dma_start3A_37 = arith.constant 0 : i32
      %dma_start3A_38 = tpu.memref_slice %arg6[%add3A_9, %dma_start3A_37] : memref<10240x128xf32, #tpu.memory_space<vmem_shared>> -> memref<128x128xf32, #tpu.memory_space<vmem_shared>>
      tpu.enqueue_dma source(%arg11 : memref<128x128xf32, #tpu.memory_space<vmem>>) target(%dma_start3A_38 : memref<128x128xf32, #tpu.memory_space<vmem_shared>>) target_semaphore(%run_scoped3A : memref<!tpu.dma_semaphore, #tpu.memory_space<semaphore_mem>>)
      %dma_wait3A = arith.constant 0 : i32
      %dma_wait3A_39 = tpu.memref_slice %arg6[%add3A_9, %dma_wait3A] : memref<10240x128xf32, #tpu.memory_space<vmem_shared>> -> memref<128x128xf32, #tpu.memory_space<vmem_shared>>
      %dma_wait3A_40 = arith.constant 0 : i32
      %dma_wait3A_41 = tpu.memref_slice %arg6[%add3A_9, %dma_wait3A_40] : memref<10240x128xf32, #tpu.memory_space<vmem_shared>> -> memref<128x128xf32, #tpu.memory_space<vmem_shared>>
      tpu.wait_dma2 semaphore(%run_scoped3A : memref<!tpu.dma_semaphore, #tpu.memory_space<semaphore_mem>>) src(%arg11 : memref<128x128xf32, #tpu.memory_space<vmem>>) dst(%dma_wait3A_41 : memref<128x128xf32, #tpu.memory_space<vmem_shared>>)
      tpu.yield
    }) : () -> ()
    %add3A_10 = arith.constant 256 : i32
    %add3A_11 = arith.addi %mul3A_0, %add3A_10 : i32
    "tpu.region"() ({
      %run_scoped3A = tpu.sem_alloc : memref<!tpu.dma_semaphore, #tpu.memory_space<semaphore_mem>>
      %dma_start3A = arith.constant 0 : i32
      %dma_start3A_36 = tpu.memref_slice %arg6[%add3A_11, %dma_start3A] : memref<10240x128xf32, #tpu.memory_space<vmem_shared>> -> memref<128x128xf32, #tpu.memory_space<vmem_shared>>
      %dma_start3A_37 = arith.constant 0 : i32
      %dma_start3A_38 = tpu.memref_slice %arg6[%add3A_11, %dma_start3A_37] : memref<10240x128xf32, #tpu.memory_space<vmem_shared>> -> memref<128x128xf32, #tpu.memory_space<vmem_shared>>
      tpu.enqueue_dma source(%arg11 : memref<128x128xf32, #tpu.memory_space<vmem>>) target(%dma_start3A_38 : memref<128x128xf32, #tpu.memory_space<vmem_shared>>) target_semaphore(%run_scoped3A : memref<!tpu.dma_semaphore, #tpu.memory_space<semaphore_mem>>)
      %dma_wait3A = arith.constant 0 : i32
      %dma_wait3A_39 = tpu.memref_slice %arg6[%add3A_11, %dma_wait3A] : memref<10240x128xf32, #tpu.memory_space<vmem_shared>> -> memref<128x128xf32, #tpu.memory_space<vmem_shared>>
      %dma_wait3A_40 = arith.constant 0 : i32
      %dma_wait3A_41 = tpu.memref_slice %arg6[%add3A_11, %dma_wait3A_40] : memref<10240x128xf32, #tpu.memory_space<vmem_shared>> -> memref<128x128xf32, #tpu.memory_space<vmem_shared>>
      tpu.wait_dma2 semaphore(%run_scoped3A : memref<!tpu.dma_semaphore, #tpu.memory_space<semaphore_mem>>) src(%arg11 : memref<128x128xf32, #tpu.memory_space<vmem>>) dst(%dma_wait3A_41 : memref<128x128xf32, #tpu.memory_space<vmem_shared>>)
      tpu.yield
    }) : () -> ()
    %add3A_12 = arith.constant 384 : i32
    %add3A_13 = arith.addi %mul3A_0, %add3A_12 : i32
    "tpu.region"() ({
      %run_scoped3A = tpu.sem_alloc : memref<!tpu.dma_semaphore, #tpu.memory_space<semaphore_mem>>
      %dma_start3A = arith.constant 0 : i32
      %dma_start3A_36 = tpu.memref_slice %arg6[%add3A_13, %dma_start3A] : memref<10240x128xf32, #tpu.memory_space<vmem_shared>> -> memref<128x128xf32, #tpu.memory_space<vmem_shared>>
      %dma_start3A_37 = arith.constant 0 : i32
      %dma_start3A_38 = tpu.memref_slice %arg6[%add3A_13, %dma_start3A_37] : memref<10240x128xf32, #tpu.memory_space<vmem_shared>> -> memref<128x128xf32, #tpu.memory_space<vmem_shared>>
      tpu.enqueue_dma source(%arg11 : memref<128x128xf32, #tpu.memory_space<vmem>>) target(%dma_start3A_38 : memref<128x128xf32, #tpu.memory_space<vmem_shared>>) target_semaphore(%run_scoped3A : memref<!tpu.dma_semaphore, #tpu.memory_space<semaphore_mem>>)
      %dma_wait3A = arith.constant 0 : i32
      %dma_wait3A_39 = tpu.memref_slice %arg6[%add3A_13, %dma_wait3A] : memref<10240x128xf32, #tpu.memory_space<vmem_shared>> -> memref<128x128xf32, #tpu.memory_space<vmem_shared>>
      %dma_wait3A_40 = arith.constant 0 : i32
      %dma_wait3A_41 = tpu.memref_slice %arg6[%add3A_13, %dma_wait3A_40] : memref<10240x128xf32, #tpu.memory_space<vmem_shared>> -> memref<128x128xf32, #tpu.memory_space<vmem_shared>>
      tpu.wait_dma2 semaphore(%run_scoped3A : memref<!tpu.dma_semaphore, #tpu.memory_space<semaphore_mem>>) src(%arg11 : memref<128x128xf32, #tpu.memory_space<vmem>>) dst(%dma_wait3A_41 : memref<128x128xf32, #tpu.memory_space<vmem_shared>>)
      tpu.yield
    }) : () -> ()
    %add3A_14 = arith.constant 512 : i32
    %add3A_15 = arith.addi %mul3A_0, %add3A_14 : i32
    "tpu.region"() ({
      %run_scoped3A = tpu.sem_alloc : memref<!tpu.dma_semaphore, #tpu.memory_space<semaphore_mem>>
      %dma_start3A = arith.constant 0 : i32
      %dma_start3A_36 = tpu.memref_slice %arg6[%add3A_15, %dma_start3A] : memref<10240x128xf32, #tpu.memory_space<vmem_shared>> -> memref<128x128xf32, #tpu.memory_space<vmem_shared>>
      %dma_start3A_37 = arith.constant 0 : i32
      %dma_start3A_38 = tpu.memref_slice %arg6[%add3A_15, %dma_start3A_37] : memref<10240x128xf32, #tpu.memory_space<vmem_shared>> -> memref<128x128xf32, #tpu.memory_space<vmem_shared>>
      tpu.enqueue_dma source(%arg11 : memref<128x128xf32, #tpu.memory_space<vmem>>) target(%dma_start3A_38 : memref<128x128xf32, #tpu.memory_space<vmem_shared>>) target_semaphore(%run_scoped3A : memref<!tpu.dma_semaphore, #tpu.memory_space<semaphore_mem>>)
      %dma_wait3A = arith.constant 0 : i32
      %dma_wait3A_39 = tpu.memref_slice %arg6[%add3A_15, %dma_wait3A] : memref<10240x128xf32, #tpu.memory_space<vmem_shared>> -> memref<128x128xf32, #tpu.memory_space<vmem_shared>>
      %dma_wait3A_40 = arith.constant 0 : i32
      %dma_wait3A_41 = tpu.memref_slice %arg6[%add3A_15, %dma_wait3A_40] : memref<10240x128xf32, #tpu.memory_space<vmem_shared>> -> memref<128x128xf32, #tpu.memory_space<vmem_shared>>
      tpu.wait_dma2 semaphore(%run_scoped3A : memref<!tpu.dma_semaphore, #tpu.memory_space<semaphore_mem>>) src(%arg11 : memref<128x128xf32, #tpu.memory_space<vmem>>) dst(%dma_wait3A_41 : memref<128x128xf32, #tpu.memory_space<vmem_shared>>)
      tpu.yield
    }) : () -> ()
    %barrier3A = arith.constant 0 : index
    tpu.barrier barrier_id(%barrier3A)
    %mul3A_16 = arith.constant 10000 : i32
    %mul3A_17 = arith.muli %arg1, %mul3A_16 : i32
    %scan3A_18 = arith.constant 0 : i32
    %scan3A_19 = arith.constant 0 : i32
    %scan3A_20 = arith.constant 125 : i32
    %scan3A_21 = arith.addi %scan3A_19, %scan3A_20 : i32
    %scan3A_22 = arith.constant 1 : i32
    %scan3A_23 = scf.for %scan3A_36 = %scan3A_19 to %scan3A_21 step %scan3A_22 iter_args(%scan3A_37 = %scan3A_18) -> (i32)  : i32 {
      %mul3A_38 = arith.constant 80 : i32
      %mul3A_39 = arith.muli %scan3A_36, %mul3A_38 : i32
      %add3A_40 = arith.addi %mul3A_17, %mul3A_39 : i32
      "tpu.region"() ({
        %run_scoped3A = tpu.sem_alloc : memref<!tpu.dma_semaphore, #tpu.memory_space<semaphore_mem>>
        %dma_start3A = tpu.memref_slice %arg3[%add3A_40] : memref<160000xi32, #tpu.memory_space<hbm>> -> memref<80xi32, #tpu.memory_space<hbm>>
        %dma_start3A_42 = tpu.memref_slice %arg3[%add3A_40] : memref<160000xi32, #tpu.memory_space<hbm>> -> memref<80xi32, #tpu.memory_space<hbm>>
        tpu.enqueue_dma source(%dma_start3A_42 : memref<80xi32, #tpu.memory_space<hbm>>) target(%arg8 : memref<80xi32, #tpu.memory_space<vmem>>) target_semaphore(%run_scoped3A : memref<!tpu.dma_semaphore, #tpu.memory_space<semaphore_mem>>)
        %dma_wait3A = tpu.memref_slice %arg3[%add3A_40] : memref<160000xi32, #tpu.memory_space<hbm>> -> memref<80xi32, #tpu.memory_space<hbm>>
        %dma_wait3A_43 = tpu.memref_slice %arg3[%add3A_40] : memref<160000xi32, #tpu.memory_space<hbm>> -> memref<80xi32, #tpu.memory_space<hbm>>
        tpu.wait_dma2 semaphore(%run_scoped3A : memref<!tpu.dma_semaphore, #tpu.memory_space<semaphore_mem>>) src(%dma_wait3A_43 : memref<80xi32, #tpu.memory_space<hbm>>) dst(%arg8 : memref<80xi32, #tpu.memory_space<vmem>>)
        tpu.yield
      }) : () -> ()
      "tpu.region"() ({
        %run_scoped3A = tpu.sem_alloc : memref<!tpu.dma_semaphore, #tpu.memory_space<semaphore_mem>>
        %dma_start3A = tpu.memref_slice %arg4[%add3A_40] : memref<160000xi32, #tpu.memory_space<hbm>> -> memref<80xi32, #tpu.memory_space<hbm>>
        %dma_start3A_42 = tpu.memref_slice %arg4[%add3A_40] : memref<160000xi32, #tpu.memory_space<hbm>> -> memref<80xi32, #tpu.memory_space<hbm>>
        tpu.enqueue_dma source(%dma_start3A_42 : memref<80xi32, #tpu.memory_space<hbm>>) target(%arg9 : memref<80xi32, #tpu.memory_space<vmem>>) target_semaphore(%run_scoped3A : memref<!tpu.dma_semaphore, #tpu.memory_space<semaphore_mem>>)
        %dma_wait3A = tpu.memref_slice %arg4[%add3A_40] : memref<160000xi32, #tpu.memory_space<hbm>> -> memref<80xi32, #tpu.memory_space<hbm>>
        %dma_wait3A_43 = tpu.memref_slice %arg4[%add3A_40] : memref<160000xi32, #tpu.memory_space<hbm>> -> memref<80xi32, #tpu.memory_space<hbm>>
        tpu.wait_dma2 semaphore(%run_scoped3A : memref<!tpu.dma_semaphore, #tpu.memory_space<semaphore_mem>>) src(%dma_wait3A_43 : memref<80xi32, #tpu.memory_space<hbm>>) dst(%arg9 : memref<80xi32, #tpu.memory_space<vmem>>)
        tpu.yield
      }) : () -> ()
      "tpu.region"() ({
        %run_scoped3A = tpu.sem_alloc : memref<!tpu.dma_semaphore, #tpu.memory_space<semaphore_mem>>
        %dma_start3A = arith.constant 0 : i32
        %dma_start3A_42 = arith.constant 0 : i32
        %dma_start3A_43 = tpu.memref_slice %arg2[%arg0, %dma_start3A, %dma_start3A_42] : memref<2x10240x128xf32, #tpu.memory_space<hbm>> -> memref<1x10240x128xf32, #tpu.memory_space<hbm>>
        %dma_start3A_44 = tpu.memref_squeeze %dma_start3A_43 : memref<1x10240x128xf32, #tpu.memory_space<hbm>> -> memref<10240x128xf32, #tpu.memory_space<hbm>>
        %dma_start3A_45 = arith.constant 0 : i32
        %dma_start3A_46 = arith.constant 0 : i32
        %dma_start3A_47 = tpu.memref_slice %dma_start3A_44[%dma_start3A_45, %dma_start3A_46] : memref<10240x128xf32, #tpu.memory_space<hbm>> -> memref<10240x128xf32, #tpu.memory_space<hbm>>
        tpu.enqueue_indirect_dma source(%dma_start3A_47 : memref<10240x128xf32, #tpu.memory_space<hbm>>) target(%arg10 : memref<80x128xf32, #tpu.memory_space<vmem>>) offsets(%arg8 : memref<80xi32, #tpu.memory_space<vmem>>) semaphore(%run_scoped3A : memref<!tpu.dma_semaphore, #tpu.memory_space<semaphore_mem>>)
        %dma_wait3A = arith.constant 0 : i32
        %dma_wait3A_48 = arith.constant 0 : i32
        %dma_wait3A_49 = tpu.memref_slice %arg2[%arg0, %dma_wait3A, %dma_wait3A_48] : memref<2x10240x128xf32, #tpu.memory_space<hbm>> -> memref<1x10240x128xf32, #tpu.memory_space<hbm>>
        %dma_wait3A_50 = tpu.memref_squeeze %dma_wait3A_49 : memref<1x10240x128xf32, #tpu.memory_space<hbm>> -> memref<10240x128xf32, #tpu.memory_space<hbm>>
        %dma_wait3A_51 = arith.constant 0 : i32
        %dma_wait3A_52 = arith.constant 0 : i32
        %dma_wait3A_53 = tpu.memref_slice %dma_wait3A_50[%dma_wait3A_51, %dma_wait3A_52] : memref<10240x128xf32, #tpu.memory_space<hbm>> -> memref<10240x128xf32, #tpu.memory_space<hbm>>
        tpu.wait_indirect_dma semaphore(%run_scoped3A : memref<!tpu.dma_semaphore, #tpu.memory_space<semaphore_mem>>) src(%dma_wait3A_53 : memref<10240x128xf32, #tpu.memory_space<hbm>>) dst(%arg10 : memref<80x128xf32, #tpu.memory_space<vmem>>)
        tpu.yield
      }) : () -> ()
      "tpu.region"() ({
        %run_scoped3A = tpu.sem_alloc : memref<!tpu.dma_semaphore, #tpu.memory_space<semaphore_mem>>
        %dma_start3A = arith.constant 0 : i32
        %dma_start3A_42 = arith.constant 0 : i32
        %dma_start3A_43 = tpu.memref_slice %arg6[%dma_start3A, %dma_start3A_42] : memref<10240x128xf32, #tpu.memory_space<vmem_shared>> -> memref<10240x128xf32, #tpu.memory_space<vmem_shared>>
        tpu.enqueue_indirect_dma source(%arg10 : memref<80x128xf32, #tpu.memory_space<vmem>>) target(%dma_start3A_43 : memref<10240x128xf32, #tpu.memory_space<vmem_shared>>) offsets(%arg9 : memref<80xi32, #tpu.memory_space<vmem>>) semaphore(%run_scoped3A : memref<!tpu.dma_semaphore, #tpu.memory_space<semaphore_mem>>) {add = true}
        %dma_wait3A = arith.constant 0 : i32
        %dma_wait3A_44 = arith.constant 0 : i32
        %dma_wait3A_45 = tpu.memref_slice %arg6[%dma_wait3A, %dma_wait3A_44] : memref<10240x128xf32, #tpu.memory_space<vmem_shared>> -> memref<10240x128xf32, #tpu.memory_space<vmem_shared>>
        tpu.wait_indirect_dma semaphore(%run_scoped3A : memref<!tpu.dma_semaphore, #tpu.memory_space<semaphore_mem>>) src(%arg10 : memref<80x128xf32, #tpu.memory_space<vmem>>) dst(%dma_wait3A_45 : memref<10240x128xf32, #tpu.memory_space<vmem_shared>>)
        tpu.yield
      }) : () -> ()
      %scan3A_41 = arith.constant 0 : i32
      scf.yield %scan3A_41 : i32
    }
    %scan3A_24 = arith.constant 125 : i32
    %barrier3A_25 = arith.constant 0 : index
    tpu.barrier barrier_id(%barrier3A_25)
    %add3A_26 = arith.constant 0 : i32
    %add3A_27 = arith.addi %mul3A_0, %add3A_26 : i32
    "tpu.region"() ({
      %run_scoped3A = tpu.sem_alloc : memref<!tpu.dma_semaphore, #tpu.memory_space<semaphore_mem>>
      %dma_start3A = arith.constant 0 : i32
      %dma_start3A_36 = tpu.memref_slice %arg6[%add3A_27, %dma_start3A] : memref<10240x128xf32, #tpu.memory_space<vmem_shared>> -> memref<128x128xf32, #tpu.memory_space<vmem_shared>>
      %dma_start3A_37 = arith.constant 0 : i32
      %dma_start3A_38 = tpu.memref_slice %arg6[%add3A_27, %dma_start3A_37] : memref<10240x128xf32, #tpu.memory_space<vmem_shared>> -> memref<128x128xf32, #tpu.memory_space<vmem_shared>>
      tpu.enqueue_dma source(%dma_start3A_38 : memref<128x128xf32, #tpu.memory_space<vmem_shared>>) target(%arg11 : memref<128x128xf32, #tpu.memory_space<vmem>>) target_semaphore(%run_scoped3A : memref<!tpu.dma_semaphore, #tpu.memory_space<semaphore_mem>>)
      %dma_wait3A = arith.constant 0 : i32
      %dma_wait3A_39 = tpu.memref_slice %arg6[%add3A_27, %dma_wait3A] : memref<10240x128xf32, #tpu.memory_space<vmem_shared>> -> memref<128x128xf32, #tpu.memory_space<vmem_shared>>
      %dma_wait3A_40 = arith.constant 0 : i32
      %dma_wait3A_41 = tpu.memref_slice %arg6[%add3A_27, %dma_wait3A_40] : memref<10240x128xf32, #tpu.memory_space<vmem_shared>> -> memref<128x128xf32, #tpu.memory_space<vmem_shared>>
      tpu.wait_dma2 semaphore(%run_scoped3A : memref<!tpu.dma_semaphore, #tpu.memory_space<semaphore_mem>>) src(%dma_wait3A_41 : memref<128x128xf32, #tpu.memory_space<vmem_shared>>) dst(%arg11 : memref<128x128xf32, #tpu.memory_space<vmem>>)
      tpu.yield
    }) : () -> ()
    "tpu.region"() ({
      %run_scoped3A = tpu.sem_alloc : memref<!tpu.dma_semaphore, #tpu.memory_space<semaphore_mem>>
      %dma_start3A = arith.constant 0 : i32
      %dma_start3A_36 = arith.constant 0 : i32
      %dma_start3A_37 = tpu.memref_slice %arg5[%arg0, %dma_start3A, %dma_start3A_36] : memref<2x10240x128xf32, #tpu.memory_space<hbm>> -> memref<1x10240x128xf32, #tpu.memory_space<hbm>>
      %dma_start3A_38 = tpu.memref_squeeze %dma_start3A_37 : memref<1x10240x128xf32, #tpu.memory_space<hbm>> -> memref<10240x128xf32, #tpu.memory_space<hbm>>
      %dma_start3A_39 = arith.constant 0 : i32
      %dma_start3A_40 = tpu.memref_slice %dma_start3A_38[%add3A_27, %dma_start3A_39] : memref<10240x128xf32, #tpu.memory_space<hbm>> -> memref<128x128xf32, #tpu.memory_space<hbm>>
      %dma_start3A_41 = arith.constant 0 : i32
      %dma_start3A_42 = arith.constant 0 : i32
      %dma_start3A_43 = tpu.memref_slice %arg5[%arg0, %dma_start3A_41, %dma_start3A_42] : memref<2x10240x128xf32, #tpu.memory_space<hbm>> -> memref<1x10240x128xf32, #tpu.memory_space<hbm>>
      %dma_start3A_44 = tpu.memref_squeeze %dma_start3A_43 : memref<1x10240x128xf32, #tpu.memory_space<hbm>> -> memref<10240x128xf32, #tpu.memory_space<hbm>>
      %dma_start3A_45 = arith.constant 0 : i32
      %dma_start3A_46 = tpu.memref_slice %dma_start3A_44[%add3A_27, %dma_start3A_45] : memref<10240x128xf32, #tpu.memory_space<hbm>> -> memref<128x128xf32, #tpu.memory_space<hbm>>
      tpu.enqueue_dma source(%arg11 : memref<128x128xf32, #tpu.memory_space<vmem>>) target(%dma_start3A_46 : memref<128x128xf32, #tpu.memory_space<hbm>>) target_semaphore(%run_scoped3A : memref<!tpu.dma_semaphore, #tpu.memory_space<semaphore_mem>>)
      %dma_wait3A = arith.constant 0 : i32
      %dma_wait3A_47 = arith.constant 0 : i32
      %dma_wait3A_48 = tpu.memref_slice %arg5[%arg0, %dma_wait3A, %dma_wait3A_47] : memref<2x10240x128xf32, #tpu.memory_space<hbm>> -> memref<1x10240x128xf32, #tpu.memory_space<hbm>>
      %dma_wait3A_49 = tpu.memref_squeeze %dma_wait3A_48 : memref<1x10240x128xf32, #tpu.memory_space<hbm>> -> memref<10240x128xf32, #tpu.memory_space<hbm>>
      %dma_wait3A_50 = arith.constant 0 : i32
      %dma_wait3A_51 = tpu.memref_slice %dma_wait3A_49[%add3A_27, %dma_wait3A_50] : memref<10240x128xf32, #tpu.memory_space<hbm>> -> memref<128x128xf32, #tpu.memory_space<hbm>>
      %dma_wait3A_52 = arith.constant 0 : i32
      %dma_wait3A_53 = arith.constant 0 : i32
      %dma_wait3A_54 = tpu.memref_slice %arg5[%arg0, %dma_wait3A_52, %dma_wait3A_53] : memref<2x10240x128xf32, #tpu.memory_space<hbm>> -> memref<1x10240x128xf32, #tpu.memory_space<hbm>>
      %dma_wait3A_55 = tpu.memref_squeeze %dma_wait3A_54 : memref<1x10240x128xf32, #tpu.memory_space<hbm>> -> memref<10240x128xf32, #tpu.memory_space<hbm>>
      %dma_wait3A_56 = arith.constant 0 : i32
      %dma_wait3A_57 = tpu.memref_slice %dma_wait3A_55[%add3A_27, %dma_wait3A_56] : memref<10240x128xf32, #tpu.memory_space<hbm>> -> memref<128x128xf32, #tpu.memory_space<hbm>>
      tpu.wait_dma2 semaphore(%run_scoped3A : memref<!tpu.dma_semaphore, #tpu.memory_space<semaphore_mem>>) src(%arg11 : memref<128x128xf32, #tpu.memory_space<vmem>>) dst(%dma_wait3A_57 : memref<128x128xf32, #tpu.memory_space<hbm>>)
      tpu.yield
    }) : () -> ()
    %add3A_28 = arith.constant 128 : i32
    %add3A_29 = arith.addi %mul3A_0, %add3A_28 : i32
    "tpu.region"() ({
      %run_scoped3A = tpu.sem_alloc : memref<!tpu.dma_semaphore, #tpu.memory_space<semaphore_mem>>
      %dma_start3A = arith.constant 0 : i32
      %dma_start3A_36 = tpu.memref_slice %arg6[%add3A_29, %dma_start3A] : memref<10240x128xf32, #tpu.memory_space<vmem_shared>> -> memref<128x128xf32, #tpu.memory_space<vmem_shared>>
      %dma_start3A_37 = arith.constant 0 : i32
      %dma_start3A_38 = tpu.memref_slice %arg6[%add3A_29, %dma_start3A_37] : memref<10240x128xf32, #tpu.memory_space<vmem_shared>> -> memref<128x128xf32, #tpu.memory_space<vmem_shared>>
      tpu.enqueue_dma source(%dma_start3A_38 : memref<128x128xf32, #tpu.memory_space<vmem_shared>>) target(%arg11 : memref<128x128xf32, #tpu.memory_space<vmem>>) target_semaphore(%run_scoped3A : memref<!tpu.dma_semaphore, #tpu.memory_space<semaphore_mem>>)
      %dma_wait3A = arith.constant 0 : i32
      %dma_wait3A_39 = tpu.memref_slice %arg6[%add3A_29, %dma_wait3A] : memref<10240x128xf32, #tpu.memory_space<vmem_shared>> -> memref<128x128xf32, #tpu.memory_space<vmem_shared>>
      %dma_wait3A_40 = arith.constant 0 : i32
      %dma_wait3A_41 = tpu.memref_slice %arg6[%add3A_29, %dma_wait3A_40] : memref<10240x128xf32, #tpu.memory_space<vmem_shared>> -> memref<128x128xf32, #tpu.memory_space<vmem_shared>>
      tpu.wait_dma2 semaphore(%run_scoped3A : memref<!tpu.dma_semaphore, #tpu.memory_space<semaphore_mem>>) src(%dma_wait3A_41 : memref<128x128xf32, #tpu.memory_space<vmem_shared>>) dst(%arg11 : memref<128x128xf32, #tpu.memory_space<vmem>>)
      tpu.yield
    }) : () -> ()
    "tpu.region"() ({
      %run_scoped3A = tpu.sem_alloc : memref<!tpu.dma_semaphore, #tpu.memory_space<semaphore_mem>>
      %dma_start3A = arith.constant 0 : i32
      %dma_start3A_36 = arith.constant 0 : i32
      %dma_start3A_37 = tpu.memref_slice %arg5[%arg0, %dma_start3A, %dma_start3A_36] : memref<2x10240x128xf32, #tpu.memory_space<hbm>> -> memref<1x10240x128xf32, #tpu.memory_space<hbm>>
      %dma_start3A_38 = tpu.memref_squeeze %dma_start3A_37 : memref<1x10240x128xf32, #tpu.memory_space<hbm>> -> memref<10240x128xf32, #tpu.memory_space<hbm>>
      %dma_start3A_39 = arith.constant 0 : i32
      %dma_start3A_40 = tpu.memref_slice %dma_start3A_38[%add3A_29, %dma_start3A_39] : memref<10240x128xf32, #tpu.memory_space<hbm>> -> memref<128x128xf32, #tpu.memory_space<hbm>>
      %dma_start3A_41 = arith.constant 0 : i32
      %dma_start3A_42 = arith.constant 0 : i32
      %dma_start3A_43 = tpu.memref_slice %arg5[%arg0, %dma_start3A_41, %dma_start3A_42] : memref<2x10240x128xf32, #tpu.memory_space<hbm>> -> memref<1x10240x128xf32, #tpu.memory_space<hbm>>
      %dma_start3A_44 = tpu.memref_squeeze %dma_start3A_43 : memref<1x10240x128xf32, #tpu.memory_space<hbm>> -> memref<10240x128xf32, #tpu.memory_space<hbm>>
      %dma_start3A_45 = arith.constant 0 : i32
      %dma_start3A_46 = tpu.memref_slice %dma_start3A_44[%add3A_29, %dma_start3A_45] : memref<10240x128xf32, #tpu.memory_space<hbm>> -> memref<128x128xf32, #tpu.memory_space<hbm>>
      tpu.enqueue_dma source(%arg11 : memref<128x128xf32, #tpu.memory_space<vmem>>) target(%dma_start3A_46 : memref<128x128xf32, #tpu.memory_space<hbm>>) target_semaphore(%run_scoped3A : memref<!tpu.dma_semaphore, #tpu.memory_space<semaphore_mem>>)
      %dma_wait3A = arith.constant 0 : i32
      %dma_wait3A_47 = arith.constant 0 : i32
      %dma_wait3A_48 = tpu.memref_slice %arg5[%arg0, %dma_wait3A, %dma_wait3A_47] : memref<2x10240x128xf32, #tpu.memory_space<hbm>> -> memref<1x10240x128xf32, #tpu.memory_space<hbm>>
      %dma_wait3A_49 = tpu.memref_squeeze %dma_wait3A_48 : memref<1x10240x128xf32, #tpu.memory_space<hbm>> -> memref<10240x128xf32, #tpu.memory_space<hbm>>
      %dma_wait3A_50 = arith.constant 0 : i32
      %dma_wait3A_51 = tpu.memref_slice %dma_wait3A_49[%add3A_29, %dma_wait3A_50] : memref<10240x128xf32, #tpu.memory_space<hbm>> -> memref<128x128xf32, #tpu.memory_space<hbm>>
      %dma_wait3A_52 = arith.constant 0 : i32
      %dma_wait3A_53 = arith.constant 0 : i32
      %dma_wait3A_54 = tpu.memref_slice %arg5[%arg0, %dma_wait3A_52, %dma_wait3A_53] : memref<2x10240x128xf32, #tpu.memory_space<hbm>> -> memref<1x10240x128xf32, #tpu.memory_space<hbm>>
      %dma_wait3A_55 = tpu.memref_squeeze %dma_wait3A_54 : memref<1x10240x128xf32, #tpu.memory_space<hbm>> -> memref<10240x128xf32, #tpu.memory_space<hbm>>
      %dma_wait3A_56 = arith.constant 0 : i32
      %dma_wait3A_57 = tpu.memref_slice %dma_wait3A_55[%add3A_29, %dma_wait3A_56] : memref<10240x128xf32, #tpu.memory_space<hbm>> -> memref<128x128xf32, #tpu.memory_space<hbm>>
      tpu.wait_dma2 semaphore(%run_scoped3A : memref<!tpu.dma_semaphore, #tpu.memory_space<semaphore_mem>>) src(%arg11 : memref<128x128xf32, #tpu.memory_space<vmem>>) dst(%dma_wait3A_57 : memref<128x128xf32, #tpu.memory_space<hbm>>)
      tpu.yield
    }) : () -> ()
    %add3A_30 = arith.constant 256 : i32
    %add3A_31 = arith.addi %mul3A_0, %add3A_30 : i32
    "tpu.region"() ({
      %run_scoped3A = tpu.sem_alloc : memref<!tpu.dma_semaphore, #tpu.memory_space<semaphore_mem>>
      %dma_start3A = arith.constant 0 : i32
      %dma_start3A_36 = tpu.memref_slice %arg6[%add3A_31, %dma_start3A] : memref<10240x128xf32, #tpu.memory_space<vmem_shared>> -> memref<128x128xf32, #tpu.memory_space<vmem_shared>>
      %dma_start3A_37 = arith.constant 0 : i32
      %dma_start3A_38 = tpu.memref_slice %arg6[%add3A_31, %dma_start3A_37] : memref<10240x128xf32, #tpu.memory_space<vmem_shared>> -> memref<128x128xf32, #tpu.memory_space<vmem_shared>>
      tpu.enqueue_dma source(%dma_start3A_38 : memref<128x128xf32, #tpu.memory_space<vmem_shared>>) target(%arg11 : memref<128x128xf32, #tpu.memory_space<vmem>>) target_semaphore(%run_scoped3A : memref<!tpu.dma_semaphore, #tpu.memory_space<semaphore_mem>>)
      %dma_wait3A = arith.constant 0 : i32
      %dma_wait3A_39 = tpu.memref_slice %arg6[%add3A_31, %dma_wait3A] : memref<10240x128xf32, #tpu.memory_space<vmem_shared>> -> memref<128x128xf32, #tpu.memory_space<vmem_shared>>
      %dma_wait3A_40 = arith.constant 0 : i32
      %dma_wait3A_41 = tpu.memref_slice %arg6[%add3A_31, %dma_wait3A_40] : memref<10240x128xf32, #tpu.memory_space<vmem_shared>> -> memref<128x128xf32, #tpu.memory_space<vmem_shared>>
      tpu.wait_dma2 semaphore(%run_scoped3A : memref<!tpu.dma_semaphore, #tpu.memory_space<semaphore_mem>>) src(%dma_wait3A_41 : memref<128x128xf32, #tpu.memory_space<vmem_shared>>) dst(%arg11 : memref<128x128xf32, #tpu.memory_space<vmem>>)
      tpu.yield
    }) : () -> ()
    "tpu.region"() ({
      %run_scoped3A = tpu.sem_alloc : memref<!tpu.dma_semaphore, #tpu.memory_space<semaphore_mem>>
      %dma_start3A = arith.constant 0 : i32
      %dma_start3A_36 = arith.constant 0 : i32
      %dma_start3A_37 = tpu.memref_slice %arg5[%arg0, %dma_start3A, %dma_start3A_36] : memref<2x10240x128xf32, #tpu.memory_space<hbm>> -> memref<1x10240x128xf32, #tpu.memory_space<hbm>>
      %dma_start3A_38 = tpu.memref_squeeze %dma_start3A_37 : memref<1x10240x128xf32, #tpu.memory_space<hbm>> -> memref<10240x128xf32, #tpu.memory_space<hbm>>
      %dma_start3A_39 = arith.constant 0 : i32
      %dma_start3A_40 = tpu.memref_slice %dma_start3A_38[%add3A_31, %dma_start3A_39] : memref<10240x128xf32, #tpu.memory_space<hbm>> -> memref<128x128xf32, #tpu.memory_space<hbm>>
      %dma_start3A_41 = arith.constant 0 : i32
      %dma_start3A_42 = arith.constant 0 : i32
      %dma_start3A_43 = tpu.memref_slice %arg5[%arg0, %dma_start3A_41, %dma_start3A_42] : memref<2x10240x128xf32, #tpu.memory_space<hbm>> -> memref<1x10240x128xf32, #tpu.memory_space<hbm>>
      %dma_start3A_44 = tpu.memref_squeeze %dma_start3A_43 : memref<1x10240x128xf32, #tpu.memory_space<hbm>> -> memref<10240x128xf32, #tpu.memory_space<hbm>>
      %dma_start3A_45 = arith.constant 0 : i32
      %dma_start3A_46 = tpu.memref_slice %dma_start3A_44[%add3A_31, %dma_start3A_45] : memref<10240x128xf32, #tpu.memory_space<hbm>> -> memref<128x128xf32, #tpu.memory_space<hbm>>
      tpu.enqueue_dma source(%arg11 : memref<128x128xf32, #tpu.memory_space<vmem>>) target(%dma_start3A_46 : memref<128x128xf32, #tpu.memory_space<hbm>>) target_semaphore(%run_scoped3A : memref<!tpu.dma_semaphore, #tpu.memory_space<semaphore_mem>>)
      %dma_wait3A = arith.constant 0 : i32
      %dma_wait3A_47 = arith.constant 0 : i32
      %dma_wait3A_48 = tpu.memref_slice %arg5[%arg0, %dma_wait3A, %dma_wait3A_47] : memref<2x10240x128xf32, #tpu.memory_space<hbm>> -> memref<1x10240x128xf32, #tpu.memory_space<hbm>>
      %dma_wait3A_49 = tpu.memref_squeeze %dma_wait3A_48 : memref<1x10240x128xf32, #tpu.memory_space<hbm>> -> memref<10240x128xf32, #tpu.memory_space<hbm>>
      %dma_wait3A_50 = arith.constant 0 : i32
      %dma_wait3A_51 = tpu.memref_slice %dma_wait3A_49[%add3A_31, %dma_wait3A_50] : memref<10240x128xf32, #tpu.memory_space<hbm>> -> memref<128x128xf32, #tpu.memory_space<hbm>>
      %dma_wait3A_52 = arith.constant 0 : i32
      %dma_wait3A_53 = arith.constant 0 : i32
      %dma_wait3A_54 = tpu.memref_slice %arg5[%arg0, %dma_wait3A_52, %dma_wait3A_53] : memref<2x10240x128xf32, #tpu.memory_space<hbm>> -> memref<1x10240x128xf32, #tpu.memory_space<hbm>>
      %dma_wait3A_55 = tpu.memref_squeeze %dma_wait3A_54 : memref<1x10240x128xf32, #tpu.memory_space<hbm>> -> memref<10240x128xf32, #tpu.memory_space<hbm>>
      %dma_wait3A_56 = arith.constant 0 : i32
      %dma_wait3A_57 = tpu.memref_slice %dma_wait3A_55[%add3A_31, %dma_wait3A_56] : memref<10240x128xf32, #tpu.memory_space<hbm>> -> memref<128x128xf32, #tpu.memory_space<hbm>>
      tpu.wait_dma2 semaphore(%run_scoped3A : memref<!tpu.dma_semaphore, #tpu.memory_space<semaphore_mem>>) src(%arg11 : memref<128x128xf32, #tpu.memory_space<vmem>>) dst(%dma_wait3A_57 : memref<128x128xf32, #tpu.memory_space<hbm>>)
      tpu.yield
    }) : () -> ()
    %add3A_32 = arith.constant 384 : i32
    %add3A_33 = arith.addi %mul3A_0, %add3A_32 : i32
    "tpu.region"() ({
      %run_scoped3A = tpu.sem_alloc : memref<!tpu.dma_semaphore, #tpu.memory_space<semaphore_mem>>
      %dma_start3A = arith.constant 0 : i32
      %dma_start3A_36 = tpu.memref_slice %arg6[%add3A_33, %dma_start3A] : memref<10240x128xf32, #tpu.memory_space<vmem_shared>> -> memref<128x128xf32, #tpu.memory_space<vmem_shared>>
      %dma_start3A_37 = arith.constant 0 : i32
      %dma_start3A_38 = tpu.memref_slice %arg6[%add3A_33, %dma_start3A_37] : memref<10240x128xf32, #tpu.memory_space<vmem_shared>> -> memref<128x128xf32, #tpu.memory_space<vmem_shared>>
      tpu.enqueue_dma source(%dma_start3A_38 : memref<128x128xf32, #tpu.memory_space<vmem_shared>>) target(%arg11 : memref<128x128xf32, #tpu.memory_space<vmem>>) target_semaphore(%run_scoped3A : memref<!tpu.dma_semaphore, #tpu.memory_space<semaphore_mem>>)
      %dma_wait3A = arith.constant 0 : i32
      %dma_wait3A_39 = tpu.memref_slice %arg6[%add3A_33, %dma_wait3A] : memref<10240x128xf32, #tpu.memory_space<vmem_shared>> -> memref<128x128xf32, #tpu.memory_space<vmem_shared>>
      %dma_wait3A_40 = arith.constant 0 : i32
      %dma_wait3A_41 = tpu.memref_slice %arg6[%add3A_33, %dma_wait3A_40] : memref<10240x128xf32, #tpu.memory_space<vmem_shared>> -> memref<128x128xf32, #tpu.memory_space<vmem_shared>>
      tpu.wait_dma2 semaphore(%run_scoped3A : memref<!tpu.dma_semaphore, #tpu.memory_space<semaphore_mem>>) src(%dma_wait3A_41 : memref<128x128xf32, #tpu.memory_space<vmem_shared>>) dst(%arg11 : memref<128x128xf32, #tpu.memory_space<vmem>>)
      tpu.yield
    }) : () -> ()
    "tpu.region"() ({
      %run_scoped3A = tpu.sem_alloc : memref<!tpu.dma_semaphore, #tpu.memory_space<semaphore_mem>>
      %dma_start3A = arith.constant 0 : i32
      %dma_start3A_36 = arith.constant 0 : i32
      %dma_start3A_37 = tpu.memref_slice %arg5[%arg0, %dma_start3A, %dma_start3A_36] : memref<2x10240x128xf32, #tpu.memory_space<hbm>> -> memref<1x10240x128xf32, #tpu.memory_space<hbm>>
      %dma_start3A_38 = tpu.memref_squeeze %dma_start3A_37 : memref<1x10240x128xf32, #tpu.memory_space<hbm>> -> memref<10240x128xf32, #tpu.memory_space<hbm>>
      %dma_start3A_39 = arith.constant 0 : i32
      %dma_start3A_40 = tpu.memref_slice %dma_start3A_38[%add3A_33, %dma_start3A_39] : memref<10240x128xf32, #tpu.memory_space<hbm>> -> memref<128x128xf32, #tpu.memory_space<hbm>>
      %dma_start3A_41 = arith.constant 0 : i32
      %dma_start3A_42 = arith.constant 0 : i32
      %dma_start3A_43 = tpu.memref_slice %arg5[%arg0, %dma_start3A_41, %dma_start3A_42] : memref<2x10240x128xf32, #tpu.memory_space<hbm>> -> memref<1x10240x128xf32, #tpu.memory_space<hbm>>
      %dma_start3A_44 = tpu.memref_squeeze %dma_start3A_43 : memref<1x10240x128xf32, #tpu.memory_space<hbm>> -> memref<10240x128xf32, #tpu.memory_space<hbm>>
      %dma_start3A_45 = arith.constant 0 : i32
      %dma_start3A_46 = tpu.memref_slice %dma_start3A_44[%add3A_33, %dma_start3A_45] : memref<10240x128xf32, #tpu.memory_space<hbm>> -> memref<128x128xf32, #tpu.memory_space<hbm>>
      tpu.enqueue_dma source(%arg11 : memref<128x128xf32, #tpu.memory_space<vmem>>) target(%dma_start3A_46 : memref<128x128xf32, #tpu.memory_space<hbm>>) target_semaphore(%run_scoped3A : memref<!tpu.dma_semaphore, #tpu.memory_space<semaphore_mem>>)
      %dma_wait3A = arith.constant 0 : i32
      %dma_wait3A_47 = arith.constant 0 : i32
      %dma_wait3A_48 = tpu.memref_slice %arg5[%arg0, %dma_wait3A, %dma_wait3A_47] : memref<2x10240x128xf32, #tpu.memory_space<hbm>> -> memref<1x10240x128xf32, #tpu.memory_space<hbm>>
      %dma_wait3A_49 = tpu.memref_squeeze %dma_wait3A_48 : memref<1x10240x128xf32, #tpu.memory_space<hbm>> -> memref<10240x128xf32, #tpu.memory_space<hbm>>
      %dma_wait3A_50 = arith.constant 0 : i32
      %dma_wait3A_51 = tpu.memref_slice %dma_wait3A_49[%add3A_33, %dma_wait3A_50] : memref<10240x128xf32, #tpu.memory_space<hbm>> -> memref<128x128xf32, #tpu.memory_space<hbm>>
      %dma_wait3A_52 = arith.constant 0 : i32
      %dma_wait3A_53 = arith.constant 0 : i32
      %dma_wait3A_54 = tpu.memref_slice %arg5[%arg0, %dma_wait3A_52, %dma_wait3A_53] : memref<2x10240x128xf32, #tpu.memory_space<hbm>> -> memref<1x10240x128xf32, #tpu.memory_space<hbm>>
      %dma_wait3A_55 = tpu.memref_squeeze %dma_wait3A_54 : memref<1x10240x128xf32, #tpu.memory_space<hbm>> -> memref<10240x128xf32, #tpu.memory_space<hbm>>
      %dma_wait3A_56 = arith.constant 0 : i32
      %dma_wait3A_57 = tpu.memref_slice %dma_wait3A_55[%add3A_33, %dma_wait3A_56] : memref<10240x128xf32, #tpu.memory_space<hbm>> -> memref<128x128xf32, #tpu.memory_space<hbm>>
      tpu.wait_dma2 semaphore(%run_scoped3A : memref<!tpu.dma_semaphore, #tpu.memory_space<semaphore_mem>>) src(%arg11 : memref<128x128xf32, #tpu.memory_space<vmem>>) dst(%dma_wait3A_57 : memref<128x128xf32, #tpu.memory_space<hbm>>)
      tpu.yield
    }) : () -> ()
    %add3A_34 = arith.constant 512 : i32
    %add3A_35 = arith.addi %mul3A_0, %add3A_34 : i32
    "tpu.region"() ({
      %run_scoped3A = tpu.sem_alloc : memref<!tpu.dma_semaphore, #tpu.memory_space<semaphore_mem>>
      %dma_start3A = arith.constant 0 : i32
      %dma_start3A_36 = tpu.memref_slice %arg6[%add3A_35, %dma_start3A] : memref<10240x128xf32, #tpu.memory_space<vmem_shared>> -> memref<128x128xf32, #tpu.memory_space<vmem_shared>>
      %dma_start3A_37 = arith.constant 0 : i32
      %dma_start3A_38 = tpu.memref_slice %arg6[%add3A_35, %dma_start3A_37] : memref<10240x128xf32, #tpu.memory_space<vmem_shared>> -> memref<128x128xf32, #tpu.memory_space<vmem_shared>>
      tpu.enqueue_dma source(%dma_start3A_38 : memref<128x128xf32, #tpu.memory_space<vmem_shared>>) target(%arg11 : memref<128x128xf32, #tpu.memory_space<vmem>>) target_semaphore(%run_scoped3A : memref<!tpu.dma_semaphore, #tpu.memory_space<semaphore_mem>>)
      %dma_wait3A = arith.constant 0 : i32
      %dma_wait3A_39 = tpu.memref_slice %arg6[%add3A_35, %dma_wait3A] : memref<10240x128xf32, #tpu.memory_space<vmem_shared>> -> memref<128x128xf32, #tpu.memory_space<vmem_shared>>
      %dma_wait3A_40 = arith.constant 0 : i32
      %dma_wait3A_41 = tpu.memref_slice %arg6[%add3A_35, %dma_wait3A_40] : memref<10240x128xf32, #tpu.memory_space<vmem_shared>> -> memref<128x128xf32, #tpu.memory_space<vmem_shared>>
      tpu.wait_dma2 semaphore(%run_scoped3A : memref<!tpu.dma_semaphore, #tpu.memory_space<semaphore_mem>>) src(%dma_wait3A_41 : memref<128x128xf32, #tpu.memory_space<vmem_shared>>) dst(%arg11 : memref<128x128xf32, #tpu.memory_space<vmem>>)
      tpu.yield
    }) : () -> ()
    "tpu.region"() ({
      %run_scoped3A = tpu.sem_alloc : memref<!tpu.dma_semaphore, #tpu.memory_space<semaphore_mem>>
      %dma_start3A = arith.constant 0 : i32
      %dma_start3A_36 = arith.constant 0 : i32
      %dma_start3A_37 = tpu.memref_slice %arg5[%arg0, %dma_start3A, %dma_start3A_36] : memref<2x10240x128xf32, #tpu.memory_space<hbm>> -> memref<1x10240x128xf32, #tpu.memory_space<hbm>>
      %dma_start3A_38 = tpu.memref_squeeze %dma_start3A_37 : memref<1x10240x128xf32, #tpu.memory_space<hbm>> -> memref<10240x128xf32, #tpu.memory_space<hbm>>
      %dma_start3A_39 = arith.constant 0 : i32
      %dma_start3A_40 = tpu.memref_slice %dma_start3A_38[%add3A_35, %dma_start3A_39] : memref<10240x128xf32, #tpu.memory_space<hbm>> -> memref<128x128xf32, #tpu.memory_space<hbm>>
      %dma_start3A_41 = arith.constant 0 : i32
      %dma_start3A_42 = arith.constant 0 : i32
      %dma_start3A_43 = tpu.memref_slice %arg5[%arg0, %dma_start3A_41, %dma_start3A_42] : memref<2x10240x128xf32, #tpu.memory_space<hbm>> -> memref<1x10240x128xf32, #tpu.memory_space<hbm>>
      %dma_start3A_44 = tpu.memref_squeeze %dma_start3A_43 : memref<1x10240x128xf32, #tpu.memory_space<hbm>> -> memref<10240x128xf32, #tpu.memory_space<hbm>>
      %dma_start3A_45 = arith.constant 0 : i32
      %dma_start3A_46 = tpu.memref_slice %dma_start3A_44[%add3A_35, %dma_start3A_45] : memref<10240x128xf32, #tpu.memory_space<hbm>> -> memref<128x128xf32, #tpu.memory_space<hbm>>
      tpu.enqueue_dma source(%arg11 : memref<128x128xf32, #tpu.memory_space<vmem>>) target(%dma_start3A_46 : memref<128x128xf32, #tpu.memory_space<hbm>>) target_semaphore(%run_scoped3A : memref<!tpu.dma_semaphore, #tpu.memory_space<semaphore_mem>>)
      %dma_wait3A = arith.constant 0 : i32
      %dma_wait3A_47 = arith.constant 0 : i32
      %dma_wait3A_48 = tpu.memref_slice %arg5[%arg0, %dma_wait3A, %dma_wait3A_47] : memref<2x10240x128xf32, #tpu.memory_space<hbm>> -> memref<1x10240x128xf32, #tpu.memory_space<hbm>>
      %dma_wait3A_49 = tpu.memref_squeeze %dma_wait3A_48 : memref<1x10240x128xf32, #tpu.memory_space<hbm>> -> memref<10240x128xf32, #tpu.memory_space<hbm>>
      %dma_wait3A_50 = arith.constant 0 : i32
      %dma_wait3A_51 = tpu.memref_slice %dma_wait3A_49[%add3A_35, %dma_wait3A_50] : memref<10240x128xf32, #tpu.memory_space<hbm>> -> memref<128x128xf32, #tpu.memory_space<hbm>>
      %dma_wait3A_52 = arith.constant 0 : i32
      %dma_wait3A_53 = arith.constant 0 : i32
      %dma_wait3A_54 = tpu.memref_slice %arg5[%arg0, %dma_wait3A_52, %dma_wait3A_53] : memref<2x10240x128xf32, #tpu.memory_space<hbm>> -> memref<1x10240x128xf32, #tpu.memory_space<hbm>>
      %dma_wait3A_55 = tpu.memref_squeeze %dma_wait3A_54 : memref<1x10240x128xf32, #tpu.memory_space<hbm>> -> memref<10240x128xf32, #tpu.memory_space<hbm>>
      %dma_wait3A_56 = arith.constant 0 : i32
      %dma_wait3A_57 = tpu.memref_slice %dma_wait3A_55[%add3A_35, %dma_wait3A_56] : memref<10240x128xf32, #tpu.memory_space<hbm>> -> memref<128x128xf32, #tpu.memory_space<hbm>>
      tpu.wait_dma2 semaphore(%run_scoped3A : memref<!tpu.dma_semaphore, #tpu.memory_space<semaphore_mem>>) src(%arg11 : memref<128x128xf32, #tpu.memory_space<vmem>>) dst(%dma_wait3A_57 : memref<128x128xf32, #tpu.memory_space<hbm>>)
      tpu.yield
    }) : () -> ()
    return
  }
}

#map = affine_map<(d0, d1) -> (0, 0, 0)>
#map1 = affine_map<(d0, d1) -> (0)>
module attributes {stable_mosaic.version = 14 : i64} {
  func.func @k(%arg0: i32, %arg1: i32, %arg2: memref<2x10240x128xf32, #tpu.memory_space<hbm>>, %arg3: memref<160000xi32, #tpu.memory_space<hbm>>, %arg4: memref<160000xi32, #tpu.memory_space<hbm>>, %arg5: memref<2x10240x128xf32, #tpu.memory_space<hbm>>, %arg6: memref<10240x128xf32, #tpu.memory_space<vmem_shared>>, %arg7: memref<10240x16xf32, #tpu.memory_space<vmem_shared>>, %arg8: memref<80xi32, #tpu.memory_space<vmem>>, %arg9: memref<80xi32, #tpu.memory_space<vmem>>, %arg10: memref<80x128xf32, #tpu.memory_space<vmem>>, %arg11: memref<128x128xf32, #tpu.memory_space<vmem>>, %arg12: memref<640x16xf32, #tpu.memory_space<vmem>>, %arg13: memref<80x16xf32, #tpu.memory_space<vmem>>) attributes {dimension_semantics = [#tpu.dimension_semantics<core_parallel>, #tpu.dimension_semantics<subcore_parallel>], iteration_bounds = array<i64: 2, 16>, scalar_prefetch = 0 : i64, scratch_operands = 8 : i64, tpu.core_type = #tpu.core_type<sc_vector_subcore>, window_params = [{transform_indices = #map}, {transform_indices = #map1}, {transform_indices = #map1}, {transform_indices = #map}]} {
    %mul3A = arith.constant 640 : i32
    %mul3A_0 = arith.muli %arg1, %mul3A : i32
    %scan3A = arith.constant 0 : i32
    %scan3A_1 = arith.constant 0 : i32
    %scan3A_2 = arith.constant 128 : i32
    %scan3A_3 = arith.addi %scan3A_1, %scan3A_2 : i32
    %scan3A_4 = arith.constant 1 : i32
    %scan3A_5 = scf.for %scan3A_36 = %scan3A_1 to %scan3A_3 step %scan3A_4 iter_args(%scan3A_37 = %scan3A) -> (i32)  : i32 {
      %broadcast_in_dim3A = arith.constant 0.000000e+00 : f32
      %broadcast_in_dim3A_38 = vector.broadcast %broadcast_in_dim3A : f32 to vector<16xf32>
      %swap3A = arith.index_cast %scan3A_36 : i32 to index
      %swap3A_39 = arith.constant 0 : index
      %swap3A_40 = tpu.vector_load %arg11[%swap3A, %swap3A_39] {strides = array<i32>} : memref<128x128xf32, #tpu.memory_space<vmem>>, vector<1x16xf32>,
      %swap3A_41 = vector.shape_cast %swap3A_40 : vector<1x16xf32> to vector<16xf32>
      %swap3A_42 = vector.shape_cast %broadcast_in_dim3A_38 : vector<16xf32> to vector<1x16xf32>
      tpu.vector_store %arg11[%swap3A, %swap3A_39], %swap3A_42 {strides = array<i32>} : memref<128x128xf32, #tpu.memory_space<vmem>>, vector<1x16xf32>,
      %broadcast_in_dim3A_43 = arith.constant 0.000000e+00 : f32
      %broadcast_in_dim3A_44 = vector.broadcast %broadcast_in_dim3A_43 : f32 to vector<16xf32>
      %swap3A_45 = arith.index_cast %scan3A_36 : i32 to index
      %swap3A_46 = arith.constant 16 : index
      %swap3A_47 = tpu.vector_load %arg11[%swap3A_45, %swap3A_46] {strides = array<i32>} : memref<128x128xf32, #tpu.memory_space<vmem>>, vector<1x16xf32>,
      %swap3A_48 = vector.shape_cast %swap3A_47 : vector<1x16xf32> to vector<16xf32>
      %swap3A_49 = vector.shape_cast %broadcast_in_dim3A_44 : vector<16xf32> to vector<1x16xf32>
      tpu.vector_store %arg11[%swap3A_45, %swap3A_46], %swap3A_49 {strides = array<i32>} : memref<128x128xf32, #tpu.memory_space<vmem>>, vector<1x16xf32>,
      %broadcast_in_dim3A_50 = arith.constant 0.000000e+00 : f32
      %broadcast_in_dim3A_51 = vector.broadcast %broadcast_in_dim3A_50 : f32 to vector<16xf32>
      %swap3A_52 = arith.index_cast %scan3A_36 : i32 to index
      %swap3A_53 = arith.constant 32 : index
      %swap3A_54 = tpu.vector_load %arg11[%swap3A_52, %swap3A_53] {strides = array<i32>} : memref<128x128xf32, #tpu.memory_space<vmem>>, vector<1x16xf32>,
      %swap3A_55 = vector.shape_cast %swap3A_54 : vector<1x16xf32> to vector<16xf32>
      %swap3A_56 = vector.shape_cast %broadcast_in_dim3A_51 : vector<16xf32> to vector<1x16xf32>
      tpu.vector_store %arg11[%swap3A_52, %swap3A_53], %swap3A_56 {strides = array<i32>} : memref<128x128xf32, #tpu.memory_space<vmem>>, vector<1x16xf32>,
      %broadcast_in_dim3A_57 = arith.constant 0.000000e+00 : f32
      %broadcast_in_dim3A_58 = vector.broadcast %broadcast_in_dim3A_57 : f32 to vector<16xf32>
      %swap3A_59 = arith.index_cast %scan3A_36 : i32 to index
      %swap3A_60 = arith.constant 48 : index
      %swap3A_61 = tpu.vector_load %arg11[%swap3A_59, %swap3A_60] {strides = array<i32>} : memref<128x128xf32, #tpu.memory_space<vmem>>, vector<1x16xf32>,
      %swap3A_62 = vector.shape_cast %swap3A_61 : vector<1x16xf32> to vector<16xf32>
      %swap3A_63 = vector.shape_cast %broadcast_in_dim3A_58 : vector<16xf32> to vector<1x16xf32>
      tpu.vector_store %arg11[%swap3A_59, %swap3A_60], %swap3A_63 {strides = array<i32>} : memref<128x128xf32, #tpu.memory_space<vmem>>, vector<1x16xf32>,
      %broadcast_in_dim3A_64 = arith.constant 0.000000e+00 : f32
      %broadcast_in_dim3A_65 = vector.broadcast %broadcast_in_dim3A_64 : f32 to vector<16xf32>
      %swap3A_66 = arith.index_cast %scan3A_36 : i32 to index
      %swap3A_67 = arith.constant 64 : index
      %swap3A_68 = tpu.vector_load %arg11[%swap3A_66, %swap3A_67] {strides = array<i32>} : memref<128x128xf32, #tpu.memory_space<vmem>>, vector<1x16xf32>,
      %swap3A_69 = vector.shape_cast %swap3A_68 : vector<1x16xf32> to vector<16xf32>
      %swap3A_70 = vector.shape_cast %broadcast_in_dim3A_65 : vector<16xf32> to vector<1x16xf32>
      tpu.vector_store %arg11[%swap3A_66, %swap3A_67], %swap3A_70 {strides = array<i32>} : memref<128x128xf32, #tpu.memory_space<vmem>>, vector<1x16xf32>,
      %broadcast_in_dim3A_71 = arith.constant 0.000000e+00 : f32
      %broadcast_in_dim3A_72 = vector.broadcast %broadcast_in_dim3A_71 : f32 to vector<16xf32>
      %swap3A_73 = arith.index_cast %scan3A_36 : i32 to index
      %swap3A_74 = arith.constant 80 : index
      %swap3A_75 = tpu.vector_load %arg11[%swap3A_73, %swap3A_74] {strides = array<i32>} : memref<128x128xf32, #tpu.memory_space<vmem>>, vector<1x16xf32>,
      %swap3A_76 = vector.shape_cast %swap3A_75 : vector<1x16xf32> to vector<16xf32>
      %swap3A_77 = vector.shape_cast %broadcast_in_dim3A_72 : vector<16xf32> to vector<1x16xf32>
      tpu.vector_store %arg11[%swap3A_73, %swap3A_74], %swap3A_77 {strides = array<i32>} : memref<128x128xf32, #tpu.memory_space<vmem>>, vector<1x16xf32>,
      %broadcast_in_dim3A_78 = arith.constant 0.000000e+00 : f32
      %broadcast_in_dim3A_79 = vector.broadcast %broadcast_in_dim3A_78 : f32 to vector<16xf32>
      %swap3A_80 = arith.index_cast %scan3A_36 : i32 to index
      %swap3A_81 = arith.constant 96 : index
      %swap3A_82 = tpu.vector_load %arg11[%swap3A_80, %swap3A_81] {strides = array<i32>} : memref<128x128xf32, #tpu.memory_space<vmem>>, vector<1x16xf32>,
      %swap3A_83 = vector.shape_cast %swap3A_82 : vector<1x16xf32> to vector<16xf32>
      %swap3A_84 = vector.shape_cast %broadcast_in_dim3A_79 : vector<16xf32> to vector<1x16xf32>
      tpu.vector_store %arg11[%swap3A_80, %swap3A_81], %swap3A_84 {strides = array<i32>} : memref<128x128xf32, #tpu.memory_space<vmem>>, vector<1x16xf32>,
      %broadcast_in_dim3A_85 = arith.constant 0.000000e+00 : f32
      %broadcast_in_dim3A_86 = vector.broadcast %broadcast_in_dim3A_85 : f32 to vector<16xf32>
      %swap3A_87 = arith.index_cast %scan3A_36 : i32 to index
      %swap3A_88 = arith.constant 112 : index
      %swap3A_89 = tpu.vector_load %arg11[%swap3A_87, %swap3A_88] {strides = array<i32>} : memref<128x128xf32, #tpu.memory_space<vmem>>, vector<1x16xf32>,
      %swap3A_90 = vector.shape_cast %swap3A_89 : vector<1x16xf32> to vector<16xf32>
      %swap3A_91 = vector.shape_cast %broadcast_in_dim3A_86 : vector<16xf32> to vector<1x16xf32>
      tpu.vector_store %arg11[%swap3A_87, %swap3A_88], %swap3A_91 {strides = array<i32>} : memref<128x128xf32, #tpu.memory_space<vmem>>, vector<1x16xf32>,
      %scan3A_92 = arith.constant 0 : i32
      scf.yield %scan3A_92 : i32
    }
    %scan3A_6 = arith.constant 128 : i32
    %add3A = arith.constant 0 : i32
    %add3A_7 = arith.addi %mul3A_0, %add3A : i32
    "tpu.region"() ({
      %run_scoped3A = tpu.sem_alloc : memref<!tpu.dma_semaphore, #tpu.memory_space<semaphore_mem>>
      %dma_start3A = arith.constant 0 : i32
      %dma_start3A_36 = tpu.memref_slice %arg6[%add3A_7, %dma_start3A] : memref<10240x128xf32, #tpu.memory_space<vmem_shared>> -> memref<128x128xf32, #tpu.memory_space<vmem_shared>>
      %dma_start3A_37 = arith.constant 0 : i32
      %dma_start3A_38 = tpu.memref_slice %arg6[%add3A_7, %dma_start3A_37] : memref<10240x128xf32, #tpu.memory_space<vmem_shared>> -> memref<128x128xf32, #tpu.memory_space<vmem_shared>>
      tpu.enqueue_dma source(%arg11 : memref<128x128xf32, #tpu.memory_space<vmem>>) target(%dma_start3A_38 : memref<128x128xf32, #tpu.memory_space<vmem_shared>>) target_semaphore(%run_scoped3A : memref<!tpu.dma_semaphore, #tpu.memory_space<semaphore_mem>>)
      %dma_wait3A = arith.constant 0 : i32
      %dma_wait3A_39 = tpu.memref_slice %arg6[%add3A_7, %dma_wait3A] : memref<10240x128xf32, #tpu.memory_space<vmem_shared>> -> memref<128x128xf32, #tpu.memory_space<vmem_shared>>
      %dma_wait3A_40 = arith.constant 0 : i32
      %dma_wait3A_41 = tpu.memref_slice %arg6[%add3A_7, %dma_wait3A_40] : memref<10240x128xf32, #tpu.memory_space<vmem_shared>> -> memref<128x128xf32, #tpu.memory_space<vmem_shared>>
      tpu.wait_dma2 semaphore(%run_scoped3A : memref<!tpu.dma_semaphore, #tpu.memory_space<semaphore_mem>>) src(%arg11 : memref<128x128xf32, #tpu.memory_space<vmem>>) dst(%dma_wait3A_41 : memref<128x128xf32, #tpu.memory_space<vmem_shared>>)
      tpu.yield
    }) : () -> ()
    %add3A_8 = arith.constant 128 : i32
    %add3A_9 = arith.addi %mul3A_0, %add3A_8 : i32
    "tpu.region"() ({
      %run_scoped3A = tpu.sem_alloc : memref<!tpu.dma_semaphore, #tpu.memory_space<semaphore_mem>>
      %dma_start3A = arith.constant 0 : i32
      %dma_start3A_36 = tpu.memref_slice %arg6[%add3A_9, %dma_start3A] : memref<10240x128xf32, #tpu.memory_space<vmem_shared>> -> memref<128x128xf32, #tpu.memory_space<vmem_shared>>
      %dma_start3A_37 = arith.constant 0 : i32
      %dma_start3A_38 = tpu.memref_slice %arg6[%add3A_9, %dma_start3A_37] : memref<10240x128xf32, #tpu.memory_space<vmem_shared>> -> memref<128x128xf32, #tpu.memory_space<vmem_shared>>
      tpu.enqueue_dma source(%arg11 : memref<128x128xf32, #tpu.memory_space<vmem>>) target(%dma_start3A_38 : memref<128x128xf32, #tpu.memory_space<vmem_shared>>) target_semaphore(%run_scoped3A : memref<!tpu.dma_semaphore, #tpu.memory_space<semaphore_mem>>)
      %dma_wait3A = arith.constant 0 : i32
      %dma_wait3A_39 = tpu.memref_slice %arg6[%add3A_9, %dma_wait3A] : memref<10240x128xf32, #tpu.memory_space<vmem_shared>> -> memref<128x128xf32, #tpu.memory_space<vmem_shared>>
      %dma_wait3A_40 = arith.constant 0 : i32
      %dma_wait3A_41 = tpu.memref_slice %arg6[%add3A_9, %dma_wait3A_40] : memref<10240x128xf32, #tpu.memory_space<vmem_shared>> -> memref<128x128xf32, #tpu.memory_space<vmem_shared>>
      tpu.wait_dma2 semaphore(%run_scoped3A : memref<!tpu.dma_semaphore, #tpu.memory_space<semaphore_mem>>) src(%arg11 : memref<128x128xf32, #tpu.memory_space<vmem>>) dst(%dma_wait3A_41 : memref<128x128xf32, #tpu.memory_space<vmem_shared>>)
      tpu.yield
    }) : () -> ()
    %add3A_10 = arith.constant 256 : i32
    %add3A_11 = arith.addi %mul3A_0, %add3A_10 : i32
    "tpu.region"() ({
      %run_scoped3A = tpu.sem_alloc : memref<!tpu.dma_semaphore, #tpu.memory_space<semaphore_mem>>
      %dma_start3A = arith.constant 0 : i32
      %dma_start3A_36 = tpu.memref_slice %arg6[%add3A_11, %dma_start3A] : memref<10240x128xf32, #tpu.memory_space<vmem_shared>> -> memref<128x128xf32, #tpu.memory_space<vmem_shared>>
      %dma_start3A_37 = arith.constant 0 : i32
      %dma_start3A_38 = tpu.memref_slice %arg6[%add3A_11, %dma_start3A_37] : memref<10240x128xf32, #tpu.memory_space<vmem_shared>> -> memref<128x128xf32, #tpu.memory_space<vmem_shared>>
      tpu.enqueue_dma source(%arg11 : memref<128x128xf32, #tpu.memory_space<vmem>>) target(%dma_start3A_38 : memref<128x128xf32, #tpu.memory_space<vmem_shared>>) target_semaphore(%run_scoped3A : memref<!tpu.dma_semaphore, #tpu.memory_space<semaphore_mem>>)
      %dma_wait3A = arith.constant 0 : i32
      %dma_wait3A_39 = tpu.memref_slice %arg6[%add3A_11, %dma_wait3A] : memref<10240x128xf32, #tpu.memory_space<vmem_shared>> -> memref<128x128xf32, #tpu.memory_space<vmem_shared>>
      %dma_wait3A_40 = arith.constant 0 : i32
      %dma_wait3A_41 = tpu.memref_slice %arg6[%add3A_11, %dma_wait3A_40] : memref<10240x128xf32, #tpu.memory_space<vmem_shared>> -> memref<128x128xf32, #tpu.memory_space<vmem_shared>>
      tpu.wait_dma2 semaphore(%run_scoped3A : memref<!tpu.dma_semaphore, #tpu.memory_space<semaphore_mem>>) src(%arg11 : memref<128x128xf32, #tpu.memory_space<vmem>>) dst(%dma_wait3A_41 : memref<128x128xf32, #tpu.memory_space<vmem_shared>>)
      tpu.yield
    }) : () -> ()
    %add3A_12 = arith.constant 384 : i32
    %add3A_13 = arith.addi %mul3A_0, %add3A_12 : i32
    "tpu.region"() ({
      %run_scoped3A = tpu.sem_alloc : memref<!tpu.dma_semaphore, #tpu.memory_space<semaphore_mem>>
      %dma_start3A = arith.constant 0 : i32
      %dma_start3A_36 = tpu.memref_slice %arg6[%add3A_13, %dma_start3A] : memref<10240x128xf32, #tpu.memory_space<vmem_shared>> -> memref<128x128xf32, #tpu.memory_space<vmem_shared>>
      %dma_start3A_37 = arith.constant 0 : i32
      %dma_start3A_38 = tpu.memref_slice %arg6[%add3A_13, %dma_start3A_37] : memref<10240x128xf32, #tpu.memory_space<vmem_shared>> -> memref<128x128xf32, #tpu.memory_space<vmem_shared>>
      tpu.enqueue_dma source(%arg11 : memref<128x128xf32, #tpu.memory_space<vmem>>) target(%dma_start3A_38 : memref<128x128xf32, #tpu.memory_space<vmem_shared>>) target_semaphore(%run_scoped3A : memref<!tpu.dma_semaphore, #tpu.memory_space<semaphore_mem>>)
      %dma_wait3A = arith.constant 0 : i32
      %dma_wait3A_39 = tpu.memref_slice %arg6[%add3A_13, %dma_wait3A] : memref<10240x128xf32, #tpu.memory_space<vmem_shared>> -> memref<128x128xf32, #tpu.memory_space<vmem_shared>>
      %dma_wait3A_40 = arith.constant 0 : i32
      %dma_wait3A_41 = tpu.memref_slice %arg6[%add3A_13, %dma_wait3A_40] : memref<10240x128xf32, #tpu.memory_space<vmem_shared>> -> memref<128x128xf32, #tpu.memory_space<vmem_shared>>
      tpu.wait_dma2 semaphore(%run_scoped3A : memref<!tpu.dma_semaphore, #tpu.memory_space<semaphore_mem>>) src(%arg11 : memref<128x128xf32, #tpu.memory_space<vmem>>) dst(%dma_wait3A_41 : memref<128x128xf32, #tpu.memory_space<vmem_shared>>)
      tpu.yield
    }) : () -> ()
    %add3A_14 = arith.constant 512 : i32
    %add3A_15 = arith.addi %mul3A_0, %add3A_14 : i32
    "tpu.region"() ({
      %run_scoped3A = tpu.sem_alloc : memref<!tpu.dma_semaphore, #tpu.memory_space<semaphore_mem>>
      %dma_start3A = arith.constant 0 : i32
      %dma_start3A_36 = tpu.memref_slice %arg6[%add3A_15, %dma_start3A] : memref<10240x128xf32, #tpu.memory_space<vmem_shared>> -> memref<128x128xf32, #tpu.memory_space<vmem_shared>>
      %dma_start3A_37 = arith.constant 0 : i32
      %dma_start3A_38 = tpu.memref_slice %arg6[%add3A_15, %dma_start3A_37] : memref<10240x128xf32, #tpu.memory_space<vmem_shared>> -> memref<128x128xf32, #tpu.memory_space<vmem_shared>>
      tpu.enqueue_dma source(%arg11 : memref<128x128xf32, #tpu.memory_space<vmem>>) target(%dma_start3A_38 : memref<128x128xf32, #tpu.memory_space<vmem_shared>>) target_semaphore(%run_scoped3A : memref<!tpu.dma_semaphore, #tpu.memory_space<semaphore_mem>>)
      %dma_wait3A = arith.constant 0 : i32
      %dma_wait3A_39 = tpu.memref_slice %arg6[%add3A_15, %dma_wait3A] : memref<10240x128xf32, #tpu.memory_space<vmem_shared>> -> memref<128x128xf32, #tpu.memory_space<vmem_shared>>
      %dma_wait3A_40 = arith.constant 0 : i32
      %dma_wait3A_41 = tpu.memref_slice %arg6[%add3A_15, %dma_wait3A_40] : memref<10240x128xf32, #tpu.memory_space<vmem_shared>> -> memref<128x128xf32, #tpu.memory_space<vmem_shared>>
      tpu.wait_dma2 semaphore(%run_scoped3A : memref<!tpu.dma_semaphore, #tpu.memory_space<semaphore_mem>>) src(%arg11 : memref<128x128xf32, #tpu.memory_space<vmem>>) dst(%dma_wait3A_41 : memref<128x128xf32, #tpu.memory_space<vmem_shared>>)
      tpu.yield
    }) : () -> ()
    %barrier3A = arith.constant 0 : index
    tpu.barrier barrier_id(%barrier3A)
    %mul3A_16 = arith.constant 10000 : i32
    %mul3A_17 = arith.muli %arg1, %mul3A_16 : i32
    %scan3A_18 = arith.constant 0 : i32
    %scan3A_19 = arith.constant 0 : i32
    %scan3A_20 = arith.constant 125 : i32
    %scan3A_21 = arith.addi %scan3A_19, %scan3A_20 : i32
    %scan3A_22 = arith.constant 1 : i32
    %scan3A_23 = scf.for %scan3A_36 = %scan3A_19 to %scan3A_21 step %scan3A_22 iter_args(%scan3A_37 = %scan3A_18) -> (i32)  : i32 {
      %mul3A_38 = arith.constant 80 : i32
      %mul3A_39 = arith.muli %scan3A_36, %mul3A_38 : i32
      %add3A_40 = arith.addi %mul3A_17, %mul3A_39 : i32
      "tpu.region"() ({
        %run_scoped3A = tpu.sem_alloc : memref<!tpu.dma_semaphore, #tpu.memory_space<semaphore_mem>>
        %dma_start3A = tpu.memref_slice %arg3[%add3A_40] : memref<160000xi32, #tpu.memory_space<hbm>> -> memref<80xi32, #tpu.memory_space<hbm>>
        %dma_start3A_42 = tpu.memref_slice %arg3[%add3A_40] : memref<160000xi32, #tpu.memory_space<hbm>> -> memref<80xi32, #tpu.memory_space<hbm>>
        tpu.enqueue_dma source(%dma_start3A_42 : memref<80xi32, #tpu.memory_space<hbm>>) target(%arg8 : memref<80xi32, #tpu.memory_space<vmem>>) target_semaphore(%run_scoped3A : memref<!tpu.dma_semaphore, #tpu.memory_space<semaphore_mem>>)
        %dma_wait3A = tpu.memref_slice %arg3[%add3A_40] : memref<160000xi32, #tpu.memory_space<hbm>> -> memref<80xi32, #tpu.memory_space<hbm>>
        %dma_wait3A_43 = tpu.memref_slice %arg3[%add3A_40] : memref<160000xi32, #tpu.memory_space<hbm>> -> memref<80xi32, #tpu.memory_space<hbm>>
        tpu.wait_dma2 semaphore(%run_scoped3A : memref<!tpu.dma_semaphore, #tpu.memory_space<semaphore_mem>>) src(%dma_wait3A_43 : memref<80xi32, #tpu.memory_space<hbm>>) dst(%arg8 : memref<80xi32, #tpu.memory_space<vmem>>)
        tpu.yield
      }) : () -> ()
      "tpu.region"() ({
        %run_scoped3A = tpu.sem_alloc : memref<!tpu.dma_semaphore, #tpu.memory_space<semaphore_mem>>
        %dma_start3A = tpu.memref_slice %arg4[%add3A_40] : memref<160000xi32, #tpu.memory_space<hbm>> -> memref<80xi32, #tpu.memory_space<hbm>>
        %dma_start3A_42 = tpu.memref_slice %arg4[%add3A_40] : memref<160000xi32, #tpu.memory_space<hbm>> -> memref<80xi32, #tpu.memory_space<hbm>>
        tpu.enqueue_dma source(%dma_start3A_42 : memref<80xi32, #tpu.memory_space<hbm>>) target(%arg9 : memref<80xi32, #tpu.memory_space<vmem>>) target_semaphore(%run_scoped3A : memref<!tpu.dma_semaphore, #tpu.memory_space<semaphore_mem>>)
        %dma_wait3A = tpu.memref_slice %arg4[%add3A_40] : memref<160000xi32, #tpu.memory_space<hbm>> -> memref<80xi32, #tpu.memory_space<hbm>>
        %dma_wait3A_43 = tpu.memref_slice %arg4[%add3A_40] : memref<160000xi32, #tpu.memory_space<hbm>> -> memref<80xi32, #tpu.memory_space<hbm>>
        tpu.wait_dma2 semaphore(%run_scoped3A : memref<!tpu.dma_semaphore, #tpu.memory_space<semaphore_mem>>) src(%dma_wait3A_43 : memref<80xi32, #tpu.memory_space<hbm>>) dst(%arg9 : memref<80xi32, #tpu.memory_space<vmem>>)
        tpu.yield
      }) : () -> ()
      "tpu.region"() ({
        %run_scoped3A = tpu.sem_alloc : memref<!tpu.dma_semaphore, #tpu.memory_space<semaphore_mem>>
        %dma_start3A = arith.constant 0 : i32
        %dma_start3A_42 = arith.constant 0 : i32
        %dma_start3A_43 = tpu.memref_slice %arg2[%arg0, %dma_start3A, %dma_start3A_42] : memref<2x10240x128xf32, #tpu.memory_space<hbm>> -> memref<1x10240x128xf32, #tpu.memory_space<hbm>>
        %dma_start3A_44 = tpu.memref_squeeze %dma_start3A_43 : memref<1x10240x128xf32, #tpu.memory_space<hbm>> -> memref<10240x128xf32, #tpu.memory_space<hbm>>
        %dma_start3A_45 = arith.constant 0 : i32
        %dma_start3A_46 = arith.constant 0 : i32
        %dma_start3A_47 = tpu.memref_slice %dma_start3A_44[%dma_start3A_45, %dma_start3A_46] : memref<10240x128xf32, #tpu.memory_space<hbm>> -> memref<10240x128xf32, #tpu.memory_space<hbm>>
        tpu.enqueue_indirect_dma source(%dma_start3A_47 : memref<10240x128xf32, #tpu.memory_space<hbm>>) target(%arg10 : memref<80x128xf32, #tpu.memory_space<vmem>>) offsets(%arg8 : memref<80xi32, #tpu.memory_space<vmem>>) semaphore(%run_scoped3A : memref<!tpu.dma_semaphore, #tpu.memory_space<semaphore_mem>>)
        %dma_wait3A = arith.constant 0 : i32
        %dma_wait3A_48 = arith.constant 0 : i32
        %dma_wait3A_49 = tpu.memref_slice %arg2[%arg0, %dma_wait3A, %dma_wait3A_48] : memref<2x10240x128xf32, #tpu.memory_space<hbm>> -> memref<1x10240x128xf32, #tpu.memory_space<hbm>>
        %dma_wait3A_50 = tpu.memref_squeeze %dma_wait3A_49 : memref<1x10240x128xf32, #tpu.memory_space<hbm>> -> memref<10240x128xf32, #tpu.memory_space<hbm>>
        %dma_wait3A_51 = arith.constant 0 : i32
        %dma_wait3A_52 = arith.constant 0 : i32
        %dma_wait3A_53 = tpu.memref_slice %dma_wait3A_50[%dma_wait3A_51, %dma_wait3A_52] : memref<10240x128xf32, #tpu.memory_space<hbm>> -> memref<10240x128xf32, #tpu.memory_space<hbm>>
        tpu.wait_indirect_dma semaphore(%run_scoped3A : memref<!tpu.dma_semaphore, #tpu.memory_space<semaphore_mem>>) src(%dma_wait3A_53 : memref<10240x128xf32, #tpu.memory_space<hbm>>) dst(%arg10 : memref<80x128xf32, #tpu.memory_space<vmem>>)
        tpu.yield
      }) : () -> ()
      "tpu.region"() ({
        %run_scoped3A = tpu.sem_alloc : memref<!tpu.dma_semaphore, #tpu.memory_space<semaphore_mem>>
        %dma_start3A = arith.constant 0 : i32
        %dma_start3A_42 = arith.constant 0 : i32
        %dma_start3A_43 = tpu.memref_slice %arg6[%dma_start3A, %dma_start3A_42] : memref<10240x128xf32, #tpu.memory_space<vmem_shared>> -> memref<10240x128xf32, #tpu.memory_space<vmem_shared>>
        tpu.enqueue_indirect_dma source(%arg10 : memref<80x128xf32, #tpu.memory_space<vmem>>) target(%dma_start3A_43 : memref<10240x128xf32, #tpu.memory_space<vmem_shared>>) offsets(%arg9 : memref<80xi32, #tpu.memory_space<vmem>>) semaphore(%run_scoped3A : memref<!tpu.dma_semaphore, #tpu.memory_space<semaphore_mem>>) {add = true}
        %dma_wait3A = arith.constant 0 : i32
        %dma_wait3A_44 = arith.constant 0 : i32
        %dma_wait3A_45 = tpu.memref_slice %arg6[%dma_wait3A, %dma_wait3A_44] : memref<10240x128xf32, #tpu.memory_space<vmem_shared>> -> memref<10240x128xf32, #tpu.memory_space<vmem_shared>>
        tpu.wait_indirect_dma semaphore(%run_scoped3A : memref<!tpu.dma_semaphore, #tpu.memory_space<semaphore_mem>>) src(%arg10 : memref<80x128xf32, #tpu.memory_space<vmem>>) dst(%dma_wait3A_45 : memref<10240x128xf32, #tpu.memory_space<vmem_shared>>)
        tpu.yield
      }) : () -> ()
      %scan3A_41 = arith.constant 0 : i32
      scf.yield %scan3A_41 : i32
    }
    %scan3A_24 = arith.constant 125 : i32
    %barrier3A_25 = arith.constant 0 : index
    tpu.barrier barrier_id(%barrier3A_25)
    %add3A_26 = arith.constant 0 : i32
    %add3A_27 = arith.addi %mul3A_0, %add3A_26 : i32
    "tpu.region"() ({
      %run_scoped3A = tpu.sem_alloc : memref<!tpu.dma_semaphore, #tpu.memory_space<semaphore_mem>>
      %dma_start3A = arith.constant 0 : i32
      %dma_start3A_36 = tpu.memref_slice %arg6[%add3A_27, %dma_start3A] : memref<10240x128xf32, #tpu.memory_space<vmem_shared>> -> memref<128x128xf32, #tpu.memory_space<vmem_shared>>
      %dma_start3A_37 = arith.constant 0 : i32
      %dma_start3A_38 = tpu.memref_slice %arg6[%add3A_27, %dma_start3A_37] : memref<10240x128xf32, #tpu.memory_space<vmem_shared>> -> memref<128x128xf32, #tpu.memory_space<vmem_shared>>
      tpu.enqueue_dma source(%dma_start3A_38 : memref<128x128xf32, #tpu.memory_space<vmem_shared>>) target(%arg11 : memref<128x128xf32, #tpu.memory_space<vmem>>) target_semaphore(%run_scoped3A : memref<!tpu.dma_semaphore, #tpu.memory_space<semaphore_mem>>)
      %dma_wait3A = arith.constant 0 : i32
      %dma_wait3A_39 = tpu.memref_slice %arg6[%add3A_27, %dma_wait3A] : memref<10240x128xf32, #tpu.memory_space<vmem_shared>> -> memref<128x128xf32, #tpu.memory_space<vmem_shared>>
      %dma_wait3A_40 = arith.constant 0 : i32
      %dma_wait3A_41 = tpu.memref_slice %arg6[%add3A_27, %dma_wait3A_40] : memref<10240x128xf32, #tpu.memory_space<vmem_shared>> -> memref<128x128xf32, #tpu.memory_space<vmem_shared>>
      tpu.wait_dma2 semaphore(%run_scoped3A : memref<!tpu.dma_semaphore, #tpu.memory_space<semaphore_mem>>) src(%dma_wait3A_41 : memref<128x128xf32, #tpu.memory_space<vmem_shared>>) dst(%arg11 : memref<128x128xf32, #tpu.memory_space<vmem>>)
      tpu.yield
    }) : () -> ()
    "tpu.region"() ({
      %run_scoped3A = tpu.sem_alloc : memref<!tpu.dma_semaphore, #tpu.memory_space<semaphore_mem>>
      %dma_start3A = arith.constant 0 : i32
      %dma_start3A_36 = arith.constant 0 : i32
      %dma_start3A_37 = tpu.memref_slice %arg5[%arg0, %dma_start3A, %dma_start3A_36] : memref<2x10240x128xf32, #tpu.memory_space<hbm>> -> memref<1x10240x128xf32, #tpu.memory_space<hbm>>
      %dma_start3A_38 = tpu.memref_squeeze %dma_start3A_37 : memref<1x10240x128xf32, #tpu.memory_space<hbm>> -> memref<10240x128xf32, #tpu.memory_space<hbm>>
      %dma_start3A_39 = arith.constant 0 : i32
      %dma_start3A_40 = tpu.memref_slice %dma_start3A_38[%add3A_27, %dma_start3A_39] : memref<10240x128xf32, #tpu.memory_space<hbm>> -> memref<128x128xf32, #tpu.memory_space<hbm>>
      %dma_start3A_41 = arith.constant 0 : i32
      %dma_start3A_42 = arith.constant 0 : i32
      %dma_start3A_43 = tpu.memref_slice %arg5[%arg0, %dma_start3A_41, %dma_start3A_42] : memref<2x10240x128xf32, #tpu.memory_space<hbm>> -> memref<1x10240x128xf32, #tpu.memory_space<hbm>>
      %dma_start3A_44 = tpu.memref_squeeze %dma_start3A_43 : memref<1x10240x128xf32, #tpu.memory_space<hbm>> -> memref<10240x128xf32, #tpu.memory_space<hbm>>
      %dma_start3A_45 = arith.constant 0 : i32
      %dma_start3A_46 = tpu.memref_slice %dma_start3A_44[%add3A_27, %dma_start3A_45] : memref<10240x128xf32, #tpu.memory_space<hbm>> -> memref<128x128xf32, #tpu.memory_space<hbm>>
      tpu.enqueue_dma source(%arg11 : memref<128x128xf32, #tpu.memory_space<vmem>>) target(%dma_start3A_46 : memref<128x128xf32, #tpu.memory_space<hbm>>) target_semaphore(%run_scoped3A : memref<!tpu.dma_semaphore, #tpu.memory_space<semaphore_mem>>)
      %dma_wait3A = arith.constant 0 : i32
      %dma_wait3A_47 = arith.constant 0 : i32
      %dma_wait3A_48 = tpu.memref_slice %arg5[%arg0, %dma_wait3A, %dma_wait3A_47] : memref<2x10240x128xf32, #tpu.memory_space<hbm>> -> memref<1x10240x128xf32, #tpu.memory_space<hbm>>
      %dma_wait3A_49 = tpu.memref_squeeze %dma_wait3A_48 : memref<1x10240x128xf32, #tpu.memory_space<hbm>> -> memref<10240x128xf32, #tpu.memory_space<hbm>>
      %dma_wait3A_50 = arith.constant 0 : i32
      %dma_wait3A_51 = tpu.memref_slice %dma_wait3A_49[%add3A_27, %dma_wait3A_50] : memref<10240x128xf32, #tpu.memory_space<hbm>> -> memref<128x128xf32, #tpu.memory_space<hbm>>
      %dma_wait3A_52 = arith.constant 0 : i32
      %dma_wait3A_53 = arith.constant 0 : i32
      %dma_wait3A_54 = tpu.memref_slice %arg5[%arg0, %dma_wait3A_52, %dma_wait3A_53] : memref<2x10240x128xf32, #tpu.memory_space<hbm>> -> memref<1x10240x128xf32, #tpu.memory_space<hbm>>
      %dma_wait3A_55 = tpu.memref_squeeze %dma_wait3A_54 : memref<1x10240x128xf32, #tpu.memory_space<hbm>> -> memref<10240x128xf32, #tpu.memory_space<hbm>>
      %dma_wait3A_56 = arith.constant 0 : i32
      %dma_wait3A_57 = tpu.memref_slice %dma_wait3A_55[%add3A_27, %dma_wait3A_56] : memref<10240x128xf32, #tpu.memory_space<hbm>> -> memref<128x128xf32, #tpu.memory_space<hbm>>
      tpu.wait_dma2 semaphore(%run_scoped3A : memref<!tpu.dma_semaphore, #tpu.memory_space<semaphore_mem>>) src(%arg11 : memref<128x128xf32, #tpu.memory_space<vmem>>) dst(%dma_wait3A_57 : memref<128x128xf32, #tpu.memory_space<hbm>>)
      tpu.yield
    }) : () -> ()
    %add3A_28 = arith.constant 128 : i32
    %add3A_29 = arith.addi %mul3A_0, %add3A_28 : i32
    "tpu.region"() ({
      %run_scoped3A = tpu.sem_alloc : memref<!tpu.dma_semaphore, #tpu.memory_space<semaphore_mem>>
      %dma_start3A = arith.constant 0 : i32
      %dma_start3A_36 = tpu.memref_slice %arg6[%add3A_29, %dma_start3A] : memref<10240x128xf32, #tpu.memory_space<vmem_shared>> -> memref<128x128xf32, #tpu.memory_space<vmem_shared>>
      %dma_start3A_37 = arith.constant 0 : i32
      %dma_start3A_38 = tpu.memref_slice %arg6[%add3A_29, %dma_start3A_37] : memref<10240x128xf32, #tpu.memory_space<vmem_shared>> -> memref<128x128xf32, #tpu.memory_space<vmem_shared>>
      tpu.enqueue_dma source(%dma_start3A_38 : memref<128x128xf32, #tpu.memory_space<vmem_shared>>) target(%arg11 : memref<128x128xf32, #tpu.memory_space<vmem>>) target_semaphore(%run_scoped3A : memref<!tpu.dma_semaphore, #tpu.memory_space<semaphore_mem>>)
      %dma_wait3A = arith.constant 0 : i32
      %dma_wait3A_39 = tpu.memref_slice %arg6[%add3A_29, %dma_wait3A] : memref<10240x128xf32, #tpu.memory_space<vmem_shared>> -> memref<128x128xf32, #tpu.memory_space<vmem_shared>>
      %dma_wait3A_40 = arith.constant 0 : i32
      %dma_wait3A_41 = tpu.memref_slice %arg6[%add3A_29, %dma_wait3A_40] : memref<10240x128xf32, #tpu.memory_space<vmem_shared>> -> memref<128x128xf32, #tpu.memory_space<vmem_shared>>
      tpu.wait_dma2 semaphore(%run_scoped3A : memref<!tpu.dma_semaphore, #tpu.memory_space<semaphore_mem>>) src(%dma_wait3A_41 : memref<128x128xf32, #tpu.memory_space<vmem_shared>>) dst(%arg11 : memref<128x128xf32, #tpu.memory_space<vmem>>)
      tpu.yield
    }) : () -> ()
    "tpu.region"() ({
      %run_scoped3A = tpu.sem_alloc : memref<!tpu.dma_semaphore, #tpu.memory_space<semaphore_mem>>
      %dma_start3A = arith.constant 0 : i32
      %dma_start3A_36 = arith.constant 0 : i32
      %dma_start3A_37 = tpu.memref_slice %arg5[%arg0, %dma_start3A, %dma_start3A_36] : memref<2x10240x128xf32, #tpu.memory_space<hbm>> -> memref<1x10240x128xf32, #tpu.memory_space<hbm>>
      %dma_start3A_38 = tpu.memref_squeeze %dma_start3A_37 : memref<1x10240x128xf32, #tpu.memory_space<hbm>> -> memref<10240x128xf32, #tpu.memory_space<hbm>>
      %dma_start3A_39 = arith.constant 0 : i32
      %dma_start3A_40 = tpu.memref_slice %dma_start3A_38[%add3A_29, %dma_start3A_39] : memref<10240x128xf32, #tpu.memory_space<hbm>> -> memref<128x128xf32, #tpu.memory_space<hbm>>
      %dma_start3A_41 = arith.constant 0 : i32
      %dma_start3A_42 = arith.constant 0 : i32
      %dma_start3A_43 = tpu.memref_slice %arg5[%arg0, %dma_start3A_41, %dma_start3A_42] : memref<2x10240x128xf32, #tpu.memory_space<hbm>> -> memref<1x10240x128xf32, #tpu.memory_space<hbm>>
      %dma_start3A_44 = tpu.memref_squeeze %dma_start3A_43 : memref<1x10240x128xf32, #tpu.memory_space<hbm>> -> memref<10240x128xf32, #tpu.memory_space<hbm>>
      %dma_start3A_45 = arith.constant 0 : i32
      %dma_start3A_46 = tpu.memref_slice %dma_start3A_44[%add3A_29, %dma_start3A_45] : memref<10240x128xf32, #tpu.memory_space<hbm>> -> memref<128x128xf32, #tpu.memory_space<hbm>>
      tpu.enqueue_dma source(%arg11 : memref<128x128xf32, #tpu.memory_space<vmem>>) target(%dma_start3A_46 : memref<128x128xf32, #tpu.memory_space<hbm>>) target_semaphore(%run_scoped3A : memref<!tpu.dma_semaphore, #tpu.memory_space<semaphore_mem>>)
      %dma_wait3A = arith.constant 0 : i32
      %dma_wait3A_47 = arith.constant 0 : i32
      %dma_wait3A_48 = tpu.memref_slice %arg5[%arg0, %dma_wait3A, %dma_wait3A_47] : memref<2x10240x128xf32, #tpu.memory_space<hbm>> -> memref<1x10240x128xf32, #tpu.memory_space<hbm>>
      %dma_wait3A_49 = tpu.memref_squeeze %dma_wait3A_48 : memref<1x10240x128xf32, #tpu.memory_space<hbm>> -> memref<10240x128xf32, #tpu.memory_space<hbm>>
      %dma_wait3A_50 = arith.constant 0 : i32
      %dma_wait3A_51 = tpu.memref_slice %dma_wait3A_49[%add3A_29, %dma_wait3A_50] : memref<10240x128xf32, #tpu.memory_space<hbm>> -> memref<128x128xf32, #tpu.memory_space<hbm>>
      %dma_wait3A_52 = arith.constant 0 : i32
      %dma_wait3A_53 = arith.constant 0 : i32
      %dma_wait3A_54 = tpu.memref_slice %arg5[%arg0, %dma_wait3A_52, %dma_wait3A_53] : memref<2x10240x128xf32, #tpu.memory_space<hbm>> -> memref<1x10240x128xf32, #tpu.memory_space<hbm>>
      %dma_wait3A_55 = tpu.memref_squeeze %dma_wait3A_54 : memref<1x10240x128xf32, #tpu.memory_space<hbm>> -> memref<10240x128xf32, #tpu.memory_space<hbm>>
      %dma_wait3A_56 = arith.constant 0 : i32
      %dma_wait3A_57 = tpu.memref_slice %dma_wait3A_55[%add3A_29, %dma_wait3A_56] : memref<10240x128xf32, #tpu.memory_space<hbm>> -> memref<128x128xf32, #tpu.memory_space<hbm>>
      tpu.wait_dma2 semaphore(%run_scoped3A : memref<!tpu.dma_semaphore, #tpu.memory_space<semaphore_mem>>) src(%arg11 : memref<128x128xf32, #tpu.memory_space<vmem>>) dst(%dma_wait3A_57 : memref<128x128xf32, #tpu.memory_space<hbm>>)
      tpu.yield
    }) : () -> ()
    %add3A_30 = arith.constant 256 : i32
    %add3A_31 = arith.addi %mul3A_0, %add3A_30 : i32
    "tpu.region"() ({
      %run_scoped3A = tpu.sem_alloc : memref<!tpu.dma_semaphore, #tpu.memory_space<semaphore_mem>>
      %dma_start3A = arith.constant 0 : i32
      %dma_start3A_36 = tpu.memref_slice %arg6[%add3A_31, %dma_start3A] : memref<10240x128xf32, #tpu.memory_space<vmem_shared>> -> memref<128x128xf32, #tpu.memory_space<vmem_shared>>
      %dma_start3A_37 = arith.constant 0 : i32
      %dma_start3A_38 = tpu.memref_slice %arg6[%add3A_31, %dma_start3A_37] : memref<10240x128xf32, #tpu.memory_space<vmem_shared>> -> memref<128x128xf32, #tpu.memory_space<vmem_shared>>
      tpu.enqueue_dma source(%dma_start3A_38 : memref<128x128xf32, #tpu.memory_space<vmem_shared>>) target(%arg11 : memref<128x128xf32, #tpu.memory_space<vmem>>) target_semaphore(%run_scoped3A : memref<!tpu.dma_semaphore, #tpu.memory_space<semaphore_mem>>)
      %dma_wait3A = arith.constant 0 : i32
      %dma_wait3A_39 = tpu.memref_slice %arg6[%add3A_31, %dma_wait3A] : memref<10240x128xf32, #tpu.memory_space<vmem_shared>> -> memref<128x128xf32, #tpu.memory_space<vmem_shared>>
      %dma_wait3A_40 = arith.constant 0 : i32
      %dma_wait3A_41 = tpu.memref_slice %arg6[%add3A_31, %dma_wait3A_40] : memref<10240x128xf32, #tpu.memory_space<vmem_shared>> -> memref<128x128xf32, #tpu.memory_space<vmem_shared>>
      tpu.wait_dma2 semaphore(%run_scoped3A : memref<!tpu.dma_semaphore, #tpu.memory_space<semaphore_mem>>) src(%dma_wait3A_41 : memref<128x128xf32, #tpu.memory_space<vmem_shared>>) dst(%arg11 : memref<128x128xf32, #tpu.memory_space<vmem>>)
      tpu.yield
    }) : () -> ()
    "tpu.region"() ({
      %run_scoped3A = tpu.sem_alloc : memref<!tpu.dma_semaphore, #tpu.memory_space<semaphore_mem>>
      %dma_start3A = arith.constant 0 : i32
      %dma_start3A_36 = arith.constant 0 : i32
      %dma_start3A_37 = tpu.memref_slice %arg5[%arg0, %dma_start3A, %dma_start3A_36] : memref<2x10240x128xf32, #tpu.memory_space<hbm>> -> memref<1x10240x128xf32, #tpu.memory_space<hbm>>
      %dma_start3A_38 = tpu.memref_squeeze %dma_start3A_37 : memref<1x10240x128xf32, #tpu.memory_space<hbm>> -> memref<10240x128xf32, #tpu.memory_space<hbm>>
      %dma_start3A_39 = arith.constant 0 : i32
      %dma_start3A_40 = tpu.memref_slice %dma_start3A_38[%add3A_31, %dma_start3A_39] : memref<10240x128xf32, #tpu.memory_space<hbm>> -> memref<128x128xf32, #tpu.memory_space<hbm>>
      %dma_start3A_41 = arith.constant 0 : i32
      %dma_start3A_42 = arith.constant 0 : i32
      %dma_start3A_43 = tpu.memref_slice %arg5[%arg0, %dma_start3A_41, %dma_start3A_42] : memref<2x10240x128xf32, #tpu.memory_space<hbm>> -> memref<1x10240x128xf32, #tpu.memory_space<hbm>>
      %dma_start3A_44 = tpu.memref_squeeze %dma_start3A_43 : memref<1x10240x128xf32, #tpu.memory_space<hbm>> -> memref<10240x128xf32, #tpu.memory_space<hbm>>
      %dma_start3A_45 = arith.constant 0 : i32
      %dma_start3A_46 = tpu.memref_slice %dma_start3A_44[%add3A_31, %dma_start3A_45] : memref<10240x128xf32, #tpu.memory_space<hbm>> -> memref<128x128xf32, #tpu.memory_space<hbm>>
      tpu.enqueue_dma source(%arg11 : memref<128x128xf32, #tpu.memory_space<vmem>>) target(%dma_start3A_46 : memref<128x128xf32, #tpu.memory_space<hbm>>) target_semaphore(%run_scoped3A : memref<!tpu.dma_semaphore, #tpu.memory_space<semaphore_mem>>)
      %dma_wait3A = arith.constant 0 : i32
      %dma_wait3A_47 = arith.constant 0 : i32
      %dma_wait3A_48 = tpu.memref_slice %arg5[%arg0, %dma_wait3A, %dma_wait3A_47] : memref<2x10240x128xf32, #tpu.memory_space<hbm>> -> memref<1x10240x128xf32, #tpu.memory_space<hbm>>
      %dma_wait3A_49 = tpu.memref_squeeze %dma_wait3A_48 : memref<1x10240x128xf32, #tpu.memory_space<hbm>> -> memref<10240x128xf32, #tpu.memory_space<hbm>>
      %dma_wait3A_50 = arith.constant 0 : i32
      %dma_wait3A_51 = tpu.memref_slice %dma_wait3A_49[%add3A_31, %dma_wait3A_50] : memref<10240x128xf32, #tpu.memory_space<hbm>> -> memref<128x128xf32, #tpu.memory_space<hbm>>
      %dma_wait3A_52 = arith.constant 0 : i32
      %dma_wait3A_53 = arith.constant 0 : i32
      %dma_wait3A_54 = tpu.memref_slice %arg5[%arg0, %dma_wait3A_52, %dma_wait3A_53] : memref<2x10240x128xf32, #tpu.memory_space<hbm>> -> memref<1x10240x128xf32, #tpu.memory_space<hbm>>
      %dma_wait3A_55 = tpu.memref_squeeze %dma_wait3A_54 : memref<1x10240x128xf32, #tpu.memory_space<hbm>> -> memref<10240x128xf32, #tpu.memory_space<hbm>>
      %dma_wait3A_56 = arith.constant 0 : i32
      %dma_wait3A_57 = tpu.memref_slice %dma_wait3A_55[%add3A_31, %dma_wait3A_56] : memref<10240x128xf32, #tpu.memory_space<hbm>> -> memref<128x128xf32, #tpu.memory_space<hbm>>
      tpu.wait_dma2 semaphore(%run_scoped3A : memref<!tpu.dma_semaphore, #tpu.memory_space<semaphore_mem>>) src(%arg11 : memref<128x128xf32, #tpu.memory_space<vmem>>) dst(%dma_wait3A_57 : memref<128x128xf32, #tpu.memory_space<hbm>>)
      tpu.yield
    }) : () -> ()
    %add3A_32 = arith.constant 384 : i32
    %add3A_33 = arith.addi %mul3A_0, %add3A_32 : i32
    "tpu.region"() ({
      %run_scoped3A = tpu.sem_alloc : memref<!tpu.dma_semaphore, #tpu.memory_space<semaphore_mem>>
      %dma_start3A = arith.constant 0 : i32
      %dma_start3A_36 = tpu.memref_slice %arg6[%add3A_33, %dma_start3A] : memref<10240x128xf32, #tpu.memory_space<vmem_shared>> -> memref<128x128xf32, #tpu.memory_space<vmem_shared>>
      %dma_start3A_37 = arith.constant 0 : i32
      %dma_start3A_38 = tpu.memref_slice %arg6[%add3A_33, %dma_start3A_37] : memref<10240x128xf32, #tpu.memory_space<vmem_shared>> -> memref<128x128xf32, #tpu.memory_space<vmem_shared>>
      tpu.enqueue_dma source(%dma_start3A_38 : memref<128x128xf32, #tpu.memory_space<vmem_shared>>) target(%arg11 : memref<128x128xf32, #tpu.memory_space<vmem>>) target_semaphore(%run_scoped3A : memref<!tpu.dma_semaphore, #tpu.memory_space<semaphore_mem>>)
      %dma_wait3A = arith.constant 0 : i32
      %dma_wait3A_39 = tpu.memref_slice %arg6[%add3A_33, %dma_wait3A] : memref<10240x128xf32, #tpu.memory_space<vmem_shared>> -> memref<128x128xf32, #tpu.memory_space<vmem_shared>>
      %dma_wait3A_40 = arith.constant 0 : i32
      %dma_wait3A_41 = tpu.memref_slice %arg6[%add3A_33, %dma_wait3A_40] : memref<10240x128xf32, #tpu.memory_space<vmem_shared>> -> memref<128x128xf32, #tpu.memory_space<vmem_shared>>
      tpu.wait_dma2 semaphore(%run_scoped3A : memref<!tpu.dma_semaphore, #tpu.memory_space<semaphore_mem>>) src(%dma_wait3A_41 : memref<128x128xf32, #tpu.memory_space<vmem_shared>>) dst(%arg11 : memref<128x128xf32, #tpu.memory_space<vmem>>)
      tpu.yield
    }) : () -> ()
    "tpu.region"() ({
      %run_scoped3A = tpu.sem_alloc : memref<!tpu.dma_semaphore, #tpu.memory_space<semaphore_mem>>
      %dma_start3A = arith.constant 0 : i32
      %dma_start3A_36 = arith.constant 0 : i32
      %dma_start3A_37 = tpu.memref_slice %arg5[%arg0, %dma_start3A, %dma_start3A_36] : memref<2x10240x128xf32, #tpu.memory_space<hbm>> -> memref<1x10240x128xf32, #tpu.memory_space<hbm>>
      %dma_start3A_38 = tpu.memref_squeeze %dma_start3A_37 : memref<1x10240x128xf32, #tpu.memory_space<hbm>> -> memref<10240x128xf32, #tpu.memory_space<hbm>>
      %dma_start3A_39 = arith.constant 0 : i32
      %dma_start3A_40 = tpu.memref_slice %dma_start3A_38[%add3A_33, %dma_start3A_39] : memref<10240x128xf32, #tpu.memory_space<hbm>> -> memref<128x128xf32, #tpu.memory_space<hbm>>
      %dma_start3A_41 = arith.constant 0 : i32
      %dma_start3A_42 = arith.constant 0 : i32
      %dma_start3A_43 = tpu.memref_slice %arg5[%arg0, %dma_start3A_41, %dma_start3A_42] : memref<2x10240x128xf32, #tpu.memory_space<hbm>> -> memref<1x10240x128xf32, #tpu.memory_space<hbm>>
      %dma_start3A_44 = tpu.memref_squeeze %dma_start3A_43 : memref<1x10240x128xf32, #tpu.memory_space<hbm>> -> memref<10240x128xf32, #tpu.memory_space<hbm>>
      %dma_start3A_45 = arith.constant 0 : i32
      %dma_start3A_46 = tpu.memref_slice %dma_start3A_44[%add3A_33, %dma_start3A_45] : memref<10240x128xf32, #tpu.memory_space<hbm>> -> memref<128x128xf32, #tpu.memory_space<hbm>>
      tpu.enqueue_dma source(%arg11 : memref<128x128xf32, #tpu.memory_space<vmem>>) target(%dma_start3A_46 : memref<128x128xf32, #tpu.memory_space<hbm>>) target_semaphore(%run_scoped3A : memref<!tpu.dma_semaphore, #tpu.memory_space<semaphore_mem>>)
      %dma_wait3A = arith.constant 0 : i32
      %dma_wait3A_47 = arith.constant 0 : i32
      %dma_wait3A_48 = tpu.memref_slice %arg5[%arg0, %dma_wait3A, %dma_wait3A_47] : memref<2x10240x128xf32, #tpu.memory_space<hbm>> -> memref<1x10240x128xf32, #tpu.memory_space<hbm>>
      %dma_wait3A_49 = tpu.memref_squeeze %dma_wait3A_48 : memref<1x10240x128xf32, #tpu.memory_space<hbm>> -> memref<10240x128xf32, #tpu.memory_space<hbm>>
      %dma_wait3A_50 = arith.constant 0 : i32
      %dma_wait3A_51 = tpu.memref_slice %dma_wait3A_49[%add3A_33, %dma_wait3A_50] : memref<10240x128xf32, #tpu.memory_space<hbm>> -> memref<128x128xf32, #tpu.memory_space<hbm>>
      %dma_wait3A_52 = arith.constant 0 : i32
      %dma_wait3A_53 = arith.constant 0 : i32
      %dma_wait3A_54 = tpu.memref_slice %arg5[%arg0, %dma_wait3A_52, %dma_wait3A_53] : memref<2x10240x128xf32, #tpu.memory_space<hbm>> -> memref<1x10240x128xf32, #tpu.memory_space<hbm>>
      %dma_wait3A_55 = tpu.memref_squeeze %dma_wait3A_54 : memref<1x10240x128xf32, #tpu.memory_space<hbm>> -> memref<10240x128xf32, #tpu.memory_space<hbm>>
      %dma_wait3A_56 = arith.constant 0 : i32
      %dma_wait3A_57 = tpu.memref_slice %dma_wait3A_55[%add3A_33, %dma_wait3A_56] : memref<10240x128xf32, #tpu.memory_space<hbm>> -> memref<128x128xf32, #tpu.memory_space<hbm>>
      tpu.wait_dma2 semaphore(%run_scoped3A : memref<!tpu.dma_semaphore, #tpu.memory_space<semaphore_mem>>) src(%arg11 : memref<128x128xf32, #tpu.memory_space<vmem>>) dst(%dma_wait3A_57 : memref<128x128xf32, #tpu.memory_space<hbm>>)
      tpu.yield
    }) : () -> ()
    %add3A_34 = arith.constant 512 : i32
    %add3A_35 = arith.addi %mul3A_0, %add3A_34 : i32
    "tpu.region"() ({
      %run_scoped3A = tpu.sem_alloc : memref<!tpu.dma_semaphore, #tpu.memory_space<semaphore_mem>>
      %dma_start3A = arith.constant 0 : i32
      %dma_start3A_36 = tpu.memref_slice %arg6[%add3A_35, %dma_start3A] : memref<10240x128xf32, #tpu.memory_space<vmem_shared>> -> memref<128x128xf32, #tpu.memory_space<vmem_shared>>
      %dma_start3A_37 = arith.constant 0 : i32
      %dma_start3A_38 = tpu.memref_slice %arg6[%add3A_35, %dma_start3A_37] : memref<10240x128xf32, #tpu.memory_space<vmem_shared>> -> memref<128x128xf32, #tpu.memory_space<vmem_shared>>
      tpu.enqueue_dma source(%dma_start3A_38 : memref<128x128xf32, #tpu.memory_space<vmem_shared>>) target(%arg11 : memref<128x128xf32, #tpu.memory_space<vmem>>) target_semaphore(%run_scoped3A : memref<!tpu.dma_semaphore, #tpu.memory_space<semaphore_mem>>)
      %dma_wait3A = arith.constant 0 : i32
      %dma_wait3A_39 = tpu.memref_slice %arg6[%add3A_35, %dma_wait3A] : memref<10240x128xf32, #tpu.memory_space<vmem_shared>> -> memref<128x128xf32, #tpu.memory_space<vmem_shared>>
      %dma_wait3A_40 = arith.constant 0 : i32
      %dma_wait3A_41 = tpu.memref_slice %arg6[%add3A_35, %dma_wait3A_40] : memref<10240x128xf32, #tpu.memory_space<vmem_shared>> -> memref<128x128xf32, #tpu.memory_space<vmem_shared>>
      tpu.wait_dma2 semaphore(%run_scoped3A : memref<!tpu.dma_semaphore, #tpu.memory_space<semaphore_mem>>) src(%dma_wait3A_41 : memref<128x128xf32, #tpu.memory_space<vmem_shared>>) dst(%arg11 : memref<128x128xf32, #tpu.memory_space<vmem>>)
      tpu.yield
    }) : () -> ()
    "tpu.region"() ({
      %run_scoped3A = tpu.sem_alloc : memref<!tpu.dma_semaphore, #tpu.memory_space<semaphore_mem>>
      %dma_start3A = arith.constant 0 : i32
      %dma_start3A_36 = arith.constant 0 : i32
      %dma_start3A_37 = tpu.memref_slice %arg5[%arg0, %dma_start3A, %dma_start3A_36] : memref<2x10240x128xf32, #tpu.memory_space<hbm>> -> memref<1x10240x128xf32, #tpu.memory_space<hbm>>
      %dma_start3A_38 = tpu.memref_squeeze %dma_start3A_37 : memref<1x10240x128xf32, #tpu.memory_space<hbm>> -> memref<10240x128xf32, #tpu.memory_space<hbm>>
      %dma_start3A_39 = arith.constant 0 : i32
      %dma_start3A_40 = tpu.memref_slice %dma_start3A_38[%add3A_35, %dma_start3A_39] : memref<10240x128xf32, #tpu.memory_space<hbm>> -> memref<128x128xf32, #tpu.memory_space<hbm>>
      %dma_start3A_41 = arith.constant 0 : i32
      %dma_start3A_42 = arith.constant 0 : i32
      %dma_start3A_43 = tpu.memref_slice %arg5[%arg0, %dma_start3A_41, %dma_start3A_42] : memref<2x10240x128xf32, #tpu.memory_space<hbm>> -> memref<1x10240x128xf32, #tpu.memory_space<hbm>>
      %dma_start3A_44 = tpu.memref_squeeze %dma_start3A_43 : memref<1x10240x128xf32, #tpu.memory_space<hbm>> -> memref<10240x128xf32, #tpu.memory_space<hbm>>
      %dma_start3A_45 = arith.constant 0 : i32
      %dma_start3A_46 = tpu.memref_slice %dma_start3A_44[%add3A_35, %dma_start3A_45] : memref<10240x128xf32, #tpu.memory_space<hbm>> -> memref<128x128xf32, #tpu.memory_space<hbm>>
      tpu.enqueue_dma source(%arg11 : memref<128x128xf32, #tpu.memory_space<vmem>>) target(%dma_start3A_46 : memref<128x128xf32, #tpu.memory_space<hbm>>) target_semaphore(%run_scoped3A : memref<!tpu.dma_semaphore, #tpu.memory_space<semaphore_mem>>)
      %dma_wait3A = arith.constant 0 : i32
      %dma_wait3A_47 = arith.constant 0 : i32
      %dma_wait3A_48 = tpu.memref_slice %arg5[%arg0, %dma_wait3A, %dma_wait3A_47] : memref<2x10240x128xf32, #tpu.memory_space<hbm>> -> memref<1x10240x128xf32, #tpu.memory_space<hbm>>
      %dma_wait3A_49 = tpu.memref_squeeze %dma_wait3A_48 : memref<1x10240x128xf32, #tpu.memory_space<hbm>> -> memref<10240x128xf32, #tpu.memory_space<hbm>>
      %dma_wait3A_50 = arith.constant 0 : i32
      %dma_wait3A_51 = tpu.memref_slice %dma_wait3A_49[%add3A_35, %dma_wait3A_50] : memref<10240x128xf32, #tpu.memory_space<hbm>> -> memref<128x128xf32, #tpu.memory_space<hbm>>
      %dma_wait3A_52 = arith.constant 0 : i32
      %dma_wait3A_53 = arith.constant 0 : i32
      %dma_wait3A_54 = tpu.memref_slice %arg5[%arg0, %dma_wait3A_52, %dma_wait3A_53] : memref<2x10240x128xf32, #tpu.memory_space<hbm>> -> memref<1x10240x128xf32, #tpu.memory_space<hbm>>
      %dma_wait3A_55 = tpu.memref_squeeze %dma_wait3A_54 : memref<1x10240x128xf32, #tpu.memory_space<hbm>> -> memref<10240x128xf32, #tpu.memory_space<hbm>>
      %dma_wait3A_56 = arith.constant 0 : i32
      %dma_wait3A_57 = tpu.memref_slice %dma_wait3A_55[%add3A_35, %dma_wait3A_56] : memref<10240x128xf32, #tpu.memory_space<hbm>> -> memref<128x128xf32, #tpu.memory_space<hbm>>
      tpu.wait_dma2 semaphore(%run_scoped3A : memref<!tpu.dma_semaphore, #tpu.memory_space<semaphore_mem>>) src(%arg11 : memref<128x128xf32, #tpu.memory_space<vmem>>) dst(%dma_wait3A_57 : memref<128x128xf32, #tpu.memory_space<hbm>>)
      tpu.yield
    }) : () -> ()
    return
  }
}

#map = affine_map<(d0, d1) -> (0, 0, 0)>
#map1 = affine_map<(d0, d1) -> (0)>
module attributes {stable_mosaic.version = 14 : i64} {
  func.func @k(%arg0: i32, %arg1: i32, %arg2: memref<2x10240x128xf32, #tpu.memory_space<hbm>>, %arg3: memref<160000xi32, #tpu.memory_space<hbm>>, %arg4: memref<160000xi32, #tpu.memory_space<hbm>>, %arg5: memref<2x10240x128xf32, #tpu.memory_space<hbm>>, %arg6: memref<10240x128xf32, #tpu.memory_space<vmem_shared>>, %arg7: memref<10240x16xf32, #tpu.memory_space<vmem_shared>>, %arg8: memref<80xi32, #tpu.memory_space<vmem>>, %arg9: memref<80xi32, #tpu.memory_space<vmem>>, %arg10: memref<80x128xf32, #tpu.memory_space<vmem>>, %arg11: memref<128x128xf32, #tpu.memory_space<vmem>>, %arg12: memref<640x16xf32, #tpu.memory_space<vmem>>, %arg13: memref<80x16xf32, #tpu.memory_space<vmem>>) attributes {dimension_semantics = [#tpu.dimension_semantics<core_parallel>, #tpu.dimension_semantics<subcore_parallel>], iteration_bounds = array<i64: 2, 16>, scalar_prefetch = 0 : i64, scratch_operands = 8 : i64, tpu.core_type = #tpu.core_type<sc_vector_subcore>, window_params = [{transform_indices = #map}, {transform_indices = #map1}, {transform_indices = #map1}, {transform_indices = #map}]} {
    %mul3A = arith.constant 640 : i32
    %mul3A_0 = arith.muli %arg1, %mul3A : i32
    %scan3A = arith.constant 0 : i32
    %scan3A_1 = arith.constant 0 : i32
    %scan3A_2 = arith.constant 128 : i32
    %scan3A_3 = arith.addi %scan3A_1, %scan3A_2 : i32
    %scan3A_4 = arith.constant 1 : i32
    %scan3A_5 = scf.for %scan3A_36 = %scan3A_1 to %scan3A_3 step %scan3A_4 iter_args(%scan3A_37 = %scan3A) -> (i32)  : i32 {
      %broadcast_in_dim3A = arith.constant 0.000000e+00 : f32
      %broadcast_in_dim3A_38 = vector.broadcast %broadcast_in_dim3A : f32 to vector<16xf32>
      %swap3A = arith.index_cast %scan3A_36 : i32 to index
      %swap3A_39 = arith.constant 0 : index
      %swap3A_40 = tpu.vector_load %arg11[%swap3A, %swap3A_39] {strides = array<i32>} : memref<128x128xf32, #tpu.memory_space<vmem>>, vector<1x16xf32>,
      %swap3A_41 = vector.shape_cast %swap3A_40 : vector<1x16xf32> to vector<16xf32>
      %swap3A_42 = vector.shape_cast %broadcast_in_dim3A_38 : vector<16xf32> to vector<1x16xf32>
      tpu.vector_store %arg11[%swap3A, %swap3A_39], %swap3A_42 {strides = array<i32>} : memref<128x128xf32, #tpu.memory_space<vmem>>, vector<1x16xf32>,
      %broadcast_in_dim3A_43 = arith.constant 0.000000e+00 : f32
      %broadcast_in_dim3A_44 = vector.broadcast %broadcast_in_dim3A_43 : f32 to vector<16xf32>
      %swap3A_45 = arith.index_cast %scan3A_36 : i32 to index
      %swap3A_46 = arith.constant 16 : index
      %swap3A_47 = tpu.vector_load %arg11[%swap3A_45, %swap3A_46] {strides = array<i32>} : memref<128x128xf32, #tpu.memory_space<vmem>>, vector<1x16xf32>,
      %swap3A_48 = vector.shape_cast %swap3A_47 : vector<1x16xf32> to vector<16xf32>
      %swap3A_49 = vector.shape_cast %broadcast_in_dim3A_44 : vector<16xf32> to vector<1x16xf32>
      tpu.vector_store %arg11[%swap3A_45, %swap3A_46], %swap3A_49 {strides = array<i32>} : memref<128x128xf32, #tpu.memory_space<vmem>>, vector<1x16xf32>,
      %broadcast_in_dim3A_50 = arith.constant 0.000000e+00 : f32
      %broadcast_in_dim3A_51 = vector.broadcast %broadcast_in_dim3A_50 : f32 to vector<16xf32>
      %swap3A_52 = arith.index_cast %scan3A_36 : i32 to index
      %swap3A_53 = arith.constant 32 : index
      %swap3A_54 = tpu.vector_load %arg11[%swap3A_52, %swap3A_53] {strides = array<i32>} : memref<128x128xf32, #tpu.memory_space<vmem>>, vector<1x16xf32>,
      %swap3A_55 = vector.shape_cast %swap3A_54 : vector<1x16xf32> to vector<16xf32>
      %swap3A_56 = vector.shape_cast %broadcast_in_dim3A_51 : vector<16xf32> to vector<1x16xf32>
      tpu.vector_store %arg11[%swap3A_52, %swap3A_53], %swap3A_56 {strides = array<i32>} : memref<128x128xf32, #tpu.memory_space<vmem>>, vector<1x16xf32>,
      %broadcast_in_dim3A_57 = arith.constant 0.000000e+00 : f32
      %broadcast_in_dim3A_58 = vector.broadcast %broadcast_in_dim3A_57 : f32 to vector<16xf32>
      %swap3A_59 = arith.index_cast %scan3A_36 : i32 to index
      %swap3A_60 = arith.constant 48 : index
      %swap3A_61 = tpu.vector_load %arg11[%swap3A_59, %swap3A_60] {strides = array<i32>} : memref<128x128xf32, #tpu.memory_space<vmem>>, vector<1x16xf32>,
      %swap3A_62 = vector.shape_cast %swap3A_61 : vector<1x16xf32> to vector<16xf32>
      %swap3A_63 = vector.shape_cast %broadcast_in_dim3A_58 : vector<16xf32> to vector<1x16xf32>
      tpu.vector_store %arg11[%swap3A_59, %swap3A_60], %swap3A_63 {strides = array<i32>} : memref<128x128xf32, #tpu.memory_space<vmem>>, vector<1x16xf32>,
      %broadcast_in_dim3A_64 = arith.constant 0.000000e+00 : f32
      %broadcast_in_dim3A_65 = vector.broadcast %broadcast_in_dim3A_64 : f32 to vector<16xf32>
      %swap3A_66 = arith.index_cast %scan3A_36 : i32 to index
      %swap3A_67 = arith.constant 64 : index
      %swap3A_68 = tpu.vector_load %arg11[%swap3A_66, %swap3A_67] {strides = array<i32>} : memref<128x128xf32, #tpu.memory_space<vmem>>, vector<1x16xf32>,
      %swap3A_69 = vector.shape_cast %swap3A_68 : vector<1x16xf32> to vector<16xf32>
      %swap3A_70 = vector.shape_cast %broadcast_in_dim3A_65 : vector<16xf32> to vector<1x16xf32>
      tpu.vector_store %arg11[%swap3A_66, %swap3A_67], %swap3A_70 {strides = array<i32>} : memref<128x128xf32, #tpu.memory_space<vmem>>, vector<1x16xf32>,
      %broadcast_in_dim3A_71 = arith.constant 0.000000e+00 : f32
      %broadcast_in_dim3A_72 = vector.broadcast %broadcast_in_dim3A_71 : f32 to vector<16xf32>
      %swap3A_73 = arith.index_cast %scan3A_36 : i32 to index
      %swap3A_74 = arith.constant 80 : index
      %swap3A_75 = tpu.vector_load %arg11[%swap3A_73, %swap3A_74] {strides = array<i32>} : memref<128x128xf32, #tpu.memory_space<vmem>>, vector<1x16xf32>,
      %swap3A_76 = vector.shape_cast %swap3A_75 : vector<1x16xf32> to vector<16xf32>
      %swap3A_77 = vector.shape_cast %broadcast_in_dim3A_72 : vector<16xf32> to vector<1x16xf32>
      tpu.vector_store %arg11[%swap3A_73, %swap3A_74], %swap3A_77 {strides = array<i32>} : memref<128x128xf32, #tpu.memory_space<vmem>>, vector<1x16xf32>,
      %broadcast_in_dim3A_78 = arith.constant 0.000000e+00 : f32
      %broadcast_in_dim3A_79 = vector.broadcast %broadcast_in_dim3A_78 : f32 to vector<16xf32>
      %swap3A_80 = arith.index_cast %scan3A_36 : i32 to index
      %swap3A_81 = arith.constant 96 : index
      %swap3A_82 = tpu.vector_load %arg11[%swap3A_80, %swap3A_81] {strides = array<i32>} : memref<128x128xf32, #tpu.memory_space<vmem>>, vector<1x16xf32>,
      %swap3A_83 = vector.shape_cast %swap3A_82 : vector<1x16xf32> to vector<16xf32>
      %swap3A_84 = vector.shape_cast %broadcast_in_dim3A_79 : vector<16xf32> to vector<1x16xf32>
      tpu.vector_store %arg11[%swap3A_80, %swap3A_81], %swap3A_84 {strides = array<i32>} : memref<128x128xf32, #tpu.memory_space<vmem>>, vector<1x16xf32>,
      %broadcast_in_dim3A_85 = arith.constant 0.000000e+00 : f32
      %broadcast_in_dim3A_86 = vector.broadcast %broadcast_in_dim3A_85 : f32 to vector<16xf32>
      %swap3A_87 = arith.index_cast %scan3A_36 : i32 to index
      %swap3A_88 = arith.constant 112 : index
      %swap3A_89 = tpu.vector_load %arg11[%swap3A_87, %swap3A_88] {strides = array<i32>} : memref<128x128xf32, #tpu.memory_space<vmem>>, vector<1x16xf32>,
      %swap3A_90 = vector.shape_cast %swap3A_89 : vector<1x16xf32> to vector<16xf32>
      %swap3A_91 = vector.shape_cast %broadcast_in_dim3A_86 : vector<16xf32> to vector<1x16xf32>
      tpu.vector_store %arg11[%swap3A_87, %swap3A_88], %swap3A_91 {strides = array<i32>} : memref<128x128xf32, #tpu.memory_space<vmem>>, vector<1x16xf32>,
      %scan3A_92 = arith.constant 0 : i32
      scf.yield %scan3A_92 : i32
    }
    %scan3A_6 = arith.constant 128 : i32
    %add3A = arith.constant 0 : i32
    %add3A_7 = arith.addi %mul3A_0, %add3A : i32
    "tpu.region"() ({
      %run_scoped3A = tpu.sem_alloc : memref<!tpu.dma_semaphore, #tpu.memory_space<semaphore_mem>>
      %dma_start3A = arith.constant 0 : i32
      %dma_start3A_36 = tpu.memref_slice %arg6[%add3A_7, %dma_start3A] : memref<10240x128xf32, #tpu.memory_space<vmem_shared>> -> memref<128x128xf32, #tpu.memory_space<vmem_shared>>
      %dma_start3A_37 = arith.constant 0 : i32
      %dma_start3A_38 = tpu.memref_slice %arg6[%add3A_7, %dma_start3A_37] : memref<10240x128xf32, #tpu.memory_space<vmem_shared>> -> memref<128x128xf32, #tpu.memory_space<vmem_shared>>
      tpu.enqueue_dma source(%arg11 : memref<128x128xf32, #tpu.memory_space<vmem>>) target(%dma_start3A_38 : memref<128x128xf32, #tpu.memory_space<vmem_shared>>) target_semaphore(%run_scoped3A : memref<!tpu.dma_semaphore, #tpu.memory_space<semaphore_mem>>)
      %dma_wait3A = arith.constant 0 : i32
      %dma_wait3A_39 = tpu.memref_slice %arg6[%add3A_7, %dma_wait3A] : memref<10240x128xf32, #tpu.memory_space<vmem_shared>> -> memref<128x128xf32, #tpu.memory_space<vmem_shared>>
      %dma_wait3A_40 = arith.constant 0 : i32
      %dma_wait3A_41 = tpu.memref_slice %arg6[%add3A_7, %dma_wait3A_40] : memref<10240x128xf32, #tpu.memory_space<vmem_shared>> -> memref<128x128xf32, #tpu.memory_space<vmem_shared>>
      tpu.wait_dma2 semaphore(%run_scoped3A : memref<!tpu.dma_semaphore, #tpu.memory_space<semaphore_mem>>) src(%arg11 : memref<128x128xf32, #tpu.memory_space<vmem>>) dst(%dma_wait3A_41 : memref<128x128xf32, #tpu.memory_space<vmem_shared>>)
      tpu.yield
    }) : () -> ()
    %add3A_8 = arith.constant 128 : i32
    %add3A_9 = arith.addi %mul3A_0, %add3A_8 : i32
    "tpu.region"() ({
      %run_scoped3A = tpu.sem_alloc : memref<!tpu.dma_semaphore, #tpu.memory_space<semaphore_mem>>
      %dma_start3A = arith.constant 0 : i32
      %dma_start3A_36 = tpu.memref_slice %arg6[%add3A_9, %dma_start3A] : memref<10240x128xf32, #tpu.memory_space<vmem_shared>> -> memref<128x128xf32, #tpu.memory_space<vmem_shared>>
      %dma_start3A_37 = arith.constant 0 : i32
      %dma_start3A_38 = tpu.memref_slice %arg6[%add3A_9, %dma_start3A_37] : memref<10240x128xf32, #tpu.memory_space<vmem_shared>> -> memref<128x128xf32, #tpu.memory_space<vmem_shared>>
      tpu.enqueue_dma source(%arg11 : memref<128x128xf32, #tpu.memory_space<vmem>>) target(%dma_start3A_38 : memref<128x128xf32, #tpu.memory_space<vmem_shared>>) target_semaphore(%run_scoped3A : memref<!tpu.dma_semaphore, #tpu.memory_space<semaphore_mem>>)
      %dma_wait3A = arith.constant 0 : i32
      %dma_wait3A_39 = tpu.memref_slice %arg6[%add3A_9, %dma_wait3A] : memref<10240x128xf32, #tpu.memory_space<vmem_shared>> -> memref<128x128xf32, #tpu.memory_space<vmem_shared>>
      %dma_wait3A_40 = arith.constant 0 : i32
      %dma_wait3A_41 = tpu.memref_slice %arg6[%add3A_9, %dma_wait3A_40] : memref<10240x128xf32, #tpu.memory_space<vmem_shared>> -> memref<128x128xf32, #tpu.memory_space<vmem_shared>>
      tpu.wait_dma2 semaphore(%run_scoped3A : memref<!tpu.dma_semaphore, #tpu.memory_space<semaphore_mem>>) src(%arg11 : memref<128x128xf32, #tpu.memory_space<vmem>>) dst(%dma_wait3A_41 : memref<128x128xf32, #tpu.memory_space<vmem_shared>>)
      tpu.yield
    }) : () -> ()
    %add3A_10 = arith.constant 256 : i32
    %add3A_11 = arith.addi %mul3A_0, %add3A_10 : i32
    "tpu.region"() ({
      %run_scoped3A = tpu.sem_alloc : memref<!tpu.dma_semaphore, #tpu.memory_space<semaphore_mem>>
      %dma_start3A = arith.constant 0 : i32
      %dma_start3A_36 = tpu.memref_slice %arg6[%add3A_11, %dma_start3A] : memref<10240x128xf32, #tpu.memory_space<vmem_shared>> -> memref<128x128xf32, #tpu.memory_space<vmem_shared>>
      %dma_start3A_37 = arith.constant 0 : i32
      %dma_start3A_38 = tpu.memref_slice %arg6[%add3A_11, %dma_start3A_37] : memref<10240x128xf32, #tpu.memory_space<vmem_shared>> -> memref<128x128xf32, #tpu.memory_space<vmem_shared>>
      tpu.enqueue_dma source(%arg11 : memref<128x128xf32, #tpu.memory_space<vmem>>) target(%dma_start3A_38 : memref<128x128xf32, #tpu.memory_space<vmem_shared>>) target_semaphore(%run_scoped3A : memref<!tpu.dma_semaphore, #tpu.memory_space<semaphore_mem>>)
      %dma_wait3A = arith.constant 0 : i32
      %dma_wait3A_39 = tpu.memref_slice %arg6[%add3A_11, %dma_wait3A] : memref<10240x128xf32, #tpu.memory_space<vmem_shared>> -> memref<128x128xf32, #tpu.memory_space<vmem_shared>>
      %dma_wait3A_40 = arith.constant 0 : i32
      %dma_wait3A_41 = tpu.memref_slice %arg6[%add3A_11, %dma_wait3A_40] : memref<10240x128xf32, #tpu.memory_space<vmem_shared>> -> memref<128x128xf32, #tpu.memory_space<vmem_shared>>
      tpu.wait_dma2 semaphore(%run_scoped3A : memref<!tpu.dma_semaphore, #tpu.memory_space<semaphore_mem>>) src(%arg11 : memref<128x128xf32, #tpu.memory_space<vmem>>) dst(%dma_wait3A_41 : memref<128x128xf32, #tpu.memory_space<vmem_shared>>)
      tpu.yield
    }) : () -> ()
    %add3A_12 = arith.constant 384 : i32
    %add3A_13 = arith.addi %mul3A_0, %add3A_12 : i32
    "tpu.region"() ({
      %run_scoped3A = tpu.sem_alloc : memref<!tpu.dma_semaphore, #tpu.memory_space<semaphore_mem>>
      %dma_start3A = arith.constant 0 : i32
      %dma_start3A_36 = tpu.memref_slice %arg6[%add3A_13, %dma_start3A] : memref<10240x128xf32, #tpu.memory_space<vmem_shared>> -> memref<128x128xf32, #tpu.memory_space<vmem_shared>>
      %dma_start3A_37 = arith.constant 0 : i32
      %dma_start3A_38 = tpu.memref_slice %arg6[%add3A_13, %dma_start3A_37] : memref<10240x128xf32, #tpu.memory_space<vmem_shared>> -> memref<128x128xf32, #tpu.memory_space<vmem_shared>>
      tpu.enqueue_dma source(%arg11 : memref<128x128xf32, #tpu.memory_space<vmem>>) target(%dma_start3A_38 : memref<128x128xf32, #tpu.memory_space<vmem_shared>>) target_semaphore(%run_scoped3A : memref<!tpu.dma_semaphore, #tpu.memory_space<semaphore_mem>>)
      %dma_wait3A = arith.constant 0 : i32
      %dma_wait3A_39 = tpu.memref_slice %arg6[%add3A_13, %dma_wait3A] : memref<10240x128xf32, #tpu.memory_space<vmem_shared>> -> memref<128x128xf32, #tpu.memory_space<vmem_shared>>
      %dma_wait3A_40 = arith.constant 0 : i32
      %dma_wait3A_41 = tpu.memref_slice %arg6[%add3A_13, %dma_wait3A_40] : memref<10240x128xf32, #tpu.memory_space<vmem_shared>> -> memref<128x128xf32, #tpu.memory_space<vmem_shared>>
      tpu.wait_dma2 semaphore(%run_scoped3A : memref<!tpu.dma_semaphore, #tpu.memory_space<semaphore_mem>>) src(%arg11 : memref<128x128xf32, #tpu.memory_space<vmem>>) dst(%dma_wait3A_41 : memref<128x128xf32, #tpu.memory_space<vmem_shared>>)
      tpu.yield
    }) : () -> ()
    %add3A_14 = arith.constant 512 : i32
    %add3A_15 = arith.addi %mul3A_0, %add3A_14 : i32
    "tpu.region"() ({
      %run_scoped3A = tpu.sem_alloc : memref<!tpu.dma_semaphore, #tpu.memory_space<semaphore_mem>>
      %dma_start3A = arith.constant 0 : i32
      %dma_start3A_36 = tpu.memref_slice %arg6[%add3A_15, %dma_start3A] : memref<10240x128xf32, #tpu.memory_space<vmem_shared>> -> memref<128x128xf32, #tpu.memory_space<vmem_shared>>
      %dma_start3A_37 = arith.constant 0 : i32
      %dma_start3A_38 = tpu.memref_slice %arg6[%add3A_15, %dma_start3A_37] : memref<10240x128xf32, #tpu.memory_space<vmem_shared>> -> memref<128x128xf32, #tpu.memory_space<vmem_shared>>
      tpu.enqueue_dma source(%arg11 : memref<128x128xf32, #tpu.memory_space<vmem>>) target(%dma_start3A_38 : memref<128x128xf32, #tpu.memory_space<vmem_shared>>) target_semaphore(%run_scoped3A : memref<!tpu.dma_semaphore, #tpu.memory_space<semaphore_mem>>)
      %dma_wait3A = arith.constant 0 : i32
      %dma_wait3A_39 = tpu.memref_slice %arg6[%add3A_15, %dma_wait3A] : memref<10240x128xf32, #tpu.memory_space<vmem_shared>> -> memref<128x128xf32, #tpu.memory_space<vmem_shared>>
      %dma_wait3A_40 = arith.constant 0 : i32
      %dma_wait3A_41 = tpu.memref_slice %arg6[%add3A_15, %dma_wait3A_40] : memref<10240x128xf32, #tpu.memory_space<vmem_shared>> -> memref<128x128xf32, #tpu.memory_space<vmem_shared>>
      tpu.wait_dma2 semaphore(%run_scoped3A : memref<!tpu.dma_semaphore, #tpu.memory_space<semaphore_mem>>) src(%arg11 : memref<128x128xf32, #tpu.memory_space<vmem>>) dst(%dma_wait3A_41 : memref<128x128xf32, #tpu.memory_space<vmem_shared>>)
      tpu.yield
    }) : () -> ()
    %barrier3A = arith.constant 0 : index
    tpu.barrier barrier_id(%barrier3A)
    %mul3A_16 = arith.constant 10000 : i32
    %mul3A_17 = arith.muli %arg1, %mul3A_16 : i32
    %scan3A_18 = arith.constant 0 : i32
    %scan3A_19 = arith.constant 0 : i32
    %scan3A_20 = arith.constant 125 : i32
    %scan3A_21 = arith.addi %scan3A_19, %scan3A_20 : i32
    %scan3A_22 = arith.constant 1 : i32
    %scan3A_23 = scf.for %scan3A_36 = %scan3A_19 to %scan3A_21 step %scan3A_22 iter_args(%scan3A_37 = %scan3A_18) -> (i32)  : i32 {
      %mul3A_38 = arith.constant 80 : i32
      %mul3A_39 = arith.muli %scan3A_36, %mul3A_38 : i32
      %add3A_40 = arith.addi %mul3A_17, %mul3A_39 : i32
      "tpu.region"() ({
        %run_scoped3A = tpu.sem_alloc : memref<!tpu.dma_semaphore, #tpu.memory_space<semaphore_mem>>
        %dma_start3A = tpu.memref_slice %arg3[%add3A_40] : memref<160000xi32, #tpu.memory_space<hbm>> -> memref<80xi32, #tpu.memory_space<hbm>>
        %dma_start3A_42 = tpu.memref_slice %arg3[%add3A_40] : memref<160000xi32, #tpu.memory_space<hbm>> -> memref<80xi32, #tpu.memory_space<hbm>>
        tpu.enqueue_dma source(%dma_start3A_42 : memref<80xi32, #tpu.memory_space<hbm>>) target(%arg8 : memref<80xi32, #tpu.memory_space<vmem>>) target_semaphore(%run_scoped3A : memref<!tpu.dma_semaphore, #tpu.memory_space<semaphore_mem>>)
        %dma_wait3A = tpu.memref_slice %arg3[%add3A_40] : memref<160000xi32, #tpu.memory_space<hbm>> -> memref<80xi32, #tpu.memory_space<hbm>>
        %dma_wait3A_43 = tpu.memref_slice %arg3[%add3A_40] : memref<160000xi32, #tpu.memory_space<hbm>> -> memref<80xi32, #tpu.memory_space<hbm>>
        tpu.wait_dma2 semaphore(%run_scoped3A : memref<!tpu.dma_semaphore, #tpu.memory_space<semaphore_mem>>) src(%dma_wait3A_43 : memref<80xi32, #tpu.memory_space<hbm>>) dst(%arg8 : memref<80xi32, #tpu.memory_space<vmem>>)
        tpu.yield
      }) : () -> ()
      "tpu.region"() ({
        %run_scoped3A = tpu.sem_alloc : memref<!tpu.dma_semaphore, #tpu.memory_space<semaphore_mem>>
        %dma_start3A = tpu.memref_slice %arg4[%add3A_40] : memref<160000xi32, #tpu.memory_space<hbm>> -> memref<80xi32, #tpu.memory_space<hbm>>
        %dma_start3A_42 = tpu.memref_slice %arg4[%add3A_40] : memref<160000xi32, #tpu.memory_space<hbm>> -> memref<80xi32, #tpu.memory_space<hbm>>
        tpu.enqueue_dma source(%dma_start3A_42 : memref<80xi32, #tpu.memory_space<hbm>>) target(%arg9 : memref<80xi32, #tpu.memory_space<vmem>>) target_semaphore(%run_scoped3A : memref<!tpu.dma_semaphore, #tpu.memory_space<semaphore_mem>>)
        %dma_wait3A = tpu.memref_slice %arg4[%add3A_40] : memref<160000xi32, #tpu.memory_space<hbm>> -> memref<80xi32, #tpu.memory_space<hbm>>
        %dma_wait3A_43 = tpu.memref_slice %arg4[%add3A_40] : memref<160000xi32, #tpu.memory_space<hbm>> -> memref<80xi32, #tpu.memory_space<hbm>>
        tpu.wait_dma2 semaphore(%run_scoped3A : memref<!tpu.dma_semaphore, #tpu.memory_space<semaphore_mem>>) src(%dma_wait3A_43 : memref<80xi32, #tpu.memory_space<hbm>>) dst(%arg9 : memref<80xi32, #tpu.memory_space<vmem>>)
        tpu.yield
      }) : () -> ()
      "tpu.region"() ({
        %run_scoped3A = tpu.sem_alloc : memref<!tpu.dma_semaphore, #tpu.memory_space<semaphore_mem>>
        %dma_start3A = arith.constant 0 : i32
        %dma_start3A_42 = arith.constant 0 : i32
        %dma_start3A_43 = tpu.memref_slice %arg2[%arg0, %dma_start3A, %dma_start3A_42] : memref<2x10240x128xf32, #tpu.memory_space<hbm>> -> memref<1x10240x128xf32, #tpu.memory_space<hbm>>
        %dma_start3A_44 = tpu.memref_squeeze %dma_start3A_43 : memref<1x10240x128xf32, #tpu.memory_space<hbm>> -> memref<10240x128xf32, #tpu.memory_space<hbm>>
        %dma_start3A_45 = arith.constant 0 : i32
        %dma_start3A_46 = arith.constant 0 : i32
        %dma_start3A_47 = tpu.memref_slice %dma_start3A_44[%dma_start3A_45, %dma_start3A_46] : memref<10240x128xf32, #tpu.memory_space<hbm>> -> memref<10240x128xf32, #tpu.memory_space<hbm>>
        tpu.enqueue_indirect_dma source(%dma_start3A_47 : memref<10240x128xf32, #tpu.memory_space<hbm>>) target(%arg10 : memref<80x128xf32, #tpu.memory_space<vmem>>) offsets(%arg8 : memref<80xi32, #tpu.memory_space<vmem>>) semaphore(%run_scoped3A : memref<!tpu.dma_semaphore, #tpu.memory_space<semaphore_mem>>)
        %dma_wait3A = arith.constant 0 : i32
        %dma_wait3A_48 = arith.constant 0 : i32
        %dma_wait3A_49 = tpu.memref_slice %arg2[%arg0, %dma_wait3A, %dma_wait3A_48] : memref<2x10240x128xf32, #tpu.memory_space<hbm>> -> memref<1x10240x128xf32, #tpu.memory_space<hbm>>
        %dma_wait3A_50 = tpu.memref_squeeze %dma_wait3A_49 : memref<1x10240x128xf32, #tpu.memory_space<hbm>> -> memref<10240x128xf32, #tpu.memory_space<hbm>>
        %dma_wait3A_51 = arith.constant 0 : i32
        %dma_wait3A_52 = arith.constant 0 : i32
        %dma_wait3A_53 = tpu.memref_slice %dma_wait3A_50[%dma_wait3A_51, %dma_wait3A_52] : memref<10240x128xf32, #tpu.memory_space<hbm>> -> memref<10240x128xf32, #tpu.memory_space<hbm>>
        tpu.wait_indirect_dma semaphore(%run_scoped3A : memref<!tpu.dma_semaphore, #tpu.memory_space<semaphore_mem>>) src(%dma_wait3A_53 : memref<10240x128xf32, #tpu.memory_space<hbm>>) dst(%arg10 : memref<80x128xf32, #tpu.memory_space<vmem>>)
        tpu.yield
      }) : () -> ()
      "tpu.region"() ({
        %run_scoped3A = tpu.sem_alloc : memref<!tpu.dma_semaphore, #tpu.memory_space<semaphore_mem>>
        %dma_start3A = arith.constant 0 : i32
        %dma_start3A_42 = arith.constant 0 : i32
        %dma_start3A_43 = tpu.memref_slice %arg6[%dma_start3A, %dma_start3A_42] : memref<10240x128xf32, #tpu.memory_space<vmem_shared>> -> memref<10240x128xf32, #tpu.memory_space<vmem_shared>>
        tpu.enqueue_indirect_dma source(%arg10 : memref<80x128xf32, #tpu.memory_space<vmem>>) target(%dma_start3A_43 : memref<10240x128xf32, #tpu.memory_space<vmem_shared>>) offsets(%arg9 : memref<80xi32, #tpu.memory_space<vmem>>) semaphore(%run_scoped3A : memref<!tpu.dma_semaphore, #tpu.memory_space<semaphore_mem>>) {add = true}
        %dma_wait3A = arith.constant 0 : i32
        %dma_wait3A_44 = arith.constant 0 : i32
        %dma_wait3A_45 = tpu.memref_slice %arg6[%dma_wait3A, %dma_wait3A_44] : memref<10240x128xf32, #tpu.memory_space<vmem_shared>> -> memref<10240x128xf32, #tpu.memory_space<vmem_shared>>
        tpu.wait_indirect_dma semaphore(%run_scoped3A : memref<!tpu.dma_semaphore, #tpu.memory_space<semaphore_mem>>) src(%arg10 : memref<80x128xf32, #tpu.memory_space<vmem>>) dst(%dma_wait3A_45 : memref<10240x128xf32, #tpu.memory_space<vmem_shared>>)
        tpu.yield
      }) : () -> ()
      %scan3A_41 = arith.constant 0 : i32
      scf.yield %scan3A_41 : i32
    }
    %scan3A_24 = arith.constant 125 : i32
    %barrier3A_25 = arith.constant 0 : index
    tpu.barrier barrier_id(%barrier3A_25)
    %add3A_26 = arith.constant 0 : i32
    %add3A_27 = arith.addi %mul3A_0, %add3A_26 : i32
    "tpu.region"() ({
      %run_scoped3A = tpu.sem_alloc : memref<!tpu.dma_semaphore, #tpu.memory_space<semaphore_mem>>
      %dma_start3A = arith.constant 0 : i32
      %dma_start3A_36 = tpu.memref_slice %arg6[%add3A_27, %dma_start3A] : memref<10240x128xf32, #tpu.memory_space<vmem_shared>> -> memref<128x128xf32, #tpu.memory_space<vmem_shared>>
      %dma_start3A_37 = arith.constant 0 : i32
      %dma_start3A_38 = tpu.memref_slice %arg6[%add3A_27, %dma_start3A_37] : memref<10240x128xf32, #tpu.memory_space<vmem_shared>> -> memref<128x128xf32, #tpu.memory_space<vmem_shared>>
      tpu.enqueue_dma source(%dma_start3A_38 : memref<128x128xf32, #tpu.memory_space<vmem_shared>>) target(%arg11 : memref<128x128xf32, #tpu.memory_space<vmem>>) target_semaphore(%run_scoped3A : memref<!tpu.dma_semaphore, #tpu.memory_space<semaphore_mem>>)
      %dma_wait3A = arith.constant 0 : i32
      %dma_wait3A_39 = tpu.memref_slice %arg6[%add3A_27, %dma_wait3A] : memref<10240x128xf32, #tpu.memory_space<vmem_shared>> -> memref<128x128xf32, #tpu.memory_space<vmem_shared>>
      %dma_wait3A_40 = arith.constant 0 : i32
      %dma_wait3A_41 = tpu.memref_slice %arg6[%add3A_27, %dma_wait3A_40] : memref<10240x128xf32, #tpu.memory_space<vmem_shared>> -> memref<128x128xf32, #tpu.memory_space<vmem_shared>>
      tpu.wait_dma2 semaphore(%run_scoped3A : memref<!tpu.dma_semaphore, #tpu.memory_space<semaphore_mem>>) src(%dma_wait3A_41 : memref<128x128xf32, #tpu.memory_space<vmem_shared>>) dst(%arg11 : memref<128x128xf32, #tpu.memory_space<vmem>>)
      tpu.yield
    }) : () -> ()
    "tpu.region"() ({
      %run_scoped3A = tpu.sem_alloc : memref<!tpu.dma_semaphore, #tpu.memory_space<semaphore_mem>>
      %dma_start3A = arith.constant 0 : i32
      %dma_start3A_36 = arith.constant 0 : i32
      %dma_start3A_37 = tpu.memref_slice %arg5[%arg0, %dma_start3A, %dma_start3A_36] : memref<2x10240x128xf32, #tpu.memory_space<hbm>> -> memref<1x10240x128xf32, #tpu.memory_space<hbm>>
      %dma_start3A_38 = tpu.memref_squeeze %dma_start3A_37 : memref<1x10240x128xf32, #tpu.memory_space<hbm>> -> memref<10240x128xf32, #tpu.memory_space<hbm>>
      %dma_start3A_39 = arith.constant 0 : i32
      %dma_start3A_40 = tpu.memref_slice %dma_start3A_38[%add3A_27, %dma_start3A_39] : memref<10240x128xf32, #tpu.memory_space<hbm>> -> memref<128x128xf32, #tpu.memory_space<hbm>>
      %dma_start3A_41 = arith.constant 0 : i32
      %dma_start3A_42 = arith.constant 0 : i32
      %dma_start3A_43 = tpu.memref_slice %arg5[%arg0, %dma_start3A_41, %dma_start3A_42] : memref<2x10240x128xf32, #tpu.memory_space<hbm>> -> memref<1x10240x128xf32, #tpu.memory_space<hbm>>
      %dma_start3A_44 = tpu.memref_squeeze %dma_start3A_43 : memref<1x10240x128xf32, #tpu.memory_space<hbm>> -> memref<10240x128xf32, #tpu.memory_space<hbm>>
      %dma_start3A_45 = arith.constant 0 : i32
      %dma_start3A_46 = tpu.memref_slice %dma_start3A_44[%add3A_27, %dma_start3A_45] : memref<10240x128xf32, #tpu.memory_space<hbm>> -> memref<128x128xf32, #tpu.memory_space<hbm>>
      tpu.enqueue_dma source(%arg11 : memref<128x128xf32, #tpu.memory_space<vmem>>) target(%dma_start3A_46 : memref<128x128xf32, #tpu.memory_space<hbm>>) target_semaphore(%run_scoped3A : memref<!tpu.dma_semaphore, #tpu.memory_space<semaphore_mem>>)
      %dma_wait3A = arith.constant 0 : i32
      %dma_wait3A_47 = arith.constant 0 : i32
      %dma_wait3A_48 = tpu.memref_slice %arg5[%arg0, %dma_wait3A, %dma_wait3A_47] : memref<2x10240x128xf32, #tpu.memory_space<hbm>> -> memref<1x10240x128xf32, #tpu.memory_space<hbm>>
      %dma_wait3A_49 = tpu.memref_squeeze %dma_wait3A_48 : memref<1x10240x128xf32, #tpu.memory_space<hbm>> -> memref<10240x128xf32, #tpu.memory_space<hbm>>
      %dma_wait3A_50 = arith.constant 0 : i32
      %dma_wait3A_51 = tpu.memref_slice %dma_wait3A_49[%add3A_27, %dma_wait3A_50] : memref<10240x128xf32, #tpu.memory_space<hbm>> -> memref<128x128xf32, #tpu.memory_space<hbm>>
      %dma_wait3A_52 = arith.constant 0 : i32
      %dma_wait3A_53 = arith.constant 0 : i32
      %dma_wait3A_54 = tpu.memref_slice %arg5[%arg0, %dma_wait3A_52, %dma_wait3A_53] : memref<2x10240x128xf32, #tpu.memory_space<hbm>> -> memref<1x10240x128xf32, #tpu.memory_space<hbm>>
      %dma_wait3A_55 = tpu.memref_squeeze %dma_wait3A_54 : memref<1x10240x128xf32, #tpu.memory_space<hbm>> -> memref<10240x128xf32, #tpu.memory_space<hbm>>
      %dma_wait3A_56 = arith.constant 0 : i32
      %dma_wait3A_57 = tpu.memref_slice %dma_wait3A_55[%add3A_27, %dma_wait3A_56] : memref<10240x128xf32, #tpu.memory_space<hbm>> -> memref<128x128xf32, #tpu.memory_space<hbm>>
      tpu.wait_dma2 semaphore(%run_scoped3A : memref<!tpu.dma_semaphore, #tpu.memory_space<semaphore_mem>>) src(%arg11 : memref<128x128xf32, #tpu.memory_space<vmem>>) dst(%dma_wait3A_57 : memref<128x128xf32, #tpu.memory_space<hbm>>)
      tpu.yield
    }) : () -> ()
    %add3A_28 = arith.constant 128 : i32
    %add3A_29 = arith.addi %mul3A_0, %add3A_28 : i32
    "tpu.region"() ({
      %run_scoped3A = tpu.sem_alloc : memref<!tpu.dma_semaphore, #tpu.memory_space<semaphore_mem>>
      %dma_start3A = arith.constant 0 : i32
      %dma_start3A_36 = tpu.memref_slice %arg6[%add3A_29, %dma_start3A] : memref<10240x128xf32, #tpu.memory_space<vmem_shared>> -> memref<128x128xf32, #tpu.memory_space<vmem_shared>>
      %dma_start3A_37 = arith.constant 0 : i32
      %dma_start3A_38 = tpu.memref_slice %arg6[%add3A_29, %dma_start3A_37] : memref<10240x128xf32, #tpu.memory_space<vmem_shared>> -> memref<128x128xf32, #tpu.memory_space<vmem_shared>>
      tpu.enqueue_dma source(%dma_start3A_38 : memref<128x128xf32, #tpu.memory_space<vmem_shared>>) target(%arg11 : memref<128x128xf32, #tpu.memory_space<vmem>>) target_semaphore(%run_scoped3A : memref<!tpu.dma_semaphore, #tpu.memory_space<semaphore_mem>>)
      %dma_wait3A = arith.constant 0 : i32
      %dma_wait3A_39 = tpu.memref_slice %arg6[%add3A_29, %dma_wait3A] : memref<10240x128xf32, #tpu.memory_space<vmem_shared>> -> memref<128x128xf32, #tpu.memory_space<vmem_shared>>
      %dma_wait3A_40 = arith.constant 0 : i32
      %dma_wait3A_41 = tpu.memref_slice %arg6[%add3A_29, %dma_wait3A_40] : memref<10240x128xf32, #tpu.memory_space<vmem_shared>> -> memref<128x128xf32, #tpu.memory_space<vmem_shared>>
      tpu.wait_dma2 semaphore(%run_scoped3A : memref<!tpu.dma_semaphore, #tpu.memory_space<semaphore_mem>>) src(%dma_wait3A_41 : memref<128x128xf32, #tpu.memory_space<vmem_shared>>) dst(%arg11 : memref<128x128xf32, #tpu.memory_space<vmem>>)
      tpu.yield
    }) : () -> ()
    "tpu.region"() ({
      %run_scoped3A = tpu.sem_alloc : memref<!tpu.dma_semaphore, #tpu.memory_space<semaphore_mem>>
      %dma_start3A = arith.constant 0 : i32
      %dma_start3A_36 = arith.constant 0 : i32
      %dma_start3A_37 = tpu.memref_slice %arg5[%arg0, %dma_start3A, %dma_start3A_36] : memref<2x10240x128xf32, #tpu.memory_space<hbm>> -> memref<1x10240x128xf32, #tpu.memory_space<hbm>>
      %dma_start3A_38 = tpu.memref_squeeze %dma_start3A_37 : memref<1x10240x128xf32, #tpu.memory_space<hbm>> -> memref<10240x128xf32, #tpu.memory_space<hbm>>
      %dma_start3A_39 = arith.constant 0 : i32
      %dma_start3A_40 = tpu.memref_slice %dma_start3A_38[%add3A_29, %dma_start3A_39] : memref<10240x128xf32, #tpu.memory_space<hbm>> -> memref<128x128xf32, #tpu.memory_space<hbm>>
      %dma_start3A_41 = arith.constant 0 : i32
      %dma_start3A_42 = arith.constant 0 : i32
      %dma_start3A_43 = tpu.memref_slice %arg5[%arg0, %dma_start3A_41, %dma_start3A_42] : memref<2x10240x128xf32, #tpu.memory_space<hbm>> -> memref<1x10240x128xf32, #tpu.memory_space<hbm>>
      %dma_start3A_44 = tpu.memref_squeeze %dma_start3A_43 : memref<1x10240x128xf32, #tpu.memory_space<hbm>> -> memref<10240x128xf32, #tpu.memory_space<hbm>>
      %dma_start3A_45 = arith.constant 0 : i32
      %dma_start3A_46 = tpu.memref_slice %dma_start3A_44[%add3A_29, %dma_start3A_45] : memref<10240x128xf32, #tpu.memory_space<hbm>> -> memref<128x128xf32, #tpu.memory_space<hbm>>
      tpu.enqueue_dma source(%arg11 : memref<128x128xf32, #tpu.memory_space<vmem>>) target(%dma_start3A_46 : memref<128x128xf32, #tpu.memory_space<hbm>>) target_semaphore(%run_scoped3A : memref<!tpu.dma_semaphore, #tpu.memory_space<semaphore_mem>>)
      %dma_wait3A = arith.constant 0 : i32
      %dma_wait3A_47 = arith.constant 0 : i32
      %dma_wait3A_48 = tpu.memref_slice %arg5[%arg0, %dma_wait3A, %dma_wait3A_47] : memref<2x10240x128xf32, #tpu.memory_space<hbm>> -> memref<1x10240x128xf32, #tpu.memory_space<hbm>>
      %dma_wait3A_49 = tpu.memref_squeeze %dma_wait3A_48 : memref<1x10240x128xf32, #tpu.memory_space<hbm>> -> memref<10240x128xf32, #tpu.memory_space<hbm>>
      %dma_wait3A_50 = arith.constant 0 : i32
      %dma_wait3A_51 = tpu.memref_slice %dma_wait3A_49[%add3A_29, %dma_wait3A_50] : memref<10240x128xf32, #tpu.memory_space<hbm>> -> memref<128x128xf32, #tpu.memory_space<hbm>>
      %dma_wait3A_52 = arith.constant 0 : i32
      %dma_wait3A_53 = arith.constant 0 : i32
      %dma_wait3A_54 = tpu.memref_slice %arg5[%arg0, %dma_wait3A_52, %dma_wait3A_53] : memref<2x10240x128xf32, #tpu.memory_space<hbm>> -> memref<1x10240x128xf32, #tpu.memory_space<hbm>>
      %dma_wait3A_55 = tpu.memref_squeeze %dma_wait3A_54 : memref<1x10240x128xf32, #tpu.memory_space<hbm>> -> memref<10240x128xf32, #tpu.memory_space<hbm>>
      %dma_wait3A_56 = arith.constant 0 : i32
      %dma_wait3A_57 = tpu.memref_slice %dma_wait3A_55[%add3A_29, %dma_wait3A_56] : memref<10240x128xf32, #tpu.memory_space<hbm>> -> memref<128x128xf32, #tpu.memory_space<hbm>>
      tpu.wait_dma2 semaphore(%run_scoped3A : memref<!tpu.dma_semaphore, #tpu.memory_space<semaphore_mem>>) src(%arg11 : memref<128x128xf32, #tpu.memory_space<vmem>>) dst(%dma_wait3A_57 : memref<128x128xf32, #tpu.memory_space<hbm>>)
      tpu.yield
    }) : () -> ()
    %add3A_30 = arith.constant 256 : i32
    %add3A_31 = arith.addi %mul3A_0, %add3A_30 : i32
    "tpu.region"() ({
      %run_scoped3A = tpu.sem_alloc : memref<!tpu.dma_semaphore, #tpu.memory_space<semaphore_mem>>
      %dma_start3A = arith.constant 0 : i32
      %dma_start3A_36 = tpu.memref_slice %arg6[%add3A_31, %dma_start3A] : memref<10240x128xf32, #tpu.memory_space<vmem_shared>> -> memref<128x128xf32, #tpu.memory_space<vmem_shared>>
      %dma_start3A_37 = arith.constant 0 : i32
      %dma_start3A_38 = tpu.memref_slice %arg6[%add3A_31, %dma_start3A_37] : memref<10240x128xf32, #tpu.memory_space<vmem_shared>> -> memref<128x128xf32, #tpu.memory_space<vmem_shared>>
      tpu.enqueue_dma source(%dma_start3A_38 : memref<128x128xf32, #tpu.memory_space<vmem_shared>>) target(%arg11 : memref<128x128xf32, #tpu.memory_space<vmem>>) target_semaphore(%run_scoped3A : memref<!tpu.dma_semaphore, #tpu.memory_space<semaphore_mem>>)
      %dma_wait3A = arith.constant 0 : i32
      %dma_wait3A_39 = tpu.memref_slice %arg6[%add3A_31, %dma_wait3A] : memref<10240x128xf32, #tpu.memory_space<vmem_shared>> -> memref<128x128xf32, #tpu.memory_space<vmem_shared>>
      %dma_wait3A_40 = arith.constant 0 : i32
      %dma_wait3A_41 = tpu.memref_slice %arg6[%add3A_31, %dma_wait3A_40] : memref<10240x128xf32, #tpu.memory_space<vmem_shared>> -> memref<128x128xf32, #tpu.memory_space<vmem_shared>>
      tpu.wait_dma2 semaphore(%run_scoped3A : memref<!tpu.dma_semaphore, #tpu.memory_space<semaphore_mem>>) src(%dma_wait3A_41 : memref<128x128xf32, #tpu.memory_space<vmem_shared>>) dst(%arg11 : memref<128x128xf32, #tpu.memory_space<vmem>>)
      tpu.yield
    }) : () -> ()
    "tpu.region"() ({
      %run_scoped3A = tpu.sem_alloc : memref<!tpu.dma_semaphore, #tpu.memory_space<semaphore_mem>>
      %dma_start3A = arith.constant 0 : i32
      %dma_start3A_36 = arith.constant 0 : i32
      %dma_start3A_37 = tpu.memref_slice %arg5[%arg0, %dma_start3A, %dma_start3A_36] : memref<2x10240x128xf32, #tpu.memory_space<hbm>> -> memref<1x10240x128xf32, #tpu.memory_space<hbm>>
      %dma_start3A_38 = tpu.memref_squeeze %dma_start3A_37 : memref<1x10240x128xf32, #tpu.memory_space<hbm>> -> memref<10240x128xf32, #tpu.memory_space<hbm>>
      %dma_start3A_39 = arith.constant 0 : i32
      %dma_start3A_40 = tpu.memref_slice %dma_start3A_38[%add3A_31, %dma_start3A_39] : memref<10240x128xf32, #tpu.memory_space<hbm>> -> memref<128x128xf32, #tpu.memory_space<hbm>>
      %dma_start3A_41 = arith.constant 0 : i32
      %dma_start3A_42 = arith.constant 0 : i32
      %dma_start3A_43 = tpu.memref_slice %arg5[%arg0, %dma_start3A_41, %dma_start3A_42] : memref<2x10240x128xf32, #tpu.memory_space<hbm>> -> memref<1x10240x128xf32, #tpu.memory_space<hbm>>
      %dma_start3A_44 = tpu.memref_squeeze %dma_start3A_43 : memref<1x10240x128xf32, #tpu.memory_space<hbm>> -> memref<10240x128xf32, #tpu.memory_space<hbm>>
      %dma_start3A_45 = arith.constant 0 : i32
      %dma_start3A_46 = tpu.memref_slice %dma_start3A_44[%add3A_31, %dma_start3A_45] : memref<10240x128xf32, #tpu.memory_space<hbm>> -> memref<128x128xf32, #tpu.memory_space<hbm>>
      tpu.enqueue_dma source(%arg11 : memref<128x128xf32, #tpu.memory_space<vmem>>) target(%dma_start3A_46 : memref<128x128xf32, #tpu.memory_space<hbm>>) target_semaphore(%run_scoped3A : memref<!tpu.dma_semaphore, #tpu.memory_space<semaphore_mem>>)
      %dma_wait3A = arith.constant 0 : i32
      %dma_wait3A_47 = arith.constant 0 : i32
      %dma_wait3A_48 = tpu.memref_slice %arg5[%arg0, %dma_wait3A, %dma_wait3A_47] : memref<2x10240x128xf32, #tpu.memory_space<hbm>> -> memref<1x10240x128xf32, #tpu.memory_space<hbm>>
      %dma_wait3A_49 = tpu.memref_squeeze %dma_wait3A_48 : memref<1x10240x128xf32, #tpu.memory_space<hbm>> -> memref<10240x128xf32, #tpu.memory_space<hbm>>
      %dma_wait3A_50 = arith.constant 0 : i32
      %dma_wait3A_51 = tpu.memref_slice %dma_wait3A_49[%add3A_31, %dma_wait3A_50] : memref<10240x128xf32, #tpu.memory_space<hbm>> -> memref<128x128xf32, #tpu.memory_space<hbm>>
      %dma_wait3A_52 = arith.constant 0 : i32
      %dma_wait3A_53 = arith.constant 0 : i32
      %dma_wait3A_54 = tpu.memref_slice %arg5[%arg0, %dma_wait3A_52, %dma_wait3A_53] : memref<2x10240x128xf32, #tpu.memory_space<hbm>> -> memref<1x10240x128xf32, #tpu.memory_space<hbm>>
      %dma_wait3A_55 = tpu.memref_squeeze %dma_wait3A_54 : memref<1x10240x128xf32, #tpu.memory_space<hbm>> -> memref<10240x128xf32, #tpu.memory_space<hbm>>
      %dma_wait3A_56 = arith.constant 0 : i32
      %dma_wait3A_57 = tpu.memref_slice %dma_wait3A_55[%add3A_31, %dma_wait3A_56] : memref<10240x128xf32, #tpu.memory_space<hbm>> -> memref<128x128xf32, #tpu.memory_space<hbm>>
      tpu.wait_dma2 semaphore(%run_scoped3A : memref<!tpu.dma_semaphore, #tpu.memory_space<semaphore_mem>>) src(%arg11 : memref<128x128xf32, #tpu.memory_space<vmem>>) dst(%dma_wait3A_57 : memref<128x128xf32, #tpu.memory_space<hbm>>)
      tpu.yield
    }) : () -> ()
    %add3A_32 = arith.constant 384 : i32
    %add3A_33 = arith.addi %mul3A_0, %add3A_32 : i32
    "tpu.region"() ({
      %run_scoped3A = tpu.sem_alloc : memref<!tpu.dma_semaphore, #tpu.memory_space<semaphore_mem>>
      %dma_start3A = arith.constant 0 : i32
      %dma_start3A_36 = tpu.memref_slice %arg6[%add3A_33, %dma_start3A] : memref<10240x128xf32, #tpu.memory_space<vmem_shared>> -> memref<128x128xf32, #tpu.memory_space<vmem_shared>>
      %dma_start3A_37 = arith.constant 0 : i32
      %dma_start3A_38 = tpu.memref_slice %arg6[%add3A_33, %dma_start3A_37] : memref<10240x128xf32, #tpu.memory_space<vmem_shared>> -> memref<128x128xf32, #tpu.memory_space<vmem_shared>>
      tpu.enqueue_dma source(%dma_start3A_38 : memref<128x128xf32, #tpu.memory_space<vmem_shared>>) target(%arg11 : memref<128x128xf32, #tpu.memory_space<vmem>>) target_semaphore(%run_scoped3A : memref<!tpu.dma_semaphore, #tpu.memory_space<semaphore_mem>>)
      %dma_wait3A = arith.constant 0 : i32
      %dma_wait3A_39 = tpu.memref_slice %arg6[%add3A_33, %dma_wait3A] : memref<10240x128xf32, #tpu.memory_space<vmem_shared>> -> memref<128x128xf32, #tpu.memory_space<vmem_shared>>
      %dma_wait3A_40 = arith.constant 0 : i32
      %dma_wait3A_41 = tpu.memref_slice %arg6[%add3A_33, %dma_wait3A_40] : memref<10240x128xf32, #tpu.memory_space<vmem_shared>> -> memref<128x128xf32, #tpu.memory_space<vmem_shared>>
      tpu.wait_dma2 semaphore(%run_scoped3A : memref<!tpu.dma_semaphore, #tpu.memory_space<semaphore_mem>>) src(%dma_wait3A_41 : memref<128x128xf32, #tpu.memory_space<vmem_shared>>) dst(%arg11 : memref<128x128xf32, #tpu.memory_space<vmem>>)
      tpu.yield
    }) : () -> ()
    "tpu.region"() ({
      %run_scoped3A = tpu.sem_alloc : memref<!tpu.dma_semaphore, #tpu.memory_space<semaphore_mem>>
      %dma_start3A = arith.constant 0 : i32
      %dma_start3A_36 = arith.constant 0 : i32
      %dma_start3A_37 = tpu.memref_slice %arg5[%arg0, %dma_start3A, %dma_start3A_36] : memref<2x10240x128xf32, #tpu.memory_space<hbm>> -> memref<1x10240x128xf32, #tpu.memory_space<hbm>>
      %dma_start3A_38 = tpu.memref_squeeze %dma_start3A_37 : memref<1x10240x128xf32, #tpu.memory_space<hbm>> -> memref<10240x128xf32, #tpu.memory_space<hbm>>
      %dma_start3A_39 = arith.constant 0 : i32
      %dma_start3A_40 = tpu.memref_slice %dma_start3A_38[%add3A_33, %dma_start3A_39] : memref<10240x128xf32, #tpu.memory_space<hbm>> -> memref<128x128xf32, #tpu.memory_space<hbm>>
      %dma_start3A_41 = arith.constant 0 : i32
      %dma_start3A_42 = arith.constant 0 : i32
      %dma_start3A_43 = tpu.memref_slice %arg5[%arg0, %dma_start3A_41, %dma_start3A_42] : memref<2x10240x128xf32, #tpu.memory_space<hbm>> -> memref<1x10240x128xf32, #tpu.memory_space<hbm>>
      %dma_start3A_44 = tpu.memref_squeeze %dma_start3A_43 : memref<1x10240x128xf32, #tpu.memory_space<hbm>> -> memref<10240x128xf32, #tpu.memory_space<hbm>>
      %dma_start3A_45 = arith.constant 0 : i32
      %dma_start3A_46 = tpu.memref_slice %dma_start3A_44[%add3A_33, %dma_start3A_45] : memref<10240x128xf32, #tpu.memory_space<hbm>> -> memref<128x128xf32, #tpu.memory_space<hbm>>
      tpu.enqueue_dma source(%arg11 : memref<128x128xf32, #tpu.memory_space<vmem>>) target(%dma_start3A_46 : memref<128x128xf32, #tpu.memory_space<hbm>>) target_semaphore(%run_scoped3A : memref<!tpu.dma_semaphore, #tpu.memory_space<semaphore_mem>>)
      %dma_wait3A = arith.constant 0 : i32
      %dma_wait3A_47 = arith.constant 0 : i32
      %dma_wait3A_48 = tpu.memref_slice %arg5[%arg0, %dma_wait3A, %dma_wait3A_47] : memref<2x10240x128xf32, #tpu.memory_space<hbm>> -> memref<1x10240x128xf32, #tpu.memory_space<hbm>>
      %dma_wait3A_49 = tpu.memref_squeeze %dma_wait3A_48 : memref<1x10240x128xf32, #tpu.memory_space<hbm>> -> memref<10240x128xf32, #tpu.memory_space<hbm>>
      %dma_wait3A_50 = arith.constant 0 : i32
      %dma_wait3A_51 = tpu.memref_slice %dma_wait3A_49[%add3A_33, %dma_wait3A_50] : memref<10240x128xf32, #tpu.memory_space<hbm>> -> memref<128x128xf32, #tpu.memory_space<hbm>>
      %dma_wait3A_52 = arith.constant 0 : i32
      %dma_wait3A_53 = arith.constant 0 : i32
      %dma_wait3A_54 = tpu.memref_slice %arg5[%arg0, %dma_wait3A_52, %dma_wait3A_53] : memref<2x10240x128xf32, #tpu.memory_space<hbm>> -> memref<1x10240x128xf32, #tpu.memory_space<hbm>>
      %dma_wait3A_55 = tpu.memref_squeeze %dma_wait3A_54 : memref<1x10240x128xf32, #tpu.memory_space<hbm>> -> memref<10240x128xf32, #tpu.memory_space<hbm>>
      %dma_wait3A_56 = arith.constant 0 : i32
      %dma_wait3A_57 = tpu.memref_slice %dma_wait3A_55[%add3A_33, %dma_wait3A_56] : memref<10240x128xf32, #tpu.memory_space<hbm>> -> memref<128x128xf32, #tpu.memory_space<hbm>>
      tpu.wait_dma2 semaphore(%run_scoped3A : memref<!tpu.dma_semaphore, #tpu.memory_space<semaphore_mem>>) src(%arg11 : memref<128x128xf32, #tpu.memory_space<vmem>>) dst(%dma_wait3A_57 : memref<128x128xf32, #tpu.memory_space<hbm>>)
      tpu.yield
    }) : () -> ()
    %add3A_34 = arith.constant 512 : i32
    %add3A_35 = arith.addi %mul3A_0, %add3A_34 : i32
    "tpu.region"() ({
      %run_scoped3A = tpu.sem_alloc : memref<!tpu.dma_semaphore, #tpu.memory_space<semaphore_mem>>
      %dma_start3A = arith.constant 0 : i32
      %dma_start3A_36 = tpu.memref_slice %arg6[%add3A_35, %dma_start3A] : memref<10240x128xf32, #tpu.memory_space<vmem_shared>> -> memref<128x128xf32, #tpu.memory_space<vmem_shared>>
      %dma_start3A_37 = arith.constant 0 : i32
      %dma_start3A_38 = tpu.memref_slice %arg6[%add3A_35, %dma_start3A_37] : memref<10240x128xf32, #tpu.memory_space<vmem_shared>> -> memref<128x128xf32, #tpu.memory_space<vmem_shared>>
      tpu.enqueue_dma source(%dma_start3A_38 : memref<128x128xf32, #tpu.memory_space<vmem_shared>>) target(%arg11 : memref<128x128xf32, #tpu.memory_space<vmem>>) target_semaphore(%run_scoped3A : memref<!tpu.dma_semaphore, #tpu.memory_space<semaphore_mem>>)
      %dma_wait3A = arith.constant 0 : i32
      %dma_wait3A_39 = tpu.memref_slice %arg6[%add3A_35, %dma_wait3A] : memref<10240x128xf32, #tpu.memory_space<vmem_shared>> -> memref<128x128xf32, #tpu.memory_space<vmem_shared>>
      %dma_wait3A_40 = arith.constant 0 : i32
      %dma_wait3A_41 = tpu.memref_slice %arg6[%add3A_35, %dma_wait3A_40] : memref<10240x128xf32, #tpu.memory_space<vmem_shared>> -> memref<128x128xf32, #tpu.memory_space<vmem_shared>>
      tpu.wait_dma2 semaphore(%run_scoped3A : memref<!tpu.dma_semaphore, #tpu.memory_space<semaphore_mem>>) src(%dma_wait3A_41 : memref<128x128xf32, #tpu.memory_space<vmem_shared>>) dst(%arg11 : memref<128x128xf32, #tpu.memory_space<vmem>>)
      tpu.yield
    }) : () -> ()
    "tpu.region"() ({
      %run_scoped3A = tpu.sem_alloc : memref<!tpu.dma_semaphore, #tpu.memory_space<semaphore_mem>>
      %dma_start3A = arith.constant 0 : i32
      %dma_start3A_36 = arith.constant 0 : i32
      %dma_start3A_37 = tpu.memref_slice %arg5[%arg0, %dma_start3A, %dma_start3A_36] : memref<2x10240x128xf32, #tpu.memory_space<hbm>> -> memref<1x10240x128xf32, #tpu.memory_space<hbm>>
      %dma_start3A_38 = tpu.memref_squeeze %dma_start3A_37 : memref<1x10240x128xf32, #tpu.memory_space<hbm>> -> memref<10240x128xf32, #tpu.memory_space<hbm>>
      %dma_start3A_39 = arith.constant 0 : i32
      %dma_start3A_40 = tpu.memref_slice %dma_start3A_38[%add3A_35, %dma_start3A_39] : memref<10240x128xf32, #tpu.memory_space<hbm>> -> memref<128x128xf32, #tpu.memory_space<hbm>>
      %dma_start3A_41 = arith.constant 0 : i32
      %dma_start3A_42 = arith.constant 0 : i32
      %dma_start3A_43 = tpu.memref_slice %arg5[%arg0, %dma_start3A_41, %dma_start3A_42] : memref<2x10240x128xf32, #tpu.memory_space<hbm>> -> memref<1x10240x128xf32, #tpu.memory_space<hbm>>
      %dma_start3A_44 = tpu.memref_squeeze %dma_start3A_43 : memref<1x10240x128xf32, #tpu.memory_space<hbm>> -> memref<10240x128xf32, #tpu.memory_space<hbm>>
      %dma_start3A_45 = arith.constant 0 : i32
      %dma_start3A_46 = tpu.memref_slice %dma_start3A_44[%add3A_35, %dma_start3A_45] : memref<10240x128xf32, #tpu.memory_space<hbm>> -> memref<128x128xf32, #tpu.memory_space<hbm>>
      tpu.enqueue_dma source(%arg11 : memref<128x128xf32, #tpu.memory_space<vmem>>) target(%dma_start3A_46 : memref<128x128xf32, #tpu.memory_space<hbm>>) target_semaphore(%run_scoped3A : memref<!tpu.dma_semaphore, #tpu.memory_space<semaphore_mem>>)
      %dma_wait3A = arith.constant 0 : i32
      %dma_wait3A_47 = arith.constant 0 : i32
      %dma_wait3A_48 = tpu.memref_slice %arg5[%arg0, %dma_wait3A, %dma_wait3A_47] : memref<2x10240x128xf32, #tpu.memory_space<hbm>> -> memref<1x10240x128xf32, #tpu.memory_space<hbm>>
      %dma_wait3A_49 = tpu.memref_squeeze %dma_wait3A_48 : memref<1x10240x128xf32, #tpu.memory_space<hbm>> -> memref<10240x128xf32, #tpu.memory_space<hbm>>
      %dma_wait3A_50 = arith.constant 0 : i32
      %dma_wait3A_51 = tpu.memref_slice %dma_wait3A_49[%add3A_35, %dma_wait3A_50] : memref<10240x128xf32, #tpu.memory_space<hbm>> -> memref<128x128xf32, #tpu.memory_space<hbm>>
      %dma_wait3A_52 = arith.constant 0 : i32
      %dma_wait3A_53 = arith.constant 0 : i32
      %dma_wait3A_54 = tpu.memref_slice %arg5[%arg0, %dma_wait3A_52, %dma_wait3A_53] : memref<2x10240x128xf32, #tpu.memory_space<hbm>> -> memref<1x10240x128xf32, #tpu.memory_space<hbm>>
      %dma_wait3A_55 = tpu.memref_squeeze %dma_wait3A_54 : memref<1x10240x128xf32, #tpu.memory_space<hbm>> -> memref<10240x128xf32, #tpu.memory_space<hbm>>
      %dma_wait3A_56 = arith.constant 0 : i32
      %dma_wait3A_57 = tpu.memref_slice %dma_wait3A_55[%add3A_35, %dma_wait3A_56] : memref<10240x128xf32, #tpu.memory_space<hbm>> -> memref<128x128xf32, #tpu.memory_space<hbm>>
      tpu.wait_dma2 semaphore(%run_scoped3A : memref<!tpu.dma_semaphore, #tpu.memory_space<semaphore_mem>>) src(%arg11 : memref<128x128xf32, #tpu.memory_space<vmem>>) dst(%dma_wait3A_57 : memref<128x128xf32, #tpu.memory_space<hbm>>)
      tpu.yield
    }) : () -> ()
    return
  }
}

module attributes {stable_mosaic.version = 14 : i64} {
  func.func @_scale_body(%arg0: i32, %arg1: memref<2x1024x128xf32, #tpu.memory_space<vmem>>, %arg2: memref<1x1024x16xf32, #tpu.memory_space<vmem>>, %arg3: memref<2x1024x128xf32, #tpu.memory_space<vmem>>) attributes {dimension_semantics = [#tpu.dimension_semantics<arbitrary>], iteration_bounds = array<i64: 10>, scalar_prefetch = 0 : i64, scratch_operands = 0 : i64, tpu.core_type = #tpu.core_type<tc>, window_params = [{transform_indices = @transform_0, window_bounds = array<i64: 2, 1024, 128>}, {transform_indices = @transform_1, window_bounds = array<i64: 1, 1024, 16>}, {transform_indices = @transform_2, window_bounds = array<i64: 2, 1024, 128>}]} {
    %get3A = arith.constant 0 : index
    %get3A_0 = arith.constant 0 : index
    %get3A_1 = arith.constant 0 : index
    %get3A_2 = vector.load %arg2[%get3A, %get3A_0, %get3A_1] : memref<1x1024x16xf32, #tpu.memory_space<vmem>>, vector<1x1024x1xf32>
    %get3A_3 = vector.shape_cast %get3A_2 : vector<1x1024x1xf32> to vector<1024x1xf32>
    %max3A = arith.constant 1.000000e+00 : f32
    %max3A_4 = vector.broadcast %max3A : f32 to vector<1024x1xf32>
    %max3A_5 = arith.maximumf %get3A_3, %max3A_4 : vector<1024x1xf32>
    %div3A = arith.constant 1.000000e+00 : f32
    %div3A_6 = vector.broadcast %div3A : f32 to vector<1024x1xf32>
    %div3A_7 = arith.divf %div3A_6, %max3A_5 : vector<1024x1xf32>
    %get3A_8 = arith.constant 0 : index
    %get3A_9 = arith.constant 0 : index
    %get3A_10 = arith.constant 0 : index
    %get3A_11 = vector.load %arg1[%get3A_8, %get3A_9, %get3A_10] : memref<2x1024x128xf32, #tpu.memory_space<vmem>>, vector<1x1024x128xf32>
    %get3A_12 = vector.shape_cast %get3A_11 : vector<1x1024x128xf32> to vector<1024x128xf32>
    %mul3A = vector.broadcast %div3A_7 : vector<1024x1xf32> to vector<1024x128xf32>
    %mul3A_13 = arith.mulf %get3A_12, %mul3A : vector<1024x128xf32>
    %swap3A = arith.constant 0 : index
    %swap3A_14 = arith.constant 0 : index
    %swap3A_15 = arith.constant 0 : index
    %swap3A_16 = vector.load %arg3[%swap3A, %swap3A_14, %swap3A_15] : memref<2x1024x128xf32, #tpu.memory_space<vmem>>, vector<1x1024x128xf32>
    %swap3A_17 = vector.shape_cast %swap3A_16 : vector<1x1024x128xf32> to vector<1024x128xf32>
    %swap3A_18 = vector.shape_cast %mul3A_13 : vector<1024x128xf32> to vector<1x1024x128xf32>
    tpu.vector_store %arg3[%swap3A, %swap3A_14, %swap3A_15], %swap3A_18 {strides = array<i32>} : memref<2x1024x128xf32, #tpu.memory_space<vmem>>, vector<1x1024x128xf32>,
    %get3A_19 = arith.constant 1 : index
    %get3A_20 = arith.constant 0 : index
    %get3A_21 = arith.constant 0 : index
    %get3A_22 = vector.load %arg1[%get3A_19, %get3A_20, %get3A_21] : memref<2x1024x128xf32, #tpu.memory_space<vmem>>, vector<1x1024x128xf32>
    %get3A_23 = vector.shape_cast %get3A_22 : vector<1x1024x128xf32> to vector<1024x128xf32>
    %mul3A_24 = vector.broadcast %div3A_7 : vector<1024x1xf32> to vector<1024x128xf32>
    %mul3A_25 = arith.mulf %get3A_23, %mul3A_24 : vector<1024x128xf32>
    %swap3A_26 = arith.constant 1 : index
    %swap3A_27 = arith.constant 0 : index
    %swap3A_28 = arith.constant 0 : index
    %swap3A_29 = vector.load %arg3[%swap3A_26, %swap3A_27, %swap3A_28] : memref<2x1024x128xf32, #tpu.memory_space<vmem>>, vector<1x1024x128xf32>
    %swap3A_30 = vector.shape_cast %swap3A_29 : vector<1x1024x128xf32> to vector<1024x128xf32>
    %swap3A_31 = vector.shape_cast %mul3A_25 : vector<1024x128xf32> to vector<1x1024x128xf32>
    tpu.vector_store %arg3[%swap3A_26, %swap3A_27, %swap3A_28], %swap3A_31 {strides = array<i32>} : memref<2x1024x128xf32, #tpu.memory_space<vmem>>, vector<1x1024x128xf32>,
    return
  }
  func.func @transform_0(%arg0: i32) -> (i32, i32, i32) {
    %c0_i32 = arith.constant 0 : i32
    %c0_i32_0 = arith.constant 0 : i32
    %c0_i32_1 = arith.constant 0 : i32
    return %c0_i32, %arg0, %c0_i32_0 : i32, i32, i32
  }
  func.func @transform_1(%arg0: i32) -> (i32, i32, i32) {
    %c0_i32 = arith.constant 0 : i32
    %c0_i32_0 = arith.constant 0 : i32
    %c0_i32_1 = arith.constant 0 : i32
    return %c0_i32, %arg0, %c0_i32_0 : i32, i32, i32
  }
  func.func @transform_2(%arg0: i32) -> (i32, i32, i32) {
    %c0_i32 = arith.constant 0 : i32
    %c0_i32_0 = arith.constant 0 : i32
    %c0_i32_1 = arith.constant 0 : i32
    return %c0_i32, %arg0, %c0_i32_0 : i32, i32, i32
  }
}

module attributes {stable_mosaic.version = 14 : i64} {
  func.func @_mm_body(%arg0: i32, %arg1: memref<2x1024x128xf32, #tpu.memory_space<vmem>>, %arg2: memref<1x1024x16xf32, #tpu.memory_space<vmem>>, %arg3: memref<2x1024x128xf32, #tpu.memory_space<vmem>>, %arg4: memref<256x256xf32, #tpu.memory_space<vmem>>, %arg5: memref<1x256xf32, #tpu.memory_space<vmem>>, %arg6: memref<256x256xf32, #tpu.memory_space<vmem>>, %arg7: memref<2x1024x128xf32, #tpu.memory_space<vmem>>) attributes {dimension_semantics = [#tpu.dimension_semantics<arbitrary>], iteration_bounds = array<i64: 10>, scalar_prefetch = 0 : i64, scratch_operands = 0 : i64, tpu.core_type = #tpu.core_type<tc>, window_params = [{transform_indices = @transform_0, window_bounds = array<i64: 2, 1024, 128>}, {transform_indices = @transform_1, window_bounds = array<i64: 1, 1024, 16>}, {transform_indices = @transform_2, window_bounds = array<i64: 2, 1024, 128>}, {pipeline_mode = #tpu.pipeline_mode<synchronous>, transform_indices = @transform_3, window_bounds = array<i64: 256, 256>}, {pipeline_mode = #tpu.pipeline_mode<synchronous>, transform_indices = @transform_4, window_bounds = array<i64: 1, 256>}, {pipeline_mode = #tpu.pipeline_mode<synchronous>, transform_indices = @transform_5, window_bounds = array<i64: 256, 256>}, {transform_indices = @transform_6, window_bounds = array<i64: 2, 1024, 128>}]} {
    %get3A = arith.constant 0 : index
    %get3A_0 = arith.constant 0 : index
    %get3A_1 = arith.constant 0 : index
    %get3A_2 = vector.load %arg2[%get3A, %get3A_0, %get3A_1] : memref<1x1024x16xf32, #tpu.memory_space<vmem>>, vector<1x1024x1xf32>
    %get3A_3 = vector.shape_cast %get3A_2 : vector<1x1024x1xf32> to vector<1024x1xf32>
    %max3A = arith.constant 1.000000e+00 : f32
    %max3A_4 = vector.broadcast %max3A : f32 to vector<1024x1xf32>
    %max3A_5 = arith.maximumf %get3A_3, %max3A_4 : vector<1024x1xf32>
    %div3A = arith.constant 1.000000e+00 : f32
    %div3A_6 = vector.broadcast %div3A : f32 to vector<1024x1xf32>
    %div3A_7 = arith.divf %div3A_6, %max3A_5 : vector<1024x1xf32>
    %get3A_8 = arith.constant 0 : index
    %get3A_9 = arith.constant 0 : index
    %get3A_10 = arith.constant 0 : index
    %get3A_11 = vector.load %arg1[%get3A_8, %get3A_9, %get3A_10] : memref<2x1024x128xf32, #tpu.memory_space<vmem>>, vector<1x1024x128xf32>
    %get3A_12 = vector.shape_cast %get3A_11 : vector<1x1024x128xf32> to vector<1024x128xf32>
    %get3A_13 = arith.constant 1 : index
    %get3A_14 = arith.constant 0 : index
    %get3A_15 = arith.constant 0 : index
    %get3A_16 = vector.load %arg1[%get3A_13, %get3A_14, %get3A_15] : memref<2x1024x128xf32, #tpu.memory_space<vmem>>, vector<1x1024x128xf32>
    %get3A_17 = vector.shape_cast %get3A_16 : vector<1x1024x128xf32> to vector<1024x128xf32>
    %concatenate3A = tpu.concatenate %get3A_12, %get3A_17 in 1 : vector<1024x128xf32>, vector<1024x128xf32> -> vector<1024x256xf32>
    %mul3A = vector.broadcast %div3A_7 : vector<1024x1xf32> to vector<1024x256xf32>
    %mul3A_18 = arith.mulf %concatenate3A, %mul3A : vector<1024x256xf32>
    %get3A_19 = arith.constant 0 : index
    %get3A_20 = arith.constant 0 : index
    %get3A_21 = arith.constant 0 : index
    %get3A_22 = vector.load %arg3[%get3A_19, %get3A_20, %get3A_21] : memref<2x1024x128xf32, #tpu.memory_space<vmem>>, vector<1x1024x128xf32>
    %get3A_23 = vector.shape_cast %get3A_22 : vector<1x1024x128xf32> to vector<1024x128xf32>
    %get3A_24 = arith.constant 1 : index
    %get3A_25 = arith.constant 0 : index
    %get3A_26 = arith.constant 0 : index
    %get3A_27 = vector.load %arg3[%get3A_24, %get3A_25, %get3A_26] : memref<2x1024x128xf32, #tpu.memory_space<vmem>>, vector<1x1024x128xf32>
    %get3A_28 = vector.shape_cast %get3A_27 : vector<1x1024x128xf32> to vector<1024x128xf32>
    %concatenate3A_29 = tpu.concatenate %get3A_23, %get3A_28 in 1 : vector<1024x128xf32>, vector<1024x128xf32> -> vector<1024x256xf32>
    %get3A_30 = arith.constant 0 : index
    %get3A_31 = arith.constant 0 : index
    %get3A_32 = vector.load %arg4[%get3A_30, %get3A_31] : memref<256x256xf32, #tpu.memory_space<vmem>>, vector<256x256xf32>
    %dot_general3A = arith.constant dense<0.000000e+00> : vector<1024x256xf32>
    %dot_general3A_33 = tpu.matmul %mul3A_18, %get3A_32, %dot_general3A {dimension_numbers = #tpu.dot_dimension_numbers<[1], [1], [0], [0], [0, 0, 1, 0], [], []>, transpose_lhs_hint = false} : vector<1024x256xf32>, vector<256x256xf32>, vector<1024x256xf32> -> vector<1024x256xf32>
    %get3A_34 = arith.constant 0 : index
    %get3A_35 = arith.constant 0 : index
    %get3A_36 = vector.load %arg5[%get3A_34, %get3A_35] : memref<1x256xf32, #tpu.memory_space<vmem>>, vector<1x256xf32>
    %add3A = vector.broadcast %get3A_36 : vector<1x256xf32> to vector<1024x256xf32>
    %add3A_37 = arith.addf %dot_general3A_33, %add3A : vector<1024x256xf32>
    %get3A_38 = arith.constant 0 : index
    %get3A_39 = arith.constant 0 : index
    %get3A_40 = vector.load %arg6[%get3A_38, %get3A_39] : memref<256x256xf32, #tpu.memory_space<vmem>>, vector<256x256xf32>
    %dot_general3A_41 = arith.constant dense<0.000000e+00> : vector<1024x256xf32>
    %dot_general3A_42 = tpu.matmul %concatenate3A_29, %get3A_40, %dot_general3A_41 {dimension_numbers = #tpu.dot_dimension_numbers<[1], [1], [0], [0], [0, 0, 1, 0], [], []>, transpose_lhs_hint = false} : vector<1024x256xf32>, vector<256x256xf32>, vector<1024x256xf32> -> vector<1024x256xf32>
    %add3A_43 = arith.addf %add3A_37, %dot_general3A_42 : vector<1024x256xf32>
    %max3A_44 = arith.constant 0.000000e+00 : f32
    %max3A_45 = vector.broadcast %max3A_44 : f32 to vector<1024x256xf32>
    %max3A_46 = arith.maximumf %add3A_43, %max3A_45 : vector<1024x256xf32>
    %slice3A = vector.extract_strided_slice %max3A_46 {offsets = [0, 0], sizes = [1024, 128], strides = [1, 1]} : vector<1024x256xf32> to vector<1024x128xf32>
    %swap3A = arith.constant 0 : index
    %swap3A_47 = arith.constant 0 : index
    %swap3A_48 = arith.constant 0 : index
    %swap3A_49 = vector.load %arg7[%swap3A, %swap3A_47, %swap3A_48] : memref<2x1024x128xf32, #tpu.memory_space<vmem>>, vector<1x1024x128xf32>
    %swap3A_50 = vector.shape_cast %swap3A_49 : vector<1x1024x128xf32> to vector<1024x128xf32>
    %swap3A_51 = vector.shape_cast %slice3A : vector<1024x128xf32> to vector<1x1024x128xf32>
    tpu.vector_store %arg7[%swap3A, %swap3A_47, %swap3A_48], %swap3A_51 {strides = array<i32>} : memref<2x1024x128xf32, #tpu.memory_space<vmem>>, vector<1x1024x128xf32>,
    %slice3A_52 = vector.extract_strided_slice %max3A_46 {offsets = [0, 128], sizes = [1024, 128], strides = [1, 1]} : vector<1024x256xf32> to vector<1024x128xf32>
    %swap3A_53 = arith.constant 1 : index
    %swap3A_54 = arith.constant 0 : index
    %swap3A_55 = arith.constant 0 : index
    %swap3A_56 = vector.load %arg7[%swap3A_53, %swap3A_54, %swap3A_55] : memref<2x1024x128xf32, #tpu.memory_space<vmem>>, vector<1x1024x128xf32>
    %swap3A_57 = vector.shape_cast %swap3A_56 : vector<1x1024x128xf32> to vector<1024x128xf32>
    %swap3A_58 = vector.shape_cast %slice3A_52 : vector<1024x128xf32> to vector<1x1024x128xf32>
    tpu.vector_store %arg7[%swap3A_53, %swap3A_54, %swap3A_55], %swap3A_58 {strides = array<i32>} : memref<2x1024x128xf32, #tpu.memory_space<vmem>>, vector<1x1024x128xf32>,
    return
  }
  func.func @transform_0(%arg0: i32) -> (i32, i32, i32) {
    %c0_i32 = arith.constant 0 : i32
    %c0_i32_0 = arith.constant 0 : i32
    %c0_i32_1 = arith.constant 0 : i32
    return %c0_i32, %arg0, %c0_i32_0 : i32, i32, i32
  }
  func.func @transform_1(%arg0: i32) -> (i32, i32, i32) {
    %c0_i32 = arith.constant 0 : i32
    %c0_i32_0 = arith.constant 0 : i32
    %c0_i32_1 = arith.constant 0 : i32
    return %c0_i32, %arg0, %c0_i32_0 : i32, i32, i32
  }
  func.func @transform_2(%arg0: i32) -> (i32, i32, i32) {
    %c0_i32 = arith.constant 0 : i32
    %c0_i32_0 = arith.constant 0 : i32
    %c0_i32_1 = arith.constant 0 : i32
    return %c0_i32, %arg0, %c0_i32_0 : i32, i32, i32
  }
  func.func @transform_3(%arg0: i32) -> (i32, i32) {
    %c0_i32 = arith.constant 0 : i32
    %c0_i32_0 = arith.constant 0 : i32
    %c0_i32_1 = arith.constant 0 : i32
    return %c0_i32, %c0_i32_0 : i32, i32
  }
  func.func @transform_4(%arg0: i32) -> (i32, i32) {
    %c0_i32 = arith.constant 0 : i32
    %c0_i32_0 = arith.constant 0 : i32
    %c0_i32_1 = arith.constant 0 : i32
    return %c0_i32, %c0_i32_0 : i32, i32
  }
  func.func @transform_5(%arg0: i32) -> (i32, i32) {
    %c0_i32 = arith.constant 0 : i32
    %c0_i32_0 = arith.constant 0 : i32
    %c0_i32_1 = arith.constant 0 : i32
    return %c0_i32, %c0_i32_0 : i32, i32
  }
  func.func @transform_6(%arg0: i32) -> (i32, i32, i32) {
    %c0_i32 = arith.constant 0 : i32
    %c0_i32_0 = arith.constant 0 : i32
    %c0_i32_1 = arith.constant 0 : i32
    return %c0_i32, %arg0, %c0_i32_0 : i32, i32, i32
  }
}

module attributes {stable_mosaic.version = 14 : i64} {
  func.func @_mm_body(%arg0: i32, %arg1: memref<2x1024x128xf32, #tpu.memory_space<vmem>>, %arg2: memref<1x1024x16xf32, #tpu.memory_space<vmem>>, %arg3: memref<2x1024x128xf32, #tpu.memory_space<vmem>>, %arg4: memref<256x256xf32, #tpu.memory_space<vmem>>, %arg5: memref<1x256xf32, #tpu.memory_space<vmem>>, %arg6: memref<256x256xf32, #tpu.memory_space<vmem>>, %arg7: memref<1024x256xf32, #tpu.memory_space<vmem>>) attributes {dimension_semantics = [#tpu.dimension_semantics<arbitrary>], iteration_bounds = array<i64: 10>, scalar_prefetch = 0 : i64, scratch_operands = 0 : i64, tpu.core_type = #tpu.core_type<tc>, window_params = [{transform_indices = @transform_0, window_bounds = array<i64: 2, 1024, 128>}, {transform_indices = @transform_1, window_bounds = array<i64: 1, 1024, 16>}, {transform_indices = @transform_2, window_bounds = array<i64: 2, 1024, 128>}, {pipeline_mode = #tpu.pipeline_mode<synchronous>, transform_indices = @transform_3, window_bounds = array<i64: 256, 256>}, {pipeline_mode = #tpu.pipeline_mode<synchronous>, transform_indices = @transform_4, window_bounds = array<i64: 1, 256>}, {pipeline_mode = #tpu.pipeline_mode<synchronous>, transform_indices = @transform_5, window_bounds = array<i64: 256, 256>}, {transform_indices = @transform_6, window_bounds = array<i64: 1024, 256>}]} {
    %get3A = arith.constant 0 : index
    %get3A_0 = arith.constant 0 : index
    %get3A_1 = arith.constant 0 : index
    %get3A_2 = vector.load %arg2[%get3A, %get3A_0, %get3A_1] : memref<1x1024x16xf32, #tpu.memory_space<vmem>>, vector<1x1024x1xf32>
    %get3A_3 = vector.shape_cast %get3A_2 : vector<1x1024x1xf32> to vector<1024x1xf32>
    %max3A = arith.constant 1.000000e+00 : f32
    %max3A_4 = vector.broadcast %max3A : f32 to vector<1024x1xf32>
    %max3A_5 = arith.maximumf %get3A_3, %max3A_4 : vector<1024x1xf32>
    %div3A = arith.constant 1.000000e+00 : f32
    %div3A_6 = vector.broadcast %div3A : f32 to vector<1024x1xf32>
    %div3A_7 = arith.divf %div3A_6, %max3A_5 : vector<1024x1xf32>
    %get3A_8 = arith.constant 0 : index
    %get3A_9 = arith.constant 0 : index
    %get3A_10 = arith.constant 0 : index
    %get3A_11 = vector.load %arg1[%get3A_8, %get3A_9, %get3A_10] : memref<2x1024x128xf32, #tpu.memory_space<vmem>>, vector<1x1024x128xf32>
    %get3A_12 = vector.shape_cast %get3A_11 : vector<1x1024x128xf32> to vector<1024x128xf32>
    %get3A_13 = arith.constant 1 : index
    %get3A_14 = arith.constant 0 : index
    %get3A_15 = arith.constant 0 : index
    %get3A_16 = vector.load %arg1[%get3A_13, %get3A_14, %get3A_15] : memref<2x1024x128xf32, #tpu.memory_space<vmem>>, vector<1x1024x128xf32>
    %get3A_17 = vector.shape_cast %get3A_16 : vector<1x1024x128xf32> to vector<1024x128xf32>
    %concatenate3A = tpu.concatenate %get3A_12, %get3A_17 in 1 : vector<1024x128xf32>, vector<1024x128xf32> -> vector<1024x256xf32>
    %mul3A = vector.broadcast %div3A_7 : vector<1024x1xf32> to vector<1024x256xf32>
    %mul3A_18 = arith.mulf %concatenate3A, %mul3A : vector<1024x256xf32>
    %get3A_19 = arith.constant 0 : index
    %get3A_20 = arith.constant 0 : index
    %get3A_21 = arith.constant 0 : index
    %get3A_22 = vector.load %arg3[%get3A_19, %get3A_20, %get3A_21] : memref<2x1024x128xf32, #tpu.memory_space<vmem>>, vector<1x1024x128xf32>
    %get3A_23 = vector.shape_cast %get3A_22 : vector<1x1024x128xf32> to vector<1024x128xf32>
    %get3A_24 = arith.constant 1 : index
    %get3A_25 = arith.constant 0 : index
    %get3A_26 = arith.constant 0 : index
    %get3A_27 = vector.load %arg3[%get3A_24, %get3A_25, %get3A_26] : memref<2x1024x128xf32, #tpu.memory_space<vmem>>, vector<1x1024x128xf32>
    %get3A_28 = vector.shape_cast %get3A_27 : vector<1x1024x128xf32> to vector<1024x128xf32>
    %concatenate3A_29 = tpu.concatenate %get3A_23, %get3A_28 in 1 : vector<1024x128xf32>, vector<1024x128xf32> -> vector<1024x256xf32>
    %get3A_30 = arith.constant 0 : index
    %get3A_31 = arith.constant 0 : index
    %get3A_32 = vector.load %arg4[%get3A_30, %get3A_31] : memref<256x256xf32, #tpu.memory_space<vmem>>, vector<256x256xf32>
    %dot_general3A = arith.constant dense<0.000000e+00> : vector<1024x256xf32>
    %dot_general3A_33 = tpu.matmul %mul3A_18, %get3A_32, %dot_general3A {dimension_numbers = #tpu.dot_dimension_numbers<[1], [1], [0], [0], [0, 0, 1, 0], [], []>, transpose_lhs_hint = false} : vector<1024x256xf32>, vector<256x256xf32>, vector<1024x256xf32> -> vector<1024x256xf32>
    %get3A_34 = arith.constant 0 : index
    %get3A_35 = arith.constant 0 : index
    %get3A_36 = vector.load %arg5[%get3A_34, %get3A_35] : memref<1x256xf32, #tpu.memory_space<vmem>>, vector<1x256xf32>
    %add3A = vector.broadcast %get3A_36 : vector<1x256xf32> to vector<1024x256xf32>
    %add3A_37 = arith.addf %dot_general3A_33, %add3A : vector<1024x256xf32>
    %get3A_38 = arith.constant 0 : index
    %get3A_39 = arith.constant 0 : index
    %get3A_40 = vector.load %arg6[%get3A_38, %get3A_39] : memref<256x256xf32, #tpu.memory_space<vmem>>, vector<256x256xf32>
    %dot_general3A_41 = arith.constant dense<0.000000e+00> : vector<1024x256xf32>
    %dot_general3A_42 = tpu.matmul %concatenate3A_29, %get3A_40, %dot_general3A_41 {dimension_numbers = #tpu.dot_dimension_numbers<[1], [1], [0], [0], [0, 0, 1, 0], [], []>, transpose_lhs_hint = false} : vector<1024x256xf32>, vector<256x256xf32>, vector<1024x256xf32> -> vector<1024x256xf32>
    %add3A_43 = arith.addf %add3A_37, %dot_general3A_42 : vector<1024x256xf32>
    %swap3A = arith.constant 0 : index
    %swap3A_44 = arith.constant 0 : index
    %swap3A_45 = vector.load %arg7[%swap3A, %swap3A_44] : memref<1024x256xf32, #tpu.memory_space<vmem>>, vector<1024x256xf32>
    tpu.vector_store %arg7[%swap3A, %swap3A_44], %add3A_43 {strides = array<i32>} : memref<1024x256xf32, #tpu.memory_space<vmem>>, vector<1024x256xf32>,
    return
  }
  func.func @transform_0(%arg0: i32) -> (i32, i32, i32) {
    %c0_i32 = arith.constant 0 : i32
    %c0_i32_0 = arith.constant 0 : i32
    %c0_i32_1 = arith.constant 0 : i32
    return %c0_i32, %arg0, %c0_i32_0 : i32, i32, i32
  }
  func.func @transform_1(%arg0: i32) -> (i32, i32, i32) {
    %c0_i32 = arith.constant 0 : i32
    %c0_i32_0 = arith.constant 0 : i32
    %c0_i32_1 = arith.constant 0 : i32
    return %c0_i32, %arg0, %c0_i32_0 : i32, i32, i32
  }
  func.func @transform_2(%arg0: i32) -> (i32, i32, i32) {
    %c0_i32 = arith.constant 0 : i32
    %c0_i32_0 = arith.constant 0 : i32
    %c0_i32_1 = arith.constant 0 : i32
    return %c0_i32, %arg0, %c0_i32_0 : i32, i32, i32
  }
  func.func @transform_3(%arg0: i32) -> (i32, i32) {
    %c0_i32 = arith.constant 0 : i32
    %c0_i32_0 = arith.constant 0 : i32
    %c0_i32_1 = arith.constant 0 : i32
    return %c0_i32, %c0_i32_0 : i32, i32
  }
  func.func @transform_4(%arg0: i32) -> (i32, i32) {
    %c0_i32 = arith.constant 0 : i32
    %c0_i32_0 = arith.constant 0 : i32
    %c0_i32_1 = arith.constant 0 : i32
    return %c0_i32, %c0_i32_0 : i32, i32
  }
  func.func @transform_5(%arg0: i32) -> (i32, i32) {
    %c0_i32 = arith.constant 0 : i32
    %c0_i32_0 = arith.constant 0 : i32
    %c0_i32_1 = arith.constant 0 : i32
    return %c0_i32, %c0_i32_0 : i32, i32
  }
  func.func @transform_6(%arg0: i32) -> (i32, i32) {
    %c0_i32 = arith.constant 0 : i32
    %c0_i32_0 = arith.constant 0 : i32
    return %arg0, %c0_i32 : i32, i32
  }
}

</mosaic_0001>

<sc_bundles>
// kernel: kernel.14.cloned.1.call-start
scs
__scs_entry_jumppad:
0x0: {  	(pc) =	sbr.rel $0x88, $3  }
0x1: {  	(tag) =	ssettag $0x0;
	lr =	simm.s32 $0x1  }
0x2: {  	[smem:$0x3F96] =	sst lr;
	_ =	strace $0xD0000000  }
0x3: {  	_ = 	snop  }
0x4: {  	_ = 	snop  }
0x5: {  	_ = 	snop  }
0x6: {  	_ = 	snop  }
0x7: {  	_ = 	snop  }
__scs_overlays_trampoline_lowered:
0x8: {  	[smem:$0x3FA5] =	sst s0  }
0x9: {  	[smem:$0x3FA6] =	sst s1  }
0xa: {  	[smem:$0x3FA7] =	sst s2  }
0xb: {  	[smem:$0x3FA8] =	sst s3  }
0xc: {  	[smem:$0x3FA9] =	sst s4  }
0xd: {  	[smem:$0x3FAA] =	sst s5  }
0xe: {  	[smem:$0x3FAB] =	sst s6  }
0xf: {  	[smem:$0x3FAC] =	sst s7  }
0x10: {  	[smem:$0x3FAD] =	sst s8  }
0x11: {  	[smem:$0x3FAE] =	sst s9;
	s0 =	simm.s32 @!p0 $0x0  }
0x12: {  	s1 =	sld [smem:$0x3F94];
	s0 =	simm.s32 @p0 $0x1  }
0x13: {  	[smem:$0x3FAF] =	sst s0;
	s0 =	simm.s32 @!p1 $0x0  }
0x14: {  	s2 =	sld [smem:$0x3F93];
	s0 =	simm.s32 @p1 $0x1  }
0x15: {  	[smem:$0x3FB0] =	sst s0;
	s0 =	simm.s32 @!p2 $0x0  }
0x16: {  	s3 =	sld [smem:$0x3FDB];
	s0 =	simm.s32 @p2 $0x1  }
0x17: {  	s4 =	simm.s32 $0x1BF5;
	[smem:$0x3FB2] =	sst s0  }
0x18: {  	s0 =	sld [smem:$0x3F95];
	_ =	swait.ge [sflag:s4], $0x0  }
0x19: {  	s7 =	sld [smem:$0x3F96]  }
0x1a: {  	s8 =	sadd.s32 $0xFFFFE003, lr  }
0x1b: {  	s9 =	sadd.s32 $0xFFFFFEF7, lr;
	s5 =	simm.s32 $0xFFFFFFFF;
	p2 =	slt.u32 s8, $0xFFFFF086  }
0x1c: {  	p1 =	slt.u32 s9, $0xF7A;
	s5 =	simm.s32 @!p2 $0x0  }
0x1d: {  	s5 =	simm.s32 @p1 $0x1;
	p0 =	seq.s32 s7, s2  }
0x1e: {  	s7 =	smul.u32 @!p0 $0xF7A, s2;
	p2 =	seq.s32 @!p0 s5, $0x0  }
0x1f: {  	s9 =	smul.u32 $0xF7A, s1;
	s8 =	simm.s32 @!p0 $0x1BF5;
	p2 =	por !p2, p0  }
0x20: {  	[sflag:s8] =	ssyncset.s32 @!p0 $0xFFFFF086;
	s6 =	sadd.s32 @!p0 s3, s7;
	s7 =	simm.s32 @!p0 $0x108  }
0x21: {  	s3 =	sadd.s32 s3, s9;
	s6 =	sadd.s32 @!p0 $0x88, s6;
	s7 =	simm.s32 @p2 $0x1082  }
0x22: {  	[simem:s7], [sflag:s8] =	dma.local @!p0 [hbm:s6], $0xF7A  }
0x23: {  	s9 =	sor.u32 $0xD0000000, s2;
	s6 =	simm.s32 $0x108;
	_ =	swait.ge @!p0 [sflag:s8], $0x0  }
0x24: {  	s3 =	sadd.s32 $0x88, s3;
	s6 =	simm.s32 @!p1 $0x1082;
	[sflag:s4] =	ssyncset.s32 $0xFFFFF086  }
0x25: {  	[simem:s6], [sflag:s4] =	dma.local [hbm:s3], $0xF7A  }
0x26: {  	[smem:$0x3F96] =	sst s1;
	(tag) =	ssettag s2;
	_ =	strace s9  }
0x27: {  	s1 =	sld [smem:$0x3FA6]  }
0x28: {  	s2 =	sld [smem:$0x3FA7]  }
0x29: {  	s4 =	sld [smem:$0x3FA9]  }
0x2a: {  	p0 =	seq.s32 s5, $0x0;
	s5 =	sld [smem:$0x3FAA]  }
0x2b: {  	s6 =	sld [smem:$0x3FAB]  }
0x2c: {  	s7 =	sld [smem:$0x3FAC]  }
0x2d: {  	s3 =	simm.s32 $0x108;
	s8 =	sld [smem:$0x3FAD]  }
0x2e: {  	s3 =	simm.s32 @!p0 $0x1082;
	s9 =	sld [smem:$0x3FAE]  }
0x2f: {  	lr =	sadd.s32 s0, s3;
	s0 =	sld [smem:$0x3FA5]  }
0x30: {  	s3 =	sld [smem:$0x3FA8]  }
0x31: {  	[smem:$0x3FB1] =	sst s10  }
0x32: {  	s10 =	sld [smem:$0x3FAF];
	_ =	sdelay $0x3  }
0x33: {  	p0 =	seq.s32 s10, $0x1;
	s10 =	sld [smem:$0x3FB1];
	_ =	sdelay $0x3  }
0x34: {  	[smem:$0x3FB1] =	sst s10  }
0x35: {  	s10 =	sld [smem:$0x3FB0];
	_ =	sdelay $0x3  }
0x36: {  	p1 =	seq.s32 s10, $0x1;
	s10 =	sld [smem:$0x3FB1];
	_ =	sdelay $0x3  }
0x37: {  	[smem:$0x3FB1] =	sst s10  }
0x38: {  	s10 =	sld [smem:$0x3FB2]  }
0x39: {  	_ = 	snop;
	(pc) =	sbr.ind lr, $3  }
0x3a: {  	_ = 	snop  }
0x3b: {  	_ = 	snop  }
0x3c: {  	p2 =	seq.s32 s10, $0x1;
	s10 =	sld [smem:$0x3FB1]  }
0x3d: {  	_ =	shalt  }
0x3e: {  	_ =	shalt  }
0x3f: {  	_ =	shalt  }
0x40: {  	_ =	shalt  }
0x41: {  	_ =	shalt  }
0x42: {  	_ =	shalt  }
0x43: {  	_ =	shalt  }
0x44: {  	_ =	shalt  }
0x45: {  	_ =	shalt  }
0x46: {  	_ =	shalt  }
0x47: {  	_ =	shalt  }
0x48: {  	_ =	shalt  }
0x49: {  	_ =	shalt  }
0x4a: {  	_ =	shalt  }
0x4b: {  	_ =	shalt  }
0x4c: {  	_ =	shalt  }
0x4d: {  	_ =	shalt  }
0x4e: {  	_ =	shalt  }
0x4f: {  	_ =	shalt  }
0x50: {  	_ =	shalt  }
0x51: {  	_ =	shalt  }
0x52: {  	_ =	shalt  }
0x53: {  	_ =	shalt  }
0x54: {  	_ =	shalt  }
0x55: {  	_ =	shalt  }
0x56: {  	_ =	shalt  }
0x57: {  	_ =	shalt  }
0x58: {  	_ =	shalt  }
0x59: {  	_ =	shalt  }
0x5a: {  	_ =	shalt  }
0x5b: {  	_ =	shalt  }
0x5c: {  	_ =	shalt  }
0x5d: {  	_ =	shalt  }
0x5e: {  	_ =	shalt  }
0x5f: {  	_ =	shalt  }
0x60: {  	_ =	shalt  }
0x61: {  	_ =	shalt  }
0x62: {  	_ =	shalt  }
0x63: {  	_ =	shalt  }
0x64: {  	_ =	shalt  }
0x65: {  	_ =	shalt  }
0x66: {  	_ =	shalt  }
0x67: {  	_ =	shalt  }
0x68: {  	_ =	shalt  }
0x69: {  	_ =	shalt  }
0x6a: {  	_ =	shalt  }
0x6b: {  	_ =	shalt  }
0x6c: {  	_ =	shalt  }
0x6d: {  	_ =	shalt  }
0x6e: {  	_ =	shalt  }
0x6f: {  	_ =	shalt  }
0x70: {  	_ =	shalt  }
0x71: {  	_ =	shalt  }
0x72: {  	_ =	shalt  }
0x73: {  	_ =	shalt  }
0x74: {  	_ =	shalt  }
0x75: {  	_ =	shalt  }
0x76: {  	_ =	shalt  }
0x77: {  	_ =	shalt  }
0x78: {  	_ =	shalt  }
0x79: {  	_ =	shalt  }
0x7a: {  	_ =	shalt  }
0x7b: {  	_ =	shalt  }
0x7c: {  	_ =	shalt  }
0x7d: {  	_ =	shalt  }
0x7e: {  	_ =	shalt  }
0x7f: {  	_ =	shalt  }
0x80: {  	_ =	shalt  }
0x81: {  	_ =	shalt  }
0x82: {  	_ =	shalt  }
0x83: {  	_ =	shalt  }
0x84: {  	_ =	shalt  }
0x85: {  	_ =	shalt  }
0x86: {  	_ =	shalt  }
0x87: {  	_ =	shalt  }
.Lfunc_end0:
.L_simem_size_0:
called_computation_lowered:
.L_overlay_start_0:
0x88: {  	s2 =	sld [smem:$0x3FD9]  }
0x89: {  	s3 =	sld [smem:$0x3FFE];
	_ =	sdelay $0x1  }
0x8a: {  	s1 =	srdreg.scid  }
0x8b: {  	s0 =	sand.u32 $0x1, s1  }
0x8c: {  	s17 =	sshll.u32 s0, $0xA;
	s2 =	sadd.s32 s3, s2  }
0x8d: {  	s2 =	sadd.s32 s2, s17  }
0x8e: {  	[smem:$0x3FBD] =	sst s2  }
0x8f: {  	_ = 	snop  }
0x90: {  	s2 =	sld [smem:$0x3FD0];
	(tm) =	ssettm $0x1  }
0x91: {  	s18 =	sld [smem:$0x3FFB];
	_ =	sdelay $0x3  }
0x92: {  	_ =	strace s18  }
0x93: {  	s3 =	sld [smem:$0x3FFC];
	_ =	sdelay $0x3  }
0x94: {  	_ =	strace s3  }
0x95: {  	s3 =	sld [smem:$0x3FFD];
	_ =	sdelay $0x3  }
0x96: {  	_ =	strace s3  }
0x97: {  	_ =	strace $0x8FFFFFFF  }
0x98: {  	s19 =	sld [smem:$0x3FDB];
	_ =	sdelay $0x1  }
0x99: {  	s4 =	simm.s32 $_scs_section_size  }
0x9a: {  	s5 =	simm.s32 $_size__tile_overlayer_lowered;
	s6 =	simm.s32 $_tile_overlayer_lowered  }
0x9b: {  	s22 =	simm.s32 $0x1BFF;
	s21 =	sshll.u32 s6, $0x1;
	s3 =	sadd.s32 s4, s19  }
0x9c: {  	s7 =	simm.s32 $0x0;
	s20 =	sshll.u32 s5, $0x1;
	s5 =	sadd.s32 s21, s3  }
0x9d: {  	[timem:s7], [sflag:s22] =	dma.local [hbm:s5], s20  }
0x9e: {  	_ =	swait.ge [sflag:s22], s20  }
0x9f: {  	s4 =	ssub.s32 $0x0, s20;
	[sflag:s22] =	ssyncset.done $0x0  }
0xa0: {  	[sflag:s22] =	ssyncadd.s32 s4;
	_ =	sdelay $0x1  }
0xa1: {  	s23 =	simm.s32 $0x1B8B  }
0xa2: {  	_ =	swait.ge [sflag:s23], $0x1  }
0xa3: {  	[sflag:s23] =	ssyncset.done $0x0  }
0xa4: {  	s25 =	simm.s32 $0x1B8E;
	s24 =	sld [smem:$0x3FFE];
	[sflag:s23] =	ssyncadd.s32 $0xFFFFFFFF  }
0xa5: {  	s26 =	simm.s32 $execute0_lowered;
	[smem:$0x3FD2] =	sst s25  }
0xa6: {  	s5 =	sshll.u32 s26, $0x1;
	_ =	strace $0x80000046;
	[dreg:$0x1] =	wrdreg $0xFFFFFFFF  }
0xa7: {  	s28 =	simm.s32 $_size_execute0_lowered;
	s3 =	sadd.s32 s3, s5;
	[dreg:$0x0] =	wrdreg $0x0  }
0xa8: {  	s5 =	sshll.u32 s28, $0x1;
	[dreg:$0x2] =	wrdreg s3  }
0xa9: {  	[dreg:$0x3] =	wrdreg s5  }
0xaa: {  	[dreg:$0x4] =	wrdreg $0xC0  }
0xab: {  	_ =	task [dreg:s7], $0x5FFFF  }
0xac: {  	[dreg:$0x1] =	wrdreg $0xFFFFFFFF  }
0xad: {  	[dreg:$0x0] =	wrdreg $0x60  }
0xae: {  	[dreg:$0x2] =	wrdreg s24  }
0xaf: {  	[dreg:$0x3] =	wrdreg s2  }
0xb0: {  	[dreg:$0x4] =	wrdreg $0x0  }
0xb1: {  	[dreg:$0x5] =	wrdreg $0x140000  }
0xb2: {  	[dreg:$0x6] =	wrdreg $0x9  }
0xb3: {  	_ =	task.clear_ibuf [dreg:s7], $0x7FFFF;
	_ =	strace $0x90000046  }
0xb4: {  	s29 =	simm.s32 $0x9;
	_ =	strace $0x80000048  }
0xb5: {  	_ =	swait.ge [sflag:s29], $0x1  }
0xb6: {  	[sflag:s29] =	ssyncadd.s32 $0xFFFFFFFF  }
0xb7: {  	_ =	strace $0x90000048  }
0xb8: {  	_ =	sfence  }
0xb9: {  	s30 =	sld [smem:$0x0];
	_ =	sdelay $0x2  }
0xba: {  	s31 =	sshll.u32 s1, $0xD;
	s1 =	sshrl.u32 s1, $0x2  }
0xbb: {  	s3 =	sand.u32 $0x4000, s31;
	s1 =	sadd.s32 s1, s30  }
0xbc: {  	s0 =	sor.u32 s3, s0;
	s1 =	sshll.u32 s1, $0x11  }
0xbd: {  	s0 =	sor.u32 s1, s0  }
0xbe: {  	s0 =	sadd.s32 $0x8F2B, s0  }
0xbf: {  	[sflag:s0] =	ssyncadd.remote.s32 $0x1  }
0xc0: {  	_ =	sfence.sel $0xFFFF  }
0xc1: {  	[dreg:$0x0] =	wrdreg $0xFFFFFFFF;
	(pc) =	sbr.abs _section_cstart, $3  }
0xc2: {  	[dreg:$0x1] =	wrdreg $0xFFFFFFFF  }
0xc3: {  	_ =	task.clear_ibuf [dreg:s7], $0x2FFFF;
	_ =	strace $0x9FFFFFFF  }
0xc4: {  	(tm) =	ssettm $0x7FFFFFFF  }
0xc5: {  	_ =	shalt  }
tec
execute0_lowered:
.L_overlay_start_1:
0x0: {  	(tag) =	ssettag $0x1  }
0x1: {  	s1 =	rddreg [dreg:$0x0]  }
0x2: {  	s12 =	rddreg [dreg:$0x1]  }
0x3: {  	s2 =	rddreg [dreg:$0x2]  }
0x4: {  	s0 =	stileid.u32;
	s4 =	srdreg.scid  }
0x5: {  	s3 =	rddreg [dreg:$0x3];
	s30 =	simm.s32 $0x0;
	s5 =	smul.u32 $0x4E2, s0  }
0x6: {  	s13 =	sand.u32 $0x1, s4;
	s4 =	simm.s32 $0x0;
	s14 =	smul.u32 $0x14000, s0  }
0x7: {  	s6 =	smul.u32 $0x28000, s13;
	[smem:$0x7FF] =	sst s4;
	s19 =	ssub.s32 $0x2, s13  }
0x8: {  	s13 =	smul.u32 $0x5000, s13;
	_ =	strace $0x80000047;
	s15 =	sadd.s32 s5, s1  }
0x9: {  	s20 =	sshrl.u32 s19, $0x1;
	s16 =	sadd.s32 $0x4000, s14;
	s5 =	sadd.s32 s14, s2  }
0xa: {  	s18 =	sadd.s32 $0x8000, s14;
	s21 =	sadd.s32 $0x10000, s14;
	s22 =	sshrl.u32 s14, $0x3  }
0xb: {  	s1 =	sadd.s32 s6, s1;
	s17 =	ssub.s32 s19, s20;
	s6 =	sadd.s32 s16, s2  }
0xc: {  	s19 =	sadd.s32 $0xC000, s14;
	s20 =	smul.u32 $0x2800, s0;
	s7 =	sadd.s32 s18, s2  }
0xd: {  	s9 =	sadd.s32 s21, s2;
	s23 =	sshrl.u32 s16, $0x3;
	s24 =	sshrl.u32 s18, $0x3  }
0xe: {  	s26 =	sshrl.u32 s21, $0x3;
	s28 =	sadd.s32 s12, s13;
	s13 =	sadd.s32 $0x3E00, s15  }
0xf: {  	s14 =	sadd.s32 $0x8E00, s15;
	s15 =	simm.s32 $0x190A0;
	s16 =	simm.s32 $0x1  }
0x10: {  	s8 =	sadd.s32 s19, s2;
	s11 =	sadd.s32 $0xDE00, s1;
	s1 =	sadd.s32 $0x5DE00, s1  }
0x11: {  	s25 =	sshrl.u32 s19, $0x3;
	s21 =	smax.u32 s17, $0x1;
	s17 =	simm.s32 $0x1D0A0  }
0x12: {  	s10 =	sadd.s32 s20, s3;
	s29 =	sshrl.u32 s20, $0x3;
	[dreg:$0x5] =	wrdreg s21  }
0x13: {  	s31 =	sadd.s32 s22, s1;
	s19 =	sadd.s32 s23, s1;
	s20 =	sadd.s32 s24, s1  }
0x14: {  	s21 =	sadd.s32 s25, s1;
	s22 =	sadd.s32 s26, s1;
	s23 =	simm.s32 $0x16800  }
0x15: {  	s25 =	simm.s32 $0x16850;
	s26 =	simm.s32 $0x50;
	[dreg:$0x6] =	wrdreg s31  }
0x16: {  	v0 =	vimm.f32 $0.0e+00;
	v1 =	vimm.f32 $1.000000000e+00;
	s24 =	sadd.s32 s29, s28;
	s28 =	simm.s32 $0x168A0;
	s29 =	simm.s32 $0x1F8A0  }
.LBB2_1:
0x17: {  	s31 =	simm.s32 $0x0;
	s1 =	simm.s32 $0x200  }
.LBB2_2:
0x18: {  	p0 =	sne.s32 s1, $0xFE00;
	[tilespmem:s31+$0x19110] =	vst v0  }
0x19: {  	[tilespmem:s31+$0x190A0] =	vst v0  }
0x1a: {  	[tilespmem:s31+$0x190B0] =	vst v0  }
.Ltmp0:
0x1b: {  	[tilespmem:s31+$0x190C0] =	vst v0;
	(pc) =	sbr.rel @p0 .LBB2_2-.Ltmp0, $4  }
0x1c: {  	[tilespmem:s31+$0x190D0] =	vst v0  }
0x1d: {  	[tilespmem:s31+$0x190E0] =	vst v0  }
0x1e: {  	[tilespmem:s31+$0x190F0] =	vst v0  }
0x1f: {  	[tilespmem:s31+$0x19100] =	vst v0;
	s31 =	sshra.s32 s1, $0x2;
	s1 =	sadd.s32 $0x200, s1  }
0x20: {  	[tilespmem:s31+$0x19110] =	vst v0  }
0x21: {  	[tilespmem:s31+$0x190A0] =	vst v0  }
0x22: {  	[tilespmem:s31+$0x190B0] =	vst v0  }
0x23: {  	[tilespmem:s31+$0x190C0] =	vst v0  }
0x24: {  	[tilespmem:s31+$0x190D0] =	vst v0  }
0x25: {  	[tilespmem:s31+$0x190E0] =	vst v0  }
0x26: {  	[tilespmem:s31+$0x190F0] =	vst v0  }
0x27: {  	[tilespmem:s31+$0x19100] =	vst v0  }
0x28: {  	[spmem:s5] =	stream.linear.scatter [tilespmem:s15], [sflag:$0x1], $0x4000, $0x38;
	[tilespmem:$0x1FDA0] =	vst v63  }
0x29: {  	_ =	swait.ge [sflag:s16], $0x4000  }
0x2a: {  	[sflag:s16] =	ssyncset.done $0x0  }
0x2b: {  	[sflag:s16] =	ssyncadd.s32 $0xFFFFC000  }
0x2c: {  	[spmem:s6] =	stream.linear.scatter [tilespmem:s15], [sflag:$0x1], $0x4000, $0x38;
	[tilespmem:$0x1FDA0] =	vst v63  }
0x2d: {  	_ =	swait.ge [sflag:s16], $0x4000  }
0x2e: {  	[sflag:s16] =	ssyncset.done $0x0  }
0x2f: {  	[sflag:s16] =	ssyncadd.s32 $0xFFFFC000  }
0x30: {  	[spmem:s7] =	stream.linear.scatter [tilespmem:s15], [sflag:$0x1], $0x4000, $0x38;
	[tilespmem:$0x1FDA0] =	vst v63  }
0x31: {  	_ =	swait.ge [sflag:s16], $0x4000  }
0x32: {  	[sflag:s16] =	ssyncset.done $0x0  }
0x33: {  	[sflag:s16] =	ssyncadd.s32 $0xFFFFC000  }
0x34: {  	[spmem:s8] =	stream.linear.scatter [tilespmem:s15], [sflag:$0x1], $0x4000, $0x38;
	[tilespmem:$0x1FDA0] =	vst v63  }
0x35: {  	_ =	swait.ge [sflag:s16], $0x4000  }
0x36: {  	[sflag:s16] =	ssyncset.done $0x0  }
0x37: {  	[sflag:s16] =	ssyncadd.s32 $0xFFFFC000  }
0x38: {  	[spmem:s9] =	stream.linear.scatter [tilespmem:s15], [sflag:$0x1], $0x4000, $0x38;
	[tilespmem:$0x1FDA0] =	vst v63  }
0x39: {  	_ =	swait.ge [sflag:s16], $0x4000  }
0x3a: {  	[sflag:s16] =	ssyncset.done $0x0  }
0x3b: {  	s1 =	simm.s32 $0x40;
	s31 =	simm.s32 $0x0;
	[sflag:s16] =	ssyncadd.s32 $0xFFFFC000  }
.LBB2_4:
0x3c: {  	p0 =	sne.s32 s1, $0x9FC0;
	[tilespmem:s31+$0x1D0A0] =	vst v0;
	s31 =	smov.u32 s1;
	s1 =	sadd.s32 $0x40, s1  }
.Ltmp1:
0x3d: {  	(pc) =	sbr.rel @p0 .LBB2_4-.Ltmp1, $2  }
0x3e: {  	_ =	sdelay $0x2  }
0x3f: {  	s31 =	sshra.s32 s31, $0x2  }
0x40: {  	[tilespmem:s31+$0x1D0A0] =	vst v0  }
0x41: {  	[spmem:s10] =	stream.linear.scatter [tilespmem:s17], [sflag:$0x1], $0x2800, $0x38;
	[tilespmem:$0x1FDA0] =	vst v63  }
0x42: {  	_ =	swait.ge [sflag:s16], $0x2800  }
0x43: {  	[sflag:s16] =	ssyncset.done $0x0  }
0x44: {  	s1 =	simm.s32 $0x40;
	s31 =	simm.s32 $0x0;
	[sflag:s16] =	ssyncadd.s32 $0xFFFFD800  }
.LBB2_6:
0x45: {  	p0 =	sne.s32 s1, $0x13C0;
	[tilespmem:s31+$0x1F8A0] =	vst v1;
	s31 =	smov.u32 s1;
	s1 =	sadd.s32 $0x40, s1  }
.Ltmp2:
0x46: {  	(pc) =	sbr.rel @p0 .LBB2_6-.Ltmp2, $2  }
0x47: {  	_ =	sdelay $0x2  }
0x48: {  	s31 =	sshra.s32 s31, $0x2  }
0x49: {  	[tilespmem:s31+$0x1F8A0] =	vst v1  }
0x4a: {  	s1 =	sadd.s32 $0x0, s14;
	[bflag:$0x0] =	sbarrier.arrive $0xFFFF  }
0x4b: {  	[tilespmem:s23], [sflag:$0x1] =	stream.linear.gather [hbm4b:s1+s4], $0x50, $0x38;
	[tilespmem:$0x1FDA0] =	vst v63  }
0x4c: {  	_ =	swait.ge [sflag:s16], $0x50  }
0x4d: {  	[sflag:s16] =	ssyncset.done $0x0  }
0x4e: {  	s18 =	sadd.s32 $0x0, s13;
	[sflag:s16] =	ssyncadd.s32 $0xFFFFFFB0  }
0x4f: {  	[tilespmem:s25], [sflag:$0x1] =	stream.linear.gather [hbm4b:s18+s4], $0x50, $0x38;
	[tilespmem:$0x1FDA0] =	vst v63  }
0x50: {  	_ =	swait.ge [sflag:s16], $0x50  }
0x51: {  	[sflag:s16] =	ssyncset.done $0x0  }
0x52: {  	[sflag:s16] =	ssyncadd.s32 $0xFFFFFFB0  }
0x53: {  	[tilespmem:s28], [sflag:$0x1] =	stream.indirect.gather [hbm4b:s11+s26], $0x80, s23, s26, $0xb8;
	[tilespmem:$0x1FDA0] =	vst v63  }
0x54: {  	_ =	swait.ge [sflag:s16], $0x2800  }
0x55: {  	[sflag:s16] =	ssyncset.done $0x0  }
0x56: {  	[sflag:s16] =	ssyncadd.s32 $0xFFFFD800  }
0x57: {  	[spmem:s2] =	stream.indirect.scatter.add.f32 [tilespmem:s28], [sflag:$0x1], $0x80, s25, s26, $0xb8;
	[tilespmem:$0x1FDA0] =	vst v63  }
0x58: {  	_ =	swait.ge [sflag:s16], $0x2800  }
0x59: {  	[sflag:s16] =	ssyncset.done $0x0  }
0x5a: {  	[sflag:s16] =	ssyncadd.s32 $0xFFFFD800  }
0x5b: {  	[spmem:s3] =	stream.indirect.scatter.add.f32 [tilespmem:s29], [sflag:$0x1], $0x10, s25, s26, $0xb8;
	[tilespmem:$0x1FDA0] =	vst v63  }
0x5c: {  	_ =	swait.ge [sflag:s16], $0x500  }
0x5d: {  	s31 =	simm.s32 $0xA;
	s1 =	simm.s32 $0x14;
	[sflag:s16] =	ssyncset.done $0x0  }
.LBB2_8:
0x5e: {  	s0 =	sadd.s32 s31, s14  }
0x5f: {  	[sflag:s16] =	ssyncadd.s32 $0xFFFFFB00;
	s12 =	smov.u32 s1;
	s18 =	sadd.s32 $0xA, s1  }
0x60: {  	[tilespmem:s23], [sflag:$0x1] =	stream.linear.gather [hbm4b:s0+s4], $0x50, $0x38;
	[tilespmem:$0x1FDA0] =	vst v63  }
0x61: {  	p0 =	sne.s32 s1, $0x4D8;
	_ =	swait.ge [sflag:s16], $0x50  }
0x62: {  	[sflag:s16] =	ssyncset.done $0x0  }
0x63: {  	s0 =	sadd.s32 s31, s13;
	s31 =	smov.u32 s12;
	[sflag:s16] =	ssyncadd.s32 $0xFFFFFFB0  }
0x64: {  	[tilespmem:s25], [sflag:$0x1] =	stream.linear.gather [hbm4b:s0+s4], $0x50, $0x38;
	[tilespmem:$0x1FDA0] =	vst v63  }
0x65: {  	_ =	swait.ge [sflag:s16], $0x50  }
0x66: {  	[sflag:s16] =	ssyncset.done $0x0  }
0x67: {  	[sflag:s16] =	ssyncadd.s32 $0xFFFFFFB0  }
0x68: {  	[tilespmem:s28], [sflag:$0x1] =	stream.indirect.gather [hbm4b:s11+s26], $0x80, s23, s26, $0xb8;
	[tilespmem:$0x1FDA0] =	vst v63  }
0x69: {  	_ =	swait.ge [sflag:s16], $0x2800  }
0x6a: {  	[sflag:s16] =	ssyncset.done $0x0  }
0x6b: {  	[sflag:s16] =	ssyncadd.s32 $0xFFFFD800  }
0x6c: {  	[spmem:s2] =	stream.indirect.scatter.add.f32 [tilespmem:s28], [sflag:$0x1], $0x80, s25, s26, $0xb8;
	[tilespmem:$0x1FDA0] =	vst v63  }
0x6d: {  	_ =	swait.ge [sflag:s16], $0x2800  }
.Ltmp3:
0x6e: {  	[sflag:s16] =	ssyncset.done $0x0;
	(pc) =	sbr.rel @p0 .LBB2_8-.Ltmp3, $4  }
0x6f: {  	[sflag:s16] =	ssyncadd.s32 $0xFFFFD800  }
0x70: {  	[spmem:s3] =	stream.indirect.scatter.add.f32 [tilespmem:s29], [sflag:$0x1], $0x10, s25, s26, $0xb8;
	[tilespmem:$0x1FDA0] =	vst v63  }
0x71: {  	_ =	swait.ge [sflag:s16], $0x500  }
0x72: {  	s1 =	smov.u32 s18;
	[sflag:s16] =	ssyncset.done $0x0  }
0x73: {  	s0 =	sadd.s32 s31, s14;
	[sflag:s16] =	ssyncadd.s32 $0xFFFFFB00  }
0x74: {  	[tilespmem:s23], [sflag:$0x1] =	stream.linear.gather [hbm4b:s0+s4], $0x50, $0x38;
	[tilespmem:$0x1FDA0] =	vst v63  }
0x75: {  	_ =	swait.ge [sflag:s16], $0x50  }
0x76: {  	[sflag:s16] =	ssyncset.done $0x0  }
0x77: {  	s12 =	sadd.s32 s31, s13;
	[sflag:s16] =	ssyncadd.s32 $0xFFFFFFB0  }
0x78: {  	[tilespmem:s25], [sflag:$0x1] =	stream.linear.gather [hbm4b:s12+s4], $0x50, $0x38;
	[tilespmem:$0x1FDA0] =	vst v63  }
0x79: {  	_ =	swait.ge [sflag:s16], $0x50  }
0x7a: {  	[sflag:s16] =	ssyncset.done $0x0  }
0x7b: {  	[sflag:s16] =	ssyncadd.s32 $0xFFFFFFB0  }
0x7c: {  	[tilespmem:s28], [sflag:$0x1] =	stream.indirect.gather [hbm4b:s11+s26], $0x80, s23, s26, $0xb8;
	[tilespmem:$0x1FDA0] =	vst v63  }
0x7d: {  	_ =	swait.ge [sflag:s16], $0x2800  }
0x7e: {  	[sflag:s16] =	ssyncset.done $0x0  }
0x7f: {  	[sflag:s16] =	ssyncadd.s32 $0xFFFFD800  }
0x80: {  	[spmem:s2] =	stream.indirect.scatter.add.f32 [tilespmem:s28], [sflag:$0x1], $0x80, s25, s26, $0xb8;
	[tilespmem:$0x1FDA0] =	vst v63  }
0x81: {  	_ =	swait.ge [sflag:s16], $0x2800  }
0x82: {  	[sflag:s16] =	ssyncset.done $0x0  }
0x83: {  	[sflag:s16] =	ssyncadd.s32 $0xFFFFD800  }
0x84: {  	[spmem:s3] =	stream.indirect.scatter.add.f32 [tilespmem:s29], [sflag:$0x1], $0x10, s25, s26, $0xb8;
	[tilespmem:$0x1FDA0] =	vst v63  }
0x85: {  	_ =	swait.ge [sflag:s16], $0x500  }
0x86: {  	[sflag:s16] =	ssyncset.done $0x0  }
0x87: {  	[sflag:s16] =	ssyncadd.s32 $0xFFFFFB00  }
0x88: {  	[bflag:$0x0] =	sbarrier.arrive $0xFFFF  }
0x89: {  	[tilespmem:s15], [sflag:$0x1] =	stream.linear.gather [spmem:s5], $0x4000, $0x38;
	[tilespmem:$0x1FDA0] =	vst v63  }
0x8a: {  	_ =	swait.ge [sflag:s16], $0x4000  }
0x8b: {  	[sflag:s16] =	ssyncset.done $0x0  }
0x8c: {  	s18 =	rddreg [dreg:$0x6];
	[sflag:s16] =	ssyncadd.s32 $0xFFFFC000  }
0x8d: {  	[hbm4b:s18+s4] =	stream.linear.scatter [tilespmem:s15], [sflag:$0x1], $0x4000, $0x38;
	[tilespmem:$0x1FDA0] =	vst v63  }
0x8e: {  	_ =	swait.ge [sflag:s16], $0x4000  }
0x8f: {  	[sflag:s16] =	ssyncset.done $0x0  }
0x90: {  	[sflag:s16] =	ssyncadd.s32 $0xFFFFC000  }
0x91: {  	[tilespmem:s15], [sflag:$0x1] =	stream.linear.gather [spmem:s6], $0x4000, $0x38;
	[tilespmem:$0x1FDA0] =	vst v63  }
0x92: {  	_ =	swait.ge [sflag:s16], $0x4000  }
0x93: {  	[sflag:s16] =	ssyncset.done $0x0  }
0x94: {  	[sflag:s16] =	ssyncadd.s32 $0xFFFFC000  }
0x95: {  	[hbm4b:s19+s4] =	stream.linear.scatter [tilespmem:s15], [sflag:$0x1], $0x4000, $0x38;
	[tilespmem:$0x1FDA0] =	vst v63  }
0x96: {  	_ =	swait.ge [sflag:s16], $0x4000  }
0x97: {  	[sflag:s16] =	ssyncset.done $0x0  }
0x98: {  	[sflag:s16] =	ssyncadd.s32 $0xFFFFC000  }
0x99: {  	[tilespmem:s15], [sflag:$0x1] =	stream.linear.gather [spmem:s7], $0x4000, $0x38;
	[tilespmem:$0x1FDA0] =	vst v63  }
0x9a: {  	_ =	swait.ge [sflag:s16], $0x4000  }
0x9b: {  	[sflag:s16] =	ssyncset.done $0x0  }
0x9c: {  	[sflag:s16] =	ssyncadd.s32 $0xFFFFC000  }
0x9d: {  	[hbm4b:s20+s4] =	stream.linear.scatter [tilespmem:s15], [sflag:$0x1], $0x4000, $0x38;
	[tilespmem:$0x1FDA0] =	vst v63  }
0x9e: {  	_ =	swait.ge [sflag:s16], $0x4000  }
0x9f: {  	[sflag:s16] =	ssyncset.done $0x0  }
0xa0: {  	[sflag:s16] =	ssyncadd.s32 $0xFFFFC000  }
0xa1: {  	[tilespmem:s15], [sflag:$0x1] =	stream.linear.gather [spmem:s8], $0x4000, $0x38;
	[tilespmem:$0x1FDA0] =	vst v63  }
0xa2: {  	_ =	swait.ge [sflag:s16], $0x4000  }
0xa3: {  	[sflag:s16] =	ssyncset.done $0x0  }
0xa4: {  	[sflag:s16] =	ssyncadd.s32 $0xFFFFC000  }
0xa5: {  	[hbm4b:s21+s4] =	stream.linear.scatter [tilespmem:s15], [sflag:$0x1], $0x4000, $0x38;
	[tilespmem:$0x1FDA0] =	vst v63  }
0xa6: {  	_ =	swait.ge [sflag:s16], $0x4000  }
0xa7: {  	[sflag:s16] =	ssyncset.done $0x0  }
0xa8: {  	[sflag:s16] =	ssyncadd.s32 $0xFFFFC000  }
0xa9: {  	[tilespmem:s15], [sflag:$0x1] =	stream.linear.gather [spmem:s9], $0x4000, $0x38;
	[tilespmem:$0x1FDA0] =	vst v63  }
0xaa: {  	_ =	swait.ge [sflag:s16], $0x4000  }
0xab: {  	[sflag:s16] =	ssyncset.done $0x0  }
0xac: {  	[sflag:s16] =	ssyncadd.s32 $0xFFFFC000  }
0xad: {  	[hbm4b:s22+s4] =	stream.linear.scatter [tilespmem:s15], [sflag:$0x1], $0x4000, $0x38;
	[tilespmem:$0x1FDA0] =	vst v63  }
0xae: {  	_ =	swait.ge [sflag:s16], $0x4000  }
0xaf: {  	[sflag:s16] =	ssyncset.done $0x0  }
0xb0: {  	[sflag:s16] =	ssyncadd.s32 $0xFFFFC000  }
0xb1: {  	[tilespmem:s17], [sflag:$0x1] =	stream.linear.gather [spmem:s10], $0x2800, $0x38;
	[tilespmem:$0x1FDA0] =	vst v63  }
0xb2: {  	_ =	swait.ge [sflag:s16], $0x2800  }
0xb3: {  	[sflag:s16] =	ssyncset.done $0x0  }
0xb4: {  	[sflag:s16] =	ssyncadd.s32 $0xFFFFD800  }
0xb5: {  	[hbm4b:s24+s4] =	stream.linear.scatter [tilespmem:s17], [sflag:$0x1], $0x2800, $0x38;
	[tilespmem:$0x1FDA0] =	vst v63  }
0xb6: {  	_ =	swait.ge [sflag:s16], $0x2800  }
0xb7: {  	s30 =	sadd.s32 $0x1, s30;
	s31 =	rddreg [dreg:$0x5]  }
0xb8: {  	p0 =	sne.s32 s30, s31  }
.Ltmp4:
0xb9: {  	_ = 	snop;
	(pc) =	sbr.rel @p0 .LBB2_1-.Ltmp4, $3  }
0xba: {  	_ =	sdelay $0x1  }
0xbb: {  	[sflag:s16] =	ssyncset.done $0x0  }
0xbc: {  	[sflag:s16] =	ssyncadd.s32 $0xFFFFD800  }
0xbd: {  	_ =	sfence.sel $0x180000  }
0xbe: {  	[bflag:$0x0] =	sbarrier.arrive $0xFFFF  }
0xbf: {  	_ =	strace $0x90000047  }
0xc0: {  	s0 =	stileid.u32;
	[bflag:$0x2] =	sbarrier.arrive $0xFFFF  }
0xc1: {  	p0 =	sne.s32 s0, $0x0;
	s0 =	rddreg [dreg:$0x4]  }
0xc2: {  	s0 =	sadd.s32 @!p0 $0x100000, s0  }
0xc3: {  	[sflag:s0] =	ssyncadd.tile.s32 @!p0 $0x1;
	_ =	shalt  }
.Lfunc_end2:
_tile_overlayer_lowered:
.L_overlay_start_2:
0xc4: {  	(tag) =	ssettag $0x2  }
0xc5: {  	s0 =	rddreg [dreg:$0x0];
	s2 =	stileid.u32  }
0xc6: {  	s1 =	rddreg [dreg:$0x1];
	p0 =	sne.s32 s2, $0x0  }
0xc7: {  	s3 =	rddreg [dreg:$0x2];
	[bflag:$0x3] =	sbarrier.arrive $0xFFFF;
	s2 =	simm.s32 @!p0 $0x1C01  }
0xc8: {  	[timem:s3], [sflag:s2] =	dma.local @!p0 [hbm:s0], s1  }
0xc9: {  	s0 =	simm.s32 @!p0 $0x1  }
0xca: {  	_ =	swait.ge @!p0 [sflag:s0], s1  }
0xcb: {  	s1 =	ssub.s32 @!p0 $0x0, s1;
	[sflag:s0] =	ssyncset.done @!p0 $0x0  }
0xcc: {  	[sflag:s0] =	ssyncadd.s32 @!p0 s1  }
0xcd: {  	[bflag:$0x3] =	sbarrier.arrive $0xFFFF  }
0xce: {  	_ =	shalt  }

// kernel: kernel.17.cloned.1.call-start
scs
__scs_entry_jumppad:
0x0: {  	(pc) =	sbr.rel $0x88, $3  }
0x1: {  	(tag) =	ssettag $0x0;
	lr =	simm.s32 $0x1  }
0x2: {  	[smem:$0x3F96] =	sst lr;
	_ =	strace $0xD0000000  }
0x3: {  	_ = 	snop  }
0x4: {  	_ = 	snop  }
0x5: {  	_ = 	snop  }
0x6: {  	_ = 	snop  }
0x7: {  	_ = 	snop  }
__scs_overlays_trampoline_lowered:
0x8: {  	[smem:$0x3FA5] =	sst s0  }
0x9: {  	[smem:$0x3FA6] =	sst s1  }
0xa: {  	[smem:$0x3FA7] =	sst s2  }
0xb: {  	[smem:$0x3FA8] =	sst s3  }
0xc: {  	[smem:$0x3FA9] =	sst s4  }
0xd: {  	[smem:$0x3FAA] =	sst s5  }
0xe: {  	[smem:$0x3FAB] =	sst s6  }
0xf: {  	[smem:$0x3FAC] =	sst s7  }
0x10: {  	[smem:$0x3FAD] =	sst s8  }
0x11: {  	[smem:$0x3FAE] =	sst s9;
	s0 =	simm.s32 @!p0 $0x0  }
0x12: {  	s1 =	sld [smem:$0x3F94];
	s0 =	simm.s32 @p0 $0x1  }
0x13: {  	[smem:$0x3FAF] =	sst s0;
	s0 =	simm.s32 @!p1 $0x0  }
0x14: {  	s2 =	sld [smem:$0x3F93];
	s0 =	simm.s32 @p1 $0x1  }
0x15: {  	[smem:$0x3FB0] =	sst s0;
	s0 =	simm.s32 @!p2 $0x0  }
0x16: {  	s3 =	sld [smem:$0x3FDB];
	s0 =	simm.s32 @p2 $0x1  }
0x17: {  	s4 =	simm.s32 $0x1BF5;
	[smem:$0x3FB2] =	sst s0  }
0x18: {  	s0 =	sld [smem:$0x3F95];
	_ =	swait.ge [sflag:s4], $0x0  }
0x19: {  	s7 =	sld [smem:$0x3F96]  }
0x1a: {  	s8 =	sadd.s32 $0xFFFFE003, lr  }
0x1b: {  	s9 =	sadd.s32 $0xFFFFFEF7, lr;
	s5 =	simm.s32 $0xFFFFFFFF;
	p2 =	slt.u32 s8, $0xFFFFF086  }
0x1c: {  	p1 =	slt.u32 s9, $0xF7A;
	s5 =	simm.s32 @!p2 $0x0  }
0x1d: {  	s5 =	simm.s32 @p1 $0x1;
	p0 =	seq.s32 s7, s2  }
0x1e: {  	s7 =	smul.u32 @!p0 $0xF7A, s2;
	p2 =	seq.s32 @!p0 s5, $0x0  }
0x1f: {  	s9 =	smul.u32 $0xF7A, s1;
	s8 =	simm.s32 @!p0 $0x1BF5;
	p2 =	por !p2, p0  }
0x20: {  	[sflag:s8] =	ssyncset.s32 @!p0 $0xFFFFF086;
	s6 =	sadd.s32 @!p0 s3, s7;
	s7 =	simm.s32 @!p0 $0x108  }
0x21: {  	s3 =	sadd.s32 s3, s9;
	s6 =	sadd.s32 @!p0 $0x88, s6;
	s7 =	simm.s32 @p2 $0x1082  }
0x22: {  	[simem:s7], [sflag:s8] =	dma.local @!p0 [hbm:s6], $0xF7A  }
0x23: {  	s9 =	sor.u32 $0xD0000000, s2;
	s6 =	simm.s32 $0x108;
	_ =	swait.ge @!p0 [sflag:s8], $0x0  }
0x24: {  	s3 =	sadd.s32 $0x88, s3;
	s6 =	simm.s32 @!p1 $0x1082;
	[sflag:s4] =	ssyncset.s32 $0xFFFFF086  }
0x25: {  	[simem:s6], [sflag:s4] =	dma.local [hbm:s3], $0xF7A  }
0x26: {  	[smem:$0x3F96] =	sst s1;
	(tag) =	ssettag s2;
	_ =	strace s9  }
0x27: {  	s1 =	sld [smem:$0x3FA6]  }
0x28: {  	s2 =	sld [smem:$0x3FA7]  }
0x29: {  	s4 =	sld [smem:$0x3FA9]  }
0x2a: {  	p0 =	seq.s32 s5, $0x0;
	s5 =	sld [smem:$0x3FAA]  }
0x2b: {  	s6 =	sld [smem:$0x3FAB]  }
0x2c: {  	s7 =	sld [smem:$0x3FAC]  }
0x2d: {  	s3 =	simm.s32 $0x108;
	s8 =	sld [smem:$0x3FAD]  }
0x2e: {  	s3 =	simm.s32 @!p0 $0x1082;
	s9 =	sld [smem:$0x3FAE]  }
0x2f: {  	lr =	sadd.s32 s0, s3;
	s0 =	sld [smem:$0x3FA5]  }
0x30: {  	s3 =	sld [smem:$0x3FA8]  }
0x31: {  	[smem:$0x3FB1] =	sst s10  }
0x32: {  	s10 =	sld [smem:$0x3FAF];
	_ =	sdelay $0x3  }
0x33: {  	p0 =	seq.s32 s10, $0x1;
	s10 =	sld [smem:$0x3FB1];
	_ =	sdelay $0x3  }
0x34: {  	[smem:$0x3FB1] =	sst s10  }
0x35: {  	s10 =	sld [smem:$0x3FB0];
	_ =	sdelay $0x3  }
0x36: {  	p1 =	seq.s32 s10, $0x1;
	s10 =	sld [smem:$0x3FB1];
	_ =	sdelay $0x3  }
0x37: {  	[smem:$0x3FB1] =	sst s10  }
0x38: {  	s10 =	sld [smem:$0x3FB2]  }
0x39: {  	_ = 	snop;
	(pc) =	sbr.ind lr, $3  }
0x3a: {  	_ = 	snop  }
0x3b: {  	_ = 	snop  }
0x3c: {  	p2 =	seq.s32 s10, $0x1;
	s10 =	sld [smem:$0x3FB1]  }
0x3d: {  	_ =	shalt  }
0x3e: {  	_ =	shalt  }
0x3f: {  	_ =	shalt  }
0x40: {  	_ =	shalt  }
0x41: {  	_ =	shalt  }
0x42: {  	_ =	shalt  }
0x43: {  	_ =	shalt  }
0x44: {  	_ =	shalt  }
0x45: {  	_ =	shalt  }
0x46: {  	_ =	shalt  }
0x47: {  	_ =	shalt  }
0x48: {  	_ =	shalt  }
0x49: {  	_ =	shalt  }
0x4a: {  	_ =	shalt  }
0x4b: {  	_ =	shalt  }
0x4c: {  	_ =	shalt  }
0x4d: {  	_ =	shalt  }
0x4e: {  	_ =	shalt  }
0x4f: {  	_ =	shalt  }
0x50: {  	_ =	shalt  }
0x51: {  	_ =	shalt  }
0x52: {  	_ =	shalt  }
0x53: {  	_ =	shalt  }
0x54: {  	_ =	shalt  }
0x55: {  	_ =	shalt  }
0x56: {  	_ =	shalt  }
0x57: {  	_ =	shalt  }
0x58: {  	_ =	shalt  }
0x59: {  	_ =	shalt  }
0x5a: {  	_ =	shalt  }
0x5b: {  	_ =	shalt  }
0x5c: {  	_ =	shalt  }
0x5d: {  	_ =	shalt  }
0x5e: {  	_ =	shalt  }
0x5f: {  	_ =	shalt  }
0x60: {  	_ =	shalt  }
0x61: {  	_ =	shalt  }
0x62: {  	_ =	shalt  }
0x63: {  	_ =	shalt  }
0x64: {  	_ =	shalt  }
0x65: {  	_ =	shalt  }
0x66: {  	_ =	shalt  }
0x67: {  	_ =	shalt  }
0x68: {  	_ =	shalt  }
0x69: {  	_ =	shalt  }
0x6a: {  	_ =	shalt  }
0x6b: {  	_ =	shalt  }
0x6c: {  	_ =	shalt  }
0x6d: {  	_ =	shalt  }
0x6e: {  	_ =	shalt  }
0x6f: {  	_ =	shalt  }
0x70: {  	_ =	shalt  }
0x71: {  	_ =	shalt  }
0x72: {  	_ =	shalt  }
0x73: {  	_ =	shalt  }
0x74: {  	_ =	shalt  }
0x75: {  	_ =	shalt  }
0x76: {  	_ =	shalt  }
0x77: {  	_ =	shalt  }
0x78: {  	_ =	shalt  }
0x79: {  	_ =	shalt  }
0x7a: {  	_ =	shalt  }
0x7b: {  	_ =	shalt  }
0x7c: {  	_ =	shalt  }
0x7d: {  	_ =	shalt  }
0x7e: {  	_ =	shalt  }
0x7f: {  	_ =	shalt  }
0x80: {  	_ =	shalt  }
0x81: {  	_ =	shalt  }
0x82: {  	_ =	shalt  }
0x83: {  	_ =	shalt  }
0x84: {  	_ =	shalt  }
0x85: {  	_ =	shalt  }
0x86: {  	_ =	shalt  }
0x87: {  	_ =	shalt  }
.Lfunc_end0:
.L_simem_size_0:
called_computation.1_lowered:
.L_overlay_start_0:
0x88: {  	s2 =	sld [smem:$0x3FD9]  }
0x89: {  	s3 =	sld [smem:$0x3FFE];
	_ =	sdelay $0x1  }
0x8a: {  	s1 =	srdreg.scid  }
0x8b: {  	s0 =	sand.u32 $0x1, s1  }
0x8c: {  	s16 =	sshll.u32 s0, $0xA;
	s2 =	sadd.s32 s3, s2  }
0x8d: {  	s2 =	sadd.s32 s2, s16  }
0x8e: {  	[smem:$0x3FBD] =	sst s2  }
0x8f: {  	_ = 	snop  }
0x90: {  	(tm) =	ssettm $0x1  }
0x91: {  	s17 =	sld [smem:$0x3FFB];
	_ =	sdelay $0x3  }
0x92: {  	_ =	strace s17  }
0x93: {  	s2 =	sld [smem:$0x3FFC];
	_ =	sdelay $0x3  }
0x94: {  	_ =	strace s2  }
0x95: {  	s2 =	sld [smem:$0x3FFD];
	_ =	sdelay $0x3  }
0x96: {  	_ =	strace s2  }
0x97: {  	_ =	strace $0x8FFFFFFF  }
0x98: {  	s18 =	sld [smem:$0x3FDB];
	_ =	sdelay $0x1  }
0x99: {  	s19 =	simm.s32 $_scs_section_size  }
0x9a: {  	s4 =	simm.s32 $_size__tile_overlayer_lowered;
	s5 =	simm.s32 $_tile_overlayer_lowered  }
0x9b: {  	s22 =	simm.s32 $0x1BFF;
	s21 =	sshll.u32 s5, $0x1;
	s2 =	sadd.s32 s19, s18  }
0x9c: {  	s6 =	simm.s32 $0x0;
	s20 =	sshll.u32 s4, $0x1;
	s4 =	sadd.s32 s21, s2  }
0x9d: {  	[timem:s6], [sflag:s22] =	dma.local [hbm:s4], s20  }
0x9e: {  	_ =	swait.ge [sflag:s22], s20  }
0x9f: {  	s3 =	ssub.s32 $0x0, s20;
	[sflag:s22] =	ssyncset.done $0x0  }
0xa0: {  	[sflag:s22] =	ssyncadd.s32 s3;
	_ =	sdelay $0x1  }
0xa1: {  	s23 =	simm.s32 $0x1B8B  }
0xa2: {  	_ =	swait.ge [sflag:s23], $0x1  }
0xa3: {  	[sflag:s23] =	ssyncset.done $0x0  }
0xa4: {  	s25 =	simm.s32 $0x1B8E;
	s24 =	sld [smem:$0x3FFE];
	[sflag:s23] =	ssyncadd.s32 $0xFFFFFFFF  }
0xa5: {  	s26 =	simm.s32 $execute0_lowered;
	[smem:$0x3FD2] =	sst s25  }
0xa6: {  	s4 =	sshll.u32 s26, $0x1;
	_ =	strace $0x80000049;
	[dreg:$0x1] =	wrdreg $0xFFFFFFFF  }
0xa7: {  	s28 =	simm.s32 $_size_execute0_lowered;
	s2 =	sadd.s32 s2, s4;
	[dreg:$0x0] =	wrdreg $0x0  }
0xa8: {  	s4 =	sshll.u32 s28, $0x1;
	[dreg:$0x2] =	wrdreg s2  }
0xa9: {  	[dreg:$0x3] =	wrdreg s4  }
0xaa: {  	[dreg:$0x4] =	wrdreg $0xC0  }
0xab: {  	_ =	task [dreg:s6], $0x5FFFF  }
0xac: {  	[dreg:$0x1] =	wrdreg $0xFFFFFFFF  }
0xad: {  	[dreg:$0x0] =	wrdreg $0x60  }
0xae: {  	[dreg:$0x2] =	wrdreg s24  }
0xaf: {  	[dreg:$0x3] =	wrdreg $0x0  }
0xb0: {  	[dreg:$0x4] =	wrdreg $0x9  }
0xb1: {  	_ =	task.clear_ibuf [dreg:s6], $0x5FFFF;
	_ =	strace $0x90000049  }
0xb2: {  	s29 =	simm.s32 $0x9;
	_ =	strace $0x8000004B  }
0xb3: {  	_ =	swait.ge [sflag:s29], $0x1  }
0xb4: {  	[sflag:s29] =	ssyncadd.s32 $0xFFFFFFFF  }
0xb5: {  	_ =	strace $0x9000004B  }
0xb6: {  	_ =	sfence  }
0xb7: {  	s30 =	sld [smem:$0x0];
	_ =	sdelay $0x2  }
0xb8: {  	s31 =	sshll.u32 s1, $0xD;
	s1 =	sshrl.u32 s1, $0x2  }
0xb9: {  	s3 =	sand.u32 $0x4000, s31;
	s1 =	sadd.s32 s1, s30  }
0xba: {  	s0 =	sor.u32 s3, s0;
	s1 =	sshll.u32 s1, $0x11  }
0xbb: {  	s0 =	sor.u32 s1, s0  }
0xbc: {  	s0 =	sadd.s32 $0x8F2B, s0  }
0xbd: {  	[sflag:s0] =	ssyncadd.remote.s32 $0x1  }
0xbe: {  	_ =	sfence.sel $0xFFFF  }
0xbf: {  	[dreg:$0x0] =	wrdreg $0xFFFFFFFF;
	(pc) =	sbr.abs _section_cstart, $3  }
0xc0: {  	[dreg:$0x1] =	wrdreg $0xFFFFFFFF  }
0xc1: {  	_ =	task.clear_ibuf [dreg:s6], $0x2FFFF;
	_ =	strace $0x9FFFFFFF  }
0xc2: {  	(tm) =	ssettm $0x7FFFFFFF  }
0xc3: {  	_ =	shalt  }
tec
execute0_lowered:
.L_overlay_start_1:
0x0: {  	(tag) =	ssettag $0x1  }
0x1: {  	s4 =	rddreg [dreg:$0x0]  }
0x2: {  	s0 =	stileid.u32;
	s1 =	srdreg.scid  }
0x3: {  	s2 =	rddreg [dreg:$0x1];
	s3 =	simm.s32 $0x0;
	s5 =	smul.u32 $0x4E2, s0  }
0x4: {  	s6 =	sand.u32 $0x1, s1;
	s1 =	rddreg [dreg:$0x2];
	s10 =	smul.u32 $0x14000, s0  }
0x5: {  	s18 =	simm.s32 $0x140A0;
	[smem:$0x7FF] =	sst s3;
	s7 =	smul.u32 $0x28000, s6  }
0x6: {  	s6 =	ssub.s32 $0x2, s6;
	_ =	strace $0x8000004A;
	s12 =	sadd.s32 s5, s4  }
0x7: {  	s31 =	sshrl.u32 s6, $0x1;
	s14 =	sadd.s32 $0x4000, s10;
	s15 =	sadd.s32 $0x8000, s10  }
0x8: {  	s16 =	sadd.s32 $0xC000, s10;
	s17 =	sadd.s32 $0x10000, s10;
	s19 =	sshrl.u32 s10, $0x3  }
0x9: {  	s11 =	sadd.s32 s7, s4;
	s13 =	ssub.s32 s6, s31;
	s4 =	sadd.s32 s10, s2  }
0xa: {  	s5 =	sadd.s32 s14, s2;
	s6 =	sadd.s32 s15, s2;
	s7 =	sadd.s32 s16, s2  }
0xb: {  	s8 =	sadd.s32 s17, s2;
	s20 =	sshrl.u32 s14, $0x3;
	s21 =	sshrl.u32 s15, $0x3  }
0xc: {  	s22 =	sshrl.u32 s16, $0x3;
	s24 =	sshrl.u32 s17, $0x3;
	s14 =	simm.s32 $0x1  }
0xd: {  	s15 =	simm.s32 $0x14000;
	s16 =	simm.s32 $0x14050;
	s17 =	simm.s32 $0x50  }
0xe: {  	s9 =	sadd.s32 $0x5DE00, s11;
	s23 =	sadd.s32 $0xFDE00, s11;
	s10 =	smax.u32 s13, $0x1  }
0xf: {  	s11 =	sadd.s32 $0x3E00, s12;
	s12 =	sadd.s32 $0x8E00, s12;
	s13 =	simm.s32 $0x168A0  }
0x10: {  	s19 =	sadd.s32 s19, s23;
	s20 =	sadd.s32 s20, s23;
	s21 =	sadd.s32 s21, s23  }
0x11: {  	v0 =	vimm.f32 $0.0e+00;
	s22 =	sadd.s32 s22, s23;
	s23 =	sadd.s32 s24, s23;
	s24 =	simm.s32 $0x0  }
.LBB2_1:
0x12: {  	s25 =	simm.s32 $0x0;
	s26 =	simm.s32 $0x200  }
.LBB2_2:
0x13: {  	p0 =	sne.s32 s26, $0xFE00;
	[tilespmem:s25+$0x16910] =	vst v0  }
0x14: {  	[tilespmem:s25+$0x168A0] =	vst v0  }
0x15: {  	[tilespmem:s25+$0x168B0] =	vst v0  }
.Ltmp0:
0x16: {  	[tilespmem:s25+$0x168C0] =	vst v0;
	(pc) =	sbr.rel @p0 .LBB2_2-.Ltmp0, $4  }
0x17: {  	[tilespmem:s25+$0x168D0] =	vst v0  }
0x18: {  	[tilespmem:s25+$0x168E0] =	vst v0  }
0x19: {  	[tilespmem:s25+$0x168F0] =	vst v0  }
0x1a: {  	[tilespmem:s25+$0x16900] =	vst v0;
	s25 =	sshra.s32 s26, $0x2;
	s26 =	sadd.s32 $0x200, s26  }
0x1b: {  	[tilespmem:s25+$0x16910] =	vst v0  }
0x1c: {  	[tilespmem:s25+$0x168A0] =	vst v0  }
0x1d: {  	[tilespmem:s25+$0x168B0] =	vst v0  }
0x1e: {  	[tilespmem:s25+$0x168C0] =	vst v0  }
0x1f: {  	[tilespmem:s25+$0x168D0] =	vst v0  }
0x20: {  	[tilespmem:s25+$0x168E0] =	vst v0  }
0x21: {  	[tilespmem:s25+$0x168F0] =	vst v0  }
0x22: {  	[tilespmem:s25+$0x16900] =	vst v0  }
0x23: {  	[spmem:s4] =	stream.linear.scatter [tilespmem:s13], [sflag:$0x1], $0x4000, $0x38;
	[tilespmem:$0x1A8A0] =	vst v63  }
0x24: {  	_ =	swait.ge [sflag:s14], $0x4000  }
0x25: {  	[sflag:s14] =	ssyncset.done $0x0  }
0x26: {  	[sflag:s14] =	ssyncadd.s32 $0xFFFFC000  }
0x27: {  	[spmem:s5] =	stream.linear.scatter [tilespmem:s13], [sflag:$0x1], $0x4000, $0x38;
	[tilespmem:$0x1A8A0] =	vst v63  }
0x28: {  	_ =	swait.ge [sflag:s14], $0x4000  }
0x29: {  	[sflag:s14] =	ssyncset.done $0x0  }
0x2a: {  	[sflag:s14] =	ssyncadd.s32 $0xFFFFC000  }
0x2b: {  	[spmem:s6] =	stream.linear.scatter [tilespmem:s13], [sflag:$0x1], $0x4000, $0x38;
	[tilespmem:$0x1A8A0] =	vst v63  }
0x2c: {  	_ =	swait.ge [sflag:s14], $0x4000  }
0x2d: {  	[sflag:s14] =	ssyncset.done $0x0  }
0x2e: {  	[sflag:s14] =	ssyncadd.s32 $0xFFFFC000  }
0x2f: {  	[spmem:s7] =	stream.linear.scatter [tilespmem:s13], [sflag:$0x1], $0x4000, $0x38;
	[tilespmem:$0x1A8A0] =	vst v63  }
0x30: {  	_ =	swait.ge [sflag:s14], $0x4000  }
0x31: {  	[sflag:s14] =	ssyncset.done $0x0  }
0x32: {  	[sflag:s14] =	ssyncadd.s32 $0xFFFFC000  }
0x33: {  	[spmem:s8] =	stream.linear.scatter [tilespmem:s13], [sflag:$0x1], $0x4000, $0x38;
	[tilespmem:$0x1A8A0] =	vst v63  }
0x34: {  	_ =	swait.ge [sflag:s14], $0x4000  }
0x35: {  	[sflag:s14] =	ssyncset.done $0x0  }
0x36: {  	[sflag:s14] =	ssyncadd.s32 $0xFFFFC000  }
0x37: {  	s30 =	sadd.s32 $0x0, s12;
	[bflag:$0x0] =	sbarrier.arrive $0xFFFF  }
0x38: {  	[tilespmem:s15], [sflag:$0x1] =	stream.linear.gather [hbm4b:s30+s3], $0x50, $0x38;
	[tilespmem:$0x1A8A0] =	vst v63  }
0x39: {  	_ =	swait.ge [sflag:s14], $0x50  }
0x3a: {  	[sflag:s14] =	ssyncset.done $0x0  }
0x3b: {  	s31 =	sadd.s32 $0x0, s11;
	[sflag:s14] =	ssyncadd.s32 $0xFFFFFFB0  }
0x3c: {  	[tilespmem:s16], [sflag:$0x1] =	stream.linear.gather [hbm4b:s31+s3], $0x50, $0x38;
	[tilespmem:$0x1A8A0] =	vst v63  }
0x3d: {  	_ =	swait.ge [sflag:s14], $0x50  }
0x3e: {  	[sflag:s14] =	ssyncset.done $0x0  }
0x3f: {  	[sflag:s14] =	ssyncadd.s32 $0xFFFFFFB0  }
0x40: {  	[tilespmem:s18], [sflag:$0x1] =	stream.indirect.gather [hbm4b:s9+s17], $0x80, s15, s17, $0xb8;
	[tilespmem:$0x1A8A0] =	vst v63  }
0x41: {  	_ =	swait.ge [sflag:s14], $0x2800  }
0x42: {  	[sflag:s14] =	ssyncset.done $0x0  }
0x43: {  	[sflag:s14] =	ssyncadd.s32 $0xFFFFD800  }
0x44: {  	[spmem:s2] =	stream.indirect.scatter.add.f32 [tilespmem:s18], [sflag:$0x1], $0x80, s16, s17, $0xb8;
	[tilespmem:$0x1A8A0] =	vst v63  }
0x45: {  	_ =	swait.ge [sflag:s14], $0x2800  }
0x46: {  	s25 =	simm.s32 $0xA;
	s26 =	simm.s32 $0x14;
	[sflag:s14] =	ssyncset.done $0x0  }
.LBB2_4:
0x47: {  	s28 =	sadd.s32 s25, s12  }
0x48: {  	[sflag:s14] =	ssyncadd.s32 $0xFFFFD800;
	s29 =	smov.u32 s26;
	s30 =	sadd.s32 $0xA, s26  }
0x49: {  	[tilespmem:s15], [sflag:$0x1] =	stream.linear.gather [hbm4b:s28+s3], $0x50, $0x38;
	[tilespmem:$0x1A8A0] =	vst v63  }
0x4a: {  	p0 =	sne.s32 s26, $0x4D8;
	_ =	swait.ge [sflag:s14], $0x50  }
0x4b: {  	[sflag:s14] =	ssyncset.done $0x0  }
0x4c: {  	s26 =	sadd.s32 s25, s11;
	s25 =	smov.u32 s29;
	[sflag:s14] =	ssyncadd.s32 $0xFFFFFFB0  }
0x4d: {  	[tilespmem:s16], [sflag:$0x1] =	stream.linear.gather [hbm4b:s26+s3], $0x50, $0x38;
	[tilespmem:$0x1A8A0] =	vst v63  }
0x4e: {  	_ =	swait.ge [sflag:s14], $0x50  }
0x4f: {  	[sflag:s14] =	ssyncset.done $0x0  }
0x50: {  	[sflag:s14] =	ssyncadd.s32 $0xFFFFFFB0  }
0x51: {  	[tilespmem:s18], [sflag:$0x1] =	stream.indirect.gather [hbm4b:s9+s17], $0x80, s15, s17, $0xb8;
	[tilespmem:$0x1A8A0] =	vst v63  }
0x52: {  	_ =	swait.ge [sflag:s14], $0x2800  }
.Ltmp1:
0x53: {  	[sflag:s14] =	ssyncset.done $0x0;
	(pc) =	sbr.rel @p0 .LBB2_4-.Ltmp1, $4  }
0x54: {  	[sflag:s14] =	ssyncadd.s32 $0xFFFFD800  }
0x55: {  	[spmem:s2] =	stream.indirect.scatter.add.f32 [tilespmem:s18], [sflag:$0x1], $0x80, s16, s17, $0xb8;
	[tilespmem:$0x1A8A0] =	vst v63  }
0x56: {  	_ =	swait.ge [sflag:s14], $0x2800  }
0x57: {  	s26 =	smov.u32 s30;
	[sflag:s14] =	ssyncset.done $0x0  }
0x58: {  	s26 =	sadd.s32 s25, s12;
	[sflag:s14] =	ssyncadd.s32 $0xFFFFD800  }
0x59: {  	[tilespmem:s15], [sflag:$0x1] =	stream.linear.gather [hbm4b:s26+s3], $0x50, $0x38;
	[tilespmem:$0x1A8A0] =	vst v63  }
0x5a: {  	_ =	swait.ge [sflag:s14], $0x50  }
0x5b: {  	[sflag:s14] =	ssyncset.done $0x0  }
0x5c: {  	s31 =	sadd.s32 s25, s11;
	[sflag:s14] =	ssyncadd.s32 $0xFFFFFFB0  }
0x5d: {  	[tilespmem:s16], [sflag:$0x1] =	stream.linear.gather [hbm4b:s31+s3], $0x50, $0x38;
	[tilespmem:$0x1A8A0] =	vst v63  }
0x5e: {  	_ =	swait.ge [sflag:s14], $0x50  }
0x5f: {  	[sflag:s14] =	ssyncset.done $0x0  }
0x60: {  	[sflag:s14] =	ssyncadd.s32 $0xFFFFFFB0  }
0x61: {  	[tilespmem:s18], [sflag:$0x1] =	stream.indirect.gather [hbm4b:s9+s17], $0x80, s15, s17, $0xb8;
	[tilespmem:$0x1A8A0] =	vst v63  }
0x62: {  	_ =	swait.ge [sflag:s14], $0x2800  }
0x63: {  	[sflag:s14] =	ssyncset.done $0x0  }
0x64: {  	[sflag:s14] =	ssyncadd.s32 $0xFFFFD800  }
0x65: {  	[spmem:s2] =	stream.indirect.scatter.add.f32 [tilespmem:s18], [sflag:$0x1], $0x80, s16, s17, $0xb8;
	[tilespmem:$0x1A8A0] =	vst v63  }
0x66: {  	_ =	swait.ge [sflag:s14], $0x2800  }
0x67: {  	[sflag:s14] =	ssyncset.done $0x0  }
0x68: {  	[sflag:s14] =	ssyncadd.s32 $0xFFFFD800  }
0x69: {  	[bflag:$0x0] =	sbarrier.arrive $0xFFFF  }
0x6a: {  	[tilespmem:s13], [sflag:$0x1] =	stream.linear.gather [spmem:s4], $0x4000, $0x38;
	[tilespmem:$0x1A8A0] =	vst v63  }
0x6b: {  	_ =	swait.ge [sflag:s14], $0x4000  }
0x6c: {  	[sflag:s14] =	ssyncset.done $0x0  }
0x6d: {  	[sflag:s14] =	ssyncadd.s32 $0xFFFFC000  }
0x6e: {  	[hbm4b:s19+s3] =	stream.linear.scatter [tilespmem:s13], [sflag:$0x1], $0x4000, $0x38;
	[tilespmem:$0x1A8A0] =	vst v63  }
0x6f: {  	_ =	swait.ge [sflag:s14], $0x4000  }
0x70: {  	[sflag:s14] =	ssyncset.done $0x0  }
0x71: {  	[sflag:s14] =	ssyncadd.s32 $0xFFFFC000  }
0x72: {  	[tilespmem:s13], [sflag:$0x1] =	stream.linear.gather [spmem:s5], $0x4000, $0x38;
	[tilespmem:$0x1A8A0] =	vst v63  }
0x73: {  	_ =	swait.ge [sflag:s14], $0x4000  }
0x74: {  	[sflag:s14] =	ssyncset.done $0x0  }
0x75: {  	[sflag:s14] =	ssyncadd.s32 $0xFFFFC000  }
0x76: {  	[hbm4b:s20+s3] =	stream.linear.scatter [tilespmem:s13], [sflag:$0x1], $0x4000, $0x38;
	[tilespmem:$0x1A8A0] =	vst v63  }
0x77: {  	_ =	swait.ge [sflag:s14], $0x4000  }
0x78: {  	[sflag:s14] =	ssyncset.done $0x0  }
0x79: {  	[sflag:s14] =	ssyncadd.s32 $0xFFFFC000  }
0x7a: {  	[tilespmem:s13], [sflag:$0x1] =	stream.linear.gather [spmem:s6], $0x4000, $0x38;
	[tilespmem:$0x1A8A0] =	vst v63  }
0x7b: {  	_ =	swait.ge [sflag:s14], $0x4000  }
0x7c: {  	[sflag:s14] =	ssyncset.done $0x0  }
0x7d: {  	[sflag:s14] =	ssyncadd.s32 $0xFFFFC000  }
0x7e: {  	[hbm4b:s21+s3] =	stream.linear.scatter [tilespmem:s13], [sflag:$0x1], $0x4000, $0x38;
	[tilespmem:$0x1A8A0] =	vst v63  }
0x7f: {  	_ =	swait.ge [sflag:s14], $0x4000  }
0x80: {  	[sflag:s14] =	ssyncset.done $0x0  }
0x81: {  	[sflag:s14] =	ssyncadd.s32 $0xFFFFC000  }
0x82: {  	[tilespmem:s13], [sflag:$0x1] =	stream.linear.gather [spmem:s7], $0x4000, $0x38;
	[tilespmem:$0x1A8A0] =	vst v63  }
0x83: {  	_ =	swait.ge [sflag:s14], $0x4000  }
0x84: {  	[sflag:s14] =	ssyncset.done $0x0  }
0x85: {  	[sflag:s14] =	ssyncadd.s32 $0xFFFFC000  }
0x86: {  	[hbm4b:s22+s3] =	stream.linear.scatter [tilespmem:s13], [sflag:$0x1], $0x4000, $0x38;
	[tilespmem:$0x1A8A0] =	vst v63  }
0x87: {  	_ =	swait.ge [sflag:s14], $0x4000  }
0x88: {  	[sflag:s14] =	ssyncset.done $0x0  }
0x89: {  	[sflag:s14] =	ssyncadd.s32 $0xFFFFC000  }
0x8a: {  	[tilespmem:s13], [sflag:$0x1] =	stream.linear.gather [spmem:s8], $0x4000, $0x38;
	[tilespmem:$0x1A8A0] =	vst v63  }
0x8b: {  	s24 =	sadd.s32 $0x1, s24;
	_ =	swait.ge [sflag:s14], $0x4000  }
0x8c: {  	p0 =	sne.s32 s24, s10;
	[sflag:s14] =	ssyncset.done $0x0  }
.Ltmp2:
0x8d: {  	[sflag:s14] =	ssyncadd.s32 $0xFFFFC000;
	(pc) =	sbr.rel @p0 .LBB2_1-.Ltmp2, $4  }
0x8e: {  	[hbm4b:s23+s3] =	stream.linear.scatter [tilespmem:s13], [sflag:$0x1], $0x4000, $0x38;
	[tilespmem:$0x1A8A0] =	vst v63  }
0x8f: {  	_ =	swait.ge [sflag:s14], $0x4000  }
0x90: {  	[sflag:s14] =	ssyncset.done $0x0  }
0x91: {  	[sflag:s14] =	ssyncadd.s32 $0xFFFFC000  }
0x92: {  	_ =	sfence.sel $0x180000  }
0x93: {  	[bflag:$0x0] =	sbarrier.arrive $0xFFFF  }
0x94: {  	p0 =	sne.s32 s0, $0x0;
	_ =	strace $0x9000004A  }
0x95: {  	s0 =	sadd.s32 @!p0 $0x100000, s1;
	[bflag:$0x2] =	sbarrier.arrive $0xFFFF  }
0x96: {  	[sflag:s0] =	ssyncadd.tile.s32 @!p0 $0x1;
	_ =	shalt  }
.Lfunc_end2:
_tile_overlayer_lowered:
.L_overlay_start_2:
0x97: {  	(tag) =	ssettag $0x2  }
0x98: {  	s0 =	rddreg [dreg:$0x0];
	s2 =	stileid.u32  }
0x99: {  	s1 =	rddreg [dreg:$0x1];
	p0 =	sne.s32 s2, $0x0  }
0x9a: {  	s3 =	rddreg [dreg:$0x2];
	[bflag:$0x3] =	sbarrier.arrive $0xFFFF;
	s2 =	simm.s32 @!p0 $0x1C01  }
0x9b: {  	[timem:s3], [sflag:s2] =	dma.local @!p0 [hbm:s0], s1  }
0x9c: {  	s0 =	simm.s32 @!p0 $0x1  }
0x9d: {  	_ =	swait.ge @!p0 [sflag:s0], s1  }
0x9e: {  	s1 =	ssub.s32 @!p0 $0x0, s1;
	[sflag:s0] =	ssyncset.done @!p0 $0x0  }
0x9f: {  	[sflag:s0] =	ssyncadd.s32 @!p0 s1  }
0xa0: {  	[bflag:$0x3] =	sbarrier.arrive $0xFFFF  }
0xa1: {  	_ =	shalt  }

// kernel: kernel.20.cloned.1.call-start
scs
__scs_entry_jumppad:
0x0: {  	(pc) =	sbr.rel $0x88, $3  }
0x1: {  	(tag) =	ssettag $0x0;
	lr =	simm.s32 $0x1  }
0x2: {  	[smem:$0x3F96] =	sst lr;
	_ =	strace $0xD0000000  }
0x3: {  	_ = 	snop  }
0x4: {  	_ = 	snop  }
0x5: {  	_ = 	snop  }
0x6: {  	_ = 	snop  }
0x7: {  	_ = 	snop  }
__scs_overlays_trampoline_lowered:
0x8: {  	[smem:$0x3FA5] =	sst s0  }
0x9: {  	[smem:$0x3FA6] =	sst s1  }
0xa: {  	[smem:$0x3FA7] =	sst s2  }
0xb: {  	[smem:$0x3FA8] =	sst s3  }
0xc: {  	[smem:$0x3FA9] =	sst s4  }
0xd: {  	[smem:$0x3FAA] =	sst s5  }
0xe: {  	[smem:$0x3FAB] =	sst s6  }
0xf: {  	[smem:$0x3FAC] =	sst s7  }
0x10: {  	[smem:$0x3FAD] =	sst s8  }
0x11: {  	[smem:$0x3FAE] =	sst s9;
	s0 =	simm.s32 @!p0 $0x0  }
0x12: {  	s1 =	sld [smem:$0x3F94];
	s0 =	simm.s32 @p0 $0x1  }
0x13: {  	[smem:$0x3FAF] =	sst s0;
	s0 =	simm.s32 @!p1 $0x0  }
0x14: {  	s2 =	sld [smem:$0x3F93];
	s0 =	simm.s32 @p1 $0x1  }
0x15: {  	[smem:$0x3FB0] =	sst s0;
	s0 =	simm.s32 @!p2 $0x0  }
0x16: {  	s3 =	sld [smem:$0x3FDB];
	s0 =	simm.s32 @p2 $0x1  }
0x17: {  	s4 =	simm.s32 $0x1BF5;
	[smem:$0x3FB2] =	sst s0  }
0x18: {  	s0 =	sld [smem:$0x3F95];
	_ =	swait.ge [sflag:s4], $0x0  }
0x19: {  	s7 =	sld [smem:$0x3F96]  }
0x1a: {  	s8 =	sadd.s32 $0xFFFFE003, lr  }
0x1b: {  	s9 =	sadd.s32 $0xFFFFFEF7, lr;
	s5 =	simm.s32 $0xFFFFFFFF;
	p2 =	slt.u32 s8, $0xFFFFF086  }
0x1c: {  	p1 =	slt.u32 s9, $0xF7A;
	s5 =	simm.s32 @!p2 $0x0  }
0x1d: {  	s5 =	simm.s32 @p1 $0x1;
	p0 =	seq.s32 s7, s2  }
0x1e: {  	s7 =	smul.u32 @!p0 $0xF7A, s2;
	p2 =	seq.s32 @!p0 s5, $0x0  }
0x1f: {  	s9 =	smul.u32 $0xF7A, s1;
	s8 =	simm.s32 @!p0 $0x1BF5;
	p2 =	por !p2, p0  }
0x20: {  	[sflag:s8] =	ssyncset.s32 @!p0 $0xFFFFF086;
	s6 =	sadd.s32 @!p0 s3, s7;
	s7 =	simm.s32 @!p0 $0x108  }
0x21: {  	s3 =	sadd.s32 s3, s9;
	s6 =	sadd.s32 @!p0 $0x88, s6;
	s7 =	simm.s32 @p2 $0x1082  }
0x22: {  	[simem:s7], [sflag:s8] =	dma.local @!p0 [hbm:s6], $0xF7A  }
0x23: {  	s9 =	sor.u32 $0xD0000000, s2;
	s6 =	simm.s32 $0x108;
	_ =	swait.ge @!p0 [sflag:s8], $0x0  }
0x24: {  	s3 =	sadd.s32 $0x88, s3;
	s6 =	simm.s32 @!p1 $0x1082;
	[sflag:s4] =	ssyncset.s32 $0xFFFFF086  }
0x25: {  	[simem:s6], [sflag:s4] =	dma.local [hbm:s3], $0xF7A  }
0x26: {  	[smem:$0x3F96] =	sst s1;
	(tag) =	ssettag s2;
	_ =	strace s9  }
0x27: {  	s1 =	sld [smem:$0x3FA6]  }
0x28: {  	s2 =	sld [smem:$0x3FA7]  }
0x29: {  	s4 =	sld [smem:$0x3FA9]  }
0x2a: {  	p0 =	seq.s32 s5, $0x0;
	s5 =	sld [smem:$0x3FAA]  }
0x2b: {  	s6 =	sld [smem:$0x3FAB]  }
0x2c: {  	s7 =	sld [smem:$0x3FAC]  }
0x2d: {  	s3 =	simm.s32 $0x108;
	s8 =	sld [smem:$0x3FAD]  }
0x2e: {  	s3 =	simm.s32 @!p0 $0x1082;
	s9 =	sld [smem:$0x3FAE]  }
0x2f: {  	lr =	sadd.s32 s0, s3;
	s0 =	sld [smem:$0x3FA5]  }
0x30: {  	s3 =	sld [smem:$0x3FA8]  }
0x31: {  	[smem:$0x3FB1] =	sst s10  }
0x32: {  	s10 =	sld [smem:$0x3FAF];
	_ =	sdelay $0x3  }
0x33: {  	p0 =	seq.s32 s10, $0x1;
	s10 =	sld [smem:$0x3FB1];
	_ =	sdelay $0x3  }
0x34: {  	[smem:$0x3FB1] =	sst s10  }
0x35: {  	s10 =	sld [smem:$0x3FB0];
	_ =	sdelay $0x3  }
0x36: {  	p1 =	seq.s32 s10, $0x1;
	s10 =	sld [smem:$0x3FB1];
	_ =	sdelay $0x3  }
0x37: {  	[smem:$0x3FB1] =	sst s10  }
0x38: {  	s10 =	sld [smem:$0x3FB2]  }
0x39: {  	_ = 	snop;
	(pc) =	sbr.ind lr, $3  }
0x3a: {  	_ = 	snop  }
0x3b: {  	_ = 	snop  }
0x3c: {  	p2 =	seq.s32 s10, $0x1;
	s10 =	sld [smem:$0x3FB1]  }
0x3d: {  	_ =	shalt  }
0x3e: {  	_ =	shalt  }
0x3f: {  	_ =	shalt  }
0x40: {  	_ =	shalt  }
0x41: {  	_ =	shalt  }
0x42: {  	_ =	shalt  }
0x43: {  	_ =	shalt  }
0x44: {  	_ =	shalt  }
0x45: {  	_ =	shalt  }
0x46: {  	_ =	shalt  }
0x47: {  	_ =	shalt  }
0x48: {  	_ =	shalt  }
0x49: {  	_ =	shalt  }
0x4a: {  	_ =	shalt  }
0x4b: {  	_ =	shalt  }
0x4c: {  	_ =	shalt  }
0x4d: {  	_ =	shalt  }
0x4e: {  	_ =	shalt  }
0x4f: {  	_ =	shalt  }
0x50: {  	_ =	shalt  }
0x51: {  	_ =	shalt  }
0x52: {  	_ =	shalt  }
0x53: {  	_ =	shalt  }
0x54: {  	_ =	shalt  }
0x55: {  	_ =	shalt  }
0x56: {  	_ =	shalt  }
0x57: {  	_ =	shalt  }
0x58: {  	_ =	shalt  }
0x59: {  	_ =	shalt  }
0x5a: {  	_ =	shalt  }
0x5b: {  	_ =	shalt  }
0x5c: {  	_ =	shalt  }
0x5d: {  	_ =	shalt  }
0x5e: {  	_ =	shalt  }
0x5f: {  	_ =	shalt  }
0x60: {  	_ =	shalt  }
0x61: {  	_ =	shalt  }
0x62: {  	_ =	shalt  }
0x63: {  	_ =	shalt  }
0x64: {  	_ =	shalt  }
0x65: {  	_ =	shalt  }
0x66: {  	_ =	shalt  }
0x67: {  	_ =	shalt  }
0x68: {  	_ =	shalt  }
0x69: {  	_ =	shalt  }
0x6a: {  	_ =	shalt  }
0x6b: {  	_ =	shalt  }
0x6c: {  	_ =	shalt  }
0x6d: {  	_ =	shalt  }
0x6e: {  	_ =	shalt  }
0x6f: {  	_ =	shalt  }
0x70: {  	_ =	shalt  }
0x71: {  	_ =	shalt  }
0x72: {  	_ =	shalt  }
0x73: {  	_ =	shalt  }
0x74: {  	_ =	shalt  }
0x75: {  	_ =	shalt  }
0x76: {  	_ =	shalt  }
0x77: {  	_ =	shalt  }
0x78: {  	_ =	shalt  }
0x79: {  	_ =	shalt  }
0x7a: {  	_ =	shalt  }
0x7b: {  	_ =	shalt  }
0x7c: {  	_ =	shalt  }
0x7d: {  	_ =	shalt  }
0x7e: {  	_ =	shalt  }
0x7f: {  	_ =	shalt  }
0x80: {  	_ =	shalt  }
0x81: {  	_ =	shalt  }
0x82: {  	_ =	shalt  }
0x83: {  	_ =	shalt  }
0x84: {  	_ =	shalt  }
0x85: {  	_ =	shalt  }
0x86: {  	_ =	shalt  }
0x87: {  	_ =	shalt  }
.Lfunc_end0:
.L_simem_size_0:
called_computation.2_lowered:
.L_overlay_start_0:
0x88: {  	s2 =	sld [smem:$0x3FD9]  }
0x89: {  	s3 =	sld [smem:$0x3FFE];
	_ =	sdelay $0x1  }
0x8a: {  	s1 =	srdreg.scid  }
0x8b: {  	s0 =	sand.u32 $0x1, s1  }
0x8c: {  	s16 =	sshll.u32 s0, $0xA;
	s2 =	sadd.s32 s3, s2  }
0x8d: {  	s2 =	sadd.s32 s2, s16  }
0x8e: {  	[smem:$0x3FBD] =	sst s2  }
0x8f: {  	_ = 	snop  }
0x90: {  	(tm) =	ssettm $0x1  }
0x91: {  	s17 =	sld [smem:$0x3FFB];
	_ =	sdelay $0x3  }
0x92: {  	_ =	strace s17  }
0x93: {  	s2 =	sld [smem:$0x3FFC];
	_ =	sdelay $0x3  }
0x94: {  	_ =	strace s2  }
0x95: {  	s2 =	sld [smem:$0x3FFD];
	_ =	sdelay $0x3  }
0x96: {  	_ =	strace s2  }
0x97: {  	_ =	strace $0x8FFFFFFF  }
0x98: {  	s18 =	sld [smem:$0x3FDB];
	_ =	sdelay $0x1  }
0x99: {  	s19 =	simm.s32 $_scs_section_size  }
0x9a: {  	s4 =	simm.s32 $_size__tile_overlayer_lowered;
	s5 =	simm.s32 $_tile_overlayer_lowered  }
0x9b: {  	s22 =	simm.s32 $0x1BFF;
	s21 =	sshll.u32 s5, $0x1;
	s2 =	sadd.s32 s19, s18  }
0x9c: {  	s6 =	simm.s32 $0x0;
	s20 =	sshll.u32 s4, $0x1;
	s4 =	sadd.s32 s21, s2  }
0x9d: {  	[timem:s6], [sflag:s22] =	dma.local [hbm:s4], s20  }
0x9e: {  	_ =	swait.ge [sflag:s22], s20  }
0x9f: {  	s3 =	ssub.s32 $0x0, s20;
	[sflag:s22] =	ssyncset.done $0x0  }
0xa0: {  	[sflag:s22] =	ssyncadd.s32 s3;
	_ =	sdelay $0x1  }
0xa1: {  	s23 =	simm.s32 $0x1B8B  }
0xa2: {  	_ =	swait.ge [sflag:s23], $0x1  }
0xa3: {  	[sflag:s23] =	ssyncset.done $0x0  }
0xa4: {  	s25 =	simm.s32 $0x1B8E;
	s24 =	sld [smem:$0x3FFE];
	[sflag:s23] =	ssyncadd.s32 $0xFFFFFFFF  }
0xa5: {  	s26 =	simm.s32 $execute0_lowered;
	[smem:$0x3FD2] =	sst s25  }
0xa6: {  	s4 =	sshll.u32 s26, $0x1;
	_ =	strace $0x8000004C;
	[dreg:$0x1] =	wrdreg $0xFFFFFFFF  }
0xa7: {  	s28 =	simm.s32 $_size_execute0_lowered;
	s2 =	sadd.s32 s2, s4;
	[dreg:$0x0] =	wrdreg $0x0  }
0xa8: {  	s4 =	sshll.u32 s28, $0x1;
	[dreg:$0x2] =	wrdreg s2  }
0xa9: {  	[dreg:$0x3] =	wrdreg s4  }
0xaa: {  	[dreg:$0x4] =	wrdreg $0xC0  }
0xab: {  	_ =	task [dreg:s6], $0x5FFFF  }
0xac: {  	[dreg:$0x1] =	wrdreg $0xFFFFFFFF  }
0xad: {  	[dreg:$0x0] =	wrdreg $0x60  }
0xae: {  	[dreg:$0x2] =	wrdreg s24  }
0xaf: {  	[dreg:$0x3] =	wrdreg $0x0  }
0xb0: {  	[dreg:$0x4] =	wrdreg $0x9  }
0xb1: {  	_ =	task.clear_ibuf [dreg:s6], $0x5FFFF;
	_ =	strace $0x9000004C  }
0xb2: {  	s29 =	simm.s32 $0x9;
	_ =	strace $0x8000004E  }
0xb3: {  	_ =	swait.ge [sflag:s29], $0x1  }
0xb4: {  	[sflag:s29] =	ssyncadd.s32 $0xFFFFFFFF  }
0xb5: {  	_ =	strace $0x9000004E  }
0xb6: {  	_ =	sfence  }
0xb7: {  	s30 =	sld [smem:$0x0];
	_ =	sdelay $0x2  }
0xb8: {  	s31 =	sshll.u32 s1, $0xD;
	s1 =	sshrl.u32 s1, $0x2  }
0xb9: {  	s3 =	sand.u32 $0x4000, s31;
	s1 =	sadd.s32 s1, s30  }
0xba: {  	s0 =	sor.u32 s3, s0;
	s1 =	sshll.u32 s1, $0x11  }
0xbb: {  	s0 =	sor.u32 s1, s0  }
0xbc: {  	s0 =	sadd.s32 $0x8F2B, s0  }
0xbd: {  	[sflag:s0] =	ssyncadd.remote.s32 $0x1  }
0xbe: {  	_ =	sfence.sel $0xFFFF  }
0xbf: {  	[dreg:$0x0] =	wrdreg $0xFFFFFFFF;
	(pc) =	sbr.abs _section_cstart, $3  }
0xc0: {  	[dreg:$0x1] =	wrdreg $0xFFFFFFFF  }
0xc1: {  	_ =	task.clear_ibuf [dreg:s6], $0x2FFFF;
	_ =	strace $0x9FFFFFFF  }
0xc2: {  	(tm) =	ssettm $0x7FFFFFFF  }
0xc3: {  	_ =	shalt  }
tec
execute0_lowered:
.L_overlay_start_1:
0x0: {  	(tag) =	ssettag $0x1  }
0x1: {  	s4 =	rddreg [dreg:$0x0]  }
0x2: {  	s0 =	stileid.u32;
	s1 =	srdreg.scid  }
0x3: {  	s2 =	rddreg [dreg:$0x1];
	s3 =	simm.s32 $0x0;
	s5 =	smul.u32 $0x4E2, s0  }
0x4: {  	s6 =	sand.u32 $0x1, s1;
	s1 =	rddreg [dreg:$0x2];
	s10 =	smul.u32 $0x14000, s0  }
0x5: {  	s18 =	simm.s32 $0x140A0;
	[smem:$0x7FF] =	sst s3;
	s7 =	smul.u32 $0x28000, s6  }
0x6: {  	s6 =	ssub.s32 $0x2, s6;
	_ =	strace $0x8000004D;
	s12 =	sadd.s32 s5, s4  }
0x7: {  	s31 =	sshrl.u32 s6, $0x1;
	s14 =	sadd.s32 $0x4000, s10;
	s15 =	sadd.s32 $0x8000, s10  }
0x8: {  	s16 =	sadd.s32 $0xC000, s10;
	s17 =	sadd.s32 $0x10000, s10;
	s19 =	sshrl.u32 s10, $0x3  }
0x9: {  	s11 =	sadd.s32 s7, s4;
	s13 =	ssub.s32 s6, s31;
	s4 =	sadd.s32 s10, s2  }
0xa: {  	s5 =	sadd.s32 s14, s2;
	s6 =	sadd.s32 s15, s2;
	s7 =	sadd.s32 s16, s2  }
0xb: {  	s8 =	sadd.s32 s17, s2;
	s20 =	sshrl.u32 s14, $0x3;
	s21 =	sshrl.u32 s15, $0x3  }
0xc: {  	s22 =	sshrl.u32 s16, $0x3;
	s24 =	sshrl.u32 s17, $0x3;
	s14 =	simm.s32 $0x1  }
0xd: {  	s15 =	simm.s32 $0x14000;
	s16 =	simm.s32 $0x14050;
	s17 =	simm.s32 $0x50  }
0xe: {  	s9 =	sadd.s32 $0xDE00, s11;
	s23 =	sadd.s32 $0x5DE00, s11;
	s10 =	smax.u32 s13, $0x1  }
0xf: {  	s11 =	sadd.s32 $0x3E00, s12;
	s12 =	sadd.s32 $0x8E00, s12;
	s13 =	simm.s32 $0x168A0  }
0x10: {  	s19 =	sadd.s32 s19, s23;
	s20 =	sadd.s32 s20, s23;
	s21 =	sadd.s32 s21, s23  }
0x11: {  	v0 =	vimm.f32 $0.0e+00;
	s22 =	sadd.s32 s22, s23;
	s23 =	sadd.s32 s24, s23;
	s24 =	simm.s32 $0x0  }
.LBB2_1:
0x12: {  	s25 =	simm.s32 $0x0;
	s26 =	simm.s32 $0x200  }
.LBB2_2:
0x13: {  	p0 =	sne.s32 s26, $0xFE00;
	[tilespmem:s25+$0x16910] =	vst v0  }
0x14: {  	[tilespmem:s25+$0x168A0] =	vst v0  }
0x15: {  	[tilespmem:s25+$0x168B0] =	vst v0  }
.Ltmp0:
0x16: {  	[tilespmem:s25+$0x168C0] =	vst v0;
	(pc) =	sbr.rel @p0 .LBB2_2-.Ltmp0, $4  }
0x17: {  	[tilespmem:s25+$0x168D0] =	vst v0  }
0x18: {  	[tilespmem:s25+$0x168E0] =	vst v0  }
0x19: {  	[tilespmem:s25+$0x168F0] =	vst v0  }
0x1a: {  	[tilespmem:s25+$0x16900] =	vst v0;
	s25 =	sshra.s32 s26, $0x2;
	s26 =	sadd.s32 $0x200, s26  }
0x1b: {  	[tilespmem:s25+$0x16910] =	vst v0  }
0x1c: {  	[tilespmem:s25+$0x168A0] =	vst v0  }
0x1d: {  	[tilespmem:s25+$0x168B0] =	vst v0  }
0x1e: {  	[tilespmem:s25+$0x168C0] =	vst v0  }
0x1f: {  	[tilespmem:s25+$0x168D0] =	vst v0  }
0x20: {  	[tilespmem:s25+$0x168E0] =	vst v0  }
0x21: {  	[tilespmem:s25+$0x168F0] =	vst v0  }
0x22: {  	[tilespmem:s25+$0x16900] =	vst v0  }
0x23: {  	[spmem:s4] =	stream.linear.scatter [tilespmem:s13], [sflag:$0x1], $0x4000, $0x38;
	[tilespmem:$0x1A8A0] =	vst v63  }
0x24: {  	_ =	swait.ge [sflag:s14], $0x4000  }
0x25: {  	[sflag:s14] =	ssyncset.done $0x0  }
0x26: {  	[sflag:s14] =	ssyncadd.s32 $0xFFFFC000  }
0x27: {  	[spmem:s5] =	stream.linear.scatter [tilespmem:s13], [sflag:$0x1], $0x4000, $0x38;
	[tilespmem:$0x1A8A0] =	vst v63  }
0x28: {  	_ =	swait.ge [sflag:s14], $0x4000  }
0x29: {  	[sflag:s14] =	ssyncset.done $0x0  }
0x2a: {  	[sflag:s14] =	ssyncadd.s32 $0xFFFFC000  }
0x2b: {  	[spmem:s6] =	stream.linear.scatter [tilespmem:s13], [sflag:$0x1], $0x4000, $0x38;
	[tilespmem:$0x1A8A0] =	vst v63  }
0x2c: {  	_ =	swait.ge [sflag:s14], $0x4000  }
0x2d: {  	[sflag:s14] =	ssyncset.done $0x0  }
0x2e: {  	[sflag:s14] =	ssyncadd.s32 $0xFFFFC000  }
0x2f: {  	[spmem:s7] =	stream.linear.scatter [tilespmem:s13], [sflag:$0x1], $0x4000, $0x38;
	[tilespmem:$0x1A8A0] =	vst v63  }
0x30: {  	_ =	swait.ge [sflag:s14], $0x4000  }
0x31: {  	[sflag:s14] =	ssyncset.done $0x0  }
0x32: {  	[sflag:s14] =	ssyncadd.s32 $0xFFFFC000  }
0x33: {  	[spmem:s8] =	stream.linear.scatter [tilespmem:s13], [sflag:$0x1], $0x4000, $0x38;
	[tilespmem:$0x1A8A0] =	vst v63  }
0x34: {  	_ =	swait.ge [sflag:s14], $0x4000  }
0x35: {  	[sflag:s14] =	ssyncset.done $0x0  }
0x36: {  	[sflag:s14] =	ssyncadd.s32 $0xFFFFC000  }
0x37: {  	s30 =	sadd.s32 $0x0, s12;
	[bflag:$0x0] =	sbarrier.arrive $0xFFFF  }
0x38: {  	[tilespmem:s15], [sflag:$0x1] =	stream.linear.gather [hbm4b:s30+s3], $0x50, $0x38;
	[tilespmem:$0x1A8A0] =	vst v63  }
0x39: {  	_ =	swait.ge [sflag:s14], $0x50  }
0x3a: {  	[sflag:s14] =	ssyncset.done $0x0  }
0x3b: {  	s31 =	sadd.s32 $0x0, s11;
	[sflag:s14] =	ssyncadd.s32 $0xFFFFFFB0  }
0x3c: {  	[tilespmem:s16], [sflag:$0x1] =	stream.linear.gather [hbm4b:s31+s3], $0x50, $0x38;
	[tilespmem:$0x1A8A0] =	vst v63  }
0x3d: {  	_ =	swait.ge [sflag:s14], $0x50  }
0x3e: {  	[sflag:s14] =	ssyncset.done $0x0  }
0x3f: {  	[sflag:s14] =	ssyncadd.s32 $0xFFFFFFB0  }
0x40: {  	[tilespmem:s18], [sflag:$0x1] =	stream.indirect.gather [hbm4b:s9+s17], $0x80, s15, s17, $0xb8;
	[tilespmem:$0x1A8A0] =	vst v63  }
0x41: {  	_ =	swait.ge [sflag:s14], $0x2800  }
0x42: {  	[sflag:s14] =	ssyncset.done $0x0  }
0x43: {  	[sflag:s14] =	ssyncadd.s32 $0xFFFFD800  }
0x44: {  	[spmem:s2] =	stream.indirect.scatter.add.f32 [tilespmem:s18], [sflag:$0x1], $0x80, s16, s17, $0xb8;
	[tilespmem:$0x1A8A0] =	vst v63  }
0x45: {  	_ =	swait.ge [sflag:s14], $0x2800  }
0x46: {  	s25 =	simm.s32 $0xA;
	s26 =	simm.s32 $0x14;
	[sflag:s14] =	ssyncset.done $0x0  }
.LBB2_4:
0x47: {  	s28 =	sadd.s32 s25, s12  }
0x48: {  	[sflag:s14] =	ssyncadd.s32 $0xFFFFD800;
	s29 =	smov.u32 s26;
	s30 =	sadd.s32 $0xA, s26  }
0x49: {  	[tilespmem:s15], [sflag:$0x1] =	stream.linear.gather [hbm4b:s28+s3], $0x50, $0x38;
	[tilespmem:$0x1A8A0] =	vst v63  }
0x4a: {  	p0 =	sne.s32 s26, $0x4D8;
	_ =	swait.ge [sflag:s14], $0x50  }
0x4b: {  	[sflag:s14] =	ssyncset.done $0x0  }
0x4c: {  	s26 =	sadd.s32 s25, s11;
	s25 =	smov.u32 s29;
	[sflag:s14] =	ssyncadd.s32 $0xFFFFFFB0  }
0x4d: {  	[tilespmem:s16], [sflag:$0x1] =	stream.linear.gather [hbm4b:s26+s3], $0x50, $0x38;
	[tilespmem:$0x1A8A0] =	vst v63  }
0x4e: {  	_ =	swait.ge [sflag:s14], $0x50  }
0x4f: {  	[sflag:s14] =	ssyncset.done $0x0  }
0x50: {  	[sflag:s14] =	ssyncadd.s32 $0xFFFFFFB0  }
0x51: {  	[tilespmem:s18], [sflag:$0x1] =	stream.indirect.gather [hbm4b:s9+s17], $0x80, s15, s17, $0xb8;
	[tilespmem:$0x1A8A0] =	vst v63  }
0x52: {  	_ =	swait.ge [sflag:s14], $0x2800  }
.Ltmp1:
0x53: {  	[sflag:s14] =	ssyncset.done $0x0;
	(pc) =	sbr.rel @p0 .LBB2_4-.Ltmp1, $4  }
0x54: {  	[sflag:s14] =	ssyncadd.s32 $0xFFFFD800  }
0x55: {  	[spmem:s2] =	stream.indirect.scatter.add.f32 [tilespmem:s18], [sflag:$0x1], $0x80, s16, s17, $0xb8;
	[tilespmem:$0x1A8A0] =	vst v63  }
0x56: {  	_ =	swait.ge [sflag:s14], $0x2800  }
0x57: {  	s26 =	smov.u32 s30;
	[sflag:s14] =	ssyncset.done $0x0  }
0x58: {  	s26 =	sadd.s32 s25, s12;
	[sflag:s14] =	ssyncadd.s32 $0xFFFFD800  }
0x59: {  	[tilespmem:s15], [sflag:$0x1] =	stream.linear.gather [hbm4b:s26+s3], $0x50, $0x38;
	[tilespmem:$0x1A8A0] =	vst v63  }
0x5a: {  	_ =	swait.ge [sflag:s14], $0x50  }
0x5b: {  	[sflag:s14] =	ssyncset.done $0x0  }
0x5c: {  	s31 =	sadd.s32 s25, s11;
	[sflag:s14] =	ssyncadd.s32 $0xFFFFFFB0  }
0x5d: {  	[tilespmem:s16], [sflag:$0x1] =	stream.linear.gather [hbm4b:s31+s3], $0x50, $0x38;
	[tilespmem:$0x1A8A0] =	vst v63  }
0x5e: {  	_ =	swait.ge [sflag:s14], $0x50  }
0x5f: {  	[sflag:s14] =	ssyncset.done $0x0  }
0x60: {  	[sflag:s14] =	ssyncadd.s32 $0xFFFFFFB0  }
0x61: {  	[tilespmem:s18], [sflag:$0x1] =	stream.indirect.gather [hbm4b:s9+s17], $0x80, s15, s17, $0xb8;
	[tilespmem:$0x1A8A0] =	vst v63  }
0x62: {  	_ =	swait.ge [sflag:s14], $0x2800  }
0x63: {  	[sflag:s14] =	ssyncset.done $0x0  }
0x64: {  	[sflag:s14] =	ssyncadd.s32 $0xFFFFD800  }
0x65: {  	[spmem:s2] =	stream.indirect.scatter.add.f32 [tilespmem:s18], [sflag:$0x1], $0x80, s16, s17, $0xb8;
	[tilespmem:$0x1A8A0] =	vst v63  }
0x66: {  	_ =	swait.ge [sflag:s14], $0x2800  }
0x67: {  	[sflag:s14] =	ssyncset.done $0x0  }
0x68: {  	[sflag:s14] =	ssyncadd.s32 $0xFFFFD800  }
0x69: {  	[bflag:$0x0] =	sbarrier.arrive $0xFFFF  }
0x6a: {  	[tilespmem:s13], [sflag:$0x1] =	stream.linear.gather [spmem:s4], $0x4000, $0x38;
	[tilespmem:$0x1A8A0] =	vst v63  }
0x6b: {  	_ =	swait.ge [sflag:s14], $0x4000  }
0x6c: {  	[sflag:s14] =	ssyncset.done $0x0  }
0x6d: {  	[sflag:s14] =	ssyncadd.s32 $0xFFFFC000  }
0x6e: {  	[hbm4b:s19+s3] =	stream.linear.scatter [tilespmem:s13], [sflag:$0x1], $0x4000, $0x38;
	[tilespmem:$0x1A8A0] =	vst v63  }
0x6f: {  	_ =	swait.ge [sflag:s14], $0x4000  }
0x70: {  	[sflag:s14] =	ssyncset.done $0x0  }
0x71: {  	[sflag:s14] =	ssyncadd.s32 $0xFFFFC000  }
0x72: {  	[tilespmem:s13], [sflag:$0x1] =	stream.linear.gather [spmem:s5], $0x4000, $0x38;
	[tilespmem:$0x1A8A0] =	vst v63  }
0x73: {  	_ =	swait.ge [sflag:s14], $0x4000  }
0x74: {  	[sflag:s14] =	ssyncset.done $0x0  }
0x75: {  	[sflag:s14] =	ssyncadd.s32 $0xFFFFC000  }
0x76: {  	[hbm4b:s20+s3] =	stream.linear.scatter [tilespmem:s13], [sflag:$0x1], $0x4000, $0x38;
	[tilespmem:$0x1A8A0] =	vst v63  }
0x77: {  	_ =	swait.ge [sflag:s14], $0x4000  }
0x78: {  	[sflag:s14] =	ssyncset.done $0x0  }
0x79: {  	[sflag:s14] =	ssyncadd.s32 $0xFFFFC000  }
0x7a: {  	[tilespmem:s13], [sflag:$0x1] =	stream.linear.gather [spmem:s6], $0x4000, $0x38;
	[tilespmem:$0x1A8A0] =	vst v63  }
0x7b: {  	_ =	swait.ge [sflag:s14], $0x4000  }
0x7c: {  	[sflag:s14] =	ssyncset.done $0x0  }
0x7d: {  	[sflag:s14] =	ssyncadd.s32 $0xFFFFC000  }
0x7e: {  	[hbm4b:s21+s3] =	stream.linear.scatter [tilespmem:s13], [sflag:$0x1], $0x4000, $0x38;
	[tilespmem:$0x1A8A0] =	vst v63  }
0x7f: {  	_ =	swait.ge [sflag:s14], $0x4000  }
0x80: {  	[sflag:s14] =	ssyncset.done $0x0  }
0x81: {  	[sflag:s14] =	ssyncadd.s32 $0xFFFFC000  }
0x82: {  	[tilespmem:s13], [sflag:$0x1] =	stream.linear.gather [spmem:s7], $0x4000, $0x38;
	[tilespmem:$0x1A8A0] =	vst v63  }
0x83: {  	_ =	swait.ge [sflag:s14], $0x4000  }
0x84: {  	[sflag:s14] =	ssyncset.done $0x0  }
0x85: {  	[sflag:s14] =	ssyncadd.s32 $0xFFFFC000  }
0x86: {  	[hbm4b:s22+s3] =	stream.linear.scatter [tilespmem:s13], [sflag:$0x1], $0x4000, $0x38;
	[tilespmem:$0x1A8A0] =	vst v63  }
0x87: {  	_ =	swait.ge [sflag:s14], $0x4000  }
0x88: {  	[sflag:s14] =	ssyncset.done $0x0  }
0x89: {  	[sflag:s14] =	ssyncadd.s32 $0xFFFFC000  }
0x8a: {  	[tilespmem:s13], [sflag:$0x1] =	stream.linear.gather [spmem:s8], $0x4000, $0x38;
	[tilespmem:$0x1A8A0] =	vst v63  }
0x8b: {  	s24 =	sadd.s32 $0x1, s24;
	_ =	swait.ge [sflag:s14], $0x4000  }
0x8c: {  	p0 =	sne.s32 s24, s10;
	[sflag:s14] =	ssyncset.done $0x0  }
.Ltmp2:
0x8d: {  	[sflag:s14] =	ssyncadd.s32 $0xFFFFC000;
	(pc) =	sbr.rel @p0 .LBB2_1-.Ltmp2, $4  }
0x8e: {  	[hbm4b:s23+s3] =	stream.linear.scatter [tilespmem:s13], [sflag:$0x1], $0x4000, $0x38;
	[tilespmem:$0x1A8A0] =	vst v63  }
0x8f: {  	_ =	swait.ge [sflag:s14], $0x4000  }
0x90: {  	[sflag:s14] =	ssyncset.done $0x0  }
0x91: {  	[sflag:s14] =	ssyncadd.s32 $0xFFFFC000  }
0x92: {  	_ =	sfence.sel $0x180000  }
0x93: {  	[bflag:$0x0] =	sbarrier.arrive $0xFFFF  }
0x94: {  	p0 =	sne.s32 s0, $0x0;
	_ =	strace $0x9000004D  }
0x95: {  	s0 =	sadd.s32 @!p0 $0x100000, s1;
	[bflag:$0x2] =	sbarrier.arrive $0xFFFF  }
0x96: {  	[sflag:s0] =	ssyncadd.tile.s32 @!p0 $0x1;
	_ =	shalt  }
.Lfunc_end2:
_tile_overlayer_lowered:
.L_overlay_start_2:
0x97: {  	(tag) =	ssettag $0x2  }
0x98: {  	s0 =	rddreg [dreg:$0x0];
	s2 =	stileid.u32  }
0x99: {  	s1 =	rddreg [dreg:$0x1];
	p0 =	sne.s32 s2, $0x0  }
0x9a: {  	s3 =	rddreg [dreg:$0x2];
	[bflag:$0x3] =	sbarrier.arrive $0xFFFF;
	s2 =	simm.s32 @!p0 $0x1C01  }
0x9b: {  	[timem:s3], [sflag:s2] =	dma.local @!p0 [hbm:s0], s1  }
0x9c: {  	s0 =	simm.s32 @!p0 $0x1  }
0x9d: {  	_ =	swait.ge @!p0 [sflag:s0], s1  }
0x9e: {  	s1 =	ssub.s32 @!p0 $0x0, s1;
	[sflag:s0] =	ssyncset.done @!p0 $0x0  }
0x9f: {  	[sflag:s0] =	ssyncadd.s32 @!p0 s1  }
0xa0: {  	[bflag:$0x3] =	sbarrier.arrive $0xFFFF  }
0xa1: {  	_ =	shalt  }

// kernel: kernel.23.cloned.1.call-start
scs
__scs_entry_jumppad:
0x0: {  	(pc) =	sbr.rel $0x88, $3  }
0x1: {  	(tag) =	ssettag $0x0;
	lr =	simm.s32 $0x1  }
0x2: {  	[smem:$0x3F96] =	sst lr;
	_ =	strace $0xD0000000  }
0x3: {  	_ = 	snop  }
0x4: {  	_ = 	snop  }
0x5: {  	_ = 	snop  }
0x6: {  	_ = 	snop  }
0x7: {  	_ = 	snop  }
__scs_overlays_trampoline_lowered:
0x8: {  	[smem:$0x3FA5] =	sst s0  }
0x9: {  	[smem:$0x3FA6] =	sst s1  }
0xa: {  	[smem:$0x3FA7] =	sst s2  }
0xb: {  	[smem:$0x3FA8] =	sst s3  }
0xc: {  	[smem:$0x3FA9] =	sst s4  }
0xd: {  	[smem:$0x3FAA] =	sst s5  }
0xe: {  	[smem:$0x3FAB] =	sst s6  }
0xf: {  	[smem:$0x3FAC] =	sst s7  }
0x10: {  	[smem:$0x3FAD] =	sst s8  }
0x11: {  	[smem:$0x3FAE] =	sst s9;
	s0 =	simm.s32 @!p0 $0x0  }
0x12: {  	s1 =	sld [smem:$0x3F94];
	s0 =	simm.s32 @p0 $0x1  }
0x13: {  	[smem:$0x3FAF] =	sst s0;
	s0 =	simm.s32 @!p1 $0x0  }
0x14: {  	s2 =	sld [smem:$0x3F93];
	s0 =	simm.s32 @p1 $0x1  }
0x15: {  	[smem:$0x3FB0] =	sst s0;
	s0 =	simm.s32 @!p2 $0x0  }
0x16: {  	s3 =	sld [smem:$0x3FDB];
	s0 =	simm.s32 @p2 $0x1  }
0x17: {  	s4 =	simm.s32 $0x1BF5;
	[smem:$0x3FB2] =	sst s0  }
0x18: {  	s0 =	sld [smem:$0x3F95];
	_ =	swait.ge [sflag:s4], $0x0  }
0x19: {  	s7 =	sld [smem:$0x3F96]  }
0x1a: {  	s8 =	sadd.s32 $0xFFFFE003, lr  }
0x1b: {  	s9 =	sadd.s32 $0xFFFFFEF7, lr;
	s5 =	simm.s32 $0xFFFFFFFF;
	p2 =	slt.u32 s8, $0xFFFFF086  }
0x1c: {  	p1 =	slt.u32 s9, $0xF7A;
	s5 =	simm.s32 @!p2 $0x0  }
0x1d: {  	s5 =	simm.s32 @p1 $0x1;
	p0 =	seq.s32 s7, s2  }
0x1e: {  	s7 =	smul.u32 @!p0 $0xF7A, s2;
	p2 =	seq.s32 @!p0 s5, $0x0  }
0x1f: {  	s9 =	smul.u32 $0xF7A, s1;
	s8 =	simm.s32 @!p0 $0x1BF5;
	p2 =	por !p2, p0  }
0x20: {  	[sflag:s8] =	ssyncset.s32 @!p0 $0xFFFFF086;
	s6 =	sadd.s32 @!p0 s3, s7;
	s7 =	simm.s32 @!p0 $0x108  }
0x21: {  	s3 =	sadd.s32 s3, s9;
	s6 =	sadd.s32 @!p0 $0x88, s6;
	s7 =	simm.s32 @p2 $0x1082  }
0x22: {  	[simem:s7], [sflag:s8] =	dma.local @!p0 [hbm:s6], $0xF7A  }
0x23: {  	s9 =	sor.u32 $0xD0000000, s2;
	s6 =	simm.s32 $0x108;
	_ =	swait.ge @!p0 [sflag:s8], $0x0  }
0x24: {  	s3 =	sadd.s32 $0x88, s3;
	s6 =	simm.s32 @!p1 $0x1082;
	[sflag:s4] =	ssyncset.s32 $0xFFFFF086  }
0x25: {  	[simem:s6], [sflag:s4] =	dma.local [hbm:s3], $0xF7A  }
0x26: {  	[smem:$0x3F96] =	sst s1;
	(tag) =	ssettag s2;
	_ =	strace s9  }
0x27: {  	s1 =	sld [smem:$0x3FA6]  }
0x28: {  	s2 =	sld [smem:$0x3FA7]  }
0x29: {  	s4 =	sld [smem:$0x3FA9]  }
0x2a: {  	p0 =	seq.s32 s5, $0x0;
	s5 =	sld [smem:$0x3FAA]  }
0x2b: {  	s6 =	sld [smem:$0x3FAB]  }
0x2c: {  	s7 =	sld [smem:$0x3FAC]  }
0x2d: {  	s3 =	simm.s32 $0x108;
	s8 =	sld [smem:$0x3FAD]  }
0x2e: {  	s3 =	simm.s32 @!p0 $0x1082;
	s9 =	sld [smem:$0x3FAE]  }
0x2f: {  	lr =	sadd.s32 s0, s3;
	s0 =	sld [smem:$0x3FA5]  }
0x30: {  	s3 =	sld [smem:$0x3FA8]  }
0x31: {  	[smem:$0x3FB1] =	sst s10  }
0x32: {  	s10 =	sld [smem:$0x3FAF];
	_ =	sdelay $0x3  }
0x33: {  	p0 =	seq.s32 s10, $0x1;
	s10 =	sld [smem:$0x3FB1];
	_ =	sdelay $0x3  }
0x34: {  	[smem:$0x3FB1] =	sst s10  }
0x35: {  	s10 =	sld [smem:$0x3FB0];
	_ =	sdelay $0x3  }
0x36: {  	p1 =	seq.s32 s10, $0x1;
	s10 =	sld [smem:$0x3FB1];
	_ =	sdelay $0x3  }
0x37: {  	[smem:$0x3FB1] =	sst s10  }
0x38: {  	s10 =	sld [smem:$0x3FB2]  }
0x39: {  	_ = 	snop;
	(pc) =	sbr.ind lr, $3  }
0x3a: {  	_ = 	snop  }
0x3b: {  	_ = 	snop  }
0x3c: {  	p2 =	seq.s32 s10, $0x1;
	s10 =	sld [smem:$0x3FB1]  }
0x3d: {  	_ =	shalt  }
0x3e: {  	_ =	shalt  }
0x3f: {  	_ =	shalt  }
0x40: {  	_ =	shalt  }
0x41: {  	_ =	shalt  }
0x42: {  	_ =	shalt  }
0x43: {  	_ =	shalt  }
0x44: {  	_ =	shalt  }
0x45: {  	_ =	shalt  }
0x46: {  	_ =	shalt  }
0x47: {  	_ =	shalt  }
0x48: {  	_ =	shalt  }
0x49: {  	_ =	shalt  }
0x4a: {  	_ =	shalt  }
0x4b: {  	_ =	shalt  }
0x4c: {  	_ =	shalt  }
0x4d: {  	_ =	shalt  }
0x4e: {  	_ =	shalt  }
0x4f: {  	_ =	shalt  }
0x50: {  	_ =	shalt  }
0x51: {  	_ =	shalt  }
0x52: {  	_ =	shalt  }
0x53: {  	_ =	shalt  }
0x54: {  	_ =	shalt  }
0x55: {  	_ =	shalt  }
0x56: {  	_ =	shalt  }
0x57: {  	_ =	shalt  }
0x58: {  	_ =	shalt  }
0x59: {  	_ =	shalt  }
0x5a: {  	_ =	shalt  }
0x5b: {  	_ =	shalt  }
0x5c: {  	_ =	shalt  }
0x5d: {  	_ =	shalt  }
0x5e: {  	_ =	shalt  }
0x5f: {  	_ =	shalt  }
0x60: {  	_ =	shalt  }
0x61: {  	_ =	shalt  }
0x62: {  	_ =	shalt  }
0x63: {  	_ =	shalt  }
0x64: {  	_ =	shalt  }
0x65: {  	_ =	shalt  }
0x66: {  	_ =	shalt  }
0x67: {  	_ =	shalt  }
0x68: {  	_ =	shalt  }
0x69: {  	_ =	shalt  }
0x6a: {  	_ =	shalt  }
0x6b: {  	_ =	shalt  }
0x6c: {  	_ =	shalt  }
0x6d: {  	_ =	shalt  }
0x6e: {  	_ =	shalt  }
0x6f: {  	_ =	shalt  }
0x70: {  	_ =	shalt  }
0x71: {  	_ =	shalt  }
0x72: {  	_ =	shalt  }
0x73: {  	_ =	shalt  }
0x74: {  	_ =	shalt  }
0x75: {  	_ =	shalt  }
0x76: {  	_ =	shalt  }
0x77: {  	_ =	shalt  }
0x78: {  	_ =	shalt  }
0x79: {  	_ =	shalt  }
0x7a: {  	_ =	shalt  }
0x7b: {  	_ =	shalt  }
0x7c: {  	_ =	shalt  }
0x7d: {  	_ =	shalt  }
0x7e: {  	_ =	shalt  }
0x7f: {  	_ =	shalt  }
0x80: {  	_ =	shalt  }
0x81: {  	_ =	shalt  }
0x82: {  	_ =	shalt  }
0x83: {  	_ =	shalt  }
0x84: {  	_ =	shalt  }
0x85: {  	_ =	shalt  }
0x86: {  	_ =	shalt  }
0x87: {  	_ =	shalt  }
.Lfunc_end0:
.L_simem_size_0:
called_computation.3_lowered:
.L_overlay_start_0:
0x88: {  	s2 =	sld [smem:$0x3FD9]  }
0x89: {  	s3 =	sld [smem:$0x3FFE];
	_ =	sdelay $0x1  }
0x8a: {  	s1 =	srdreg.scid  }
0x8b: {  	s0 =	sand.u32 $0x1, s1  }
0x8c: {  	s16 =	sshll.u32 s0, $0xA;
	s2 =	sadd.s32 s3, s2  }
0x8d: {  	s2 =	sadd.s32 s2, s16  }
0x8e: {  	[smem:$0x3FBD] =	sst s2  }
0x8f: {  	_ = 	snop  }
0x90: {  	(tm) =	ssettm $0x1  }
0x91: {  	s17 =	sld [smem:$0x3FFB];
	_ =	sdelay $0x3  }
0x92: {  	_ =	strace s17  }
0x93: {  	s2 =	sld [smem:$0x3FFC];
	_ =	sdelay $0x3  }
0x94: {  	_ =	strace s2  }
0x95: {  	s2 =	sld [smem:$0x3FFD];
	_ =	sdelay $0x3  }
0x96: {  	_ =	strace s2  }
0x97: {  	_ =	strace $0x8FFFFFFF  }
0x98: {  	s18 =	sld [smem:$0x3FDB];
	_ =	sdelay $0x1  }
0x99: {  	s19 =	simm.s32 $_scs_section_size  }
0x9a: {  	s4 =	simm.s32 $_size__tile_overlayer_lowered;
	s5 =	simm.s32 $_tile_overlayer_lowered  }
0x9b: {  	s22 =	simm.s32 $0x1BFF;
	s21 =	sshll.u32 s5, $0x1;
	s2 =	sadd.s32 s19, s18  }
0x9c: {  	s6 =	simm.s32 $0x0;
	s20 =	sshll.u32 s4, $0x1;
	s4 =	sadd.s32 s21, s2  }
0x9d: {  	[timem:s6], [sflag:s22] =	dma.local [hbm:s4], s20  }
0x9e: {  	_ =	swait.ge [sflag:s22], s20  }
0x9f: {  	s3 =	ssub.s32 $0x0, s20;
	[sflag:s22] =	ssyncset.done $0x0  }
0xa0: {  	[sflag:s22] =	ssyncadd.s32 s3;
	_ =	sdelay $0x1  }
0xa1: {  	s23 =	simm.s32 $0x1B8B  }
0xa2: {  	_ =	swait.ge [sflag:s23], $0x1  }
0xa3: {  	[sflag:s23] =	ssyncset.done $0x0  }
0xa4: {  	s25 =	simm.s32 $0x1B8E;
	s24 =	sld [smem:$0x3FFE];
	[sflag:s23] =	ssyncadd.s32 $0xFFFFFFFF  }
0xa5: {  	s26 =	simm.s32 $execute0_lowered;
	[smem:$0x3FD2] =	sst s25  }
0xa6: {  	s4 =	sshll.u32 s26, $0x1;
	_ =	strace $0x8000004F;
	[dreg:$0x1] =	wrdreg $0xFFFFFFFF  }
0xa7: {  	s28 =	simm.s32 $_size_execute0_lowered;
	s2 =	sadd.s32 s2, s4;
	[dreg:$0x0] =	wrdreg $0x0  }
0xa8: {  	s4 =	sshll.u32 s28, $0x1;
	[dreg:$0x2] =	wrdreg s2  }
0xa9: {  	[dreg:$0x3] =	wrdreg s4  }
0xaa: {  	[dreg:$0x4] =	wrdreg $0xC0  }
0xab: {  	_ =	task [dreg:s6], $0x5FFFF  }
0xac: {  	[dreg:$0x1] =	wrdreg $0xFFFFFFFF  }
0xad: {  	[dreg:$0x0] =	wrdreg $0x60  }
0xae: {  	[dreg:$0x2] =	wrdreg s24  }
0xaf: {  	[dreg:$0x3] =	wrdreg $0x0  }
0xb0: {  	[dreg:$0x4] =	wrdreg $0x9  }
0xb1: {  	_ =	task.clear_ibuf [dreg:s6], $0x5FFFF;
	_ =	strace $0x9000004F  }
0xb2: {  	s29 =	simm.s32 $0x9;
	_ =	strace $0x80000051  }
0xb3: {  	_ =	swait.ge [sflag:s29], $0x1  }
0xb4: {  	[sflag:s29] =	ssyncadd.s32 $0xFFFFFFFF  }
0xb5: {  	_ =	strace $0x90000051  }
0xb6: {  	_ =	sfence  }
0xb7: {  	s30 =	sld [smem:$0x0];
	_ =	sdelay $0x2  }
0xb8: {  	s31 =	sshll.u32 s1, $0xD;
	s1 =	sshrl.u32 s1, $0x2  }
0xb9: {  	s3 =	sand.u32 $0x4000, s31;
	s1 =	sadd.s32 s1, s30  }
0xba: {  	s0 =	sor.u32 s3, s0;
	s1 =	sshll.u32 s1, $0x11  }
0xbb: {  	s0 =	sor.u32 s1, s0  }
0xbc: {  	s0 =	sadd.s32 $0x8F2B, s0  }
0xbd: {  	[sflag:s0] =	ssyncadd.remote.s32 $0x1  }
0xbe: {  	_ =	sfence.sel $0xFFFF  }
0xbf: {  	[dreg:$0x0] =	wrdreg $0xFFFFFFFF;
	(pc) =	sbr.abs _section_cstart, $3  }
0xc0: {  	[dreg:$0x1] =	wrdreg $0xFFFFFFFF  }
0xc1: {  	_ =	task.clear_ibuf [dreg:s6], $0x2FFFF;
	_ =	strace $0x9FFFFFFF  }
0xc2: {  	(tm) =	ssettm $0x7FFFFFFF  }
0xc3: {  	_ =	shalt  }
tec
execute0_lowered:
.L_overlay_start_1:
0x0: {  	(tag) =	ssettag $0x1  }
0x1: {  	s4 =	rddreg [dreg:$0x0]  }
0x2: {  	s0 =	stileid.u32;
	s1 =	srdreg.scid  }
0x3: {  	s2 =	rddreg [dreg:$0x1];
	s3 =	simm.s32 $0x0;
	s5 =	smul.u32 $0x4E2, s0  }
0x4: {  	s6 =	sand.u32 $0x1, s1;
	s1 =	rddreg [dreg:$0x2];
	s10 =	smul.u32 $0x14000, s0  }
0x5: {  	s18 =	simm.s32 $0x140A0;
	[smem:$0x7FF] =	sst s3;
	s7 =	smul.u32 $0x28000, s6  }
0x6: {  	s6 =	ssub.s32 $0x2, s6;
	_ =	strace $0x80000050;
	s12 =	sadd.s32 s5, s4  }
0x7: {  	s31 =	sshrl.u32 s6, $0x1;
	s14 =	sadd.s32 $0x4000, s10;
	s15 =	sadd.s32 $0x8000, s10  }
0x8: {  	s16 =	sadd.s32 $0xC000, s10;
	s17 =	sadd.s32 $0x10000, s10;
	s19 =	sshrl.u32 s10, $0x3  }
0x9: {  	s11 =	sadd.s32 s7, s4;
	s13 =	ssub.s32 s6, s31;
	s4 =	sadd.s32 s10, s2  }
0xa: {  	s5 =	sadd.s32 s14, s2;
	s6 =	sadd.s32 s15, s2;
	s7 =	sadd.s32 s16, s2  }
0xb: {  	s8 =	sadd.s32 s17, s2;
	s20 =	sshrl.u32 s14, $0x3;
	s21 =	sshrl.u32 s15, $0x3  }
0xc: {  	s22 =	sshrl.u32 s16, $0x3;
	s24 =	sshrl.u32 s17, $0x3;
	s14 =	simm.s32 $0x1  }
0xd: {  	s15 =	simm.s32 $0x14000;
	s16 =	simm.s32 $0x14050;
	s17 =	simm.s32 $0x50  }
0xe: {  	s9 =	sadd.s32 $0x5DE00, s11;
	s23 =	sadd.s32 $0xFDE00, s11;
	s10 =	smax.u32 s13, $0x1  }
0xf: {  	s11 =	sadd.s32 $0x3E00, s12;
	s12 =	sadd.s32 $0x8E00, s12;
	s13 =	simm.s32 $0x168A0  }
0x10: {  	s19 =	sadd.s32 s19, s23;
	s20 =	sadd.s32 s20, s23;
	s21 =	sadd.s32 s21, s23  }
0x11: {  	v0 =	vimm.f32 $0.0e+00;
	s22 =	sadd.s32 s22, s23;
	s23 =	sadd.s32 s24, s23;
	s24 =	simm.s32 $0x0  }
.LBB2_1:
0x12: {  	s25 =	simm.s32 $0x0;
	s26 =	simm.s32 $0x200  }
.LBB2_2:
0x13: {  	p0 =	sne.s32 s26, $0xFE00;
	[tilespmem:s25+$0x16910] =	vst v0  }
0x14: {  	[tilespmem:s25+$0x168A0] =	vst v0  }
0x15: {  	[tilespmem:s25+$0x168B0] =	vst v0  }
.Ltmp0:
0x16: {  	[tilespmem:s25+$0x168C0] =	vst v0;
	(pc) =	sbr.rel @p0 .LBB2_2-.Ltmp0, $4  }
0x17: {  	[tilespmem:s25+$0x168D0] =	vst v0  }
0x18: {  	[tilespmem:s25+$0x168E0] =	vst v0  }
0x19: {  	[tilespmem:s25+$0x168F0] =	vst v0  }
0x1a: {  	[tilespmem:s25+$0x16900] =	vst v0;
	s25 =	sshra.s32 s26, $0x2;
	s26 =	sadd.s32 $0x200, s26  }
0x1b: {  	[tilespmem:s25+$0x16910] =	vst v0  }
0x1c: {  	[tilespmem:s25+$0x168A0] =	vst v0  }
0x1d: {  	[tilespmem:s25+$0x168B0] =	vst v0  }
0x1e: {  	[tilespmem:s25+$0x168C0] =	vst v0  }
0x1f: {  	[tilespmem:s25+$0x168D0] =	vst v0  }
0x20: {  	[tilespmem:s25+$0x168E0] =	vst v0  }
0x21: {  	[tilespmem:s25+$0x168F0] =	vst v0  }
0x22: {  	[tilespmem:s25+$0x16900] =	vst v0  }
0x23: {  	[spmem:s4] =	stream.linear.scatter [tilespmem:s13], [sflag:$0x1], $0x4000, $0x38;
	[tilespmem:$0x1A8A0] =	vst v63  }
0x24: {  	_ =	swait.ge [sflag:s14], $0x4000  }
0x25: {  	[sflag:s14] =	ssyncset.done $0x0  }
0x26: {  	[sflag:s14] =	ssyncadd.s32 $0xFFFFC000  }
0x27: {  	[spmem:s5] =	stream.linear.scatter [tilespmem:s13], [sflag:$0x1], $0x4000, $0x38;
	[tilespmem:$0x1A8A0] =	vst v63  }
0x28: {  	_ =	swait.ge [sflag:s14], $0x4000  }
0x29: {  	[sflag:s14] =	ssyncset.done $0x0  }
0x2a: {  	[sflag:s14] =	ssyncadd.s32 $0xFFFFC000  }
0x2b: {  	[spmem:s6] =	stream.linear.scatter [tilespmem:s13], [sflag:$0x1], $0x4000, $0x38;
	[tilespmem:$0x1A8A0] =	vst v63  }
0x2c: {  	_ =	swait.ge [sflag:s14], $0x4000  }
0x2d: {  	[sflag:s14] =	ssyncset.done $0x0  }
0x2e: {  	[sflag:s14] =	ssyncadd.s32 $0xFFFFC000  }
0x2f: {  	[spmem:s7] =	stream.linear.scatter [tilespmem:s13], [sflag:$0x1], $0x4000, $0x38;
	[tilespmem:$0x1A8A0] =	vst v63  }
0x30: {  	_ =	swait.ge [sflag:s14], $0x4000  }
0x31: {  	[sflag:s14] =	ssyncset.done $0x0  }
0x32: {  	[sflag:s14] =	ssyncadd.s32 $0xFFFFC000  }
0x33: {  	[spmem:s8] =	stream.linear.scatter [tilespmem:s13], [sflag:$0x1], $0x4000, $0x38;
	[tilespmem:$0x1A8A0] =	vst v63  }
0x34: {  	_ =	swait.ge [sflag:s14], $0x4000  }
0x35: {  	[sflag:s14] =	ssyncset.done $0x0  }
0x36: {  	[sflag:s14] =	ssyncadd.s32 $0xFFFFC000  }
0x37: {  	s30 =	sadd.s32 $0x0, s12;
	[bflag:$0x0] =	sbarrier.arrive $0xFFFF  }
0x38: {  	[tilespmem:s15], [sflag:$0x1] =	stream.linear.gather [hbm4b:s30+s3], $0x50, $0x38;
	[tilespmem:$0x1A8A0] =	vst v63  }
0x39: {  	_ =	swait.ge [sflag:s14], $0x50  }
0x3a: {  	[sflag:s14] =	ssyncset.done $0x0  }
0x3b: {  	s31 =	sadd.s32 $0x0, s11;
	[sflag:s14] =	ssyncadd.s32 $0xFFFFFFB0  }
0x3c: {  	[tilespmem:s16], [sflag:$0x1] =	stream.linear.gather [hbm4b:s31+s3], $0x50, $0x38;
	[tilespmem:$0x1A8A0] =	vst v63  }
0x3d: {  	_ =	swait.ge [sflag:s14], $0x50  }
0x3e: {  	[sflag:s14] =	ssyncset.done $0x0  }
0x3f: {  	[sflag:s14] =	ssyncadd.s32 $0xFFFFFFB0  }
0x40: {  	[tilespmem:s18], [sflag:$0x1] =	stream.indirect.gather [hbm4b:s9+s17], $0x80, s15, s17, $0xb8;
	[tilespmem:$0x1A8A0] =	vst v63  }
0x41: {  	_ =	swait.ge [sflag:s14], $0x2800  }
0x42: {  	[sflag:s14] =	ssyncset.done $0x0  }
0x43: {  	[sflag:s14] =	ssyncadd.s32 $0xFFFFD800  }
0x44: {  	[spmem:s2] =	stream.indirect.scatter.add.f32 [tilespmem:s18], [sflag:$0x1], $0x80, s16, s17, $0xb8;
	[tilespmem:$0x1A8A0] =	vst v63  }
0x45: {  	_ =	swait.ge [sflag:s14], $0x2800  }
0x46: {  	s25 =	simm.s32 $0xA;
	s26 =	simm.s32 $0x14;
	[sflag:s14] =	ssyncset.done $0x0  }
.LBB2_4:
0x47: {  	s28 =	sadd.s32 s25, s12  }
0x48: {  	[sflag:s14] =	ssyncadd.s32 $0xFFFFD800;
	s29 =	smov.u32 s26;
	s30 =	sadd.s32 $0xA, s26  }
0x49: {  	[tilespmem:s15], [sflag:$0x1] =	stream.linear.gather [hbm4b:s28+s3], $0x50, $0x38;
	[tilespmem:$0x1A8A0] =	vst v63  }
0x4a: {  	p0 =	sne.s32 s26, $0x4D8;
	_ =	swait.ge [sflag:s14], $0x50  }
0x4b: {  	[sflag:s14] =	ssyncset.done $0x0  }
0x4c: {  	s26 =	sadd.s32 s25, s11;
	s25 =	smov.u32 s29;
	[sflag:s14] =	ssyncadd.s32 $0xFFFFFFB0  }
0x4d: {  	[tilespmem:s16], [sflag:$0x1] =	stream.linear.gather [hbm4b:s26+s3], $0x50, $0x38;
	[tilespmem:$0x1A8A0] =	vst v63  }
0x4e: {  	_ =	swait.ge [sflag:s14], $0x50  }
0x4f: {  	[sflag:s14] =	ssyncset.done $0x0  }
0x50: {  	[sflag:s14] =	ssyncadd.s32 $0xFFFFFFB0  }
0x51: {  	[tilespmem:s18], [sflag:$0x1] =	stream.indirect.gather [hbm4b:s9+s17], $0x80, s15, s17, $0xb8;
	[tilespmem:$0x1A8A0] =	vst v63  }
0x52: {  	_ =	swait.ge [sflag:s14], $0x2800  }
.Ltmp1:
0x53: {  	[sflag:s14] =	ssyncset.done $0x0;
	(pc) =	sbr.rel @p0 .LBB2_4-.Ltmp1, $4  }
0x54: {  	[sflag:s14] =	ssyncadd.s32 $0xFFFFD800  }
0x55: {  	[spmem:s2] =	stream.indirect.scatter.add.f32 [tilespmem:s18], [sflag:$0x1], $0x80, s16, s17, $0xb8;
	[tilespmem:$0x1A8A0] =	vst v63  }
0x56: {  	_ =	swait.ge [sflag:s14], $0x2800  }
0x57: {  	s26 =	smov.u32 s30;
	[sflag:s14] =	ssyncset.done $0x0  }
0x58: {  	s26 =	sadd.s32 s25, s12;
	[sflag:s14] =	ssyncadd.s32 $0xFFFFD800  }
0x59: {  	[tilespmem:s15], [sflag:$0x1] =	stream.linear.gather [hbm4b:s26+s3], $0x50, $0x38;
	[tilespmem:$0x1A8A0] =	vst v63  }
0x5a: {  	_ =	swait.ge [sflag:s14], $0x50  }
0x5b: {  	[sflag:s14] =	ssyncset.done $0x0  }
0x5c: {  	s31 =	sadd.s32 s25, s11;
	[sflag:s14] =	ssyncadd.s32 $0xFFFFFFB0  }
0x5d: {  	[tilespmem:s16], [sflag:$0x1] =	stream.linear.gather [hbm4b:s31+s3], $0x50, $0x38;
	[tilespmem:$0x1A8A0] =	vst v63  }
0x5e: {  	_ =	swait.ge [sflag:s14], $0x50  }
0x5f: {  	[sflag:s14] =	ssyncset.done $0x0  }
0x60: {  	[sflag:s14] =	ssyncadd.s32 $0xFFFFFFB0  }
0x61: {  	[tilespmem:s18], [sflag:$0x1] =	stream.indirect.gather [hbm4b:s9+s17], $0x80, s15, s17, $0xb8;
	[tilespmem:$0x1A8A0] =	vst v63  }
0x62: {  	_ =	swait.ge [sflag:s14], $0x2800  }
0x63: {  	[sflag:s14] =	ssyncset.done $0x0  }
0x64: {  	[sflag:s14] =	ssyncadd.s32 $0xFFFFD800  }
0x65: {  	[spmem:s2] =	stream.indirect.scatter.add.f32 [tilespmem:s18], [sflag:$0x1], $0x80, s16, s17, $0xb8;
	[tilespmem:$0x1A8A0] =	vst v63  }
0x66: {  	_ =	swait.ge [sflag:s14], $0x2800  }
0x67: {  	[sflag:s14] =	ssyncset.done $0x0  }
0x68: {  	[sflag:s14] =	ssyncadd.s32 $0xFFFFD800  }
0x69: {  	[bflag:$0x0] =	sbarrier.arrive $0xFFFF  }
0x6a: {  	[tilespmem:s13], [sflag:$0x1] =	stream.linear.gather [spmem:s4], $0x4000, $0x38;
	[tilespmem:$0x1A8A0] =	vst v63  }
0x6b: {  	_ =	swait.ge [sflag:s14], $0x4000  }
0x6c: {  	[sflag:s14] =	ssyncset.done $0x0  }
0x6d: {  	[sflag:s14] =	ssyncadd.s32 $0xFFFFC000  }
0x6e: {  	[hbm4b:s19+s3] =	stream.linear.scatter [tilespmem:s13], [sflag:$0x1], $0x4000, $0x38;
	[tilespmem:$0x1A8A0] =	vst v63  }
0x6f: {  	_ =	swait.ge [sflag:s14], $0x4000  }
0x70: {  	[sflag:s14] =	ssyncset.done $0x0  }
0x71: {  	[sflag:s14] =	ssyncadd.s32 $0xFFFFC000  }
0x72: {  	[tilespmem:s13], [sflag:$0x1] =	stream.linear.gather [spmem:s5], $0x4000, $0x38;
	[tilespmem:$0x1A8A0] =	vst v63  }
0x73: {  	_ =	swait.ge [sflag:s14], $0x4000  }
0x74: {  	[sflag:s14] =	ssyncset.done $0x0  }
0x75: {  	[sflag:s14] =	ssyncadd.s32 $0xFFFFC000  }
0x76: {  	[hbm4b:s20+s3] =	stream.linear.scatter [tilespmem:s13], [sflag:$0x1], $0x4000, $0x38;
	[tilespmem:$0x1A8A0] =	vst v63  }
0x77: {  	_ =	swait.ge [sflag:s14], $0x4000  }
0x78: {  	[sflag:s14] =	ssyncset.done $0x0  }
0x79: {  	[sflag:s14] =	ssyncadd.s32 $0xFFFFC000  }
0x7a: {  	[tilespmem:s13], [sflag:$0x1] =	stream.linear.gather [spmem:s6], $0x4000, $0x38;
	[tilespmem:$0x1A8A0] =	vst v63  }
0x7b: {  	_ =	swait.ge [sflag:s14], $0x4000  }
0x7c: {  	[sflag:s14] =	ssyncset.done $0x0  }
0x7d: {  	[sflag:s14] =	ssyncadd.s32 $0xFFFFC000  }
0x7e: {  	[hbm4b:s21+s3] =	stream.linear.scatter [tilespmem:s13], [sflag:$0x1], $0x4000, $0x38;
	[tilespmem:$0x1A8A0] =	vst v63  }
0x7f: {  	_ =	swait.ge [sflag:s14], $0x4000  }
0x80: {  	[sflag:s14] =	ssyncset.done $0x0  }
0x81: {  	[sflag:s14] =	ssyncadd.s32 $0xFFFFC000  }
0x82: {  	[tilespmem:s13], [sflag:$0x1] =	stream.linear.gather [spmem:s7], $0x4000, $0x38;
	[tilespmem:$0x1A8A0] =	vst v63  }
0x83: {  	_ =	swait.ge [sflag:s14], $0x4000  }
0x84: {  	[sflag:s14] =	ssyncset.done $0x0  }
0x85: {  	[sflag:s14] =	ssyncadd.s32 $0xFFFFC000  }
0x86: {  	[hbm4b:s22+s3] =	stream.linear.scatter [tilespmem:s13], [sflag:$0x1], $0x4000, $0x38;
	[tilespmem:$0x1A8A0] =	vst v63  }
0x87: {  	_ =	swait.ge [sflag:s14], $0x4000  }
0x88: {  	[sflag:s14] =	ssyncset.done $0x0  }
0x89: {  	[sflag:s14] =	ssyncadd.s32 $0xFFFFC000  }
0x8a: {  	[tilespmem:s13], [sflag:$0x1] =	stream.linear.gather [spmem:s8], $0x4000, $0x38;
	[tilespmem:$0x1A8A0] =	vst v63  }
0x8b: {  	s24 =	sadd.s32 $0x1, s24;
	_ =	swait.ge [sflag:s14], $0x4000  }
0x8c: {  	p0 =	sne.s32 s24, s10;
	[sflag:s14] =	ssyncset.done $0x0  }
.Ltmp2:
0x8d: {  	[sflag:s14] =	ssyncadd.s32 $0xFFFFC000;
	(pc) =	sbr.rel @p0 .LBB2_1-.Ltmp2, $4  }
0x8e: {  	[hbm4b:s23+s3] =	stream.linear.scatter [tilespmem:s13], [sflag:$0x1], $0x4000, $0x38;
	[tilespmem:$0x1A8A0] =	vst v63  }
0x8f: {  	_ =	swait.ge [sflag:s14], $0x4000  }
0x90: {  	[sflag:s14] =	ssyncset.done $0x0  }
0x91: {  	[sflag:s14] =	ssyncadd.s32 $0xFFFFC000  }
0x92: {  	_ =	sfence.sel $0x180000  }
0x93: {  	[bflag:$0x0] =	sbarrier.arrive $0xFFFF  }
0x94: {  	p0 =	sne.s32 s0, $0x0;
	_ =	strace $0x90000050  }
0x95: {  	s0 =	sadd.s32 @!p0 $0x100000, s1;
	[bflag:$0x2] =	sbarrier.arrive $0xFFFF  }
0x96: {  	[sflag:s0] =	ssyncadd.tile.s32 @!p0 $0x1;
	_ =	shalt  }
.Lfunc_end2:
_tile_overlayer_lowered:
.L_overlay_start_2:
0x97: {  	(tag) =	ssettag $0x2  }
0x98: {  	s0 =	rddreg [dreg:$0x0];
	s2 =	stileid.u32  }
0x99: {  	s1 =	rddreg [dreg:$0x1];
	p0 =	sne.s32 s2, $0x0  }
0x9a: {  	s3 =	rddreg [dreg:$0x2];
	[bflag:$0x3] =	sbarrier.arrive $0xFFFF;
	s2 =	simm.s32 @!p0 $0x1C01  }
0x9b: {  	[timem:s3], [sflag:s2] =	dma.local @!p0 [hbm:s0], s1  }
0x9c: {  	s0 =	simm.s32 @!p0 $0x1  }
0x9d: {  	_ =	swait.ge @!p0 [sflag:s0], s1  }
0x9e: {  	s1 =	ssub.s32 @!p0 $0x0, s1;
	[sflag:s0] =	ssyncset.done @!p0 $0x0  }
0x9f: {  	[sflag:s0] =	ssyncadd.s32 @!p0 s1  }
0xa0: {  	[bflag:$0x3] =	sbarrier.arrive $0xFFFF  }
0xa1: {  	_ =	shalt  }

// kernel: kernel.26.cloned.1.call-start
scs
__scs_entry_jumppad:
0x0: {  	(pc) =	sbr.rel $0x88, $3  }
0x1: {  	(tag) =	ssettag $0x0;
	lr =	simm.s32 $0x1  }
0x2: {  	[smem:$0x3F96] =	sst lr;
	_ =	strace $0xD0000000  }
0x3: {  	_ = 	snop  }
0x4: {  	_ = 	snop  }
0x5: {  	_ = 	snop  }
0x6: {  	_ = 	snop  }
0x7: {  	_ = 	snop  }
__scs_overlays_trampoline_lowered:
0x8: {  	[smem:$0x3FA5] =	sst s0  }
0x9: {  	[smem:$0x3FA6] =	sst s1  }
0xa: {  	[smem:$0x3FA7] =	sst s2  }
0xb: {  	[smem:$0x3FA8] =	sst s3  }
0xc: {  	[smem:$0x3FA9] =	sst s4  }
0xd: {  	[smem:$0x3FAA] =	sst s5  }
0xe: {  	[smem:$0x3FAB] =	sst s6  }
0xf: {  	[smem:$0x3FAC] =	sst s7  }
0x10: {  	[smem:$0x3FAD] =	sst s8  }
0x11: {  	[smem:$0x3FAE] =	sst s9;
	s0 =	simm.s32 @!p0 $0x0  }
0x12: {  	s1 =	sld [smem:$0x3F94];
	s0 =	simm.s32 @p0 $0x1  }
0x13: {  	[smem:$0x3FAF] =	sst s0;
	s0 =	simm.s32 @!p1 $0x0  }
0x14: {  	s2 =	sld [smem:$0x3F93];
	s0 =	simm.s32 @p1 $0x1  }
0x15: {  	[smem:$0x3FB0] =	sst s0;
	s0 =	simm.s32 @!p2 $0x0  }
0x16: {  	s3 =	sld [smem:$0x3FDB];
	s0 =	simm.s32 @p2 $0x1  }
0x17: {  	s4 =	simm.s32 $0x1BF5;
	[smem:$0x3FB2] =	sst s0  }
0x18: {  	s0 =	sld [smem:$0x3F95];
	_ =	swait.ge [sflag:s4], $0x0  }
0x19: {  	s7 =	sld [smem:$0x3F96]  }
0x1a: {  	s8 =	sadd.s32 $0xFFFFE003, lr  }
0x1b: {  	s9 =	sadd.s32 $0xFFFFFEF7, lr;
	s5 =	simm.s32 $0xFFFFFFFF;
	p2 =	slt.u32 s8, $0xFFFFF086  }
0x1c: {  	p1 =	slt.u32 s9, $0xF7A;
	s5 =	simm.s32 @!p2 $0x0  }
0x1d: {  	s5 =	simm.s32 @p1 $0x1;
	p0 =	seq.s32 s7, s2  }
0x1e: {  	s7 =	smul.u32 @!p0 $0xF7A, s2;
	p2 =	seq.s32 @!p0 s5, $0x0  }
0x1f: {  	s9 =	smul.u32 $0xF7A, s1;
	s8 =	simm.s32 @!p0 $0x1BF5;
	p2 =	por !p2, p0  }
0x20: {  	[sflag:s8] =	ssyncset.s32 @!p0 $0xFFFFF086;
	s6 =	sadd.s32 @!p0 s3, s7;
	s7 =	simm.s32 @!p0 $0x108  }
0x21: {  	s3 =	sadd.s32 s3, s9;
	s6 =	sadd.s32 @!p0 $0x88, s6;
	s7 =	simm.s32 @p2 $0x1082  }
0x22: {  	[simem:s7], [sflag:s8] =	dma.local @!p0 [hbm:s6], $0xF7A  }
0x23: {  	s9 =	sor.u32 $0xD0000000, s2;
	s6 =	simm.s32 $0x108;
	_ =	swait.ge @!p0 [sflag:s8], $0x0  }
0x24: {  	s3 =	sadd.s32 $0x88, s3;
	s6 =	simm.s32 @!p1 $0x1082;
	[sflag:s4] =	ssyncset.s32 $0xFFFFF086  }
0x25: {  	[simem:s6], [sflag:s4] =	dma.local [hbm:s3], $0xF7A  }
0x26: {  	[smem:$0x3F96] =	sst s1;
	(tag) =	ssettag s2;
	_ =	strace s9  }
0x27: {  	s1 =	sld [smem:$0x3FA6]  }
0x28: {  	s2 =	sld [smem:$0x3FA7]  }
0x29: {  	s4 =	sld [smem:$0x3FA9]  }
0x2a: {  	p0 =	seq.s32 s5, $0x0;
	s5 =	sld [smem:$0x3FAA]  }
0x2b: {  	s6 =	sld [smem:$0x3FAB]  }
0x2c: {  	s7 =	sld [smem:$0x3FAC]  }
0x2d: {  	s3 =	simm.s32 $0x108;
	s8 =	sld [smem:$0x3FAD]  }
0x2e: {  	s3 =	simm.s32 @!p0 $0x1082;
	s9 =	sld [smem:$0x3FAE]  }
0x2f: {  	lr =	sadd.s32 s0, s3;
	s0 =	sld [smem:$0x3FA5]  }
0x30: {  	s3 =	sld [smem:$0x3FA8]  }
0x31: {  	[smem:$0x3FB1] =	sst s10  }
0x32: {  	s10 =	sld [smem:$0x3FAF];
	_ =	sdelay $0x3  }
0x33: {  	p0 =	seq.s32 s10, $0x1;
	s10 =	sld [smem:$0x3FB1];
	_ =	sdelay $0x3  }
0x34: {  	[smem:$0x3FB1] =	sst s10  }
0x35: {  	s10 =	sld [smem:$0x3FB0];
	_ =	sdelay $0x3  }
0x36: {  	p1 =	seq.s32 s10, $0x1;
	s10 =	sld [smem:$0x3FB1];
	_ =	sdelay $0x3  }
0x37: {  	[smem:$0x3FB1] =	sst s10  }
0x38: {  	s10 =	sld [smem:$0x3FB2]  }
0x39: {  	_ = 	snop;
	(pc) =	sbr.ind lr, $3  }
0x3a: {  	_ = 	snop  }
0x3b: {  	_ = 	snop  }
0x3c: {  	p2 =	seq.s32 s10, $0x1;
	s10 =	sld [smem:$0x3FB1]  }
0x3d: {  	_ =	shalt  }
0x3e: {  	_ =	shalt  }
0x3f: {  	_ =	shalt  }
0x40: {  	_ =	shalt  }
0x41: {  	_ =	shalt  }
0x42: {  	_ =	shalt  }
0x43: {  	_ =	shalt  }
0x44: {  	_ =	shalt  }
0x45: {  	_ =	shalt  }
0x46: {  	_ =	shalt  }
0x47: {  	_ =	shalt  }
0x48: {  	_ =	shalt  }
0x49: {  	_ =	shalt  }
0x4a: {  	_ =	shalt  }
0x4b: {  	_ =	shalt  }
0x4c: {  	_ =	shalt  }
0x4d: {  	_ =	shalt  }
0x4e: {  	_ =	shalt  }
0x4f: {  	_ =	shalt  }
0x50: {  	_ =	shalt  }
0x51: {  	_ =	shalt  }
0x52: {  	_ =	shalt  }
0x53: {  	_ =	shalt  }
0x54: {  	_ =	shalt  }
0x55: {  	_ =	shalt  }
0x56: {  	_ =	shalt  }
0x57: {  	_ =	shalt  }
0x58: {  	_ =	shalt  }
0x59: {  	_ =	shalt  }
0x5a: {  	_ =	shalt  }
0x5b: {  	_ =	shalt  }
0x5c: {  	_ =	shalt  }
0x5d: {  	_ =	shalt  }
0x5e: {  	_ =	shalt  }
0x5f: {  	_ =	shalt  }
0x60: {  	_ =	shalt  }
0x61: {  	_ =	shalt  }
0x62: {  	_ =	shalt  }
0x63: {  	_ =	shalt  }
0x64: {  	_ =	shalt  }
0x65: {  	_ =	shalt  }
0x66: {  	_ =	shalt  }
0x67: {  	_ =	shalt  }
0x68: {  	_ =	shalt  }
0x69: {  	_ =	shalt  }
0x6a: {  	_ =	shalt  }
0x6b: {  	_ =	shalt  }
0x6c: {  	_ =	shalt  }
0x6d: {  	_ =	shalt  }
0x6e: {  	_ =	shalt  }
0x6f: {  	_ =	shalt  }
0x70: {  	_ =	shalt  }
0x71: {  	_ =	shalt  }
0x72: {  	_ =	shalt  }
0x73: {  	_ =	shalt  }
0x74: {  	_ =	shalt  }
0x75: {  	_ =	shalt  }
0x76: {  	_ =	shalt  }
0x77: {  	_ =	shalt  }
0x78: {  	_ =	shalt  }
0x79: {  	_ =	shalt  }
0x7a: {  	_ =	shalt  }
0x7b: {  	_ =	shalt  }
0x7c: {  	_ =	shalt  }
0x7d: {  	_ =	shalt  }
0x7e: {  	_ =	shalt  }
0x7f: {  	_ =	shalt  }
0x80: {  	_ =	shalt  }
0x81: {  	_ =	shalt  }
0x82: {  	_ =	shalt  }
0x83: {  	_ =	shalt  }
0x84: {  	_ =	shalt  }
0x85: {  	_ =	shalt  }
0x86: {  	_ =	shalt  }
0x87: {  	_ =	shalt  }
.Lfunc_end0:
.L_simem_size_0:
called_computation.4_lowered:
.L_overlay_start_0:
0x88: {  	s2 =	sld [smem:$0x3FD9]  }
0x89: {  	s3 =	sld [smem:$0x3FFE];
	_ =	sdelay $0x1  }
0x8a: {  	s1 =	srdreg.scid  }
0x8b: {  	s0 =	sand.u32 $0x1, s1  }
0x8c: {  	s16 =	sshll.u32 s0, $0xA;
	s2 =	sadd.s32 s3, s2  }
0x8d: {  	s2 =	sadd.s32 s2, s16  }
0x8e: {  	[smem:$0x3FBD] =	sst s2  }
0x8f: {  	_ = 	snop  }
0x90: {  	(tm) =	ssettm $0x1  }
0x91: {  	s17 =	sld [smem:$0x3FFB];
	_ =	sdelay $0x3  }
0x92: {  	_ =	strace s17  }
0x93: {  	s2 =	sld [smem:$0x3FFC];
	_ =	sdelay $0x3  }
0x94: {  	_ =	strace s2  }
0x95: {  	s2 =	sld [smem:$0x3FFD];
	_ =	sdelay $0x3  }
0x96: {  	_ =	strace s2  }
0x97: {  	_ =	strace $0x8FFFFFFF  }
0x98: {  	s18 =	sld [smem:$0x3FDB];
	_ =	sdelay $0x1  }
0x99: {  	s19 =	simm.s32 $_scs_section_size  }
0x9a: {  	s4 =	simm.s32 $_size__tile_overlayer_lowered;
	s5 =	simm.s32 $_tile_overlayer_lowered  }
0x9b: {  	s22 =	simm.s32 $0x1BFF;
	s21 =	sshll.u32 s5, $0x1;
	s2 =	sadd.s32 s19, s18  }
0x9c: {  	s6 =	simm.s32 $0x0;
	s20 =	sshll.u32 s4, $0x1;
	s4 =	sadd.s32 s21, s2  }
0x9d: {  	[timem:s6], [sflag:s22] =	dma.local [hbm:s4], s20  }
0x9e: {  	_ =	swait.ge [sflag:s22], s20  }
0x9f: {  	s3 =	ssub.s32 $0x0, s20;
	[sflag:s22] =	ssyncset.done $0x0  }
0xa0: {  	[sflag:s22] =	ssyncadd.s32 s3;
	_ =	sdelay $0x1  }
0xa1: {  	s23 =	simm.s32 $0x1B8B  }
0xa2: {  	_ =	swait.ge [sflag:s23], $0x1  }
0xa3: {  	[sflag:s23] =	ssyncset.done $0x0  }
0xa4: {  	s25 =	simm.s32 $0x1B8E;
	s24 =	sld [smem:$0x3FFE];
	[sflag:s23] =	ssyncadd.s32 $0xFFFFFFFF  }
0xa5: {  	s26 =	simm.s32 $execute0_lowered;
	[smem:$0x3FD2] =	sst s25  }
0xa6: {  	s4 =	sshll.u32 s26, $0x1;
	_ =	strace $0x80000052;
	[dreg:$0x1] =	wrdreg $0xFFFFFFFF  }
0xa7: {  	s28 =	simm.s32 $_size_execute0_lowered;
	s2 =	sadd.s32 s2, s4;
	[dreg:$0x0] =	wrdreg $0x0  }
0xa8: {  	s4 =	sshll.u32 s28, $0x1;
	[dreg:$0x2] =	wrdreg s2  }
0xa9: {  	[dreg:$0x3] =	wrdreg s4  }
0xaa: {  	[dreg:$0x4] =	wrdreg $0xC0  }
0xab: {  	_ =	task [dreg:s6], $0x5FFFF  }
0xac: {  	[dreg:$0x1] =	wrdreg $0xFFFFFFFF  }
0xad: {  	[dreg:$0x0] =	wrdreg $0x60  }
0xae: {  	[dreg:$0x2] =	wrdreg s24  }
0xaf: {  	[dreg:$0x3] =	wrdreg $0x0  }
0xb0: {  	[dreg:$0x4] =	wrdreg $0x9  }
0xb1: {  	_ =	task.clear_ibuf [dreg:s6], $0x5FFFF;
	_ =	strace $0x90000052  }
0xb2: {  	s29 =	simm.s32 $0x9;
	_ =	strace $0x80000054  }
0xb3: {  	_ =	swait.ge [sflag:s29], $0x1  }
0xb4: {  	[sflag:s29] =	ssyncadd.s32 $0xFFFFFFFF  }
0xb5: {  	_ =	strace $0x90000054  }
0xb6: {  	_ =	sfence  }
0xb7: {  	s30 =	sld [smem:$0x0];
	_ =	sdelay $0x2  }
0xb8: {  	s31 =	sshll.u32 s1, $0xD;
	s1 =	sshrl.u32 s1, $0x2  }
0xb9: {  	s3 =	sand.u32 $0x4000, s31;
	s1 =	sadd.s32 s1, s30  }
0xba: {  	s0 =	sor.u32 s3, s0;
	s1 =	sshll.u32 s1, $0x11  }
0xbb: {  	s0 =	sor.u32 s1, s0  }
0xbc: {  	s0 =	sadd.s32 $0x8F2B, s0  }
0xbd: {  	[sflag:s0] =	ssyncadd.remote.s32 $0x1  }
0xbe: {  	_ =	sfence.sel $0xFFFF  }
0xbf: {  	[dreg:$0x0] =	wrdreg $0xFFFFFFFF;
	(pc) =	sbr.abs _section_cstart, $3  }
0xc0: {  	[dreg:$0x1] =	wrdreg $0xFFFFFFFF  }
0xc1: {  	_ =	task.clear_ibuf [dreg:s6], $0x2FFFF;
	_ =	strace $0x9FFFFFFF  }
0xc2: {  	(tm) =	ssettm $0x7FFFFFFF  }
0xc3: {  	_ =	shalt  }
tec
execute0_lowered:
.L_overlay_start_1:
0x0: {  	(tag) =	ssettag $0x1  }
0x1: {  	s4 =	rddreg [dreg:$0x0]  }
0x2: {  	s0 =	stileid.u32;
	s1 =	srdreg.scid  }
0x3: {  	s2 =	rddreg [dreg:$0x1];
	s3 =	simm.s32 $0x0;
	s5 =	smul.u32 $0x4E2, s0  }
0x4: {  	s6 =	sand.u32 $0x1, s1;
	s1 =	rddreg [dreg:$0x2];
	s10 =	smul.u32 $0x14000, s0  }
0x5: {  	s18 =	simm.s32 $0x140A0;
	[smem:$0x7FF] =	sst s3;
	s7 =	smul.u32 $0x28000, s6  }
0x6: {  	s6 =	ssub.s32 $0x2, s6;
	_ =	strace $0x80000053;
	s12 =	sadd.s32 s5, s4  }
0x7: {  	s31 =	sshrl.u32 s6, $0x1;
	s14 =	sadd.s32 $0x4000, s10;
	s15 =	sadd.s32 $0x8000, s10  }
0x8: {  	s16 =	sadd.s32 $0xC000, s10;
	s17 =	sadd.s32 $0x10000, s10;
	s19 =	sshrl.u32 s10, $0x3  }
0x9: {  	s11 =	sadd.s32 s7, s4;
	s13 =	ssub.s32 s6, s31;
	s4 =	sadd.s32 s10, s2  }
0xa: {  	s5 =	sadd.s32 s14, s2;
	s6 =	sadd.s32 s15, s2;
	s7 =	sadd.s32 s16, s2  }
0xb: {  	s8 =	sadd.s32 s17, s2;
	s20 =	sshrl.u32 s14, $0x3;
	s21 =	sshrl.u32 s15, $0x3  }
0xc: {  	s22 =	sshrl.u32 s16, $0x3;
	s24 =	sshrl.u32 s17, $0x3;
	s14 =	simm.s32 $0x1  }
0xd: {  	s15 =	simm.s32 $0x14000;
	s16 =	simm.s32 $0x14050;
	s17 =	simm.s32 $0x50  }
0xe: {  	s9 =	sadd.s32 $0xDE00, s11;
	s23 =	sadd.s32 $0x5DE00, s11;
	s10 =	smax.u32 s13, $0x1  }
0xf: {  	s11 =	sadd.s32 $0x3E00, s12;
	s12 =	sadd.s32 $0x8E00, s12;
	s13 =	simm.s32 $0x168A0  }
0x10: {  	s19 =	sadd.s32 s19, s23;
	s20 =	sadd.s32 s20, s23;
	s21 =	sadd.s32 s21, s23  }
0x11: {  	v0 =	vimm.f32 $0.0e+00;
	s22 =	sadd.s32 s22, s23;
	s23 =	sadd.s32 s24, s23;
	s24 =	simm.s32 $0x0  }
.LBB2_1:
0x12: {  	s25 =	simm.s32 $0x0;
	s26 =	simm.s32 $0x200  }
.LBB2_2:
0x13: {  	p0 =	sne.s32 s26, $0xFE00;
	[tilespmem:s25+$0x16910] =	vst v0  }
0x14: {  	[tilespmem:s25+$0x168A0] =	vst v0  }
0x15: {  	[tilespmem:s25+$0x168B0] =	vst v0  }
.Ltmp0:
0x16: {  	[tilespmem:s25+$0x168C0] =	vst v0;
	(pc) =	sbr.rel @p0 .LBB2_2-.Ltmp0, $4  }
0x17: {  	[tilespmem:s25+$0x168D0] =	vst v0  }
0x18: {  	[tilespmem:s25+$0x168E0] =	vst v0  }
0x19: {  	[tilespmem:s25+$0x168F0] =	vst v0  }
0x1a: {  	[tilespmem:s25+$0x16900] =	vst v0;
	s25 =	sshra.s32 s26, $0x2;
	s26 =	sadd.s32 $0x200, s26  }
0x1b: {  	[tilespmem:s25+$0x16910] =	vst v0  }
0x1c: {  	[tilespmem:s25+$0x168A0] =	vst v0  }
0x1d: {  	[tilespmem:s25+$0x168B0] =	vst v0  }
0x1e: {  	[tilespmem:s25+$0x168C0] =	vst v0  }
0x1f: {  	[tilespmem:s25+$0x168D0] =	vst v0  }
0x20: {  	[tilespmem:s25+$0x168E0] =	vst v0  }
0x21: {  	[tilespmem:s25+$0x168F0] =	vst v0  }
0x22: {  	[tilespmem:s25+$0x16900] =	vst v0  }
0x23: {  	[spmem:s4] =	stream.linear.scatter [tilespmem:s13], [sflag:$0x1], $0x4000, $0x38;
	[tilespmem:$0x1A8A0] =	vst v63  }
0x24: {  	_ =	swait.ge [sflag:s14], $0x4000  }
0x25: {  	[sflag:s14] =	ssyncset.done $0x0  }
0x26: {  	[sflag:s14] =	ssyncadd.s32 $0xFFFFC000  }
0x27: {  	[spmem:s5] =	stream.linear.scatter [tilespmem:s13], [sflag:$0x1], $0x4000, $0x38;
	[tilespmem:$0x1A8A0] =	vst v63  }
0x28: {  	_ =	swait.ge [sflag:s14], $0x4000  }
0x29: {  	[sflag:s14] =	ssyncset.done $0x0  }
0x2a: {  	[sflag:s14] =	ssyncadd.s32 $0xFFFFC000  }
0x2b: {  	[spmem:s6] =	stream.linear.scatter [tilespmem:s13], [sflag:$0x1], $0x4000, $0x38;
	[tilespmem:$0x1A8A0] =	vst v63  }
0x2c: {  	_ =	swait.ge [sflag:s14], $0x4000  }
0x2d: {  	[sflag:s14] =	ssyncset.done $0x0  }
0x2e: {  	[sflag:s14] =	ssyncadd.s32 $0xFFFFC000  }
0x2f: {  	[spmem:s7] =	stream.linear.scatter [tilespmem:s13], [sflag:$0x1], $0x4000, $0x38;
	[tilespmem:$0x1A8A0] =	vst v63  }
0x30: {  	_ =	swait.ge [sflag:s14], $0x4000  }
0x31: {  	[sflag:s14] =	ssyncset.done $0x0  }
0x32: {  	[sflag:s14] =	ssyncadd.s32 $0xFFFFC000  }
0x33: {  	[spmem:s8] =	stream.linear.scatter [tilespmem:s13], [sflag:$0x1], $0x4000, $0x38;
	[tilespmem:$0x1A8A0] =	vst v63  }
0x34: {  	_ =	swait.ge [sflag:s14], $0x4000  }
0x35: {  	[sflag:s14] =	ssyncset.done $0x0  }
0x36: {  	[sflag:s14] =	ssyncadd.s32 $0xFFFFC000  }
0x37: {  	s30 =	sadd.s32 $0x0, s12;
	[bflag:$0x0] =	sbarrier.arrive $0xFFFF  }
0x38: {  	[tilespmem:s15], [sflag:$0x1] =	stream.linear.gather [hbm4b:s30+s3], $0x50, $0x38;
	[tilespmem:$0x1A8A0] =	vst v63  }
0x39: {  	_ =	swait.ge [sflag:s14], $0x50  }
0x3a: {  	[sflag:s14] =	ssyncset.done $0x0  }
0x3b: {  	s31 =	sadd.s32 $0x0, s11;
	[sflag:s14] =	ssyncadd.s32 $0xFFFFFFB0  }
0x3c: {  	[tilespmem:s16], [sflag:$0x1] =	stream.linear.gather [hbm4b:s31+s3], $0x50, $0x38;
	[tilespmem:$0x1A8A0] =	vst v63  }
0x3d: {  	_ =	swait.ge [sflag:s14], $0x50  }
0x3e: {  	[sflag:s14] =	ssyncset.done $0x0  }
0x3f: {  	[sflag:s14] =	ssyncadd.s32 $0xFFFFFFB0  }
0x40: {  	[tilespmem:s18], [sflag:$0x1] =	stream.indirect.gather [hbm4b:s9+s17], $0x80, s15, s17, $0xb8;
	[tilespmem:$0x1A8A0] =	vst v63  }
0x41: {  	_ =	swait.ge [sflag:s14], $0x2800  }
0x42: {  	[sflag:s14] =	ssyncset.done $0x0  }
0x43: {  	[sflag:s14] =	ssyncadd.s32 $0xFFFFD800  }
0x44: {  	[spmem:s2] =	stream.indirect.scatter.add.f32 [tilespmem:s18], [sflag:$0x1], $0x80, s16, s17, $0xb8;
	[tilespmem:$0x1A8A0] =	vst v63  }
0x45: {  	_ =	swait.ge [sflag:s14], $0x2800  }
0x46: {  	s25 =	simm.s32 $0xA;
	s26 =	simm.s32 $0x14;
	[sflag:s14] =	ssyncset.done $0x0  }
.LBB2_4:
0x47: {  	s28 =	sadd.s32 s25, s12  }
0x48: {  	[sflag:s14] =	ssyncadd.s32 $0xFFFFD800;
	s29 =	smov.u32 s26;
	s30 =	sadd.s32 $0xA, s26  }
0x49: {  	[tilespmem:s15], [sflag:$0x1] =	stream.linear.gather [hbm4b:s28+s3], $0x50, $0x38;
	[tilespmem:$0x1A8A0] =	vst v63  }
0x4a: {  	p0 =	sne.s32 s26, $0x4D8;
	_ =	swait.ge [sflag:s14], $0x50  }
0x4b: {  	[sflag:s14] =	ssyncset.done $0x0  }
0x4c: {  	s26 =	sadd.s32 s25, s11;
	s25 =	smov.u32 s29;
	[sflag:s14] =	ssyncadd.s32 $0xFFFFFFB0  }
0x4d: {  	[tilespmem:s16], [sflag:$0x1] =	stream.linear.gather [hbm4b:s26+s3], $0x50, $0x38;
	[tilespmem:$0x1A8A0] =	vst v63  }
0x4e: {  	_ =	swait.ge [sflag:s14], $0x50  }
0x4f: {  	[sflag:s14] =	ssyncset.done $0x0  }
0x50: {  	[sflag:s14] =	ssyncadd.s32 $0xFFFFFFB0  }
0x51: {  	[tilespmem:s18], [sflag:$0x1] =	stream.indirect.gather [hbm4b:s9+s17], $0x80, s15, s17, $0xb8;
	[tilespmem:$0x1A8A0] =	vst v63  }
0x52: {  	_ =	swait.ge [sflag:s14], $0x2800  }
.Ltmp1:
0x53: {  	[sflag:s14] =	ssyncset.done $0x0;
	(pc) =	sbr.rel @p0 .LBB2_4-.Ltmp1, $4  }
0x54: {  	[sflag:s14] =	ssyncadd.s32 $0xFFFFD800  }
0x55: {  	[spmem:s2] =	stream.indirect.scatter.add.f32 [tilespmem:s18], [sflag:$0x1], $0x80, s16, s17, $0xb8;
	[tilespmem:$0x1A8A0] =	vst v63  }
0x56: {  	_ =	swait.ge [sflag:s14], $0x2800  }
0x57: {  	s26 =	smov.u32 s30;
	[sflag:s14] =	ssyncset.done $0x0  }
0x58: {  	s26 =	sadd.s32 s25, s12;
	[sflag:s14] =	ssyncadd.s32 $0xFFFFD800  }
0x59: {  	[tilespmem:s15], [sflag:$0x1] =	stream.linear.gather [hbm4b:s26+s3], $0x50, $0x38;
	[tilespmem:$0x1A8A0] =	vst v63  }
0x5a: {  	_ =	swait.ge [sflag:s14], $0x50  }
0x5b: {  	[sflag:s14] =	ssyncset.done $0x0  }
0x5c: {  	s31 =	sadd.s32 s25, s11;
	[sflag:s14] =	ssyncadd.s32 $0xFFFFFFB0  }
0x5d: {  	[tilespmem:s16], [sflag:$0x1] =	stream.linear.gather [hbm4b:s31+s3], $0x50, $0x38;
	[tilespmem:$0x1A8A0] =	vst v63  }
0x5e: {  	_ =	swait.ge [sflag:s14], $0x50  }
0x5f: {  	[sflag:s14] =	ssyncset.done $0x0  }
0x60: {  	[sflag:s14] =	ssyncadd.s32 $0xFFFFFFB0  }
0x61: {  	[tilespmem:s18], [sflag:$0x1] =	stream.indirect.gather [hbm4b:s9+s17], $0x80, s15, s17, $0xb8;
	[tilespmem:$0x1A8A0] =	vst v63  }
0x62: {  	_ =	swait.ge [sflag:s14], $0x2800  }
0x63: {  	[sflag:s14] =	ssyncset.done $0x0  }
0x64: {  	[sflag:s14] =	ssyncadd.s32 $0xFFFFD800  }
0x65: {  	[spmem:s2] =	stream.indirect.scatter.add.f32 [tilespmem:s18], [sflag:$0x1], $0x80, s16, s17, $0xb8;
	[tilespmem:$0x1A8A0] =	vst v63  }
0x66: {  	_ =	swait.ge [sflag:s14], $0x2800  }
0x67: {  	[sflag:s14] =	ssyncset.done $0x0  }
0x68: {  	[sflag:s14] =	ssyncadd.s32 $0xFFFFD800  }
0x69: {  	[bflag:$0x0] =	sbarrier.arrive $0xFFFF  }
0x6a: {  	[tilespmem:s13], [sflag:$0x1] =	stream.linear.gather [spmem:s4], $0x4000, $0x38;
	[tilespmem:$0x1A8A0] =	vst v63  }
0x6b: {  	_ =	swait.ge [sflag:s14], $0x4000  }
0x6c: {  	[sflag:s14] =	ssyncset.done $0x0  }
0x6d: {  	[sflag:s14] =	ssyncadd.s32 $0xFFFFC000  }
0x6e: {  	[hbm4b:s19+s3] =	stream.linear.scatter [tilespmem:s13], [sflag:$0x1], $0x4000, $0x38;
	[tilespmem:$0x1A8A0] =	vst v63  }
0x6f: {  	_ =	swait.ge [sflag:s14], $0x4000  }
0x70: {  	[sflag:s14] =	ssyncset.done $0x0  }
0x71: {  	[sflag:s14] =	ssyncadd.s32 $0xFFFFC000  }
0x72: {  	[tilespmem:s13], [sflag:$0x1] =	stream.linear.gather [spmem:s5], $0x4000, $0x38;
	[tilespmem:$0x1A8A0] =	vst v63  }
0x73: {  	_ =	swait.ge [sflag:s14], $0x4000  }
0x74: {  	[sflag:s14] =	ssyncset.done $0x0  }
0x75: {  	[sflag:s14] =	ssyncadd.s32 $0xFFFFC000  }
0x76: {  	[hbm4b:s20+s3] =	stream.linear.scatter [tilespmem:s13], [sflag:$0x1], $0x4000, $0x38;
	[tilespmem:$0x1A8A0] =	vst v63  }
0x77: {  	_ =	swait.ge [sflag:s14], $0x4000  }
0x78: {  	[sflag:s14] =	ssyncset.done $0x0  }
0x79: {  	[sflag:s14] =	ssyncadd.s32 $0xFFFFC000  }
0x7a: {  	[tilespmem:s13], [sflag:$0x1] =	stream.linear.gather [spmem:s6], $0x4000, $0x38;
	[tilespmem:$0x1A8A0] =	vst v63  }
0x7b: {  	_ =	swait.ge [sflag:s14], $0x4000  }
0x7c: {  	[sflag:s14] =	ssyncset.done $0x0  }
0x7d: {  	[sflag:s14] =	ssyncadd.s32 $0xFFFFC000  }
0x7e: {  	[hbm4b:s21+s3] =	stream.linear.scatter [tilespmem:s13], [sflag:$0x1], $0x4000, $0x38;
	[tilespmem:$0x1A8A0] =	vst v63  }
0x7f: {  	_ =	swait.ge [sflag:s14], $0x4000  }
0x80: {  	[sflag:s14] =	ssyncset.done $0x0  }
0x81: {  	[sflag:s14] =	ssyncadd.s32 $0xFFFFC000  }
0x82: {  	[tilespmem:s13], [sflag:$0x1] =	stream.linear.gather [spmem:s7], $0x4000, $0x38;
	[tilespmem:$0x1A8A0] =	vst v63  }
0x83: {  	_ =	swait.ge [sflag:s14], $0x4000  }
0x84: {  	[sflag:s14] =	ssyncset.done $0x0  }
0x85: {  	[sflag:s14] =	ssyncadd.s32 $0xFFFFC000  }
0x86: {  	[hbm4b:s22+s3] =	stream.linear.scatter [tilespmem:s13], [sflag:$0x1], $0x4000, $0x38;
	[tilespmem:$0x1A8A0] =	vst v63  }
0x87: {  	_ =	swait.ge [sflag:s14], $0x4000  }
0x88: {  	[sflag:s14] =	ssyncset.done $0x0  }
0x89: {  	[sflag:s14] =	ssyncadd.s32 $0xFFFFC000  }
0x8a: {  	[tilespmem:s13], [sflag:$0x1] =	stream.linear.gather [spmem:s8], $0x4000, $0x38;
	[tilespmem:$0x1A8A0] =	vst v63  }
0x8b: {  	s24 =	sadd.s32 $0x1, s24;
	_ =	swait.ge [sflag:s14], $0x4000  }
0x8c: {  	p0 =	sne.s32 s24, s10;
	[sflag:s14] =	ssyncset.done $0x0  }
.Ltmp2:
0x8d: {  	[sflag:s14] =	ssyncadd.s32 $0xFFFFC000;
	(pc) =	sbr.rel @p0 .LBB2_1-.Ltmp2, $4  }
0x8e: {  	[hbm4b:s23+s3] =	stream.linear.scatter [tilespmem:s13], [sflag:$0x1], $0x4000, $0x38;
	[tilespmem:$0x1A8A0] =	vst v63  }
0x8f: {  	_ =	swait.ge [sflag:s14], $0x4000  }
0x90: {  	[sflag:s14] =	ssyncset.done $0x0  }
0x91: {  	[sflag:s14] =	ssyncadd.s32 $0xFFFFC000  }
0x92: {  	_ =	sfence.sel $0x180000  }
0x93: {  	[bflag:$0x0] =	sbarrier.arrive $0xFFFF  }
0x94: {  	p0 =	sne.s32 s0, $0x0;
	_ =	strace $0x90000053  }
0x95: {  	s0 =	sadd.s32 @!p0 $0x100000, s1;
	[bflag:$0x2] =	sbarrier.arrive $0xFFFF  }
0x96: {  	[sflag:s0] =	ssyncadd.tile.s32 @!p0 $0x1;
	_ =	shalt  }
.Lfunc_end2:
_tile_overlayer_lowered:
.L_overlay_start_2:
0x97: {  	(tag) =	ssettag $0x2  }
0x98: {  	s0 =	rddreg [dreg:$0x0];
	s2 =	stileid.u32  }
0x99: {  	s1 =	rddreg [dreg:$0x1];
	p0 =	sne.s32 s2, $0x0  }
0x9a: {  	s3 =	rddreg [dreg:$0x2];
	[bflag:$0x3] =	sbarrier.arrive $0xFFFF;
	s2 =	simm.s32 @!p0 $0x1C01  }
0x9b: {  	[timem:s3], [sflag:s2] =	dma.local @!p0 [hbm:s0], s1  }
0x9c: {  	s0 =	simm.s32 @!p0 $0x1  }
0x9d: {  	_ =	swait.ge @!p0 [sflag:s0], s1  }
0x9e: {  	s1 =	ssub.s32 @!p0 $0x0, s1;
	[sflag:s0] =	ssyncset.done @!p0 $0x0  }
0x9f: {  	[sflag:s0] =	ssyncadd.s32 @!p0 s1  }
0xa0: {  	[bflag:$0x3] =	sbarrier.arrive $0xFFFF  }
0xa1: {  	_ =	shalt  }

// kernel: kernel.29.cloned.1.call-start
scs
__scs_entry_jumppad:
0x0: {  	(pc) =	sbr.rel $0x88, $3  }
0x1: {  	(tag) =	ssettag $0x0;
	lr =	simm.s32 $0x1  }
0x2: {  	[smem:$0x3F96] =	sst lr;
	_ =	strace $0xD0000000  }
0x3: {  	_ = 	snop  }
0x4: {  	_ = 	snop  }
0x5: {  	_ = 	snop  }
0x6: {  	_ = 	snop  }
0x7: {  	_ = 	snop  }
__scs_overlays_trampoline_lowered:
0x8: {  	[smem:$0x3FA5] =	sst s0  }
0x9: {  	[smem:$0x3FA6] =	sst s1  }
0xa: {  	[smem:$0x3FA7] =	sst s2  }
0xb: {  	[smem:$0x3FA8] =	sst s3  }
0xc: {  	[smem:$0x3FA9] =	sst s4  }
0xd: {  	[smem:$0x3FAA] =	sst s5  }
0xe: {  	[smem:$0x3FAB] =	sst s6  }
0xf: {  	[smem:$0x3FAC] =	sst s7  }
0x10: {  	[smem:$0x3FAD] =	sst s8  }
0x11: {  	[smem:$0x3FAE] =	sst s9;
	s0 =	simm.s32 @!p0 $0x0  }
0x12: {  	s1 =	sld [smem:$0x3F94];
	s0 =	simm.s32 @p0 $0x1  }
0x13: {  	[smem:$0x3FAF] =	sst s0;
	s0 =	simm.s32 @!p1 $0x0  }
0x14: {  	s2 =	sld [smem:$0x3F93];
	s0 =	simm.s32 @p1 $0x1  }
0x15: {  	[smem:$0x3FB0] =	sst s0;
	s0 =	simm.s32 @!p2 $0x0  }
0x16: {  	s3 =	sld [smem:$0x3FDB];
	s0 =	simm.s32 @p2 $0x1  }
0x17: {  	s4 =	simm.s32 $0x1BF5;
	[smem:$0x3FB2] =	sst s0  }
0x18: {  	s0 =	sld [smem:$0x3F95];
	_ =	swait.ge [sflag:s4], $0x0  }
0x19: {  	s7 =	sld [smem:$0x3F96]  }
0x1a: {  	s8 =	sadd.s32 $0xFFFFE003, lr  }
0x1b: {  	s9 =	sadd.s32 $0xFFFFFEF7, lr;
	s5 =	simm.s32 $0xFFFFFFFF;
	p2 =	slt.u32 s8, $0xFFFFF086  }
0x1c: {  	p1 =	slt.u32 s9, $0xF7A;
	s5 =	simm.s32 @!p2 $0x0  }
0x1d: {  	s5 =	simm.s32 @p1 $0x1;
	p0 =	seq.s32 s7, s2  }
0x1e: {  	s7 =	smul.u32 @!p0 $0xF7A, s2;
	p2 =	seq.s32 @!p0 s5, $0x0  }
0x1f: {  	s9 =	smul.u32 $0xF7A, s1;
	s8 =	simm.s32 @!p0 $0x1BF5;
	p2 =	por !p2, p0  }
0x20: {  	[sflag:s8] =	ssyncset.s32 @!p0 $0xFFFFF086;
	s6 =	sadd.s32 @!p0 s3, s7;
	s7 =	simm.s32 @!p0 $0x108  }
0x21: {  	s3 =	sadd.s32 s3, s9;
	s6 =	sadd.s32 @!p0 $0x88, s6;
	s7 =	simm.s32 @p2 $0x1082  }
0x22: {  	[simem:s7], [sflag:s8] =	dma.local @!p0 [hbm:s6], $0xF7A  }
0x23: {  	s9 =	sor.u32 $0xD0000000, s2;
	s6 =	simm.s32 $0x108;
	_ =	swait.ge @!p0 [sflag:s8], $0x0  }
0x24: {  	s3 =	sadd.s32 $0x88, s3;
	s6 =	simm.s32 @!p1 $0x1082;
	[sflag:s4] =	ssyncset.s32 $0xFFFFF086  }
0x25: {  	[simem:s6], [sflag:s4] =	dma.local [hbm:s3], $0xF7A  }
0x26: {  	[smem:$0x3F96] =	sst s1;
	(tag) =	ssettag s2;
	_ =	strace s9  }
0x27: {  	s1 =	sld [smem:$0x3FA6]  }
0x28: {  	s2 =	sld [smem:$0x3FA7]  }
0x29: {  	s4 =	sld [smem:$0x3FA9]  }
0x2a: {  	p0 =	seq.s32 s5, $0x0;
	s5 =	sld [smem:$0x3FAA]  }
0x2b: {  	s6 =	sld [smem:$0x3FAB]  }
0x2c: {  	s7 =	sld [smem:$0x3FAC]  }
0x2d: {  	s3 =	simm.s32 $0x108;
	s8 =	sld [smem:$0x3FAD]  }
0x2e: {  	s3 =	simm.s32 @!p0 $0x1082;
	s9 =	sld [smem:$0x3FAE]  }
0x2f: {  	lr =	sadd.s32 s0, s3;
	s0 =	sld [smem:$0x3FA5]  }
0x30: {  	s3 =	sld [smem:$0x3FA8]  }
0x31: {  	[smem:$0x3FB1] =	sst s10  }
0x32: {  	s10 =	sld [smem:$0x3FAF];
	_ =	sdelay $0x3  }
0x33: {  	p0 =	seq.s32 s10, $0x1;
	s10 =	sld [smem:$0x3FB1];
	_ =	sdelay $0x3  }
0x34: {  	[smem:$0x3FB1] =	sst s10  }
0x35: {  	s10 =	sld [smem:$0x3FB0];
	_ =	sdelay $0x3  }
0x36: {  	p1 =	seq.s32 s10, $0x1;
	s10 =	sld [smem:$0x3FB1];
	_ =	sdelay $0x3  }
0x37: {  	[smem:$0x3FB1] =	sst s10  }
0x38: {  	s10 =	sld [smem:$0x3FB2]  }
0x39: {  	_ = 	snop;
	(pc) =	sbr.ind lr, $3  }
0x3a: {  	_ = 	snop  }
0x3b: {  	_ = 	snop  }
0x3c: {  	p2 =	seq.s32 s10, $0x1;
	s10 =	sld [smem:$0x3FB1]  }
0x3d: {  	_ =	shalt  }
0x3e: {  	_ =	shalt  }
0x3f: {  	_ =	shalt  }
0x40: {  	_ =	shalt  }
0x41: {  	_ =	shalt  }
0x42: {  	_ =	shalt  }
0x43: {  	_ =	shalt  }
0x44: {  	_ =	shalt  }
0x45: {  	_ =	shalt  }
0x46: {  	_ =	shalt  }
0x47: {  	_ =	shalt  }
0x48: {  	_ =	shalt  }
0x49: {  	_ =	shalt  }
0x4a: {  	_ =	shalt  }
0x4b: {  	_ =	shalt  }
0x4c: {  	_ =	shalt  }
0x4d: {  	_ =	shalt  }
0x4e: {  	_ =	shalt  }
0x4f: {  	_ =	shalt  }
0x50: {  	_ =	shalt  }
0x51: {  	_ =	shalt  }
0x52: {  	_ =	shalt  }
0x53: {  	_ =	shalt  }
0x54: {  	_ =	shalt  }
0x55: {  	_ =	shalt  }
0x56: {  	_ =	shalt  }
0x57: {  	_ =	shalt  }
0x58: {  	_ =	shalt  }
0x59: {  	_ =	shalt  }
0x5a: {  	_ =	shalt  }
0x5b: {  	_ =	shalt  }
0x5c: {  	_ =	shalt  }
0x5d: {  	_ =	shalt  }
0x5e: {  	_ =	shalt  }
0x5f: {  	_ =	shalt  }
0x60: {  	_ =	shalt  }
0x61: {  	_ =	shalt  }
0x62: {  	_ =	shalt  }
0x63: {  	_ =	shalt  }
0x64: {  	_ =	shalt  }
0x65: {  	_ =	shalt  }
0x66: {  	_ =	shalt  }
0x67: {  	_ =	shalt  }
0x68: {  	_ =	shalt  }
0x69: {  	_ =	shalt  }
0x6a: {  	_ =	shalt  }
0x6b: {  	_ =	shalt  }
0x6c: {  	_ =	shalt  }
0x6d: {  	_ =	shalt  }
0x6e: {  	_ =	shalt  }
0x6f: {  	_ =	shalt  }
0x70: {  	_ =	shalt  }
0x71: {  	_ =	shalt  }
0x72: {  	_ =	shalt  }
0x73: {  	_ =	shalt  }
0x74: {  	_ =	shalt  }
0x75: {  	_ =	shalt  }
0x76: {  	_ =	shalt  }
0x77: {  	_ =	shalt  }
0x78: {  	_ =	shalt  }
0x79: {  	_ =	shalt  }
0x7a: {  	_ =	shalt  }
0x7b: {  	_ =	shalt  }
0x7c: {  	_ =	shalt  }
0x7d: {  	_ =	shalt  }
0x7e: {  	_ =	shalt  }
0x7f: {  	_ =	shalt  }
0x80: {  	_ =	shalt  }
0x81: {  	_ =	shalt  }
0x82: {  	_ =	shalt  }
0x83: {  	_ =	shalt  }
0x84: {  	_ =	shalt  }
0x85: {  	_ =	shalt  }
0x86: {  	_ =	shalt  }
0x87: {  	_ =	shalt  }
.Lfunc_end0:
.L_simem_size_0:
called_computation.5_lowered:
.L_overlay_start_0:
0x88: {  	s2 =	sld [smem:$0x3FD9]  }
0x89: {  	s3 =	sld [smem:$0x3FFE];
	_ =	sdelay $0x1  }
0x8a: {  	s1 =	srdreg.scid  }
0x8b: {  	s0 =	sand.u32 $0x1, s1  }
0x8c: {  	s16 =	sshll.u32 s0, $0xA;
	s2 =	sadd.s32 s3, s2  }
0x8d: {  	s2 =	sadd.s32 s2, s16  }
0x8e: {  	[smem:$0x3FBD] =	sst s2  }
0x8f: {  	_ = 	snop  }
0x90: {  	(tm) =	ssettm $0x1  }
0x91: {  	s17 =	sld [smem:$0x3FFB];
	_ =	sdelay $0x3  }
0x92: {  	_ =	strace s17  }
0x93: {  	s2 =	sld [smem:$0x3FFC];
	_ =	sdelay $0x3  }
0x94: {  	_ =	strace s2  }
0x95: {  	s2 =	sld [smem:$0x3FFD];
	_ =	sdelay $0x3  }
0x96: {  	_ =	strace s2  }
0x97: {  	_ =	strace $0x8FFFFFFF  }
0x98: {  	s18 =	sld [smem:$0x3FDB];
	_ =	sdelay $0x1  }
0x99: {  	s19 =	simm.s32 $_scs_section_size  }
0x9a: {  	s4 =	simm.s32 $_size__tile_overlayer_lowered;
	s5 =	simm.s32 $_tile_overlayer_lowered  }
0x9b: {  	s22 =	simm.s32 $0x1BFF;
	s21 =	sshll.u32 s5, $0x1;
	s2 =	sadd.s32 s19, s18  }
0x9c: {  	s6 =	simm.s32 $0x0;
	s20 =	sshll.u32 s4, $0x1;
	s4 =	sadd.s32 s21, s2  }
0x9d: {  	[timem:s6], [sflag:s22] =	dma.local [hbm:s4], s20  }
0x9e: {  	_ =	swait.ge [sflag:s22], s20  }
0x9f: {  	s3 =	ssub.s32 $0x0, s20;
	[sflag:s22] =	ssyncset.done $0x0  }
0xa0: {  	[sflag:s22] =	ssyncadd.s32 s3;
	_ =	sdelay $0x1  }
0xa1: {  	s23 =	simm.s32 $0x1B8B  }
0xa2: {  	_ =	swait.ge [sflag:s23], $0x1  }
0xa3: {  	[sflag:s23] =	ssyncset.done $0x0  }
0xa4: {  	s25 =	simm.s32 $0x1B8E;
	s24 =	sld [smem:$0x3FFE];
	[sflag:s23] =	ssyncadd.s32 $0xFFFFFFFF  }
0xa5: {  	s26 =	simm.s32 $execute0_lowered;
	[smem:$0x3FD2] =	sst s25  }
0xa6: {  	s4 =	sshll.u32 s26, $0x1;
	_ =	strace $0x80000055;
	[dreg:$0x1] =	wrdreg $0xFFFFFFFF  }
0xa7: {  	s28 =	simm.s32 $_size_execute0_lowered;
	s2 =	sadd.s32 s2, s4;
	[dreg:$0x0] =	wrdreg $0x0  }
0xa8: {  	s4 =	sshll.u32 s28, $0x1;
	[dreg:$0x2] =	wrdreg s2  }
0xa9: {  	[dreg:$0x3] =	wrdreg s4  }
0xaa: {  	[dreg:$0x4] =	wrdreg $0xC0  }
0xab: {  	_ =	task [dreg:s6], $0x5FFFF  }
0xac: {  	[dreg:$0x1] =	wrdreg $0xFFFFFFFF  }
0xad: {  	[dreg:$0x0] =	wrdreg $0x60  }
0xae: {  	[dreg:$0x2] =	wrdreg s24  }
0xaf: {  	[dreg:$0x3] =	wrdreg $0x0  }
0xb0: {  	[dreg:$0x4] =	wrdreg $0x9  }
0xb1: {  	_ =	task.clear_ibuf [dreg:s6], $0x5FFFF;
	_ =	strace $0x90000055  }
0xb2: {  	s29 =	simm.s32 $0x9;
	_ =	strace $0x80000057  }
0xb3: {  	_ =	swait.ge [sflag:s29], $0x1  }
0xb4: {  	[sflag:s29] =	ssyncadd.s32 $0xFFFFFFFF  }
0xb5: {  	_ =	strace $0x90000057  }
0xb6: {  	_ =	sfence  }
0xb7: {  	s30 =	sld [smem:$0x0];
	_ =	sdelay $0x2  }
0xb8: {  	s31 =	sshll.u32 s1, $0xD;
	s1 =	sshrl.u32 s1, $0x2  }
0xb9: {  	s3 =	sand.u32 $0x4000, s31;
	s1 =	sadd.s32 s1, s30  }
0xba: {  	s0 =	sor.u32 s3, s0;
	s1 =	sshll.u32 s1, $0x11  }
0xbb: {  	s0 =	sor.u32 s1, s0  }
0xbc: {  	s0 =	sadd.s32 $0x8F2B, s0  }
0xbd: {  	[sflag:s0] =	ssyncadd.remote.s32 $0x1  }
0xbe: {  	_ =	sfence.sel $0xFFFF  }
0xbf: {  	[dreg:$0x0] =	wrdreg $0xFFFFFFFF;
	(pc) =	sbr.abs _section_cstart, $3  }
0xc0: {  	[dreg:$0x1] =	wrdreg $0xFFFFFFFF  }
0xc1: {  	_ =	task.clear_ibuf [dreg:s6], $0x2FFFF;
	_ =	strace $0x9FFFFFFF  }
0xc2: {  	(tm) =	ssettm $0x7FFFFFFF  }
0xc3: {  	_ =	shalt  }
tec
execute0_lowered:
.L_overlay_start_1:
0x0: {  	(tag) =	ssettag $0x1  }
0x1: {  	s4 =	rddreg [dreg:$0x0]  }
0x2: {  	s0 =	stileid.u32;
	s1 =	srdreg.scid  }
0x3: {  	s2 =	rddreg [dreg:$0x1];
	s3 =	simm.s32 $0x0;
	s5 =	smul.u32 $0x4E2, s0  }
0x4: {  	s6 =	sand.u32 $0x1, s1;
	s1 =	rddreg [dreg:$0x2];
	s10 =	smul.u32 $0x14000, s0  }
0x5: {  	s18 =	simm.s32 $0x140A0;
	[smem:$0x7FF] =	sst s3;
	s7 =	smul.u32 $0x28000, s6  }
0x6: {  	s6 =	ssub.s32 $0x2, s6;
	_ =	strace $0x80000056;
	s12 =	sadd.s32 s5, s4  }
0x7: {  	s31 =	sshrl.u32 s6, $0x1;
	s14 =	sadd.s32 $0x4000, s10;
	s15 =	sadd.s32 $0x8000, s10  }
0x8: {  	s16 =	sadd.s32 $0xC000, s10;
	s17 =	sadd.s32 $0x10000, s10;
	s19 =	sshrl.u32 s10, $0x3  }
0x9: {  	s11 =	sadd.s32 s7, s4;
	s13 =	ssub.s32 s6, s31;
	s4 =	sadd.s32 s10, s2  }
0xa: {  	s5 =	sadd.s32 s14, s2;
	s6 =	sadd.s32 s15, s2;
	s7 =	sadd.s32 s16, s2  }
0xb: {  	s8 =	sadd.s32 s17, s2;
	s20 =	sshrl.u32 s14, $0x3;
	s21 =	sshrl.u32 s15, $0x3  }
0xc: {  	s22 =	sshrl.u32 s16, $0x3;
	s24 =	sshrl.u32 s17, $0x3;
	s14 =	simm.s32 $0x1  }
0xd: {  	s15 =	simm.s32 $0x14000;
	s16 =	simm.s32 $0x14050;
	s17 =	simm.s32 $0x50  }
0xe: {  	s9 =	sadd.s32 $0x5DE00, s11;
	s23 =	sadd.s32 $0xFDE00, s11;
	s10 =	smax.u32 s13, $0x1  }
0xf: {  	s11 =	sadd.s32 $0x3E00, s12;
	s12 =	sadd.s32 $0x8E00, s12;
	s13 =	simm.s32 $0x168A0  }
0x10: {  	s19 =	sadd.s32 s19, s23;
	s20 =	sadd.s32 s20, s23;
	s21 =	sadd.s32 s21, s23  }
0x11: {  	v0 =	vimm.f32 $0.0e+00;
	s22 =	sadd.s32 s22, s23;
	s23 =	sadd.s32 s24, s23;
	s24 =	simm.s32 $0x0  }
.LBB2_1:
0x12: {  	s25 =	simm.s32 $0x0;
	s26 =	simm.s32 $0x200  }
.LBB2_2:
0x13: {  	p0 =	sne.s32 s26, $0xFE00;
	[tilespmem:s25+$0x16910] =	vst v0  }
0x14: {  	[tilespmem:s25+$0x168A0] =	vst v0  }
0x15: {  	[tilespmem:s25+$0x168B0] =	vst v0  }
.Ltmp0:
0x16: {  	[tilespmem:s25+$0x168C0] =	vst v0;
	(pc) =	sbr.rel @p0 .LBB2_2-.Ltmp0, $4  }
0x17: {  	[tilespmem:s25+$0x168D0] =	vst v0  }
0x18: {  	[tilespmem:s25+$0x168E0] =	vst v0  }
0x19: {  	[tilespmem:s25+$0x168F0] =	vst v0  }
0x1a: {  	[tilespmem:s25+$0x16900] =	vst v0;
	s25 =	sshra.s32 s26, $0x2;
	s26 =	sadd.s32 $0x200, s26  }
0x1b: {  	[tilespmem:s25+$0x16910] =	vst v0  }
0x1c: {  	[tilespmem:s25+$0x168A0] =	vst v0  }
0x1d: {  	[tilespmem:s25+$0x168B0] =	vst v0  }
0x1e: {  	[tilespmem:s25+$0x168C0] =	vst v0  }
0x1f: {  	[tilespmem:s25+$0x168D0] =	vst v0  }
0x20: {  	[tilespmem:s25+$0x168E0] =	vst v0  }
0x21: {  	[tilespmem:s25+$0x168F0] =	vst v0  }
0x22: {  	[tilespmem:s25+$0x16900] =	vst v0  }
0x23: {  	[spmem:s4] =	stream.linear.scatter [tilespmem:s13], [sflag:$0x1], $0x4000, $0x38;
	[tilespmem:$0x1A8A0] =	vst v63  }
0x24: {  	_ =	swait.ge [sflag:s14], $0x4000  }
0x25: {  	[sflag:s14] =	ssyncset.done $0x0  }
0x26: {  	[sflag:s14] =	ssyncadd.s32 $0xFFFFC000  }
0x27: {  	[spmem:s5] =	stream.linear.scatter [tilespmem:s13], [sflag:$0x1], $0x4000, $0x38;
	[tilespmem:$0x1A8A0] =	vst v63  }
0x28: {  	_ =	swait.ge [sflag:s14], $0x4000  }
0x29: {  	[sflag:s14] =	ssyncset.done $0x0  }
0x2a: {  	[sflag:s14] =	ssyncadd.s32 $0xFFFFC000  }
0x2b: {  	[spmem:s6] =	stream.linear.scatter [tilespmem:s13], [sflag:$0x1], $0x4000, $0x38;
	[tilespmem:$0x1A8A0] =	vst v63  }
0x2c: {  	_ =	swait.ge [sflag:s14], $0x4000  }
0x2d: {  	[sflag:s14] =	ssyncset.done $0x0  }
0x2e: {  	[sflag:s14] =	ssyncadd.s32 $0xFFFFC000  }
0x2f: {  	[spmem:s7] =	stream.linear.scatter [tilespmem:s13], [sflag:$0x1], $0x4000, $0x38;
	[tilespmem:$0x1A8A0] =	vst v63  }
0x30: {  	_ =	swait.ge [sflag:s14], $0x4000  }
0x31: {  	[sflag:s14] =	ssyncset.done $0x0  }
0x32: {  	[sflag:s14] =	ssyncadd.s32 $0xFFFFC000  }
0x33: {  	[spmem:s8] =	stream.linear.scatter [tilespmem:s13], [sflag:$0x1], $0x4000, $0x38;
	[tilespmem:$0x1A8A0] =	vst v63  }
0x34: {  	_ =	swait.ge [sflag:s14], $0x4000  }
0x35: {  	[sflag:s14] =	ssyncset.done $0x0  }
0x36: {  	[sflag:s14] =	ssyncadd.s32 $0xFFFFC000  }
0x37: {  	s30 =	sadd.s32 $0x0, s12;
	[bflag:$0x0] =	sbarrier.arrive $0xFFFF  }
0x38: {  	[tilespmem:s15], [sflag:$0x1] =	stream.linear.gather [hbm4b:s30+s3], $0x50, $0x38;
	[tilespmem:$0x1A8A0] =	vst v63  }
0x39: {  	_ =	swait.ge [sflag:s14], $0x50  }
0x3a: {  	[sflag:s14] =	ssyncset.done $0x0  }
0x3b: {  	s31 =	sadd.s32 $0x0, s11;
	[sflag:s14] =	ssyncadd.s32 $0xFFFFFFB0  }
0x3c: {  	[tilespmem:s16], [sflag:$0x1] =	stream.linear.gather [hbm4b:s31+s3], $0x50, $0x38;
	[tilespmem:$0x1A8A0] =	vst v63  }
0x3d: {  	_ =	swait.ge [sflag:s14], $0x50  }
0x3e: {  	[sflag:s14] =	ssyncset.done $0x0  }
0x3f: {  	[sflag:s14] =	ssyncadd.s32 $0xFFFFFFB0  }
0x40: {  	[tilespmem:s18], [sflag:$0x1] =	stream.indirect.gather [hbm4b:s9+s17], $0x80, s15, s17, $0xb8;
	[tilespmem:$0x1A8A0] =	vst v63  }
0x41: {  	_ =	swait.ge [sflag:s14], $0x2800  }
0x42: {  	[sflag:s14] =	ssyncset.done $0x0  }
0x43: {  	[sflag:s14] =	ssyncadd.s32 $0xFFFFD800  }
0x44: {  	[spmem:s2] =	stream.indirect.scatter.add.f32 [tilespmem:s18], [sflag:$0x1], $0x80, s16, s17, $0xb8;
	[tilespmem:$0x1A8A0] =	vst v63  }
0x45: {  	_ =	swait.ge [sflag:s14], $0x2800  }
0x46: {  	s25 =	simm.s32 $0xA;
	s26 =	simm.s32 $0x14;
	[sflag:s14] =	ssyncset.done $0x0  }
.LBB2_4:
0x47: {  	s28 =	sadd.s32 s25, s12  }
0x48: {  	[sflag:s14] =	ssyncadd.s32 $0xFFFFD800;
	s29 =	smov.u32 s26;
	s30 =	sadd.s32 $0xA, s26  }
0x49: {  	[tilespmem:s15], [sflag:$0x1] =	stream.linear.gather [hbm4b:s28+s3], $0x50, $0x38;
	[tilespmem:$0x1A8A0] =	vst v63  }
0x4a: {  	p0 =	sne.s32 s26, $0x4D8;
	_ =	swait.ge [sflag:s14], $0x50  }
0x4b: {  	[sflag:s14] =	ssyncset.done $0x0  }
0x4c: {  	s26 =	sadd.s32 s25, s11;
	s25 =	smov.u32 s29;
	[sflag:s14] =	ssyncadd.s32 $0xFFFFFFB0  }
0x4d: {  	[tilespmem:s16], [sflag:$0x1] =	stream.linear.gather [hbm4b:s26+s3], $0x50, $0x38;
	[tilespmem:$0x1A8A0] =	vst v63  }
0x4e: {  	_ =	swait.ge [sflag:s14], $0x50  }
0x4f: {  	[sflag:s14] =	ssyncset.done $0x0  }
0x50: {  	[sflag:s14] =	ssyncadd.s32 $0xFFFFFFB0  }
0x51: {  	[tilespmem:s18], [sflag:$0x1] =	stream.indirect.gather [hbm4b:s9+s17], $0x80, s15, s17, $0xb8;
	[tilespmem:$0x1A8A0] =	vst v63  }
0x52: {  	_ =	swait.ge [sflag:s14], $0x2800  }
.Ltmp1:
0x53: {  	[sflag:s14] =	ssyncset.done $0x0;
	(pc) =	sbr.rel @p0 .LBB2_4-.Ltmp1, $4  }
0x54: {  	[sflag:s14] =	ssyncadd.s32 $0xFFFFD800  }
0x55: {  	[spmem:s2] =	stream.indirect.scatter.add.f32 [tilespmem:s18], [sflag:$0x1], $0x80, s16, s17, $0xb8;
	[tilespmem:$0x1A8A0] =	vst v63  }
0x56: {  	_ =	swait.ge [sflag:s14], $0x2800  }
0x57: {  	s26 =	smov.u32 s30;
	[sflag:s14] =	ssyncset.done $0x0  }
0x58: {  	s26 =	sadd.s32 s25, s12;
	[sflag:s14] =	ssyncadd.s32 $0xFFFFD800  }
0x59: {  	[tilespmem:s15], [sflag:$0x1] =	stream.linear.gather [hbm4b:s26+s3], $0x50, $0x38;
	[tilespmem:$0x1A8A0] =	vst v63  }
0x5a: {  	_ =	swait.ge [sflag:s14], $0x50  }
0x5b: {  	[sflag:s14] =	ssyncset.done $0x0  }
0x5c: {  	s31 =	sadd.s32 s25, s11;
	[sflag:s14] =	ssyncadd.s32 $0xFFFFFFB0  }
0x5d: {  	[tilespmem:s16], [sflag:$0x1] =	stream.linear.gather [hbm4b:s31+s3], $0x50, $0x38;
	[tilespmem:$0x1A8A0] =	vst v63  }
0x5e: {  	_ =	swait.ge [sflag:s14], $0x50  }
0x5f: {  	[sflag:s14] =	ssyncset.done $0x0  }
0x60: {  	[sflag:s14] =	ssyncadd.s32 $0xFFFFFFB0  }
0x61: {  	[tilespmem:s18], [sflag:$0x1] =	stream.indirect.gather [hbm4b:s9+s17], $0x80, s15, s17, $0xb8;
	[tilespmem:$0x1A8A0] =	vst v63  }
0x62: {  	_ =	swait.ge [sflag:s14], $0x2800  }
0x63: {  	[sflag:s14] =	ssyncset.done $0x0  }
0x64: {  	[sflag:s14] =	ssyncadd.s32 $0xFFFFD800  }
0x65: {  	[spmem:s2] =	stream.indirect.scatter.add.f32 [tilespmem:s18], [sflag:$0x1], $0x80, s16, s17, $0xb8;
	[tilespmem:$0x1A8A0] =	vst v63  }
0x66: {  	_ =	swait.ge [sflag:s14], $0x2800  }
0x67: {  	[sflag:s14] =	ssyncset.done $0x0  }
0x68: {  	[sflag:s14] =	ssyncadd.s32 $0xFFFFD800  }
0x69: {  	[bflag:$0x0] =	sbarrier.arrive $0xFFFF  }
0x6a: {  	[tilespmem:s13], [sflag:$0x1] =	stream.linear.gather [spmem:s4], $0x4000, $0x38;
	[tilespmem:$0x1A8A0] =	vst v63  }
0x6b: {  	_ =	swait.ge [sflag:s14], $0x4000  }
0x6c: {  	[sflag:s14] =	ssyncset.done $0x0  }
0x6d: {  	[sflag:s14] =	ssyncadd.s32 $0xFFFFC000  }
0x6e: {  	[hbm4b:s19+s3] =	stream.linear.scatter [tilespmem:s13], [sflag:$0x1], $0x4000, $0x38;
	[tilespmem:$0x1A8A0] =	vst v63  }
0x6f: {  	_ =	swait.ge [sflag:s14], $0x4000  }
0x70: {  	[sflag:s14] =	ssyncset.done $0x0  }
0x71: {  	[sflag:s14] =	ssyncadd.s32 $0xFFFFC000  }
0x72: {  	[tilespmem:s13], [sflag:$0x1] =	stream.linear.gather [spmem:s5], $0x4000, $0x38;
	[tilespmem:$0x1A8A0] =	vst v63  }
0x73: {  	_ =	swait.ge [sflag:s14], $0x4000  }
0x74: {  	[sflag:s14] =	ssyncset.done $0x0  }
0x75: {  	[sflag:s14] =	ssyncadd.s32 $0xFFFFC000  }
0x76: {  	[hbm4b:s20+s3] =	stream.linear.scatter [tilespmem:s13], [sflag:$0x1], $0x4000, $0x38;
	[tilespmem:$0x1A8A0] =	vst v63  }
0x77: {  	_ =	swait.ge [sflag:s14], $0x4000  }
0x78: {  	[sflag:s14] =	ssyncset.done $0x0  }
0x79: {  	[sflag:s14] =	ssyncadd.s32 $0xFFFFC000  }
0x7a: {  	[tilespmem:s13], [sflag:$0x1] =	stream.linear.gather [spmem:s6], $0x4000, $0x38;
	[tilespmem:$0x1A8A0] =	vst v63  }
0x7b: {  	_ =	swait.ge [sflag:s14], $0x4000  }
0x7c: {  	[sflag:s14] =	ssyncset.done $0x0  }
0x7d: {  	[sflag:s14] =	ssyncadd.s32 $0xFFFFC000  }
0x7e: {  	[hbm4b:s21+s3] =	stream.linear.scatter [tilespmem:s13], [sflag:$0x1], $0x4000, $0x38;
	[tilespmem:$0x1A8A0] =	vst v63  }
0x7f: {  	_ =	swait.ge [sflag:s14], $0x4000  }
0x80: {  	[sflag:s14] =	ssyncset.done $0x0  }
0x81: {  	[sflag:s14] =	ssyncadd.s32 $0xFFFFC000  }
0x82: {  	[tilespmem:s13], [sflag:$0x1] =	stream.linear.gather [spmem:s7], $0x4000, $0x38;
	[tilespmem:$0x1A8A0] =	vst v63  }
0x83: {  	_ =	swait.ge [sflag:s14], $0x4000  }
0x84: {  	[sflag:s14] =	ssyncset.done $0x0  }
0x85: {  	[sflag:s14] =	ssyncadd.s32 $0xFFFFC000  }
0x86: {  	[hbm4b:s22+s3] =	stream.linear.scatter [tilespmem:s13], [sflag:$0x1], $0x4000, $0x38;
	[tilespmem:$0x1A8A0] =	vst v63  }
0x87: {  	_ =	swait.ge [sflag:s14], $0x4000  }
0x88: {  	[sflag:s14] =	ssyncset.done $0x0  }
0x89: {  	[sflag:s14] =	ssyncadd.s32 $0xFFFFC000  }
0x8a: {  	[tilespmem:s13], [sflag:$0x1] =	stream.linear.gather [spmem:s8], $0x4000, $0x38;
	[tilespmem:$0x1A8A0] =	vst v63  }
0x8b: {  	s24 =	sadd.s32 $0x1, s24;
	_ =	swait.ge [sflag:s14], $0x4000  }
0x8c: {  	p0 =	sne.s32 s24, s10;
	[sflag:s14] =	ssyncset.done $0x0  }
.Ltmp2:
0x8d: {  	[sflag:s14] =	ssyncadd.s32 $0xFFFFC000;
	(pc) =	sbr.rel @p0 .LBB2_1-.Ltmp2, $4  }
0x8e: {  	[hbm4b:s23+s3] =	stream.linear.scatter [tilespmem:s13], [sflag:$0x1], $0x4000, $0x38;
	[tilespmem:$0x1A8A0] =	vst v63  }
0x8f: {  	_ =	swait.ge [sflag:s14], $0x4000  }
0x90: {  	[sflag:s14] =	ssyncset.done $0x0  }
0x91: {  	[sflag:s14] =	ssyncadd.s32 $0xFFFFC000  }
0x92: {  	_ =	sfence.sel $0x180000  }
0x93: {  	[bflag:$0x0] =	sbarrier.arrive $0xFFFF  }
0x94: {  	p0 =	sne.s32 s0, $0x0;
	_ =	strace $0x90000056  }
0x95: {  	s0 =	sadd.s32 @!p0 $0x100000, s1;
	[bflag:$0x2] =	sbarrier.arrive $0xFFFF  }
0x96: {  	[sflag:s0] =	ssyncadd.tile.s32 @!p0 $0x1;
	_ =	shalt  }
.Lfunc_end2:
_tile_overlayer_lowered:
.L_overlay_start_2:
0x97: {  	(tag) =	ssettag $0x2  }
0x98: {  	s0 =	rddreg [dreg:$0x0];
	s2 =	stileid.u32  }
0x99: {  	s1 =	rddreg [dreg:$0x1];
	p0 =	sne.s32 s2, $0x0  }
0x9a: {  	s3 =	rddreg [dreg:$0x2];
	[bflag:$0x3] =	sbarrier.arrive $0xFFFF;
	s2 =	simm.s32 @!p0 $0x1C01  }
0x9b: {  	[timem:s3], [sflag:s2] =	dma.local @!p0 [hbm:s0], s1  }
0x9c: {  	s0 =	simm.s32 @!p0 $0x1  }
0x9d: {  	_ =	swait.ge @!p0 [sflag:s0], s1  }
0x9e: {  	s1 =	ssub.s32 @!p0 $0x0, s1;
	[sflag:s0] =	ssyncset.done @!p0 $0x0  }
0x9f: {  	[sflag:s0] =	ssyncadd.s32 @!p0 s1  }
0xa0: {  	[bflag:$0x3] =	sbarrier.arrive $0xFFFF  }
0xa1: {  	_ =	shalt  }

</sc_bundles>
